<compile_context>
chip_gen: v7x
topology: tpu7x:2x2x1
jax: 0.10.2.dev20260603
libtpu: 0.0.44.dev20260713+nightly
codegen_flags: <defaults>
</compile_context>

<pallas_src>
import functools

import jax
import jax.numpy as jnp
from jax import lax
from jax.experimental import pallas as pl
from jax.experimental.pallas import tpu as pltpu
from jax.experimental.pallas import tpu_sc as plsc

N_NODES = 10000
N_EDGES = 320000
CH = 128
NC = 2
NS = 16
NW = NC * NS
EDGES_PER_TILE = N_EDGES // NW
CHUNK = 80
SUPER = 25
NSTAGE = 5
NTRI = SUPER // 3
N_PAD = 10240
ROWS_PER_TILE = N_PAD // NS


def _zero_2d(ref, nrows, ncols):
    def body(i, _):
        r = i // (ncols // 16)
        c = i % (ncols // 16)
        ref[r, pl.ds(c * 16, 16)] = jnp.zeros((16,), jnp.float32)
        return 0
    lax.fori_loop(0, nrows * (ncols // 16), body, 0)


def _zero_1d(ref, n):
    def body(i, _):
        ref[pl.ds(i * 16, 16)] = jnp.zeros((16,), jnp.float32)
        return 0
    lax.fori_loop(0, n // 16, body, 0)


def _make_seg_sum(with_counts: bool):
    out_type = [jax.ShapeDtypeStruct((NC, N_PAD, CH), jnp.float32)]
    if with_counts:
        out_type.append(jax.ShapeDtypeStruct((NW, N_PAD), jnp.float32))

    scratch = [
        pltpu.VMEM((2 * SUPER, CHUNK), jnp.int32),
        pltpu.VMEM((N_PAD,), jnp.float32),
        pltpu.VMEM((CHUNK, CH), jnp.float32),
        pltpu.VMEM((CHUNK, CH), jnp.float32),
        pltpu.VMEM((CHUNK, CH), jnp.float32),
        pltpu.VMEM_SHARED((N_PAD, CH), jnp.float32),
        pltpu.SemaphoreType.DMA,
        pltpu.SemaphoreType.DMA,
        pltpu.SemaphoreType.DMA,
        pltpu.SemaphoreType.DMA,
    ]

    def body(x_hbm, edges_hbm, *rest):
        if with_counts:
            sum_out, cnt_out = rest[0], rest[1]
            rest = rest[2:]
        else:
            sum_out = rest[0]
            rest = rest[1:]
        (ev, cnt_local, rows_a, rows_b, rows_c, acc,
         sem_ga, sem_gb, sem_gc, sem_ss) = rest

        cid = lax.axis_index("c")
        sid = lax.axis_index("s")
        wid = sid * NC + cid

        if with_counts:
            _zero_1d(cnt_local, N_PAD)

        _zero_2d(rows_a, CHUNK, CH)
        base = sid * ROWS_PER_TILE
        nfull = ROWS_PER_TILE // CHUNK
        for k in range(nfull):
            pltpu.async_copy(rows_a, acc.at[pl.ds(base + k * CHUNK, CHUNK)],
                             sem_ga)
        for k in range(nfull):
            pltpu.make_async_copy(
                rows_a, acc.at[pl.ds(base + k * CHUNK, CHUNK)], sem_ga).wait()
        plsc.subcore_barrier()

        ones = jnp.ones((16,), jnp.float32)

        def gstart(j, buf, sem):
            pltpu.async_copy(x_hbm.at[ev.at[j]], buf, sem)

        def gwait(buf, sem):
            pltpu.make_async_copy(x_hbm.at[ev.at[0]], buf, sem).wait()

        def sstart(j, buf, sem):
            pltpu.async_copy(buf, acc.at[ev.at[SUPER + j]], sem, add=True)

        def swait(buf, sem):
            pltpu.make_async_copy(buf, acc.at[ev.at[SUPER]], sem).wait()

        def counts(j):
            if with_counts:
                for k in range(CHUNK // 16):
                    d = ev[SUPER + j, pl.ds(k * 16, 16)]
                    plsc.addupdate_scatter(cnt_local, [d], ones)

        for g in range(NSTAGE):
            pltpu.sync_copy(edges_hbm.at[wid, g], ev)
            gstart(0, rows_a, sem_ga)
            gstart(1, rows_b, sem_gb)

            def tri(t, carry):
                j = 3 * t
                gstart(j + 2, rows_c, sem_gc)
                gwait(rows_a, sem_ga)
                sstart(j, rows_a, sem_ss)
                counts(j)
                gwait(rows_b, sem_gb)
                swait(rows_a, sem_ss)
                gstart(j + 3, rows_a, sem_ga)
                sstart(j + 1, rows_b, sem_ss)
                counts(j + 1)
                gwait(rows_c, sem_gc)
                swait(rows_b, sem_ss)

                @pl.when(t < NTRI - 1)
                def _():
                    gstart(j + 4, rows_b, sem_gb)

                sstart(j + 2, rows_c, sem_ss)
                counts(j + 2)
                swait(rows_c, sem_ss)
                return carry

            lax.fori_loop(0, NTRI, tri, 0)

            t24 = SUPER - 1
            gwait(rows_a, sem_ga)
            sstart(t24, rows_a, sem_ss)
            counts(t24)
            swait(rows_a, sem_ss)

        plsc.subcore_barrier()

        pltpu.sync_copy(acc.at[pl.ds(sid * ROWS_PER_TILE, ROWS_PER_TILE)],
                        sum_out.at[cid, pl.ds(sid * ROWS_PER_TILE, ROWS_PER_TILE)])
        if with_counts:
            pltpu.sync_copy(cnt_local, cnt_out.at[wid])

    mesh = plsc.VectorSubcoreMesh(core_axis_name="c", subcore_axis_name="s")
    return pl.kernel(
        body, mesh=mesh, out_type=out_type, scratch_types=scratch,
        compiler_params=pltpu.CompilerParams(needs_layout_passes=False))


_seg_sum_counts = _make_seg_sum(True)
_seg_sum = _make_seg_sum(False)



ROW_BLK = 1024


def _mm_body(a_ref, w_ref, o_ref):
    o_ref[...] = jnp.dot(a_ref[...], w_ref[...],
                         preferred_element_type=jnp.float32)


def _mm(a, w):
    k = a.shape[1]
    m = w.shape[1]
    return pl.pallas_call(
        _mm_body,
        grid=((N_NODES + ROW_BLK - 1) // ROW_BLK,),
        in_specs=[
            pl.BlockSpec((ROW_BLK, k), lambda i: (i, 0)),
            pl.BlockSpec((k, m), lambda i: (0, 0)),
        ],
        out_specs=pl.BlockSpec((ROW_BLK, m), lambda i: (i, 0)),
        out_shape=jax.ShapeDtypeStruct((N_NODES, m), jnp.float32),
    )(a, w)


def _tc1_body(s_ref, c_ref, xr_ref, w1l_ref, b1_ref, w2l_ref, h_ref, p_ref):
    s = s_ref[0] + s_ref[1]
    c = jnp.maximum(jnp.sum(c_ref[...], axis=0), 1.0)[:, None]
    mean = s / c
    z = (jnp.dot(mean, w1l_ref[...], preferred_element_type=jnp.float32)
         + xr_ref[...] + b1_ref[...])
    h = jnp.maximum(z, 0.0)
    h_ref[...] = h
    p_ref[...] = jnp.dot(h, w2l_ref[...], preferred_element_type=jnp.float32)


def _tc2_body(s_ref, c_ref, hr_ref, b2_ref, o_ref):
    s = s_ref[0] + s_ref[1]
    c = jnp.maximum(jnp.sum(c_ref[...], axis=0), 1.0)[:, None]
    o_ref[...] = s / c + hr_ref[...] + b2_ref[...]


def _tc1(s, cnt, xr, w1lt, b1, w2lt):
    grid = (N_PAD // ROW_BLK,)
    return pl.pallas_call(
        _tc1_body,
        grid=grid,
        in_specs=[
            pl.BlockSpec((NC, ROW_BLK, CH), lambda i: (0, i, 0)),
            pl.BlockSpec((NW, ROW_BLK), lambda i: (0, i)),
            pl.BlockSpec((ROW_BLK, 2 * CH), lambda i: (i, 0)),
            pl.BlockSpec((CH, 2 * CH), lambda i: (0, 0)),
            pl.BlockSpec((1, 2 * CH), lambda i: (0, 0)),
            pl.BlockSpec((2 * CH, CH), lambda i: (0, 0)),
        ],
        out_specs=[
            pl.BlockSpec((ROW_BLK, 2 * CH), lambda i: (i, 0)),
            pl.BlockSpec((ROW_BLK, CH), lambda i: (i, 0)),
        ],
        out_shape=[
            jax.ShapeDtypeStruct((N_NODES, 2 * CH), jnp.float32),
            jax.ShapeDtypeStruct((N_NODES, CH), jnp.float32),
        ],
    )(s, cnt, xr, w1lt, b1, w2lt)


def _tc2(s, cnt, hr, b2):
    grid = (N_PAD // ROW_BLK,)
    return pl.pallas_call(
        _tc2_body,
        grid=grid,
        in_specs=[
            pl.BlockSpec((NC, ROW_BLK, CH), lambda i: (0, i, 0)),
            pl.BlockSpec((NW, ROW_BLK), lambda i: (0, i)),
            pl.BlockSpec((ROW_BLK, CH), lambda i: (i, 0)),
            pl.BlockSpec((1, CH), lambda i: (0, 0)),
        ],
        out_specs=pl.BlockSpec((ROW_BLK, CH), lambda i: (i, 0)),
        out_shape=jax.ShapeDtypeStruct((N_NODES, CH), jnp.float32),
    )(s, cnt, hr, b2)


def kernel(x, edge_index, W1l, b1, W1r, W2l, b2, W2r):
    ei = edge_index.astype(jnp.int32).reshape(2, NW, NSTAGE, SUPER, CHUNK)
    edges = ei.transpose(1, 2, 0, 3, 4).reshape(NW, NSTAGE, 2 * SUPER, CHUNK)

    s1, cnt = _seg_sum_counts(x, edges)
    xr = _mm(x, W1r.T)
    h, p = _tc1(s1, cnt, xr, W1l.T, b1.reshape(1, -1), W2l.T)
    (s2,) = _seg_sum(p, edges)
    hr = _mm(h, W2r.T)
    out = _tc2(s2, cnt, hr, b2.reshape(1, -1))
    return out

# --- scband reference (transcript-rebuilt; emitter-appended) ---
"""Pipeline reference for scband-sageencoder-32959579030041 (READ-ONLY COPY).

The authoritative reference and input builder live on the scoring server;
editing this copy changes nothing except your own understanding.
"""

import jax, jax.numpy as jnp
import numpy as np

N_NODES = 10000
N_EDGES = 320000
IN_CH = 128
OUT_CH = 128
HID = 2 * OUT_CH


def _glorot(key, shape):
    fan_in, fan_out = shape[1], shape[0]
    lim = (6.0 / (fan_in + fan_out)) ** 0.5
    return jax.random.uniform(key, shape, jnp.float32, -lim, lim)


def setup_inputs(seed: int = 0) -> dict:
    key = jax.random.key(seed)
    ks = jax.random.split(key, 8)
    x = jax.random.normal(ks[0], (N_NODES, IN_CH), dtype=jnp.float32)
    edge_index = jax.random.randint(ks[1], (2, N_EDGES), 0, N_NODES, dtype=jnp.int64)
    # conv1: SAGEConv(IN_CH -> HID): lin_l (neighbors, with bias), lin_r (root, no bias)
    W1l = _glorot(ks[2], (HID, IN_CH))
    b1 = jnp.zeros((HID,), dtype=jnp.float32)
    W1r = _glorot(ks[3], (HID, IN_CH))
    # conv2: SAGEConv(HID -> OUT_CH)
    W2l = _glorot(ks[4], (OUT_CH, HID))
    b2 = jnp.zeros((OUT_CH,), dtype=jnp.float32)
    W2r = _glorot(ks[5], (OUT_CH, HID))
    return {"x": x, "edge_index": edge_index, "W1l": W1l, "b1": b1, "W1r": W1r,
            "W2l": W2l, "b2": b2, "W2r": W2r}


def _sage_conv(x, edge_index, Wl, bl, Wr):
    # PyG SAGEConv with mean aggregation:
    # out = lin_l(mean_{j in N(i)} x_j) + lin_r(x_i)
    src = edge_index[0]
    dst = edge_index[1]
    msgs = jnp.take(x, src, axis=0)                       # gather (SparseCore)
    summed = jax.ops.segment_sum(msgs, dst, num_segments=x.shape[0])   # scatter-add
    cnt = jax.ops.segment_sum(jnp.ones((edge_index.shape[1],), dtype=x.dtype), dst,
                              num_segments=x.shape[0])
    mean = summed / jnp.clip(cnt, 1.0)[:, None]
    return mean @ Wl.T + bl + x @ Wr.T


def reference(x, edge_index, W1l, b1, W1r, W2l, b2, W2r):
    h = _sage_conv(x, edge_index, W1l, b1, W1r)
    h = jax.nn.relu(h)
    out = _sage_conv(h, edge_index, W2l, b2, W2r)
    return out

if __name__ == "__main__":
    import jax
    _d = setup_inputs()
    print(jax.jit(kernel)(*tuple(_d.values())))

</pallas_src>

<mosaic_0001>
#map = affine_map<(d0, d1) -> (0, 0)>
#map1 = affine_map<(d0, d1) -> (0, 0, 0, 0)>
#map2 = affine_map<(d0, d1) -> (0, 0, 0)>
module attributes {stable_mosaic.version = 14 : i64} {
  func.func @body(%arg0: i32, %arg1: i32, %arg2: memref<10000x128xf32, #tpu.memory_space<hbm>>, %arg3: memref<32x5x50x80xi32, #tpu.memory_space<hbm>>, %arg4: memref<2x10240x128xf32, #tpu.memory_space<hbm>>, %arg5: memref<50x80xi32, #tpu.memory_space<vmem>>, %arg6: memref<10240xf32, #tpu.memory_space<vmem>>, %arg7: memref<80x128xf32, #tpu.memory_space<vmem>>, %arg8: memref<80x128xf32, #tpu.memory_space<vmem>>, %arg9: memref<80x128xf32, #tpu.memory_space<vmem>>, %arg10: memref<10240x128xf32, #tpu.memory_space<vmem_shared>>, %arg11: memref<!tpu.dma_semaphore, #tpu.memory_space<semaphore_mem>>, %arg12: memref<!tpu.dma_semaphore, #tpu.memory_space<semaphore_mem>>, %arg13: memref<!tpu.dma_semaphore, #tpu.memory_space<semaphore_mem>>, %arg14: memref<!tpu.dma_semaphore, #tpu.memory_space<semaphore_mem>>) attributes {dimension_semantics = [#tpu.dimension_semantics<core_parallel>, #tpu.dimension_semantics<subcore_parallel>], iteration_bounds = array<i64: 2, 16>, scalar_prefetch = 0 : i64, scratch_operands = 10 : i64, tpu.core_type = #tpu.core_type<sc_vector_subcore>, window_params = [{transform_indices = #map}, {transform_indices = #map1}, {transform_indices = #map2}]} {
    %mul3A = arith.constant 2 : i32
    %mul3A_0 = arith.muli %arg1, %mul3A : i32
    %add3A = arith.addi %mul3A_0, %arg0 : i32
    %scan3A = arith.constant 0 : i32
    %scan3A_1 = arith.constant 0 : i32
    %scan3A_2 = arith.constant 640 : i32
    %scan3A_3 = arith.addi %scan3A_1, %scan3A_2 : i32
    %scan3A_4 = arith.constant 1 : i32
    %scan3A_5 = scf.for %scan3A_318 = %scan3A_1 to %scan3A_3 step %scan3A_4 iter_args(%scan3A_319 = %scan3A) -> (i32)  : i32 {
      %jit3A = arith.constant 8 : i32
      %div3A = arith.divsi %scan3A_318, %jit3A : i32
      %sign3A = arith.constant 0 : i32
      %sign3A_320 = arith.cmpi sgt, %scan3A_318, %sign3A : i32
      %sign3A_321 = arith.extui %sign3A_320 : i1 to i32
      %sign3A_322 = arith.constant 0 : i32
      %sign3A_323 = arith.cmpi slt, %scan3A_318, %sign3A_322 : i32
      %sign3A_324 = arith.extui %sign3A_323 : i1 to i32
      %sign3A_325 = arith.subi %sign3A_321, %sign3A_324 : i32
      %sign3A_326 = arith.constant 0 : i32
      %sign3A_327 = arith.cmpi sgt, %jit3A, %sign3A_326 : i32
      %sign3A_328 = arith.extui %sign3A_327 : i1 to i32
      %sign3A_329 = arith.constant 0 : i32
      %sign3A_330 = arith.cmpi slt, %jit3A, %sign3A_329 : i32
      %sign3A_331 = arith.extui %sign3A_330 : i1 to i32
      %sign3A_332 = arith.subi %sign3A_328, %sign3A_331 : i32
      %ne3A = arith.cmpi ne, %sign3A_325, %sign3A_332 : i32
      %rem3A = arith.remsi %scan3A_318, %jit3A : i32
      %ne3A_333 = arith.constant 0 : i32
      %ne3A_334 = arith.cmpi ne, %rem3A, %ne3A_333 : i32
      %and3A = arith.andi %ne3A, %ne3A_334 : i1
      %sub3A = arith.constant 1 : i32
      %sub3A_335 = arith.subi %div3A, %sub3A : i32
      %select_n3A = arith.select %and3A, %sub3A_335, %div3A : i32
      %jit3A_336 = arith.constant 8 : i32
      %eq3A = arith.constant 0 : i32
      %eq3A_337 = arith.cmpi eq, %jit3A_336, %eq3A : i32
      %jit3A_338 = arith.constant 1 : i32
      %select_n3A_339 = arith.select %eq3A_337, %jit3A_338, %jit3A_336 : i32
      %rem3A_340 = arith.remsi %scan3A_318, %select_n3A_339 : i32
      %ne3A_341 = arith.constant 0 : i32
      %ne3A_342 = arith.cmpi ne, %rem3A_340, %ne3A_341 : i32
      %lt3A = arith.constant 0 : i32
      %lt3A_343 = arith.cmpi slt, %rem3A_340, %lt3A : i32
      %lt3A_344 = arith.constant 0 : i32
      %lt3A_345 = arith.cmpi slt, %select_n3A_339, %lt3A_344 : i32
      %ne3A_346 = arith.xori %lt3A_343, %lt3A_345 : i1
      %and3A_347 = arith.andi %ne3A_346, %ne3A_342 : i1
      %add3A_348 = arith.addi %rem3A_340, %select_n3A_339 : i32
      %select_n3A_349 = arith.select %and3A_347, %add3A_348, %rem3A_340 : i32
      %broadcast_in_dim3A_350 = arith.constant 0.000000e+00 : f32
      %broadcast_in_dim3A_351 = vector.broadcast %broadcast_in_dim3A_350 : f32 to vector<16xf32>
      %mul3A_352 = arith.constant 16 : i32
      %mul3A_353 = arith.muli %select_n3A_349, %mul3A_352 : i32
      %swap3A = arith.index_cast %select_n3A : i32 to index
      %swap3A_354 = arith.index_cast %mul3A_353 : i32 to index
      %swap3A_355 = tpu.vector_load %arg7[%swap3A, %swap3A_354] {strides = array<i32>} : memref<80x128xf32, #tpu.memory_space<vmem>>, vector<16xf32>,
      tpu.vector_store %arg7[%swap3A, %swap3A_354], %broadcast_in_dim3A_351 {strides = array<i32>} : memref<80x128xf32, #tpu.memory_space<vmem>>, vector<16xf32>,
      %scan3A_356 = arith.constant 0 : i32
      scf.yield %scan3A_356 : i32
    }
    %scan3A_6 = arith.constant 640 : i32
    %mul3A_7 = arith.constant 640 : i32
    %mul3A_8 = arith.muli %arg1, %mul3A_7 : i32
    %add3A_9 = arith.constant 0 : i32
    %add3A_10 = arith.addi %mul3A_8, %add3A_9 : i32
    %dma_start3A = arith.constant 0 : i32
    %dma_start3A_11 = tpu.memref_slice %arg10[%add3A_10, %dma_start3A] : memref<10240x128xf32, #tpu.memory_space<vmem_shared>> -> memref<80x128xf32, #tpu.memory_space<vmem_shared>>
    %dma_start3A_12 = arith.constant 0 : i32
    %dma_start3A_13 = tpu.memref_slice %arg10[%add3A_10, %dma_start3A_12] : memref<10240x128xf32, #tpu.memory_space<vmem_shared>> -> memref<80x128xf32, #tpu.memory_space<vmem_shared>>
    tpu.enqueue_dma source(%arg7 : memref<80x128xf32, #tpu.memory_space<vmem>>) target(%dma_start3A_13 : memref<80x128xf32, #tpu.memory_space<vmem_shared>>) target_semaphore(%arg11 : memref<!tpu.dma_semaphore, #tpu.memory_space<semaphore_mem>>)
    %add3A_14 = arith.constant 80 : i32
    %add3A_15 = arith.addi %mul3A_8, %add3A_14 : i32
    %dma_start3A_16 = arith.constant 0 : i32
    %dma_start3A_17 = tpu.memref_slice %arg10[%add3A_15, %dma_start3A_16] : memref<10240x128xf32, #tpu.memory_space<vmem_shared>> -> memref<80x128xf32, #tpu.memory_space<vmem_shared>>
    %dma_start3A_18 = arith.constant 0 : i32
    %dma_start3A_19 = tpu.memref_slice %arg10[%add3A_15, %dma_start3A_18] : memref<10240x128xf32, #tpu.memory_space<vmem_shared>> -> memref<80x128xf32, #tpu.memory_space<vmem_shared>>
    tpu.enqueue_dma source(%arg7 : memref<80x128xf32, #tpu.memory_space<vmem>>) target(%dma_start3A_19 : memref<80x128xf32, #tpu.memory_space<vmem_shared>>) target_semaphore(%arg11 : memref<!tpu.dma_semaphore, #tpu.memory_space<semaphore_mem>>)
    %add3A_20 = arith.constant 160 : i32
    %add3A_21 = arith.addi %mul3A_8, %add3A_20 : i32
    %dma_start3A_22 = arith.constant 0 : i32
    %dma_start3A_23 = tpu.memref_slice %arg10[%add3A_21, %dma_start3A_22] : memref<10240x128xf32, #tpu.memory_space<vmem_shared>> -> memref<80x128xf32, #tpu.memory_space<vmem_shared>>
    %dma_start3A_24 = arith.constant 0 : i32
    %dma_start3A_25 = tpu.memref_slice %arg10[%add3A_21, %dma_start3A_24] : memref<10240x128xf32, #tpu.memory_space<vmem_shared>> -> memref<80x128xf32, #tpu.memory_space<vmem_shared>>
    tpu.enqueue_dma source(%arg7 : memref<80x128xf32, #tpu.memory_space<vmem>>) target(%dma_start3A_25 : memref<80x128xf32, #tpu.memory_space<vmem_shared>>) target_semaphore(%arg11 : memref<!tpu.dma_semaphore, #tpu.memory_space<semaphore_mem>>)
    %add3A_26 = arith.constant 240 : i32
    %add3A_27 = arith.addi %mul3A_8, %add3A_26 : i32
    %dma_start3A_28 = arith.constant 0 : i32
    %dma_start3A_29 = tpu.memref_slice %arg10[%add3A_27, %dma_start3A_28] : memref<10240x128xf32, #tpu.memory_space<vmem_shared>> -> memref<80x128xf32, #tpu.memory_space<vmem_shared>>
    %dma_start3A_30 = arith.constant 0 : i32
    %dma_start3A_31 = tpu.memref_slice %arg10[%add3A_27, %dma_start3A_30] : memref<10240x128xf32, #tpu.memory_space<vmem_shared>> -> memref<80x128xf32, #tpu.memory_space<vmem_shared>>
    tpu.enqueue_dma source(%arg7 : memref<80x128xf32, #tpu.memory_space<vmem>>) target(%dma_start3A_31 : memref<80x128xf32, #tpu.memory_space<vmem_shared>>) target_semaphore(%arg11 : memref<!tpu.dma_semaphore, #tpu.memory_space<semaphore_mem>>)
    %add3A_32 = arith.constant 320 : i32
    %add3A_33 = arith.addi %mul3A_8, %add3A_32 : i32
    %dma_start3A_34 = arith.constant 0 : i32
    %dma_start3A_35 = tpu.memref_slice %arg10[%add3A_33, %dma_start3A_34] : memref<10240x128xf32, #tpu.memory_space<vmem_shared>> -> memref<80x128xf32, #tpu.memory_space<vmem_shared>>
    %dma_start3A_36 = arith.constant 0 : i32
    %dma_start3A_37 = tpu.memref_slice %arg10[%add3A_33, %dma_start3A_36] : memref<10240x128xf32, #tpu.memory_space<vmem_shared>> -> memref<80x128xf32, #tpu.memory_space<vmem_shared>>
    tpu.enqueue_dma source(%arg7 : memref<80x128xf32, #tpu.memory_space<vmem>>) target(%dma_start3A_37 : memref<80x128xf32, #tpu.memory_space<vmem_shared>>) target_semaphore(%arg11 : memref<!tpu.dma_semaphore, #tpu.memory_space<semaphore_mem>>)
    %add3A_38 = arith.constant 400 : i32
    %add3A_39 = arith.addi %mul3A_8, %add3A_38 : i32
    %dma_start3A_40 = arith.constant 0 : i32
    %dma_start3A_41 = tpu.memref_slice %arg10[%add3A_39, %dma_start3A_40] : memref<10240x128xf32, #tpu.memory_space<vmem_shared>> -> memref<80x128xf32, #tpu.memory_space<vmem_shared>>
    %dma_start3A_42 = arith.constant 0 : i32
    %dma_start3A_43 = tpu.memref_slice %arg10[%add3A_39, %dma_start3A_42] : memref<10240x128xf32, #tpu.memory_space<vmem_shared>> -> memref<80x128xf32, #tpu.memory_space<vmem_shared>>
    tpu.enqueue_dma source(%arg7 : memref<80x128xf32, #tpu.memory_space<vmem>>) target(%dma_start3A_43 : memref<80x128xf32, #tpu.memory_space<vmem_shared>>) target_semaphore(%arg11 : memref<!tpu.dma_semaphore, #tpu.memory_space<semaphore_mem>>)
    %add3A_44 = arith.constant 480 : i32
    %add3A_45 = arith.addi %mul3A_8, %add3A_44 : i32
    %dma_start3A_46 = arith.constant 0 : i32
    %dma_start3A_47 = tpu.memref_slice %arg10[%add3A_45, %dma_start3A_46] : memref<10240x128xf32, #tpu.memory_space<vmem_shared>> -> memref<80x128xf32, #tpu.memory_space<vmem_shared>>
    %dma_start3A_48 = arith.constant 0 : i32
    %dma_start3A_49 = tpu.memref_slice %arg10[%add3A_45, %dma_start3A_48] : memref<10240x128xf32, #tpu.memory_space<vmem_shared>> -> memref<80x128xf32, #tpu.memory_space<vmem_shared>>
    tpu.enqueue_dma source(%arg7 : memref<80x128xf32, #tpu.memory_space<vmem>>) target(%dma_start3A_49 : memref<80x128xf32, #tpu.memory_space<vmem_shared>>) target_semaphore(%arg11 : memref<!tpu.dma_semaphore, #tpu.memory_space<semaphore_mem>>)
    %add3A_50 = arith.constant 560 : i32
    %add3A_51 = arith.addi %mul3A_8, %add3A_50 : i32
    %dma_start3A_52 = arith.constant 0 : i32
    %dma_start3A_53 = tpu.memref_slice %arg10[%add3A_51, %dma_start3A_52] : memref<10240x128xf32, #tpu.memory_space<vmem_shared>> -> memref<80x128xf32, #tpu.memory_space<vmem_shared>>
    %dma_start3A_54 = arith.constant 0 : i32
    %dma_start3A_55 = tpu.memref_slice %arg10[%add3A_51, %dma_start3A_54] : memref<10240x128xf32, #tpu.memory_space<vmem_shared>> -> memref<80x128xf32, #tpu.memory_space<vmem_shared>>
    tpu.enqueue_dma source(%arg7 : memref<80x128xf32, #tpu.memory_space<vmem>>) target(%dma_start3A_55 : memref<80x128xf32, #tpu.memory_space<vmem_shared>>) target_semaphore(%arg11 : memref<!tpu.dma_semaphore, #tpu.memory_space<semaphore_mem>>)
    %add3A_56 = arith.constant 0 : i32
    %add3A_57 = arith.addi %mul3A_8, %add3A_56 : i32
    %dma_wait3A = arith.constant 0 : i32
    %dma_wait3A_58 = tpu.memref_slice %arg10[%add3A_57, %dma_wait3A] : memref<10240x128xf32, #tpu.memory_space<vmem_shared>> -> memref<80x128xf32, #tpu.memory_space<vmem_shared>>
    %dma_wait3A_59 = arith.constant 0 : i32
    %dma_wait3A_60 = tpu.memref_slice %arg10[%add3A_57, %dma_wait3A_59] : memref<10240x128xf32, #tpu.memory_space<vmem_shared>> -> memref<80x128xf32, #tpu.memory_space<vmem_shared>>
    tpu.wait_dma2 semaphore(%arg11 : memref<!tpu.dma_semaphore, #tpu.memory_space<semaphore_mem>>) src(%arg7 : memref<80x128xf32, #tpu.memory_space<vmem>>) dst(%dma_wait3A_60 : memref<80x128xf32, #tpu.memory_space<vmem_shared>>)
    %add3A_61 = arith.constant 80 : i32
    %add3A_62 = arith.addi %mul3A_8, %add3A_61 : i32
    %dma_wait3A_63 = arith.constant 0 : i32
    %dma_wait3A_64 = tpu.memref_slice %arg10[%add3A_62, %dma_wait3A_63] : memref<10240x128xf32, #tpu.memory_space<vmem_shared>> -> memref<80x128xf32, #tpu.memory_space<vmem_shared>>
    %dma_wait3A_65 = arith.constant 0 : i32
    %dma_wait3A_66 = tpu.memref_slice %arg10[%add3A_62, %dma_wait3A_65] : memref<10240x128xf32, #tpu.memory_space<vmem_shared>> -> memref<80x128xf32, #tpu.memory_space<vmem_shared>>
    tpu.wait_dma2 semaphore(%arg11 : memref<!tpu.dma_semaphore, #tpu.memory_space<semaphore_mem>>) src(%arg7 : memref<80x128xf32, #tpu.memory_space<vmem>>) dst(%dma_wait3A_66 : memref<80x128xf32, #tpu.memory_space<vmem_shared>>)
    %add3A_67 = arith.constant 160 : i32
    %add3A_68 = arith.addi %mul3A_8, %add3A_67 : i32
    %dma_wait3A_69 = arith.constant 0 : i32
    %dma_wait3A_70 = tpu.memref_slice %arg10[%add3A_68, %dma_wait3A_69] : memref<10240x128xf32, #tpu.memory_space<vmem_shared>> -> memref<80x128xf32, #tpu.memory_space<vmem_shared>>
    %dma_wait3A_71 = arith.constant 0 : i32
    %dma_wait3A_72 = tpu.memref_slice %arg10[%add3A_68, %dma_wait3A_71] : memref<10240x128xf32, #tpu.memory_space<vmem_shared>> -> memref<80x128xf32, #tpu.memory_space<vmem_shared>>
    tpu.wait_dma2 semaphore(%arg11 : memref<!tpu.dma_semaphore, #tpu.memory_space<semaphore_mem>>) src(%arg7 : memref<80x128xf32, #tpu.memory_space<vmem>>) dst(%dma_wait3A_72 : memref<80x128xf32, #tpu.memory_space<vmem_shared>>)
    %add3A_73 = arith.constant 240 : i32
    %add3A_74 = arith.addi %mul3A_8, %add3A_73 : i32
    %dma_wait3A_75 = arith.constant 0 : i32
    %dma_wait3A_76 = tpu.memref_slice %arg10[%add3A_74, %dma_wait3A_75] : memref<10240x128xf32, #tpu.memory_space<vmem_shared>> -> memref<80x128xf32, #tpu.memory_space<vmem_shared>>
    %dma_wait3A_77 = arith.constant 0 : i32
    %dma_wait3A_78 = tpu.memref_slice %arg10[%add3A_74, %dma_wait3A_77] : memref<10240x128xf32, #tpu.memory_space<vmem_shared>> -> memref<80x128xf32, #tpu.memory_space<vmem_shared>>
    tpu.wait_dma2 semaphore(%arg11 : memref<!tpu.dma_semaphore, #tpu.memory_space<semaphore_mem>>) src(%arg7 : memref<80x128xf32, #tpu.memory_space<vmem>>) dst(%dma_wait3A_78 : memref<80x128xf32, #tpu.memory_space<vmem_shared>>)
    %add3A_79 = arith.constant 320 : i32
    %add3A_80 = arith.addi %mul3A_8, %add3A_79 : i32
    %dma_wait3A_81 = arith.constant 0 : i32
    %dma_wait3A_82 = tpu.memref_slice %arg10[%add3A_80, %dma_wait3A_81] : memref<10240x128xf32, #tpu.memory_space<vmem_shared>> -> memref<80x128xf32, #tpu.memory_space<vmem_shared>>
    %dma_wait3A_83 = arith.constant 0 : i32
    %dma_wait3A_84 = tpu.memref_slice %arg10[%add3A_80, %dma_wait3A_83] : memref<10240x128xf32, #tpu.memory_space<vmem_shared>> -> memref<80x128xf32, #tpu.memory_space<vmem_shared>>
    tpu.wait_dma2 semaphore(%arg11 : memref<!tpu.dma_semaphore, #tpu.memory_space<semaphore_mem>>) src(%arg7 : memref<80x128xf32, #tpu.memory_space<vmem>>) dst(%dma_wait3A_84 : memref<80x128xf32, #tpu.memory_space<vmem_shared>>)
    %add3A_85 = arith.constant 400 : i32
    %add3A_86 = arith.addi %mul3A_8, %add3A_85 : i32
    %dma_wait3A_87 = arith.constant 0 : i32
    %dma_wait3A_88 = tpu.memref_slice %arg10[%add3A_86, %dma_wait3A_87] : memref<10240x128xf32, #tpu.memory_space<vmem_shared>> -> memref<80x128xf32, #tpu.memory_space<vmem_shared>>
    %dma_wait3A_89 = arith.constant 0 : i32
    %dma_wait3A_90 = tpu.memref_slice %arg10[%add3A_86, %dma_wait3A_89] : memref<10240x128xf32, #tpu.memory_space<vmem_shared>> -> memref<80x128xf32, #tpu.memory_space<vmem_shared>>
    tpu.wait_dma2 semaphore(%arg11 : memref<!tpu.dma_semaphore, #tpu.memory_space<semaphore_mem>>) src(%arg7 : memref<80x128xf32, #tpu.memory_space<vmem>>) dst(%dma_wait3A_90 : memref<80x128xf32, #tpu.memory_space<vmem_shared>>)
    %add3A_91 = arith.constant 480 : i32
    %add3A_92 = arith.addi %mul3A_8, %add3A_91 : i32
    %dma_wait3A_93 = arith.constant 0 : i32
    %dma_wait3A_94 = tpu.memref_slice %arg10[%add3A_92, %dma_wait3A_93] : memref<10240x128xf32, #tpu.memory_space<vmem_shared>> -> memref<80x128xf32, #tpu.memory_space<vmem_shared>>
    %dma_wait3A_95 = arith.constant 0 : i32
    %dma_wait3A_96 = tpu.memref_slice %arg10[%add3A_92, %dma_wait3A_95] : memref<10240x128xf32, #tpu.memory_space<vmem_shared>> -> memref<80x128xf32, #tpu.memory_space<vmem_shared>>
    tpu.wait_dma2 semaphore(%arg11 : memref<!tpu.dma_semaphore, #tpu.memory_space<semaphore_mem>>) src(%arg7 : memref<80x128xf32, #tpu.memory_space<vmem>>) dst(%dma_wait3A_96 : memref<80x128xf32, #tpu.memory_space<vmem_shared>>)
    %add3A_97 = arith.constant 560 : i32
    %add3A_98 = arith.addi %mul3A_8, %add3A_97 : i32
    %dma_wait3A_99 = arith.constant 0 : i32
    %dma_wait3A_100 = tpu.memref_slice %arg10[%add3A_98, %dma_wait3A_99] : memref<10240x128xf32, #tpu.memory_space<vmem_shared>> -> memref<80x128xf32, #tpu.memory_space<vmem_shared>>
    %dma_wait3A_101 = arith.constant 0 : i32
    %dma_wait3A_102 = tpu.memref_slice %arg10[%add3A_98, %dma_wait3A_101] : memref<10240x128xf32, #tpu.memory_space<vmem_shared>> -> memref<80x128xf32, #tpu.memory_space<vmem_shared>>
    tpu.wait_dma2 semaphore(%arg11 : memref<!tpu.dma_semaphore, #tpu.memory_space<semaphore_mem>>) src(%arg7 : memref<80x128xf32, #tpu.memory_space<vmem>>) dst(%dma_wait3A_102 : memref<80x128xf32, #tpu.memory_space<vmem_shared>>)
    %barrier3A = arith.constant 0 : index
    tpu.barrier barrier_id(%barrier3A)
    %broadcast_in_dim3A = arith.constant 1.000000e+00 : f32
    %broadcast_in_dim3A_103 = vector.broadcast %broadcast_in_dim3A : f32 to vector<16xf32>
    %run_scoped3A = arith.constant 0 : i32
    "tpu.region"() ({
      %run_scoped3A_318 = tpu.sem_alloc : memref<!tpu.dma_semaphore, #tpu.memory_space<semaphore_mem>>
      %dma_start3A_319 = arith.constant 0 : i32
      %dma_start3A_320 = arith.constant 0 : i32
      %dma_start3A_321 = tpu.memref_slice %arg3[%add3A, %run_scoped3A, %dma_start3A_319, %dma_start3A_320] : memref<32x5x50x80xi32, #tpu.memory_space<hbm>> -> memref<1x1x50x80xi32, #tpu.memory_space<hbm>>
      %dma_start3A_322 = tpu.memref_squeeze %dma_start3A_321 : memref<1x1x50x80xi32, #tpu.memory_space<hbm>> -> memref<50x80xi32, #tpu.memory_space<hbm>>
      %dma_start3A_323 = arith.constant 0 : i32
      %dma_start3A_324 = arith.constant 0 : i32
      %dma_start3A_325 = tpu.memref_slice %arg3[%add3A, %run_scoped3A, %dma_start3A_323, %dma_start3A_324] : memref<32x5x50x80xi32, #tpu.memory_space<hbm>> -> memref<1x1x50x80xi32, #tpu.memory_space<hbm>>
      %dma_start3A_326 = tpu.memref_squeeze %dma_start3A_325 : memref<1x1x50x80xi32, #tpu.memory_space<hbm>> -> memref<50x80xi32, #tpu.memory_space<hbm>>
      tpu.enqueue_dma source(%dma_start3A_326 : memref<50x80xi32, #tpu.memory_space<hbm>>) target(%arg5 : memref<50x80xi32, #tpu.memory_space<vmem>>) target_semaphore(%run_scoped3A_318 : memref<!tpu.dma_semaphore, #tpu.memory_space<semaphore_mem>>)
      %dma_wait3A_327 = arith.constant 0 : i32
      %dma_wait3A_328 = arith.constant 0 : i32
      %dma_wait3A_329 = tpu.memref_slice %arg3[%add3A, %run_scoped3A, %dma_wait3A_327, %dma_wait3A_328] : memref<32x5x50x80xi32, #tpu.memory_space<hbm>> -> memref<1x1x50x80xi32, #tpu.memory_space<hbm>>
      %dma_wait3A_330 = tpu.memref_squeeze %dma_wait3A_329 : memref<1x1x50x80xi32, #tpu.memory_space<hbm>> -> memref<50x80xi32, #tpu.memory_space<hbm>>
      %dma_wait3A_331 = arith.constant 0 : i32
      %dma_wait3A_332 = arith.constant 0 : i32
      %dma_wait3A_333 = tpu.memref_slice %arg3[%add3A, %run_scoped3A, %dma_wait3A_331, %dma_wait3A_332] : memref<32x5x50x80xi32, #tpu.memory_space<hbm>> -> memref<1x1x50x80xi32, #tpu.memory_space<hbm>>
      %dma_wait3A_334 = tpu.memref_squeeze %dma_wait3A_333 : memref<1x1x50x80xi32, #tpu.memory_space<hbm>> -> memref<50x80xi32, #tpu.memory_space<hbm>>
      tpu.wait_dma2 semaphore(%run_scoped3A_318 : memref<!tpu.dma_semaphore, #tpu.memory_space<semaphore_mem>>) src(%dma_wait3A_334 : memref<50x80xi32, #tpu.memory_space<hbm>>) dst(%arg5 : memref<50x80xi32, #tpu.memory_space<vmem>>)
      tpu.yield
    }) : () -> ()
    %dma_start3A_104 = arith.constant 0 : i32
    %dma_start3A_105 = arith.constant 0 : i32
    %dma_start3A_106 = tpu.memref_slice %arg5[%dma_start3A_104, %dma_start3A_105] : memref<50x80xi32, #tpu.memory_space<vmem>> -> memref<1x80xi32, #tpu.memory_space<vmem>>
    %dma_start3A_107 = tpu.memref_squeeze %dma_start3A_106 : memref<1x80xi32, #tpu.memory_space<vmem>> -> memref<80xi32, #tpu.memory_space<vmem>>
    %dma_start3A_108 = arith.constant 0 : i32
    %dma_start3A_109 = arith.constant 0 : i32
    %dma_start3A_110 = tpu.memref_slice %arg2[%dma_start3A_108, %dma_start3A_109] : memref<10000x128xf32, #tpu.memory_space<hbm>> -> memref<10000x128xf32, #tpu.memory_space<hbm>>
    tpu.enqueue_indirect_dma source(%dma_start3A_110 : memref<10000x128xf32, #tpu.memory_space<hbm>>) target(%arg7 : memref<80x128xf32, #tpu.memory_space<vmem>>) offsets(%dma_start3A_107 : memref<80xi32, #tpu.memory_space<vmem>>) semaphore(%arg11 : memref<!tpu.dma_semaphore, #tpu.memory_space<semaphore_mem>>)
    %dma_start3A_111 = arith.constant 1 : i32
    %dma_start3A_112 = arith.constant 0 : i32
    %dma_start3A_113 = tpu.memref_slice %arg5[%dma_start3A_111, %dma_start3A_112] : memref<50x80xi32, #tpu.memory_space<vmem>> -> memref<1x80xi32, #tpu.memory_space<vmem>>
    %dma_start3A_114 = tpu.memref_squeeze %dma_start3A_113 : memref<1x80xi32, #tpu.memory_space<vmem>> -> memref<80xi32, #tpu.memory_space<vmem>>
    %dma_start3A_115 = arith.constant 0 : i32
    %dma_start3A_116 = arith.constant 0 : i32
    %dma_start3A_117 = tpu.memref_slice %arg2[%dma_start3A_115, %dma_start3A_116] : memref<10000x128xf32, #tpu.memory_space<hbm>> -> memref<10000x128xf32, #tpu.memory_space<hbm>>
    tpu.enqueue_indirect_dma source(%dma_start3A_117 : memref<10000x128xf32, #tpu.memory_space<hbm>>) target(%arg8 : memref<80x128xf32, #tpu.memory_space<vmem>>) offsets(%dma_start3A_114 : memref<80xi32, #tpu.memory_space<vmem>>) semaphore(%arg12 : memref<!tpu.dma_semaphore, #tpu.memory_space<semaphore_mem>>)
    %scan3A_118 = arith.constant 0 : i32
    %scan3A_119 = arith.constant 0 : i32
    %scan3A_120 = arith.constant 8 : i32
    %scan3A_121 = arith.addi %scan3A_119, %scan3A_120 : i32
    %scan3A_122 = arith.constant 1 : i32
    scf.for %scan3A_318 = %scan3A_119 to %scan3A_121 step %scan3A_122  : i32 {
      %mul3A_319 = arith.constant 3 : i32
      %mul3A_320 = arith.muli %mul3A_319, %scan3A_318 : i32
      %add3A_321 = arith.constant 2 : i32
      %add3A_322 = arith.addi %mul3A_320, %add3A_321 : i32
      %dma_start3A_323 = arith.constant 0 : i32
      %dma_start3A_324 = tpu.memref_slice %arg5[%add3A_322, %dma_start3A_323] : memref<50x80xi32, #tpu.memory_space<vmem>> -> memref<1x80xi32, #tpu.memory_space<vmem>>
      %dma_start3A_325 = tpu.memref_squeeze %dma_start3A_324 : memref<1x80xi32, #tpu.memory_space<vmem>> -> memref<80xi32, #tpu.memory_space<vmem>>
      %dma_start3A_326 = arith.constant 0 : i32
      %dma_start3A_327 = arith.constant 0 : i32
      %dma_start3A_328 = tpu.memref_slice %arg2[%dma_start3A_326, %dma_start3A_327] : memref<10000x128xf32, #tpu.memory_space<hbm>> -> memref<10000x128xf32, #tpu.memory_space<hbm>>
      tpu.enqueue_indirect_dma source(%dma_start3A_328 : memref<10000x128xf32, #tpu.memory_space<hbm>>) target(%arg9 : memref<80x128xf32, #tpu.memory_space<vmem>>) offsets(%dma_start3A_325 : memref<80xi32, #tpu.memory_space<vmem>>) semaphore(%arg13 : memref<!tpu.dma_semaphore, #tpu.memory_space<semaphore_mem>>)
      %dma_wait3A_329 = arith.constant 0 : i32
      %dma_wait3A_330 = arith.constant 0 : i32
      %dma_wait3A_331 = tpu.memref_slice %arg5[%dma_wait3A_329, %dma_wait3A_330] : memref<50x80xi32, #tpu.memory_space<vmem>> -> memref<1x80xi32, #tpu.memory_space<vmem>>
      %dma_wait3A_332 = tpu.memref_squeeze %dma_wait3A_331 : memref<1x80xi32, #tpu.memory_space<vmem>> -> memref<80xi32, #tpu.memory_space<vmem>>
      %dma_wait3A_333 = arith.constant 0 : i32
      %dma_wait3A_334 = arith.constant 0 : i32
      %dma_wait3A_335 = tpu.memref_slice %arg2[%dma_wait3A_333, %dma_wait3A_334] : memref<10000x128xf32, #tpu.memory_space<hbm>> -> memref<10000x128xf32, #tpu.memory_space<hbm>>
      tpu.wait_indirect_dma semaphore(%arg11 : memref<!tpu.dma_semaphore, #tpu.memory_space<semaphore_mem>>) src(%dma_wait3A_335 : memref<10000x128xf32, #tpu.memory_space<hbm>>) dst(%arg7 : memref<80x128xf32, #tpu.memory_space<vmem>>)
      %add3A_336 = arith.constant 25 : i32
      %add3A_337 = arith.addi %add3A_336, %mul3A_320 : i32
      %dma_start3A_338 = arith.constant 0 : i32
      %dma_start3A_339 = tpu.memref_slice %arg5[%add3A_337, %dma_start3A_338] : memref<50x80xi32, #tpu.memory_space<vmem>> -> memref<1x80xi32, #tpu.memory_space<vmem>>
      %dma_start3A_340 = tpu.memref_squeeze %dma_start3A_339 : memref<1x80xi32, #tpu.memory_space<vmem>> -> memref<80xi32, #tpu.memory_space<vmem>>
      %dma_start3A_341 = arith.constant 0 : i32
      %dma_start3A_342 = arith.constant 0 : i32
      %dma_start3A_343 = tpu.memref_slice %arg10[%dma_start3A_341, %dma_start3A_342] : memref<10240x128xf32, #tpu.memory_space<vmem_shared>> -> memref<10240x128xf32, #tpu.memory_space<vmem_shared>>
      tpu.enqueue_indirect_dma source(%arg7 : memref<80x128xf32, #tpu.memory_space<vmem>>) target(%dma_start3A_343 : memref<10240x128xf32, #tpu.memory_space<vmem_shared>>) offsets(%dma_start3A_340 : memref<80xi32, #tpu.memory_space<vmem>>) semaphore(%arg14 : memref<!tpu.dma_semaphore, #tpu.memory_space<semaphore_mem>>) {add = true}
      %dma_wait3A_344 = arith.constant 0 : i32
      %dma_wait3A_345 = arith.constant 0 : i32
      %dma_wait3A_346 = tpu.memref_slice %arg5[%dma_wait3A_344, %dma_wait3A_345] : memref<50x80xi32, #tpu.memory_space<vmem>> -> memref<1x80xi32, #tpu.memory_space<vmem>>
      %dma_wait3A_347 = tpu.memref_squeeze %dma_wait3A_346 : memref<1x80xi32, #tpu.memory_space<vmem>> -> memref<80xi32, #tpu.memory_space<vmem>>
      %dma_wait3A_348 = arith.constant 0 : i32
      %dma_wait3A_349 = arith.constant 0 : i32
      %dma_wait3A_350 = tpu.memref_slice %arg2[%dma_wait3A_348, %dma_wait3A_349] : memref<10000x128xf32, #tpu.memory_space<hbm>> -> memref<10000x128xf32, #tpu.memory_space<hbm>>
      tpu.wait_indirect_dma semaphore(%arg12 : memref<!tpu.dma_semaphore, #tpu.memory_space<semaphore_mem>>) src(%dma_wait3A_350 : memref<10000x128xf32, #tpu.memory_space<hbm>>) dst(%arg8 : memref<80x128xf32, #tpu.memory_space<vmem>>)
      %dma_wait3A_351 = arith.constant 25 : i32
      %dma_wait3A_352 = arith.constant 0 : i32
      %dma_wait3A_353 = tpu.memref_slice %arg5[%dma_wait3A_351, %dma_wait3A_352] : memref<50x80xi32, #tpu.memory_space<vmem>> -> memref<1x80xi32, #tpu.memory_space<vmem>>
      %dma_wait3A_354 = tpu.memref_squeeze %dma_wait3A_353 : memref<1x80xi32, #tpu.memory_space<vmem>> -> memref<80xi32, #tpu.memory_space<vmem>>
      %dma_wait3A_355 = arith.constant 0 : i32
      %dma_wait3A_356 = arith.constant 0 : i32
      %dma_wait3A_357 = tpu.memref_slice %arg10[%dma_wait3A_355, %dma_wait3A_356] : memref<10240x128xf32, #tpu.memory_space<vmem_shared>> -> memref<10240x128xf32, #tpu.memory_space<vmem_shared>>
      tpu.wait_indirect_dma semaphore(%arg14 : memref<!tpu.dma_semaphore, #tpu.memory_space<semaphore_mem>>) src(%arg7 : memref<80x128xf32, #tpu.memory_space<vmem>>) dst(%dma_wait3A_357 : memref<10240x128xf32, #tpu.memory_space<vmem_shared>>)
      %add3A_358 = arith.constant 3 : i32
      %add3A_359 = arith.addi %mul3A_320, %add3A_358 : i32
      %dma_start3A_360 = arith.constant 0 : i32
      %dma_start3A_361 = tpu.memref_slice %arg5[%add3A_359, %dma_start3A_360] : memref<50x80xi32, #tpu.memory_space<vmem>> -> memref<1x80xi32, #tpu.memory_space<vmem>>
      %dma_start3A_362 = tpu.memref_squeeze %dma_start3A_361 : memref<1x80xi32, #tpu.memory_space<vmem>> -> memref<80xi32, #tpu.memory_space<vmem>>
      %dma_start3A_363 = arith.constant 0 : i32
      %dma_start3A_364 = arith.constant 0 : i32
      %dma_start3A_365 = tpu.memref_slice %arg2[%dma_start3A_363, %dma_start3A_364] : memref<10000x128xf32, #tpu.memory_space<hbm>> -> memref<10000x128xf32, #tpu.memory_space<hbm>>
      tpu.enqueue_indirect_dma source(%dma_start3A_365 : memref<10000x128xf32, #tpu.memory_space<hbm>>) target(%arg7 : memref<80x128xf32, #tpu.memory_space<vmem>>) offsets(%dma_start3A_362 : memref<80xi32, #tpu.memory_space<vmem>>) semaphore(%arg11 : memref<!tpu.dma_semaphore, #tpu.memory_space<semaphore_mem>>)
      %add3A_366 = arith.constant 1 : i32
      %add3A_367 = arith.addi %mul3A_320, %add3A_366 : i32
      %add3A_368 = arith.constant 25 : i32
      %add3A_369 = arith.addi %add3A_368, %add3A_367 : i32
      %dma_start3A_370 = arith.constant 0 : i32
      %dma_start3A_371 = tpu.memref_slice %arg5[%add3A_369, %dma_start3A_370] : memref<50x80xi32, #tpu.memory_space<vmem>> -> memref<1x80xi32, #tpu.memory_space<vmem>>
      %dma_start3A_372 = tpu.memref_squeeze %dma_start3A_371 : memref<1x80xi32, #tpu.memory_space<vmem>> -> memref<80xi32, #tpu.memory_space<vmem>>
      %dma_start3A_373 = arith.constant 0 : i32
      %dma_start3A_374 = arith.constant 0 : i32
      %dma_start3A_375 = tpu.memref_slice %arg10[%dma_start3A_373, %dma_start3A_374] : memref<10240x128xf32, #tpu.memory_space<vmem_shared>> -> memref<10240x128xf32, #tpu.memory_space<vmem_shared>>
      tpu.enqueue_indirect_dma source(%arg8 : memref<80x128xf32, #tpu.memory_space<vmem>>) target(%dma_start3A_375 : memref<10240x128xf32, #tpu.memory_space<vmem_shared>>) offsets(%dma_start3A_372 : memref<80xi32, #tpu.memory_space<vmem>>) semaphore(%arg14 : memref<!tpu.dma_semaphore, #tpu.memory_space<semaphore_mem>>) {add = true}
      %add3A_376 = arith.constant 1 : i32
      %add3A_377 = arith.addi %mul3A_320, %add3A_376 : i32
      %dma_wait3A_378 = arith.constant 0 : i32
      %dma_wait3A_379 = arith.constant 0 : i32
      %dma_wait3A_380 = tpu.memref_slice %arg5[%dma_wait3A_378, %dma_wait3A_379] : memref<50x80xi32, #tpu.memory_space<vmem>> -> memref<1x80xi32, #tpu.memory_space<vmem>>
      %dma_wait3A_381 = tpu.memref_squeeze %dma_wait3A_380 : memref<1x80xi32, #tpu.memory_space<vmem>> -> memref<80xi32, #tpu.memory_space<vmem>>
      %dma_wait3A_382 = arith.constant 0 : i32
      %dma_wait3A_383 = arith.constant 0 : i32
      %dma_wait3A_384 = tpu.memref_slice %arg2[%dma_wait3A_382, %dma_wait3A_383] : memref<10000x128xf32, #tpu.memory_space<hbm>> -> memref<10000x128xf32, #tpu.memory_space<hbm>>
      tpu.wait_indirect_dma semaphore(%arg13 : memref<!tpu.dma_semaphore, #tpu.memory_space<semaphore_mem>>) src(%dma_wait3A_384 : memref<10000x128xf32, #tpu.memory_space<hbm>>) dst(%arg9 : memref<80x128xf32, #tpu.memory_space<vmem>>)
      %dma_wait3A_385 = arith.constant 25 : i32
      %dma_wait3A_386 = arith.constant 0 : i32
      %dma_wait3A_387 = tpu.memref_slice %arg5[%dma_wait3A_385, %dma_wait3A_386] : memref<50x80xi32, #tpu.memory_space<vmem>> -> memref<1x80xi32, #tpu.memory_space<vmem>>
      %dma_wait3A_388 = tpu.memref_squeeze %dma_wait3A_387 : memref<1x80xi32, #tpu.memory_space<vmem>> -> memref<80xi32, #tpu.memory_space<vmem>>
      %dma_wait3A_389 = arith.constant 0 : i32
      %dma_wait3A_390 = arith.constant 0 : i32
      %dma_wait3A_391 = tpu.memref_slice %arg10[%dma_wait3A_389, %dma_wait3A_390] : memref<10240x128xf32, #tpu.memory_space<vmem_shared>> -> memref<10240x128xf32, #tpu.memory_space<vmem_shared>>
      tpu.wait_indirect_dma semaphore(%arg14 : memref<!tpu.dma_semaphore, #tpu.memory_space<semaphore_mem>>) src(%arg8 : memref<80x128xf32, #tpu.memory_space<vmem>>) dst(%dma_wait3A_391 : memref<10240x128xf32, #tpu.memory_space<vmem_shared>>)
      %lt3A = arith.constant 7 : i32
      %lt3A_392 = arith.cmpi slt, %scan3A_318, %lt3A : i32
      %convert_element_type3A = arith.extui %lt3A_392 : i1 to i32
      %cond3A = arith.constant 0 : i32
      %cond3A_393 = arith.cmpi ne, %convert_element_type3A, %cond3A : i32
      scf.if %cond3A_393 {
        %add3A_413 = arith.constant 4 : i32
        %add3A_414 = arith.addi %mul3A_320, %add3A_413 : i32
        %dma_start3A_415 = arith.constant 0 : i32
        %dma_start3A_416 = tpu.memref_slice %arg5[%add3A_414, %dma_start3A_415] : memref<50x80xi32, #tpu.memory_space<vmem>> -> memref<1x80xi32, #tpu.memory_space<vmem>>
        %dma_start3A_417 = tpu.memref_squeeze %dma_start3A_416 : memref<1x80xi32, #tpu.memory_space<vmem>> -> memref<80xi32, #tpu.memory_space<vmem>>
        %dma_start3A_418 = arith.constant 0 : i32
        %dma_start3A_419 = arith.constant 0 : i32
        %dma_start3A_420 = tpu.memref_slice %arg2[%dma_start3A_418, %dma_start3A_419] : memref<10000x128xf32, #tpu.memory_space<hbm>> -> memref<10000x128xf32, #tpu.memory_space<hbm>>
        tpu.enqueue_indirect_dma source(%dma_start3A_420 : memref<10000x128xf32, #tpu.memory_space<hbm>>) target(%arg8 : memref<80x128xf32, #tpu.memory_space<vmem>>) offsets(%dma_start3A_417 : memref<80xi32, #tpu.memory_space<vmem>>) semaphore(%arg12 : memref<!tpu.dma_semaphore, #tpu.memory_space<semaphore_mem>>)
      } else {
      }
      %add3A_394 = arith.constant 2 : i32
      %add3A_395 = arith.addi %mul3A_320, %add3A_394 : i32
      %add3A_396 = arith.constant 25 : i32
      %add3A_397 = arith.addi %add3A_396, %add3A_395 : i32
      %dma_start3A_398 = arith.constant 0 : i32
      %dma_start3A_399 = tpu.memref_slice %arg5[%add3A_397, %dma_start3A_398] : memref<50x80xi32, #tpu.memory_space<vmem>> -> memref<1x80xi32, #tpu.memory_space<vmem>>
      %dma_start3A_400 = tpu.memref_squeeze %dma_start3A_399 : memref<1x80xi32, #tpu.memory_space<vmem>> -> memref<80xi32, #tpu.memory_space<vmem>>
      %dma_start3A_401 = arith.constant 0 : i32
      %dma_start3A_402 = arith.constant 0 : i32
      %dma_start3A_403 = tpu.memref_slice %arg10[%dma_start3A_401, %dma_start3A_402] : memref<10240x128xf32, #tpu.memory_space<vmem_shared>> -> memref<10240x128xf32, #tpu.memory_space<vmem_shared>>
      tpu.enqueue_indirect_dma source(%arg9 : memref<80x128xf32, #tpu.memory_space<vmem>>) target(%dma_start3A_403 : memref<10240x128xf32, #tpu.memory_space<vmem_shared>>) offsets(%dma_start3A_400 : memref<80xi32, #tpu.memory_space<vmem>>) semaphore(%arg14 : memref<!tpu.dma_semaphore, #tpu.memory_space<semaphore_mem>>) {add = true}
      %add3A_404 = arith.constant 2 : i32
      %add3A_405 = arith.addi %mul3A_320, %add3A_404 : i32
      %dma_wait3A_406 = arith.constant 25 : i32
      %dma_wait3A_407 = arith.constant 0 : i32
      %dma_wait3A_408 = tpu.memref_slice %arg5[%dma_wait3A_406, %dma_wait3A_407] : memref<50x80xi32, #tpu.memory_space<vmem>> -> memref<1x80xi32, #tpu.memory_space<vmem>>
      %dma_wait3A_409 = tpu.memref_squeeze %dma_wait3A_408 : memref<1x80xi32, #tpu.memory_space<vmem>> -> memref<80xi32, #tpu.memory_space<vmem>>
      %dma_wait3A_410 = arith.constant 0 : i32
      %dma_wait3A_411 = arith.constant 0 : i32
      %dma_wait3A_412 = tpu.memref_slice %arg10[%dma_wait3A_410, %dma_wait3A_411] : memref<10240x128xf32, #tpu.memory_space<vmem_shared>> -> memref<10240x128xf32, #tpu.memory_space<vmem_shared>>
      tpu.wait_indirect_dma semaphore(%arg14 : memref<!tpu.dma_semaphore, #tpu.memory_space<semaphore_mem>>) src(%arg9 : memref<80x128xf32, #tpu.memory_space<vmem>>) dst(%dma_wait3A_412 : memref<10240x128xf32, #tpu.memory_space<vmem_shared>>)
    }
    %scan3A_123 = arith.constant 8 : i32
    %dma_wait3A_124 = arith.constant 0 : i32
    %dma_wait3A_125 = arith.constant 0 : i32
    %dma_wait3A_126 = tpu.memref_slice %arg5[%dma_wait3A_124, %dma_wait3A_125] : memref<50x80xi32, #tpu.memory_space<vmem>> -> memref<1x80xi32, #tpu.memory_space<vmem>>
    %dma_wait3A_127 = tpu.memref_squeeze %dma_wait3A_126 : memref<1x80xi32, #tpu.memory_space<vmem>> -> memref<80xi32, #tpu.memory_space<vmem>>
    %dma_wait3A_128 = arith.constant 0 : i32
    %dma_wait3A_129 = arith.constant 0 : i32
    %dma_wait3A_130 = tpu.memref_slice %arg2[%dma_wait3A_128, %dma_wait3A_129] : memref<10000x128xf32, #tpu.memory_space<hbm>> -> memref<10000x128xf32, #tpu.memory_space<hbm>>
    tpu.wait_indirect_dma semaphore(%arg11 : memref<!tpu.dma_semaphore, #tpu.memory_space<semaphore_mem>>) src(%dma_wait3A_130 : memref<10000x128xf32, #tpu.memory_space<hbm>>) dst(%arg7 : memref<80x128xf32, #tpu.memory_space<vmem>>)
    %dma_start3A_131 = arith.constant 49 : i32
    %dma_start3A_132 = arith.constant 0 : i32
    %dma_start3A_133 = tpu.memref_slice %arg5[%dma_start3A_131, %dma_start3A_132] : memref<50x80xi32, #tpu.memory_space<vmem>> -> memref<1x80xi32, #tpu.memory_space<vmem>>
    %dma_start3A_134 = tpu.memref_squeeze %dma_start3A_133 : memref<1x80xi32, #tpu.memory_space<vmem>> -> memref<80xi32, #tpu.memory_space<vmem>>
    %dma_start3A_135 = arith.constant 0 : i32
    %dma_start3A_136 = arith.constant 0 : i32
    %dma_start3A_137 = tpu.memref_slice %arg10[%dma_start3A_135, %dma_start3A_136] : memref<10240x128xf32, #tpu.memory_space<vmem_shared>> -> memref<10240x128xf32, #tpu.memory_space<vmem_shared>>
    tpu.enqueue_indirect_dma source(%arg7 : memref<80x128xf32, #tpu.memory_space<vmem>>) target(%dma_start3A_137 : memref<10240x128xf32, #tpu.memory_space<vmem_shared>>) offsets(%dma_start3A_134 : memref<80xi32, #tpu.memory_space<vmem>>) semaphore(%arg14 : memref<!tpu.dma_semaphore, #tpu.memory_space<semaphore_mem>>) {add = true}
    %dma_wait3A_138 = arith.constant 25 : i32
    %dma_wait3A_139 = arith.constant 0 : i32
    %dma_wait3A_140 = tpu.memref_slice %arg5[%dma_wait3A_138, %dma_wait3A_139] : memref<50x80xi32, #tpu.memory_space<vmem>> -> memref<1x80xi32, #tpu.memory_space<vmem>>
    %dma_wait3A_141 = tpu.memref_squeeze %dma_wait3A_140 : memref<1x80xi32, #tpu.memory_space<vmem>> -> memref<80xi32, #tpu.memory_space<vmem>>
    %dma_wait3A_142 = arith.constant 0 : i32
    %dma_wait3A_143 = arith.constant 0 : i32
    %dma_wait3A_144 = tpu.memref_slice %arg10[%dma_wait3A_142, %dma_wait3A_143] : memref<10240x128xf32, #tpu.memory_space<vmem_shared>> -> memref<10240x128xf32, #tpu.memory_space<vmem_shared>>
    tpu.wait_indirect_dma semaphore(%arg14 : memref<!tpu.dma_semaphore, #tpu.memory_space<semaphore_mem>>) src(%arg7 : memref<80x128xf32, #tpu.memory_space<vmem>>) dst(%dma_wait3A_144 : memref<10240x128xf32, #tpu.memory_space<vmem_shared>>)
    %run_scoped3A_145 = arith.constant 1 : i32
    "tpu.region"() ({
      %run_scoped3A_318 = tpu.sem_alloc : memref<!tpu.dma_semaphore, #tpu.memory_space<semaphore_mem>>
      %dma_start3A_319 = arith.constant 0 : i32
      %dma_start3A_320 = arith.constant 0 : i32
      %dma_start3A_321 = tpu.memref_slice %arg3[%add3A, %run_scoped3A_145, %dma_start3A_319, %dma_start3A_320] : memref<32x5x50x80xi32, #tpu.memory_space<hbm>> -> memref<1x1x50x80xi32, #tpu.memory_space<hbm>>
      %dma_start3A_322 = tpu.memref_squeeze %dma_start3A_321 : memref<1x1x50x80xi32, #tpu.memory_space<hbm>> -> memref<50x80xi32, #tpu.memory_space<hbm>>
      %dma_start3A_323 = arith.constant 0 : i32
      %dma_start3A_324 = arith.constant 0 : i32
      %dma_start3A_325 = tpu.memref_slice %arg3[%add3A, %run_scoped3A_145, %dma_start3A_323, %dma_start3A_324] : memref<32x5x50x80xi32, #tpu.memory_space<hbm>> -> memref<1x1x50x80xi32, #tpu.memory_space<hbm>>
      %dma_start3A_326 = tpu.memref_squeeze %dma_start3A_325 : memref<1x1x50x80xi32, #tpu.memory_space<hbm>> -> memref<50x80xi32, #tpu.memory_space<hbm>>
      tpu.enqueue_dma source(%dma_start3A_326 : memref<50x80xi32, #tpu.memory_space<hbm>>) target(%arg5 : memref<50x80xi32, #tpu.memory_space<vmem>>) target_semaphore(%run_scoped3A_318 : memref<!tpu.dma_semaphore, #tpu.memory_space<semaphore_mem>>)
      %dma_wait3A_327 = arith.constant 0 : i32
      %dma_wait3A_328 = arith.constant 0 : i32
      %dma_wait3A_329 = tpu.memref_slice %arg3[%add3A, %run_scoped3A_145, %dma_wait3A_327, %dma_wait3A_328] : memref<32x5x50x80xi32, #tpu.memory_space<hbm>> -> memref<1x1x50x80xi32, #tpu.memory_space<hbm>>
      %dma_wait3A_330 = tpu.memref_squeeze %dma_wait3A_329 : memref<1x1x50x80xi32, #tpu.memory_space<hbm>> -> memref<50x80xi32, #tpu.memory_space<hbm>>
      %dma_wait3A_331 = arith.constant 0 : i32
      %dma_wait3A_332 = arith.constant 0 : i32
      %dma_wait3A_333 = tpu.memref_slice %arg3[%add3A, %run_scoped3A_145, %dma_wait3A_331, %dma_wait3A_332] : memref<32x5x50x80xi32, #tpu.memory_space<hbm>> -> memref<1x1x50x80xi32, #tpu.memory_space<hbm>>
      %dma_wait3A_334 = tpu.memref_squeeze %dma_wait3A_333 : memref<1x1x50x80xi32, #tpu.memory_space<hbm>> -> memref<50x80xi32, #tpu.memory_space<hbm>>
      tpu.wait_dma2 semaphore(%run_scoped3A_318 : memref<!tpu.dma_semaphore, #tpu.memory_space<semaphore_mem>>) src(%dma_wait3A_334 : memref<50x80xi32, #tpu.memory_space<hbm>>) dst(%arg5 : memref<50x80xi32, #tpu.memory_space<vmem>>)
      tpu.yield
    }) : () -> ()
    %dma_start3A_146 = arith.constant 0 : i32
    %dma_start3A_147 = arith.constant 0 : i32
    %dma_start3A_148 = tpu.memref_slice %arg5[%dma_start3A_146, %dma_start3A_147] : memref<50x80xi32, #tpu.memory_space<vmem>> -> memref<1x80xi32, #tpu.memory_space<vmem>>
    %dma_start3A_149 = tpu.memref_squeeze %dma_start3A_148 : memref<1x80xi32, #tpu.memory_space<vmem>> -> memref<80xi32, #tpu.memory_space<vmem>>
    %dma_start3A_150 = arith.constant 0 : i32
    %dma_start3A_151 = arith.constant 0 : i32
    %dma_start3A_152 = tpu.memref_slice %arg2[%dma_start3A_150, %dma_start3A_151] : memref<10000x128xf32, #tpu.memory_space<hbm>> -> memref<10000x128xf32, #tpu.memory_space<hbm>>
    tpu.enqueue_indirect_dma source(%dma_start3A_152 : memref<10000x128xf32, #tpu.memory_space<hbm>>) target(%arg7 : memref<80x128xf32, #tpu.memory_space<vmem>>) offsets(%dma_start3A_149 : memref<80xi32, #tpu.memory_space<vmem>>) semaphore(%arg11 : memref<!tpu.dma_semaphore, #tpu.memory_space<semaphore_mem>>)
    %dma_start3A_153 = arith.constant 1 : i32
    %dma_start3A_154 = arith.constant 0 : i32
    %dma_start3A_155 = tpu.memref_slice %arg5[%dma_start3A_153, %dma_start3A_154] : memref<50x80xi32, #tpu.memory_space<vmem>> -> memref<1x80xi32, #tpu.memory_space<vmem>>
    %dma_start3A_156 = tpu.memref_squeeze %dma_start3A_155 : memref<1x80xi32, #tpu.memory_space<vmem>> -> memref<80xi32, #tpu.memory_space<vmem>>
    %dma_start3A_157 = arith.constant 0 : i32
    %dma_start3A_158 = arith.constant 0 : i32
    %dma_start3A_159 = tpu.memref_slice %arg2[%dma_start3A_157, %dma_start3A_158] : memref<10000x128xf32, #tpu.memory_space<hbm>> -> memref<10000x128xf32, #tpu.memory_space<hbm>>
    tpu.enqueue_indirect_dma source(%dma_start3A_159 : memref<10000x128xf32, #tpu.memory_space<hbm>>) target(%arg8 : memref<80x128xf32, #tpu.memory_space<vmem>>) offsets(%dma_start3A_156 : memref<80xi32, #tpu.memory_space<vmem>>) semaphore(%arg12 : memref<!tpu.dma_semaphore, #tpu.memory_space<semaphore_mem>>)
    %scan3A_160 = arith.constant 0 : i32
    %scan3A_161 = arith.constant 0 : i32
    %scan3A_162 = arith.constant 8 : i32
    %scan3A_163 = arith.addi %scan3A_161, %scan3A_162 : i32
    %scan3A_164 = arith.constant 1 : i32
    scf.for %scan3A_318 = %scan3A_161 to %scan3A_163 step %scan3A_164  : i32 {
      %mul3A_319 = arith.constant 3 : i32
      %mul3A_320 = arith.muli %mul3A_319, %scan3A_318 : i32
      %add3A_321 = arith.constant 2 : i32
      %add3A_322 = arith.addi %mul3A_320, %add3A_321 : i32
      %dma_start3A_323 = arith.constant 0 : i32
      %dma_start3A_324 = tpu.memref_slice %arg5[%add3A_322, %dma_start3A_323] : memref<50x80xi32, #tpu.memory_space<vmem>> -> memref<1x80xi32, #tpu.memory_space<vmem>>
      %dma_start3A_325 = tpu.memref_squeeze %dma_start3A_324 : memref<1x80xi32, #tpu.memory_space<vmem>> -> memref<80xi32, #tpu.memory_space<vmem>>
      %dma_start3A_326 = arith.constant 0 : i32
      %dma_start3A_327 = arith.constant 0 : i32
      %dma_start3A_328 = tpu.memref_slice %arg2[%dma_start3A_326, %dma_start3A_327] : memref<10000x128xf32, #tpu.memory_space<hbm>> -> memref<10000x128xf32, #tpu.memory_space<hbm>>
      tpu.enqueue_indirect_dma source(%dma_start3A_328 : memref<10000x128xf32, #tpu.memory_space<hbm>>) target(%arg9 : memref<80x128xf32, #tpu.memory_space<vmem>>) offsets(%dma_start3A_325 : memref<80xi32, #tpu.memory_space<vmem>>) semaphore(%arg13 : memref<!tpu.dma_semaphore, #tpu.memory_space<semaphore_mem>>)
      %dma_wait3A_329 = arith.constant 0 : i32
      %dma_wait3A_330 = arith.constant 0 : i32
      %dma_wait3A_331 = tpu.memref_slice %arg5[%dma_wait3A_329, %dma_wait3A_330] : memref<50x80xi32, #tpu.memory_space<vmem>> -> memref<1x80xi32, #tpu.memory_space<vmem>>
      %dma_wait3A_332 = tpu.memref_squeeze %dma_wait3A_331 : memref<1x80xi32, #tpu.memory_space<vmem>> -> memref<80xi32, #tpu.memory_space<vmem>>
      %dma_wait3A_333 = arith.constant 0 : i32
      %dma_wait3A_334 = arith.constant 0 : i32
      %dma_wait3A_335 = tpu.memref_slice %arg2[%dma_wait3A_333, %dma_wait3A_334] : memref<10000x128xf32, #tpu.memory_space<hbm>> -> memref<10000x128xf32, #tpu.memory_space<hbm>>
      tpu.wait_indirect_dma semaphore(%arg11 : memref<!tpu.dma_semaphore, #tpu.memory_space<semaphore_mem>>) src(%dma_wait3A_335 : memref<10000x128xf32, #tpu.memory_space<hbm>>) dst(%arg7 : memref<80x128xf32, #tpu.memory_space<vmem>>)
      %add3A_336 = arith.constant 25 : i32
      %add3A_337 = arith.addi %add3A_336, %mul3A_320 : i32
      %dma_start3A_338 = arith.constant 0 : i32
      %dma_start3A_339 = tpu.memref_slice %arg5[%add3A_337, %dma_start3A_338] : memref<50x80xi32, #tpu.memory_space<vmem>> -> memref<1x80xi32, #tpu.memory_space<vmem>>
      %dma_start3A_340 = tpu.memref_squeeze %dma_start3A_339 : memref<1x80xi32, #tpu.memory_space<vmem>> -> memref<80xi32, #tpu.memory_space<vmem>>
      %dma_start3A_341 = arith.constant 0 : i32
      %dma_start3A_342 = arith.constant 0 : i32
      %dma_start3A_343 = tpu.memref_slice %arg10[%dma_start3A_341, %dma_start3A_342] : memref<10240x128xf32, #tpu.memory_space<vmem_shared>> -> memref<10240x128xf32, #tpu.memory_space<vmem_shared>>
      tpu.enqueue_indirect_dma source(%arg7 : memref<80x128xf32, #tpu.memory_space<vmem>>) target(%dma_start3A_343 : memref<10240x128xf32, #tpu.memory_space<vmem_shared>>) offsets(%dma_start3A_340 : memref<80xi32, #tpu.memory_space<vmem>>) semaphore(%arg14 : memref<!tpu.dma_semaphore, #tpu.memory_space<semaphore_mem>>) {add = true}
      %dma_wait3A_344 = arith.constant 0 : i32
      %dma_wait3A_345 = arith.constant 0 : i32
      %dma_wait3A_346 = tpu.memref_slice %arg5[%dma_wait3A_344, %dma_wait3A_345] : memref<50x80xi32, #tpu.memory_space<vmem>> -> memref<1x80xi32, #tpu.memory_space<vmem>>
      %dma_wait3A_347 = tpu.memref_squeeze %dma_wait3A_346 : memref<1x80xi32, #tpu.memory_space<vmem>> -> memref<80xi32, #tpu.memory_space<vmem>>
      %dma_wait3A_348 = arith.constant 0 : i32
      %dma_wait3A_349 = arith.constant 0 : i32
      %dma_wait3A_350 = tpu.memref_slice %arg2[%dma_wait3A_348, %dma_wait3A_349] : memref<10000x128xf32, #tpu.memory_space<hbm>> -> memref<10000x128xf32, #tpu.memory_space<hbm>>
      tpu.wait_indirect_dma semaphore(%arg12 : memref<!tpu.dma_semaphore, #tpu.memory_space<semaphore_mem>>) src(%dma_wait3A_350 : memref<10000x128xf32, #tpu.memory_space<hbm>>) dst(%arg8 : memref<80x128xf32, #tpu.memory_space<vmem>>)
      %dma_wait3A_351 = arith.constant 25 : i32
      %dma_wait3A_352 = arith.constant 0 : i32
      %dma_wait3A_353 = tpu.memref_slice %arg5[%dma_wait3A_351, %dma_wait3A_352] : memref<50x80xi32, #tpu.memory_space<vmem>> -> memref<1x80xi32, #tpu.memory_space<vmem>>
      %dma_wait3A_354 = tpu.memref_squeeze %dma_wait3A_353 : memref<1x80xi32, #tpu.memory_space<vmem>> -> memref<80xi32, #tpu.memory_space<vmem>>
      %dma_wait3A_355 = arith.constant 0 : i32
      %dma_wait3A_356 = arith.constant 0 : i32
      %dma_wait3A_357 = tpu.memref_slice %arg10[%dma_wait3A_355, %dma_wait3A_356] : memref<10240x128xf32, #tpu.memory_space<vmem_shared>> -> memref<10240x128xf32, #tpu.memory_space<vmem_shared>>
      tpu.wait_indirect_dma semaphore(%arg14 : memref<!tpu.dma_semaphore, #tpu.memory_space<semaphore_mem>>) src(%arg7 : memref<80x128xf32, #tpu.memory_space<vmem>>) dst(%dma_wait3A_357 : memref<10240x128xf32, #tpu.memory_space<vmem_shared>>)
      %add3A_358 = arith.constant 3 : i32
      %add3A_359 = arith.addi %mul3A_320, %add3A_358 : i32
      %dma_start3A_360 = arith.constant 0 : i32
      %dma_start3A_361 = tpu.memref_slice %arg5[%add3A_359, %dma_start3A_360] : memref<50x80xi32, #tpu.memory_space<vmem>> -> memref<1x80xi32, #tpu.memory_space<vmem>>
      %dma_start3A_362 = tpu.memref_squeeze %dma_start3A_361 : memref<1x80xi32, #tpu.memory_space<vmem>> -> memref<80xi32, #tpu.memory_space<vmem>>
      %dma_start3A_363 = arith.constant 0 : i32
      %dma_start3A_364 = arith.constant 0 : i32
      %dma_start3A_365 = tpu.memref_slice %arg2[%dma_start3A_363, %dma_start3A_364] : memref<10000x128xf32, #tpu.memory_space<hbm>> -> memref<10000x128xf32, #tpu.memory_space<hbm>>
      tpu.enqueue_indirect_dma source(%dma_start3A_365 : memref<10000x128xf32, #tpu.memory_space<hbm>>) target(%arg7 : memref<80x128xf32, #tpu.memory_space<vmem>>) offsets(%dma_start3A_362 : memref<80xi32, #tpu.memory_space<vmem>>) semaphore(%arg11 : memref<!tpu.dma_semaphore, #tpu.memory_space<semaphore_mem>>)
      %add3A_366 = arith.constant 1 : i32
      %add3A_367 = arith.addi %mul3A_320, %add3A_366 : i32
      %add3A_368 = arith.constant 25 : i32
      %add3A_369 = arith.addi %add3A_368, %add3A_367 : i32
      %dma_start3A_370 = arith.constant 0 : i32
      %dma_start3A_371 = tpu.memref_slice %arg5[%add3A_369, %dma_start3A_370] : memref<50x80xi32, #tpu.memory_space<vmem>> -> memref<1x80xi32, #tpu.memory_space<vmem>>
      %dma_start3A_372 = tpu.memref_squeeze %dma_start3A_371 : memref<1x80xi32, #tpu.memory_space<vmem>> -> memref<80xi32, #tpu.memory_space<vmem>>
      %dma_start3A_373 = arith.constant 0 : i32
      %dma_start3A_374 = arith.constant 0 : i32
      %dma_start3A_375 = tpu.memref_slice %arg10[%dma_start3A_373, %dma_start3A_374] : memref<10240x128xf32, #tpu.memory_space<vmem_shared>> -> memref<10240x128xf32, #tpu.memory_space<vmem_shared>>
      tpu.enqueue_indirect_dma source(%arg8 : memref<80x128xf32, #tpu.memory_space<vmem>>) target(%dma_start3A_375 : memref<10240x128xf32, #tpu.memory_space<vmem_shared>>) offsets(%dma_start3A_372 : memref<80xi32, #tpu.memory_space<vmem>>) semaphore(%arg14 : memref<!tpu.dma_semaphore, #tpu.memory_space<semaphore_mem>>) {add = true}
      %add3A_376 = arith.constant 1 : i32
      %add3A_377 = arith.addi %mul3A_320, %add3A_376 : i32
      %dma_wait3A_378 = arith.constant 0 : i32
      %dma_wait3A_379 = arith.constant 0 : i32
      %dma_wait3A_380 = tpu.memref_slice %arg5[%dma_wait3A_378, %dma_wait3A_379] : memref<50x80xi32, #tpu.memory_space<vmem>> -> memref<1x80xi32, #tpu.memory_space<vmem>>
      %dma_wait3A_381 = tpu.memref_squeeze %dma_wait3A_380 : memref<1x80xi32, #tpu.memory_space<vmem>> -> memref<80xi32, #tpu.memory_space<vmem>>
      %dma_wait3A_382 = arith.constant 0 : i32
      %dma_wait3A_383 = arith.constant 0 : i32
      %dma_wait3A_384 = tpu.memref_slice %arg2[%dma_wait3A_382, %dma_wait3A_383] : memref<10000x128xf32, #tpu.memory_space<hbm>> -> memref<10000x128xf32, #tpu.memory_space<hbm>>
      tpu.wait_indirect_dma semaphore(%arg13 : memref<!tpu.dma_semaphore, #tpu.memory_space<semaphore_mem>>) src(%dma_wait3A_384 : memref<10000x128xf32, #tpu.memory_space<hbm>>) dst(%arg9 : memref<80x128xf32, #tpu.memory_space<vmem>>)
      %dma_wait3A_385 = arith.constant 25 : i32
      %dma_wait3A_386 = arith.constant 0 : i32
      %dma_wait3A_387 = tpu.memref_slice %arg5[%dma_wait3A_385, %dma_wait3A_386] : memref<50x80xi32, #tpu.memory_space<vmem>> -> memref<1x80xi32, #tpu.memory_space<vmem>>
      %dma_wait3A_388 = tpu.memref_squeeze %dma_wait3A_387 : memref<1x80xi32, #tpu.memory_space<vmem>> -> memref<80xi32, #tpu.memory_space<vmem>>
      %dma_wait3A_389 = arith.constant 0 : i32
      %dma_wait3A_390 = arith.constant 0 : i32
      %dma_wait3A_391 = tpu.memref_slice %arg10[%dma_wait3A_389, %dma_wait3A_390] : memref<10240x128xf32, #tpu.memory_space<vmem_shared>> -> memref<10240x128xf32, #tpu.memory_space<vmem_shared>>
      tpu.wait_indirect_dma semaphore(%arg14 : memref<!tpu.dma_semaphore, #tpu.memory_space<semaphore_mem>>) src(%arg8 : memref<80x128xf32, #tpu.memory_space<vmem>>) dst(%dma_wait3A_391 : memref<10240x128xf32, #tpu.memory_space<vmem_shared>>)
      %lt3A = arith.constant 7 : i32
      %lt3A_392 = arith.cmpi slt, %scan3A_318, %lt3A : i32
      %convert_element_type3A = arith.extui %lt3A_392 : i1 to i32
      %cond3A = arith.constant 0 : i32
      %cond3A_393 = arith.cmpi ne, %convert_element_type3A, %cond3A : i32
      scf.if %cond3A_393 {
        %add3A_413 = arith.constant 4 : i32
        %add3A_414 = arith.addi %mul3A_320, %add3A_413 : i32
        %dma_start3A_415 = arith.constant 0 : i32
        %dma_start3A_416 = tpu.memref_slice %arg5[%add3A_414, %dma_start3A_415] : memref<50x80xi32, #tpu.memory_space<vmem>> -> memref<1x80xi32, #tpu.memory_space<vmem>>
        %dma_start3A_417 = tpu.memref_squeeze %dma_start3A_416 : memref<1x80xi32, #tpu.memory_space<vmem>> -> memref<80xi32, #tpu.memory_space<vmem>>
        %dma_start3A_418 = arith.constant 0 : i32
        %dma_start3A_419 = arith.constant 0 : i32
        %dma_start3A_420 = tpu.memref_slice %arg2[%dma_start3A_418, %dma_start3A_419] : memref<10000x128xf32, #tpu.memory_space<hbm>> -> memref<10000x128xf32, #tpu.memory_space<hbm>>
        tpu.enqueue_indirect_dma source(%dma_start3A_420 : memref<10000x128xf32, #tpu.memory_space<hbm>>) target(%arg8 : memref<80x128xf32, #tpu.memory_space<vmem>>) offsets(%dma_start3A_417 : memref<80xi32, #tpu.memory_space<vmem>>) semaphore(%arg12 : memref<!tpu.dma_semaphore, #tpu.memory_space<semaphore_mem>>)
      } else {
      }
      %add3A_394 = arith.constant 2 : i32
      %add3A_395 = arith.addi %mul3A_320, %add3A_394 : i32
      %add3A_396 = arith.constant 25 : i32
      %add3A_397 = arith.addi %add3A_396, %add3A_395 : i32
      %dma_start3A_398 = arith.constant 0 : i32
      %dma_start3A_399 = tpu.memref_slice %arg5[%add3A_397, %dma_start3A_398] : memref<50x80xi32, #tpu.memory_space<vmem>> -> memref<1x80xi32, #tpu.memory_space<vmem>>
      %dma_start3A_400 = tpu.memref_squeeze %dma_start3A_399 : memref<1x80xi32, #tpu.memory_space<vmem>> -> memref<80xi32, #tpu.memory_space<vmem>>
      %dma_start3A_401 = arith.constant 0 : i32
      %dma_start3A_402 = arith.constant 0 : i32
      %dma_start3A_403 = tpu.memref_slice %arg10[%dma_start3A_401, %dma_start3A_402] : memref<10240x128xf32, #tpu.memory_space<vmem_shared>> -> memref<10240x128xf32, #tpu.memory_space<vmem_shared>>
      tpu.enqueue_indirect_dma source(%arg9 : memref<80x128xf32, #tpu.memory_space<vmem>>) target(%dma_start3A_403 : memref<10240x128xf32, #tpu.memory_space<vmem_shared>>) offsets(%dma_start3A_400 : memref<80xi32, #tpu.memory_space<vmem>>) semaphore(%arg14 : memref<!tpu.dma_semaphore, #tpu.memory_space<semaphore_mem>>) {add = true}
      %add3A_404 = arith.constant 2 : i32
      %add3A_405 = arith.addi %mul3A_320, %add3A_404 : i32
      %dma_wait3A_406 = arith.constant 25 : i32
      %dma_wait3A_407 = arith.constant 0 : i32
      %dma_wait3A_408 = tpu.memref_slice %arg5[%dma_wait3A_406, %dma_wait3A_407] : memref<50x80xi32, #tpu.memory_space<vmem>> -> memref<1x80xi32, #tpu.memory_space<vmem>>
      %dma_wait3A_409 = tpu.memref_squeeze %dma_wait3A_408 : memref<1x80xi32, #tpu.memory_space<vmem>> -> memref<80xi32, #tpu.memory_space<vmem>>
      %dma_wait3A_410 = arith.constant 0 : i32
      %dma_wait3A_411 = arith.constant 0 : i32
      %dma_wait3A_412 = tpu.memref_slice %arg10[%dma_wait3A_410, %dma_wait3A_411] : memref<10240x128xf32, #tpu.memory_space<vmem_shared>> -> memref<10240x128xf32, #tpu.memory_space<vmem_shared>>
      tpu.wait_indirect_dma semaphore(%arg14 : memref<!tpu.dma_semaphore, #tpu.memory_space<semaphore_mem>>) src(%arg9 : memref<80x128xf32, #tpu.memory_space<vmem>>) dst(%dma_wait3A_412 : memref<10240x128xf32, #tpu.memory_space<vmem_shared>>)
    }
    %scan3A_165 = arith.constant 8 : i32
    %dma_wait3A_166 = arith.constant 0 : i32
    %dma_wait3A_167 = arith.constant 0 : i32
    %dma_wait3A_168 = tpu.memref_slice %arg5[%dma_wait3A_166, %dma_wait3A_167] : memref<50x80xi32, #tpu.memory_space<vmem>> -> memref<1x80xi32, #tpu.memory_space<vmem>>
    %dma_wait3A_169 = tpu.memref_squeeze %dma_wait3A_168 : memref<1x80xi32, #tpu.memory_space<vmem>> -> memref<80xi32, #tpu.memory_space<vmem>>
    %dma_wait3A_170 = arith.constant 0 : i32
    %dma_wait3A_171 = arith.constant 0 : i32
    %dma_wait3A_172 = tpu.memref_slice %arg2[%dma_wait3A_170, %dma_wait3A_171] : memref<10000x128xf32, #tpu.memory_space<hbm>> -> memref<10000x128xf32, #tpu.memory_space<hbm>>
    tpu.wait_indirect_dma semaphore(%arg11 : memref<!tpu.dma_semaphore, #tpu.memory_space<semaphore_mem>>) src(%dma_wait3A_172 : memref<10000x128xf32, #tpu.memory_space<hbm>>) dst(%arg7 : memref<80x128xf32, #tpu.memory_space<vmem>>)
    %dma_start3A_173 = arith.constant 49 : i32
    %dma_start3A_174 = arith.constant 0 : i32
    %dma_start3A_175 = tpu.memref_slice %arg5[%dma_start3A_173, %dma_start3A_174] : memref<50x80xi32, #tpu.memory_space<vmem>> -> memref<1x80xi32, #tpu.memory_space<vmem>>
    %dma_start3A_176 = tpu.memref_squeeze %dma_start3A_175 : memref<1x80xi32, #tpu.memory_space<vmem>> -> memref<80xi32, #tpu.memory_space<vmem>>
    %dma_start3A_177 = arith.constant 0 : i32
    %dma_start3A_178 = arith.constant 0 : i32
    %dma_start3A_179 = tpu.memref_slice %arg10[%dma_start3A_177, %dma_start3A_178] : memref<10240x128xf32, #tpu.memory_space<vmem_shared>> -> memref<10240x128xf32, #tpu.memory_space<vmem_shared>>
    tpu.enqueue_indirect_dma source(%arg7 : memref<80x128xf32, #tpu.memory_space<vmem>>) target(%dma_start3A_179 : memref<10240x128xf32, #tpu.memory_space<vmem_shared>>) offsets(%dma_start3A_176 : memref<80xi32, #tpu.memory_space<vmem>>) semaphore(%arg14 : memref<!tpu.dma_semaphore, #tpu.memory_space<semaphore_mem>>) {add = true}
    %dma_wait3A_180 = arith.constant 25 : i32
    %dma_wait3A_181 = arith.constant 0 : i32
    %dma_wait3A_182 = tpu.memref_slice %arg5[%dma_wait3A_180, %dma_wait3A_181] : memref<50x80xi32, #tpu.memory_space<vmem>> -> memref<1x80xi32, #tpu.memory_space<vmem>>
    %dma_wait3A_183 = tpu.memref_squeeze %dma_wait3A_182 : memref<1x80xi32, #tpu.memory_space<vmem>> -> memref<80xi32, #tpu.memory_space<vmem>>
    %dma_wait3A_184 = arith.constant 0 : i32
    %dma_wait3A_185 = arith.constant 0 : i32
    %dma_wait3A_186 = tpu.memref_slice %arg10[%dma_wait3A_184, %dma_wait3A_185] : memref<10240x128xf32, #tpu.memory_space<vmem_shared>> -> memref<10240x128xf32, #tpu.memory_space<vmem_shared>>
    tpu.wait_indirect_dma semaphore(%arg14 : memref<!tpu.dma_semaphore, #tpu.memory_space<semaphore_mem>>) src(%arg7 : memref<80x128xf32, #tpu.memory_space<vmem>>) dst(%dma_wait3A_186 : memref<10240x128xf32, #tpu.memory_space<vmem_shared>>)
    %run_scoped3A_187 = arith.constant 2 : i32
    "tpu.region"() ({
      %run_scoped3A_318 = tpu.sem_alloc : memref<!tpu.dma_semaphore, #tpu.memory_space<semaphore_mem>>
      %dma_start3A_319 = arith.constant 0 : i32
      %dma_start3A_320 = arith.constant 0 : i32
      %dma_start3A_321 = tpu.memref_slice %arg3[%add3A, %run_scoped3A_187, %dma_start3A_319, %dma_start3A_320] : memref<32x5x50x80xi32, #tpu.memory_space<hbm>> -> memref<1x1x50x80xi32, #tpu.memory_space<hbm>>
      %dma_start3A_322 = tpu.memref_squeeze %dma_start3A_321 : memref<1x1x50x80xi32, #tpu.memory_space<hbm>> -> memref<50x80xi32, #tpu.memory_space<hbm>>
      %dma_start3A_323 = arith.constant 0 : i32
      %dma_start3A_324 = arith.constant 0 : i32
      %dma_start3A_325 = tpu.memref_slice %arg3[%add3A, %run_scoped3A_187, %dma_start3A_323, %dma_start3A_324] : memref<32x5x50x80xi32, #tpu.memory_space<hbm>> -> memref<1x1x50x80xi32, #tpu.memory_space<hbm>>
      %dma_start3A_326 = tpu.memref_squeeze %dma_start3A_325 : memref<1x1x50x80xi32, #tpu.memory_space<hbm>> -> memref<50x80xi32, #tpu.memory_space<hbm>>
      tpu.enqueue_dma source(%dma_start3A_326 : memref<50x80xi32, #tpu.memory_space<hbm>>) target(%arg5 : memref<50x80xi32, #tpu.memory_space<vmem>>) target_semaphore(%run_scoped3A_318 : memref<!tpu.dma_semaphore, #tpu.memory_space<semaphore_mem>>)
      %dma_wait3A_327 = arith.constant 0 : i32
      %dma_wait3A_328 = arith.constant 0 : i32
      %dma_wait3A_329 = tpu.memref_slice %arg3[%add3A, %run_scoped3A_187, %dma_wait3A_327, %dma_wait3A_328] : memref<32x5x50x80xi32, #tpu.memory_space<hbm>> -> memref<1x1x50x80xi32, #tpu.memory_space<hbm>>
      %dma_wait3A_330 = tpu.memref_squeeze %dma_wait3A_329 : memref<1x1x50x80xi32, #tpu.memory_space<hbm>> -> memref<50x80xi32, #tpu.memory_space<hbm>>
      %dma_wait3A_331 = arith.constant 0 : i32
      %dma_wait3A_332 = arith.constant 0 : i32
      %dma_wait3A_333 = tpu.memref_slice %arg3[%add3A, %run_scoped3A_187, %dma_wait3A_331, %dma_wait3A_332] : memref<32x5x50x80xi32, #tpu.memory_space<hbm>> -> memref<1x1x50x80xi32, #tpu.memory_space<hbm>>
      %dma_wait3A_334 = tpu.memref_squeeze %dma_wait3A_333 : memref<1x1x50x80xi32, #tpu.memory_space<hbm>> -> memref<50x80xi32, #tpu.memory_space<hbm>>
      tpu.wait_dma2 semaphore(%run_scoped3A_318 : memref<!tpu.dma_semaphore, #tpu.memory_space<semaphore_mem>>) src(%dma_wait3A_334 : memref<50x80xi32, #tpu.memory_space<hbm>>) dst(%arg5 : memref<50x80xi32, #tpu.memory_space<vmem>>)
      tpu.yield
    }) : () -> ()
    %dma_start3A_188 = arith.constant 0 : i32
    %dma_start3A_189 = arith.constant 0 : i32
    %dma_start3A_190 = tpu.memref_slice %arg5[%dma_start3A_188, %dma_start3A_189] : memref<50x80xi32, #tpu.memory_space<vmem>> -> memref<1x80xi32, #tpu.memory_space<vmem>>
    %dma_start3A_191 = tpu.memref_squeeze %dma_start3A_190 : memref<1x80xi32, #tpu.memory_space<vmem>> -> memref<80xi32, #tpu.memory_space<vmem>>
    %dma_start3A_192 = arith.constant 0 : i32
    %dma_start3A_193 = arith.constant 0 : i32
    %dma_start3A_194 = tpu.memref_slice %arg2[%dma_start3A_192, %dma_start3A_193] : memref<10000x128xf32, #tpu.memory_space<hbm>> -> memref<10000x128xf32, #tpu.memory_space<hbm>>
    tpu.enqueue_indirect_dma source(%dma_start3A_194 : memref<10000x128xf32, #tpu.memory_space<hbm>>) target(%arg7 : memref<80x128xf32, #tpu.memory_space<vmem>>) offsets(%dma_start3A_191 : memref<80xi32, #tpu.memory_space<vmem>>) semaphore(%arg11 : memref<!tpu.dma_semaphore, #tpu.memory_space<semaphore_mem>>)
    %dma_start3A_195 = arith.constant 1 : i32
    %dma_start3A_196 = arith.constant 0 : i32
    %dma_start3A_197 = tpu.memref_slice %arg5[%dma_start3A_195, %dma_start3A_196] : memref<50x80xi32, #tpu.memory_space<vmem>> -> memref<1x80xi32, #tpu.memory_space<vmem>>
    %dma_start3A_198 = tpu.memref_squeeze %dma_start3A_197 : memref<1x80xi32, #tpu.memory_space<vmem>> -> memref<80xi32, #tpu.memory_space<vmem>>
    %dma_start3A_199 = arith.constant 0 : i32
    %dma_start3A_200 = arith.constant 0 : i32
    %dma_start3A_201 = tpu.memref_slice %arg2[%dma_start3A_199, %dma_start3A_200] : memref<10000x128xf32, #tpu.memory_space<hbm>> -> memref<10000x128xf32, #tpu.memory_space<hbm>>
    tpu.enqueue_indirect_dma source(%dma_start3A_201 : memref<10000x128xf32, #tpu.memory_space<hbm>>) target(%arg8 : memref<80x128xf32, #tpu.memory_space<vmem>>) offsets(%dma_start3A_198 : memref<80xi32, #tpu.memory_space<vmem>>) semaphore(%arg12 : memref<!tpu.dma_semaphore, #tpu.memory_space<semaphore_mem>>)
    %scan3A_202 = arith.constant 0 : i32
    %scan3A_203 = arith.constant 0 : i32
    %scan3A_204 = arith.constant 8 : i32
    %scan3A_205 = arith.addi %scan3A_203, %scan3A_204 : i32
    %scan3A_206 = arith.constant 1 : i32
    scf.for %scan3A_318 = %scan3A_203 to %scan3A_205 step %scan3A_206  : i32 {
      %mul3A_319 = arith.constant 3 : i32
      %mul3A_320 = arith.muli %mul3A_319, %scan3A_318 : i32
      %add3A_321 = arith.constant 2 : i32
      %add3A_322 = arith.addi %mul3A_320, %add3A_321 : i32
      %dma_start3A_323 = arith.constant 0 : i32
      %dma_start3A_324 = tpu.memref_slice %arg5[%add3A_322, %dma_start3A_323] : memref<50x80xi32, #tpu.memory_space<vmem>> -> memref<1x80xi32, #tpu.memory_space<vmem>>
      %dma_start3A_325 = tpu.memref_squeeze %dma_start3A_324 : memref<1x80xi32, #tpu.memory_space<vmem>> -> memref<80xi32, #tpu.memory_space<vmem>>
      %dma_start3A_326 = arith.constant 0 : i32
      %dma_start3A_327 = arith.constant 0 : i32
      %dma_start3A_328 = tpu.memref_slice %arg2[%dma_start3A_326, %dma_start3A_327] : memref<10000x128xf32, #tpu.memory_space<hbm>> -> memref<10000x128xf32, #tpu.memory_space<hbm>>
      tpu.enqueue_indirect_dma source(%dma_start3A_328 : memref<10000x128xf32, #tpu.memory_space<hbm>>) target(%arg9 : memref<80x128xf32, #tpu.memory_space<vmem>>) offsets(%dma_start3A_325 : memref<80xi32, #tpu.memory_space<vmem>>) semaphore(%arg13 : memref<!tpu.dma_semaphore, #tpu.memory_space<semaphore_mem>>)
      %dma_wait3A_329 = arith.constant 0 : i32
      %dma_wait3A_330 = arith.constant 0 : i32
      %dma_wait3A_331 = tpu.memref_slice %arg5[%dma_wait3A_329, %dma_wait3A_330] : memref<50x80xi32, #tpu.memory_space<vmem>> -> memref<1x80xi32, #tpu.memory_space<vmem>>
      %dma_wait3A_332 = tpu.memref_squeeze %dma_wait3A_331 : memref<1x80xi32, #tpu.memory_space<vmem>> -> memref<80xi32, #tpu.memory_space<vmem>>
      %dma_wait3A_333 = arith.constant 0 : i32
      %dma_wait3A_334 = arith.constant 0 : i32
      %dma_wait3A_335 = tpu.memref_slice %arg2[%dma_wait3A_333, %dma_wait3A_334] : memref<10000x128xf32, #tpu.memory_space<hbm>> -> memref<10000x128xf32, #tpu.memory_space<hbm>>
      tpu.wait_indirect_dma semaphore(%arg11 : memref<!tpu.dma_semaphore, #tpu.memory_space<semaphore_mem>>) src(%dma_wait3A_335 : memref<10000x128xf32, #tpu.memory_space<hbm>>) dst(%arg7 : memref<80x128xf32, #tpu.memory_space<vmem>>)
      %add3A_336 = arith.constant 25 : i32
      %add3A_337 = arith.addi %add3A_336, %mul3A_320 : i32
      %dma_start3A_338 = arith.constant 0 : i32
      %dma_start3A_339 = tpu.memref_slice %arg5[%add3A_337, %dma_start3A_338] : memref<50x80xi32, #tpu.memory_space<vmem>> -> memref<1x80xi32, #tpu.memory_space<vmem>>
      %dma_start3A_340 = tpu.memref_squeeze %dma_start3A_339 : memref<1x80xi32, #tpu.memory_space<vmem>> -> memref<80xi32, #tpu.memory_space<vmem>>
      %dma_start3A_341 = arith.constant 0 : i32
      %dma_start3A_342 = arith.constant 0 : i32
      %dma_start3A_343 = tpu.memref_slice %arg10[%dma_start3A_341, %dma_start3A_342] : memref<10240x128xf32, #tpu.memory_space<vmem_shared>> -> memref<10240x128xf32, #tpu.memory_space<vmem_shared>>
      tpu.enqueue_indirect_dma source(%arg7 : memref<80x128xf32, #tpu.memory_space<vmem>>) target(%dma_start3A_343 : memref<10240x128xf32, #tpu.memory_space<vmem_shared>>) offsets(%dma_start3A_340 : memref<80xi32, #tpu.memory_space<vmem>>) semaphore(%arg14 : memref<!tpu.dma_semaphore, #tpu.memory_space<semaphore_mem>>) {add = true}
      %dma_wait3A_344 = arith.constant 0 : i32
      %dma_wait3A_345 = arith.constant 0 : i32
      %dma_wait3A_346 = tpu.memref_slice %arg5[%dma_wait3A_344, %dma_wait3A_345] : memref<50x80xi32, #tpu.memory_space<vmem>> -> memref<1x80xi32, #tpu.memory_space<vmem>>
      %dma_wait3A_347 = tpu.memref_squeeze %dma_wait3A_346 : memref<1x80xi32, #tpu.memory_space<vmem>> -> memref<80xi32, #tpu.memory_space<vmem>>
      %dma_wait3A_348 = arith.constant 0 : i32
      %dma_wait3A_349 = arith.constant 0 : i32
      %dma_wait3A_350 = tpu.memref_slice %arg2[%dma_wait3A_348, %dma_wait3A_349] : memref<10000x128xf32, #tpu.memory_space<hbm>> -> memref<10000x128xf32, #tpu.memory_space<hbm>>
      tpu.wait_indirect_dma semaphore(%arg12 : memref<!tpu.dma_semaphore, #tpu.memory_space<semaphore_mem>>) src(%dma_wait3A_350 : memref<10000x128xf32, #tpu.memory_space<hbm>>) dst(%arg8 : memref<80x128xf32, #tpu.memory_space<vmem>>)
      %dma_wait3A_351 = arith.constant 25 : i32
      %dma_wait3A_352 = arith.constant 0 : i32
      %dma_wait3A_353 = tpu.memref_slice %arg5[%dma_wait3A_351, %dma_wait3A_352] : memref<50x80xi32, #tpu.memory_space<vmem>> -> memref<1x80xi32, #tpu.memory_space<vmem>>
      %dma_wait3A_354 = tpu.memref_squeeze %dma_wait3A_353 : memref<1x80xi32, #tpu.memory_space<vmem>> -> memref<80xi32, #tpu.memory_space<vmem>>
      %dma_wait3A_355 = arith.constant 0 : i32
      %dma_wait3A_356 = arith.constant 0 : i32
      %dma_wait3A_357 = tpu.memref_slice %arg10[%dma_wait3A_355, %dma_wait3A_356] : memref<10240x128xf32, #tpu.memory_space<vmem_shared>> -> memref<10240x128xf32, #tpu.memory_space<vmem_shared>>
      tpu.wait_indirect_dma semaphore(%arg14 : memref<!tpu.dma_semaphore, #tpu.memory_space<semaphore_mem>>) src(%arg7 : memref<80x128xf32, #tpu.memory_space<vmem>>) dst(%dma_wait3A_357 : memref<10240x128xf32, #tpu.memory_space<vmem_shared>>)
      %add3A_358 = arith.constant 3 : i32
      %add3A_359 = arith.addi %mul3A_320, %add3A_358 : i32
      %dma_start3A_360 = arith.constant 0 : i32
      %dma_start3A_361 = tpu.memref_slice %arg5[%add3A_359, %dma_start3A_360] : memref<50x80xi32, #tpu.memory_space<vmem>> -> memref<1x80xi32, #tpu.memory_space<vmem>>
      %dma_start3A_362 = tpu.memref_squeeze %dma_start3A_361 : memref<1x80xi32, #tpu.memory_space<vmem>> -> memref<80xi32, #tpu.memory_space<vmem>>
      %dma_start3A_363 = arith.constant 0 : i32
      %dma_start3A_364 = arith.constant 0 : i32
      %dma_start3A_365 = tpu.memref_slice %arg2[%dma_start3A_363, %dma_start3A_364] : memref<10000x128xf32, #tpu.memory_space<hbm>> -> memref<10000x128xf32, #tpu.memory_space<hbm>>
      tpu.enqueue_indirect_dma source(%dma_start3A_365 : memref<10000x128xf32, #tpu.memory_space<hbm>>) target(%arg7 : memref<80x128xf32, #tpu.memory_space<vmem>>) offsets(%dma_start3A_362 : memref<80xi32, #tpu.memory_space<vmem>>) semaphore(%arg11 : memref<!tpu.dma_semaphore, #tpu.memory_space<semaphore_mem>>)
      %add3A_366 = arith.constant 1 : i32
      %add3A_367 = arith.addi %mul3A_320, %add3A_366 : i32
      %add3A_368 = arith.constant 25 : i32
      %add3A_369 = arith.addi %add3A_368, %add3A_367 : i32
      %dma_start3A_370 = arith.constant 0 : i32
      %dma_start3A_371 = tpu.memref_slice %arg5[%add3A_369, %dma_start3A_370] : memref<50x80xi32, #tpu.memory_space<vmem>> -> memref<1x80xi32, #tpu.memory_space<vmem>>
      %dma_start3A_372 = tpu.memref_squeeze %dma_start3A_371 : memref<1x80xi32, #tpu.memory_space<vmem>> -> memref<80xi32, #tpu.memory_space<vmem>>
      %dma_start3A_373 = arith.constant 0 : i32
      %dma_start3A_374 = arith.constant 0 : i32
      %dma_start3A_375 = tpu.memref_slice %arg10[%dma_start3A_373, %dma_start3A_374] : memref<10240x128xf32, #tpu.memory_space<vmem_shared>> -> memref<10240x128xf32, #tpu.memory_space<vmem_shared>>
      tpu.enqueue_indirect_dma source(%arg8 : memref<80x128xf32, #tpu.memory_space<vmem>>) target(%dma_start3A_375 : memref<10240x128xf32, #tpu.memory_space<vmem_shared>>) offsets(%dma_start3A_372 : memref<80xi32, #tpu.memory_space<vmem>>) semaphore(%arg14 : memref<!tpu.dma_semaphore, #tpu.memory_space<semaphore_mem>>) {add = true}
      %add3A_376 = arith.constant 1 : i32
      %add3A_377 = arith.addi %mul3A_320, %add3A_376 : i32
      %dma_wait3A_378 = arith.constant 0 : i32
      %dma_wait3A_379 = arith.constant 0 : i32
      %dma_wait3A_380 = tpu.memref_slice %arg5[%dma_wait3A_378, %dma_wait3A_379] : memref<50x80xi32, #tpu.memory_space<vmem>> -> memref<1x80xi32, #tpu.memory_space<vmem>>
      %dma_wait3A_381 = tpu.memref_squeeze %dma_wait3A_380 : memref<1x80xi32, #tpu.memory_space<vmem>> -> memref<80xi32, #tpu.memory_space<vmem>>
      %dma_wait3A_382 = arith.constant 0 : i32
      %dma_wait3A_383 = arith.constant 0 : i32
      %dma_wait3A_384 = tpu.memref_slice %arg2[%dma_wait3A_382, %dma_wait3A_383] : memref<10000x128xf32, #tpu.memory_space<hbm>> -> memref<10000x128xf32, #tpu.memory_space<hbm>>
      tpu.wait_indirect_dma semaphore(%arg13 : memref<!tpu.dma_semaphore, #tpu.memory_space<semaphore_mem>>) src(%dma_wait3A_384 : memref<10000x128xf32, #tpu.memory_space<hbm>>) dst(%arg9 : memref<80x128xf32, #tpu.memory_space<vmem>>)
      %dma_wait3A_385 = arith.constant 25 : i32
      %dma_wait3A_386 = arith.constant 0 : i32
      %dma_wait3A_387 = tpu.memref_slice %arg5[%dma_wait3A_385, %dma_wait3A_386] : memref<50x80xi32, #tpu.memory_space<vmem>> -> memref<1x80xi32, #tpu.memory_space<vmem>>
      %dma_wait3A_388 = tpu.memref_squeeze %dma_wait3A_387 : memref<1x80xi32, #tpu.memory_space<vmem>> -> memref<80xi32, #tpu.memory_space<vmem>>
      %dma_wait3A_389 = arith.constant 0 : i32
      %dma_wait3A_390 = arith.constant 0 : i32
      %dma_wait3A_391 = tpu.memref_slice %arg10[%dma_wait3A_389, %dma_wait3A_390] : memref<10240x128xf32, #tpu.memory_space<vmem_shared>> -> memref<10240x128xf32, #tpu.memory_space<vmem_shared>>
      tpu.wait_indirect_dma semaphore(%arg14 : memref<!tpu.dma_semaphore, #tpu.memory_space<semaphore_mem>>) src(%arg8 : memref<80x128xf32, #tpu.memory_space<vmem>>) dst(%dma_wait3A_391 : memref<10240x128xf32, #tpu.memory_space<vmem_shared>>)
      %lt3A = arith.constant 7 : i32
      %lt3A_392 = arith.cmpi slt, %scan3A_318, %lt3A : i32
      %convert_element_type3A = arith.extui %lt3A_392 : i1 to i32
      %cond3A = arith.constant 0 : i32
      %cond3A_393 = arith.cmpi ne, %convert_element_type3A, %cond3A : i32
      scf.if %cond3A_393 {
        %add3A_413 = arith.constant 4 : i32
        %add3A_414 = arith.addi %mul3A_320, %add3A_413 : i32
        %dma_start3A_415 = arith.constant 0 : i32
        %dma_start3A_416 = tpu.memref_slice %arg5[%add3A_414, %dma_start3A_415] : memref<50x80xi32, #tpu.memory_space<vmem>> -> memref<1x80xi32, #tpu.memory_space<vmem>>
        %dma_start3A_417 = tpu.memref_squeeze %dma_start3A_416 : memref<1x80xi32, #tpu.memory_space<vmem>> -> memref<80xi32, #tpu.memory_space<vmem>>
        %dma_start3A_418 = arith.constant 0 : i32
        %dma_start3A_419 = arith.constant 0 : i32
        %dma_start3A_420 = tpu.memref_slice %arg2[%dma_start3A_418, %dma_start3A_419] : memref<10000x128xf32, #tpu.memory_space<hbm>> -> memref<10000x128xf32, #tpu.memory_space<hbm>>
        tpu.enqueue_indirect_dma source(%dma_start3A_420 : memref<10000x128xf32, #tpu.memory_space<hbm>>) target(%arg8 : memref<80x128xf32, #tpu.memory_space<vmem>>) offsets(%dma_start3A_417 : memref<80xi32, #tpu.memory_space<vmem>>) semaphore(%arg12 : memref<!tpu.dma_semaphore, #tpu.memory_space<semaphore_mem>>)
      } else {
      }
      %add3A_394 = arith.constant 2 : i32
      %add3A_395 = arith.addi %mul3A_320, %add3A_394 : i32
      %add3A_396 = arith.constant 25 : i32
      %add3A_397 = arith.addi %add3A_396, %add3A_395 : i32
      %dma_start3A_398 = arith.constant 0 : i32
      %dma_start3A_399 = tpu.memref_slice %arg5[%add3A_397, %dma_start3A_398] : memref<50x80xi32, #tpu.memory_space<vmem>> -> memref<1x80xi32, #tpu.memory_space<vmem>>
      %dma_start3A_400 = tpu.memref_squeeze %dma_start3A_399 : memref<1x80xi32, #tpu.memory_space<vmem>> -> memref<80xi32, #tpu.memory_space<vmem>>
      %dma_start3A_401 = arith.constant 0 : i32
      %dma_start3A_402 = arith.constant 0 : i32
      %dma_start3A_403 = tpu.memref_slice %arg10[%dma_start3A_401, %dma_start3A_402] : memref<10240x128xf32, #tpu.memory_space<vmem_shared>> -> memref<10240x128xf32, #tpu.memory_space<vmem_shared>>
      tpu.enqueue_indirect_dma source(%arg9 : memref<80x128xf32, #tpu.memory_space<vmem>>) target(%dma_start3A_403 : memref<10240x128xf32, #tpu.memory_space<vmem_shared>>) offsets(%dma_start3A_400 : memref<80xi32, #tpu.memory_space<vmem>>) semaphore(%arg14 : memref<!tpu.dma_semaphore, #tpu.memory_space<semaphore_mem>>) {add = true}
      %add3A_404 = arith.constant 2 : i32
      %add3A_405 = arith.addi %mul3A_320, %add3A_404 : i32
      %dma_wait3A_406 = arith.constant 25 : i32
      %dma_wait3A_407 = arith.constant 0 : i32
      %dma_wait3A_408 = tpu.memref_slice %arg5[%dma_wait3A_406, %dma_wait3A_407] : memref<50x80xi32, #tpu.memory_space<vmem>> -> memref<1x80xi32, #tpu.memory_space<vmem>>
      %dma_wait3A_409 = tpu.memref_squeeze %dma_wait3A_408 : memref<1x80xi32, #tpu.memory_space<vmem>> -> memref<80xi32, #tpu.memory_space<vmem>>
      %dma_wait3A_410 = arith.constant 0 : i32
      %dma_wait3A_411 = arith.constant 0 : i32
      %dma_wait3A_412 = tpu.memref_slice %arg10[%dma_wait3A_410, %dma_wait3A_411] : memref<10240x128xf32, #tpu.memory_space<vmem_shared>> -> memref<10240x128xf32, #tpu.memory_space<vmem_shared>>
      tpu.wait_indirect_dma semaphore(%arg14 : memref<!tpu.dma_semaphore, #tpu.memory_space<semaphore_mem>>) src(%arg9 : memref<80x128xf32, #tpu.memory_space<vmem>>) dst(%dma_wait3A_412 : memref<10240x128xf32, #tpu.memory_space<vmem_shared>>)
    }
    %scan3A_207 = arith.constant 8 : i32
    %dma_wait3A_208 = arith.constant 0 : i32
    %dma_wait3A_209 = arith.constant 0 : i32
    %dma_wait3A_210 = tpu.memref_slice %arg5[%dma_wait3A_208, %dma_wait3A_209] : memref<50x80xi32, #tpu.memory_space<vmem>> -> memref<1x80xi32, #tpu.memory_space<vmem>>
    %dma_wait3A_211 = tpu.memref_squeeze %dma_wait3A_210 : memref<1x80xi32, #tpu.memory_space<vmem>> -> memref<80xi32, #tpu.memory_space<vmem>>
    %dma_wait3A_212 = arith.constant 0 : i32
    %dma_wait3A_213 = arith.constant 0 : i32
    %dma_wait3A_214 = tpu.memref_slice %arg2[%dma_wait3A_212, %dma_wait3A_213] : memref<10000x128xf32, #tpu.memory_space<hbm>> -> memref<10000x128xf32, #tpu.memory_space<hbm>>
    tpu.wait_indirect_dma semaphore(%arg11 : memref<!tpu.dma_semaphore, #tpu.memory_space<semaphore_mem>>) src(%dma_wait3A_214 : memref<10000x128xf32, #tpu.memory_space<hbm>>) dst(%arg7 : memref<80x128xf32, #tpu.memory_space<vmem>>)
    %dma_start3A_215 = arith.constant 49 : i32
    %dma_start3A_216 = arith.constant 0 : i32
    %dma_start3A_217 = tpu.memref_slice %arg5[%dma_start3A_215, %dma_start3A_216] : memref<50x80xi32, #tpu.memory_space<vmem>> -> memref<1x80xi32, #tpu.memory_space<vmem>>
    %dma_start3A_218 = tpu.memref_squeeze %dma_start3A_217 : memref<1x80xi32, #tpu.memory_space<vmem>> -> memref<80xi32, #tpu.memory_space<vmem>>
    %dma_start3A_219 = arith.constant 0 : i32
    %dma_start3A_220 = arith.constant 0 : i32
    %dma_start3A_221 = tpu.memref_slice %arg10[%dma_start3A_219, %dma_start3A_220] : memref<10240x128xf32, #tpu.memory_space<vmem_shared>> -> memref<10240x128xf32, #tpu.memory_space<vmem_shared>>
    tpu.enqueue_indirect_dma source(%arg7 : memref<80x128xf32, #tpu.memory_space<vmem>>) target(%dma_start3A_221 : memref<10240x128xf32, #tpu.memory_space<vmem_shared>>) offsets(%dma_start3A_218 : memref<80xi32, #tpu.memory_space<vmem>>) semaphore(%arg14 : memref<!tpu.dma_semaphore, #tpu.memory_space<semaphore_mem>>) {add = true}
    %dma_wait3A_222 = arith.constant 25 : i32
    %dma_wait3A_223 = arith.constant 0 : i32
    %dma_wait3A_224 = tpu.memref_slice %arg5[%dma_wait3A_222, %dma_wait3A_223] : memref<50x80xi32, #tpu.memory_space<vmem>> -> memref<1x80xi32, #tpu.memory_space<vmem>>
    %dma_wait3A_225 = tpu.memref_squeeze %dma_wait3A_224 : memref<1x80xi32, #tpu.memory_space<vmem>> -> memref<80xi32, #tpu.memory_space<vmem>>
    %dma_wait3A_226 = arith.constant 0 : i32
    %dma_wait3A_227 = arith.constant 0 : i32
    %dma_wait3A_228 = tpu.memref_slice %arg10[%dma_wait3A_226, %dma_wait3A_227] : memref<10240x128xf32, #tpu.memory_space<vmem_shared>> -> memref<10240x128xf32, #tpu.memory_space<vmem_shared>>
    tpu.wait_indirect_dma semaphore(%arg14 : memref<!tpu.dma_semaphore, #tpu.memory_space<semaphore_mem>>) src(%arg7 : memref<80x128xf32, #tpu.memory_space<vmem>>) dst(%dma_wait3A_228 : memref<10240x128xf32, #tpu.memory_space<vmem_shared>>)
    %run_scoped3A_229 = arith.constant 3 : i32
    "tpu.region"() ({
      %run_scoped3A_318 = tpu.sem_alloc : memref<!tpu.dma_semaphore, #tpu.memory_space<semaphore_mem>>
      %dma_start3A_319 = arith.constant 0 : i32
      %dma_start3A_320 = arith.constant 0 : i32
      %dma_start3A_321 = tpu.memref_slice %arg3[%add3A, %run_scoped3A_229, %dma_start3A_319, %dma_start3A_320] : memref<32x5x50x80xi32, #tpu.memory_space<hbm>> -> memref<1x1x50x80xi32, #tpu.memory_space<hbm>>
      %dma_start3A_322 = tpu.memref_squeeze %dma_start3A_321 : memref<1x1x50x80xi32, #tpu.memory_space<hbm>> -> memref<50x80xi32, #tpu.memory_space<hbm>>
      %dma_start3A_323 = arith.constant 0 : i32
      %dma_start3A_324 = arith.constant 0 : i32
      %dma_start3A_325 = tpu.memref_slice %arg3[%add3A, %run_scoped3A_229, %dma_start3A_323, %dma_start3A_324] : memref<32x5x50x80xi32, #tpu.memory_space<hbm>> -> memref<1x1x50x80xi32, #tpu.memory_space<hbm>>
      %dma_start3A_326 = tpu.memref_squeeze %dma_start3A_325 : memref<1x1x50x80xi32, #tpu.memory_space<hbm>> -> memref<50x80xi32, #tpu.memory_space<hbm>>
      tpu.enqueue_dma source(%dma_start3A_326 : memref<50x80xi32, #tpu.memory_space<hbm>>) target(%arg5 : memref<50x80xi32, #tpu.memory_space<vmem>>) target_semaphore(%run_scoped3A_318 : memref<!tpu.dma_semaphore, #tpu.memory_space<semaphore_mem>>)
      %dma_wait3A_327 = arith.constant 0 : i32
      %dma_wait3A_328 = arith.constant 0 : i32
      %dma_wait3A_329 = tpu.memref_slice %arg3[%add3A, %run_scoped3A_229, %dma_wait3A_327, %dma_wait3A_328] : memref<32x5x50x80xi32, #tpu.memory_space<hbm>> -> memref<1x1x50x80xi32, #tpu.memory_space<hbm>>
      %dma_wait3A_330 = tpu.memref_squeeze %dma_wait3A_329 : memref<1x1x50x80xi32, #tpu.memory_space<hbm>> -> memref<50x80xi32, #tpu.memory_space<hbm>>
      %dma_wait3A_331 = arith.constant 0 : i32
      %dma_wait3A_332 = arith.constant 0 : i32
      %dma_wait3A_333 = tpu.memref_slice %arg3[%add3A, %run_scoped3A_229, %dma_wait3A_331, %dma_wait3A_332] : memref<32x5x50x80xi32, #tpu.memory_space<hbm>> -> memref<1x1x50x80xi32, #tpu.memory_space<hbm>>
      %dma_wait3A_334 = tpu.memref_squeeze %dma_wait3A_333 : memref<1x1x50x80xi32, #tpu.memory_space<hbm>> -> memref<50x80xi32, #tpu.memory_space<hbm>>
      tpu.wait_dma2 semaphore(%run_scoped3A_318 : memref<!tpu.dma_semaphore, #tpu.memory_space<semaphore_mem>>) src(%dma_wait3A_334 : memref<50x80xi32, #tpu.memory_space<hbm>>) dst(%arg5 : memref<50x80xi32, #tpu.memory_space<vmem>>)
      tpu.yield
    }) : () -> ()
    %dma_start3A_230 = arith.constant 0 : i32
    %dma_start3A_231 = arith.constant 0 : i32
    %dma_start3A_232 = tpu.memref_slice %arg5[%dma_start3A_230, %dma_start3A_231] : memref<50x80xi32, #tpu.memory_space<vmem>> -> memref<1x80xi32, #tpu.memory_space<vmem>>
    %dma_start3A_233 = tpu.memref_squeeze %dma_start3A_232 : memref<1x80xi32, #tpu.memory_space<vmem>> -> memref<80xi32, #tpu.memory_space<vmem>>
    %dma_start3A_234 = arith.constant 0 : i32
    %dma_start3A_235 = arith.constant 0 : i32
    %dma_start3A_236 = tpu.memref_slice %arg2[%dma_start3A_234, %dma_start3A_235] : memref<10000x128xf32, #tpu.memory_space<hbm>> -> memref<10000x128xf32, #tpu.memory_space<hbm>>
    tpu.enqueue_indirect_dma source(%dma_start3A_236 : memref<10000x128xf32, #tpu.memory_space<hbm>>) target(%arg7 : memref<80x128xf32, #tpu.memory_space<vmem>>) offsets(%dma_start3A_233 : memref<80xi32, #tpu.memory_space<vmem>>) semaphore(%arg11 : memref<!tpu.dma_semaphore, #tpu.memory_space<semaphore_mem>>)
    %dma_start3A_237 = arith.constant 1 : i32
    %dma_start3A_238 = arith.constant 0 : i32
    %dma_start3A_239 = tpu.memref_slice %arg5[%dma_start3A_237, %dma_start3A_238] : memref<50x80xi32, #tpu.memory_space<vmem>> -> memref<1x80xi32, #tpu.memory_space<vmem>>
    %dma_start3A_240 = tpu.memref_squeeze %dma_start3A_239 : memref<1x80xi32, #tpu.memory_space<vmem>> -> memref<80xi32, #tpu.memory_space<vmem>>
    %dma_start3A_241 = arith.constant 0 : i32
    %dma_start3A_242 = arith.constant 0 : i32
    %dma_start3A_243 = tpu.memref_slice %arg2[%dma_start3A_241, %dma_start3A_242] : memref<10000x128xf32, #tpu.memory_space<hbm>> -> memref<10000x128xf32, #tpu.memory_space<hbm>>
    tpu.enqueue_indirect_dma source(%dma_start3A_243 : memref<10000x128xf32, #tpu.memory_space<hbm>>) target(%arg8 : memref<80x128xf32, #tpu.memory_space<vmem>>) offsets(%dma_start3A_240 : memref<80xi32, #tpu.memory_space<vmem>>) semaphore(%arg12 : memref<!tpu.dma_semaphore, #tpu.memory_space<semaphore_mem>>)
    %scan3A_244 = arith.constant 0 : i32
    %scan3A_245 = arith.constant 0 : i32
    %scan3A_246 = arith.constant 8 : i32
    %scan3A_247 = arith.addi %scan3A_245, %scan3A_246 : i32
    %scan3A_248 = arith.constant 1 : i32
    scf.for %scan3A_318 = %scan3A_245 to %scan3A_247 step %scan3A_248  : i32 {
      %mul3A_319 = arith.constant 3 : i32
      %mul3A_320 = arith.muli %mul3A_319, %scan3A_318 : i32
      %add3A_321 = arith.constant 2 : i32
      %add3A_322 = arith.addi %mul3A_320, %add3A_321 : i32
      %dma_start3A_323 = arith.constant 0 : i32
      %dma_start3A_324 = tpu.memref_slice %arg5[%add3A_322, %dma_start3A_323] : memref<50x80xi32, #tpu.memory_space<vmem>> -> memref<1x80xi32, #tpu.memory_space<vmem>>
      %dma_start3A_325 = tpu.memref_squeeze %dma_start3A_324 : memref<1x80xi32, #tpu.memory_space<vmem>> -> memref<80xi32, #tpu.memory_space<vmem>>
      %dma_start3A_326 = arith.constant 0 : i32
      %dma_start3A_327 = arith.constant 0 : i32
      %dma_start3A_328 = tpu.memref_slice %arg2[%dma_start3A_326, %dma_start3A_327] : memref<10000x128xf32, #tpu.memory_space<hbm>> -> memref<10000x128xf32, #tpu.memory_space<hbm>>
      tpu.enqueue_indirect_dma source(%dma_start3A_328 : memref<10000x128xf32, #tpu.memory_space<hbm>>) target(%arg9 : memref<80x128xf32, #tpu.memory_space<vmem>>) offsets(%dma_start3A_325 : memref<80xi32, #tpu.memory_space<vmem>>) semaphore(%arg13 : memref<!tpu.dma_semaphore, #tpu.memory_space<semaphore_mem>>)
      %dma_wait3A_329 = arith.constant 0 : i32
      %dma_wait3A_330 = arith.constant 0 : i32
      %dma_wait3A_331 = tpu.memref_slice %arg5[%dma_wait3A_329, %dma_wait3A_330] : memref<50x80xi32, #tpu.memory_space<vmem>> -> memref<1x80xi32, #tpu.memory_space<vmem>>
      %dma_wait3A_332 = tpu.memref_squeeze %dma_wait3A_331 : memref<1x80xi32, #tpu.memory_space<vmem>> -> memref<80xi32, #tpu.memory_space<vmem>>
      %dma_wait3A_333 = arith.constant 0 : i32
      %dma_wait3A_334 = arith.constant 0 : i32
      %dma_wait3A_335 = tpu.memref_slice %arg2[%dma_wait3A_333, %dma_wait3A_334] : memref<10000x128xf32, #tpu.memory_space<hbm>> -> memref<10000x128xf32, #tpu.memory_space<hbm>>
      tpu.wait_indirect_dma semaphore(%arg11 : memref<!tpu.dma_semaphore, #tpu.memory_space<semaphore_mem>>) src(%dma_wait3A_335 : memref<10000x128xf32, #tpu.memory_space<hbm>>) dst(%arg7 : memref<80x128xf32, #tpu.memory_space<vmem>>)
      %add3A_336 = arith.constant 25 : i32
      %add3A_337 = arith.addi %add3A_336, %mul3A_320 : i32
      %dma_start3A_338 = arith.constant 0 : i32
      %dma_start3A_339 = tpu.memref_slice %arg5[%add3A_337, %dma_start3A_338] : memref<50x80xi32, #tpu.memory_space<vmem>> -> memref<1x80xi32, #tpu.memory_space<vmem>>
      %dma_start3A_340 = tpu.memref_squeeze %dma_start3A_339 : memref<1x80xi32, #tpu.memory_space<vmem>> -> memref<80xi32, #tpu.memory_space<vmem>>
      %dma_start3A_341 = arith.constant 0 : i32
      %dma_start3A_342 = arith.constant 0 : i32
      %dma_start3A_343 = tpu.memref_slice %arg10[%dma_start3A_341, %dma_start3A_342] : memref<10240x128xf32, #tpu.memory_space<vmem_shared>> -> memref<10240x128xf32, #tpu.memory_space<vmem_shared>>
      tpu.enqueue_indirect_dma source(%arg7 : memref<80x128xf32, #tpu.memory_space<vmem>>) target(%dma_start3A_343 : memref<10240x128xf32, #tpu.memory_space<vmem_shared>>) offsets(%dma_start3A_340 : memref<80xi32, #tpu.memory_space<vmem>>) semaphore(%arg14 : memref<!tpu.dma_semaphore, #tpu.memory_space<semaphore_mem>>) {add = true}
      %dma_wait3A_344 = arith.constant 0 : i32
      %dma_wait3A_345 = arith.constant 0 : i32
      %dma_wait3A_346 = tpu.memref_slice %arg5[%dma_wait3A_344, %dma_wait3A_345] : memref<50x80xi32, #tpu.memory_space<vmem>> -> memref<1x80xi32, #tpu.memory_space<vmem>>
      %dma_wait3A_347 = tpu.memref_squeeze %dma_wait3A_346 : memref<1x80xi32, #tpu.memory_space<vmem>> -> memref<80xi32, #tpu.memory_space<vmem>>
      %dma_wait3A_348 = arith.constant 0 : i32
      %dma_wait3A_349 = arith.constant 0 : i32
      %dma_wait3A_350 = tpu.memref_slice %arg2[%dma_wait3A_348, %dma_wait3A_349] : memref<10000x128xf32, #tpu.memory_space<hbm>> -> memref<10000x128xf32, #tpu.memory_space<hbm>>
      tpu.wait_indirect_dma semaphore(%arg12 : memref<!tpu.dma_semaphore, #tpu.memory_space<semaphore_mem>>) src(%dma_wait3A_350 : memref<10000x128xf32, #tpu.memory_space<hbm>>) dst(%arg8 : memref<80x128xf32, #tpu.memory_space<vmem>>)
      %dma_wait3A_351 = arith.constant 25 : i32
      %dma_wait3A_352 = arith.constant 0 : i32
      %dma_wait3A_353 = tpu.memref_slice %arg5[%dma_wait3A_351, %dma_wait3A_352] : memref<50x80xi32, #tpu.memory_space<vmem>> -> memref<1x80xi32, #tpu.memory_space<vmem>>
      %dma_wait3A_354 = tpu.memref_squeeze %dma_wait3A_353 : memref<1x80xi32, #tpu.memory_space<vmem>> -> memref<80xi32, #tpu.memory_space<vmem>>
      %dma_wait3A_355 = arith.constant 0 : i32
      %dma_wait3A_356 = arith.constant 0 : i32
      %dma_wait3A_357 = tpu.memref_slice %arg10[%dma_wait3A_355, %dma_wait3A_356] : memref<10240x128xf32, #tpu.memory_space<vmem_shared>> -> memref<10240x128xf32, #tpu.memory_space<vmem_shared>>
      tpu.wait_indirect_dma semaphore(%arg14 : memref<!tpu.dma_semaphore, #tpu.memory_space<semaphore_mem>>) src(%arg7 : memref<80x128xf32, #tpu.memory_space<vmem>>) dst(%dma_wait3A_357 : memref<10240x128xf32, #tpu.memory_space<vmem_shared>>)
      %add3A_358 = arith.constant 3 : i32
      %add3A_359 = arith.addi %mul3A_320, %add3A_358 : i32
      %dma_start3A_360 = arith.constant 0 : i32
      %dma_start3A_361 = tpu.memref_slice %arg5[%add3A_359, %dma_start3A_360] : memref<50x80xi32, #tpu.memory_space<vmem>> -> memref<1x80xi32, #tpu.memory_space<vmem>>
      %dma_start3A_362 = tpu.memref_squeeze %dma_start3A_361 : memref<1x80xi32, #tpu.memory_space<vmem>> -> memref<80xi32, #tpu.memory_space<vmem>>
      %dma_start3A_363 = arith.constant 0 : i32
      %dma_start3A_364 = arith.constant 0 : i32
      %dma_start3A_365 = tpu.memref_slice %arg2[%dma_start3A_363, %dma_start3A_364] : memref<10000x128xf32, #tpu.memory_space<hbm>> -> memref<10000x128xf32, #tpu.memory_space<hbm>>
      tpu.enqueue_indirect_dma source(%dma_start3A_365 : memref<10000x128xf32, #tpu.memory_space<hbm>>) target(%arg7 : memref<80x128xf32, #tpu.memory_space<vmem>>) offsets(%dma_start3A_362 : memref<80xi32, #tpu.memory_space<vmem>>) semaphore(%arg11 : memref<!tpu.dma_semaphore, #tpu.memory_space<semaphore_mem>>)
      %add3A_366 = arith.constant 1 : i32
      %add3A_367 = arith.addi %mul3A_320, %add3A_366 : i32
      %add3A_368 = arith.constant 25 : i32
      %add3A_369 = arith.addi %add3A_368, %add3A_367 : i32
      %dma_start3A_370 = arith.constant 0 : i32
      %dma_start3A_371 = tpu.memref_slice %arg5[%add3A_369, %dma_start3A_370] : memref<50x80xi32, #tpu.memory_space<vmem>> -> memref<1x80xi32, #tpu.memory_space<vmem>>
      %dma_start3A_372 = tpu.memref_squeeze %dma_start3A_371 : memref<1x80xi32, #tpu.memory_space<vmem>> -> memref<80xi32, #tpu.memory_space<vmem>>
      %dma_start3A_373 = arith.constant 0 : i32
      %dma_start3A_374 = arith.constant 0 : i32
      %dma_start3A_375 = tpu.memref_slice %arg10[%dma_start3A_373, %dma_start3A_374] : memref<10240x128xf32, #tpu.memory_space<vmem_shared>> -> memref<10240x128xf32, #tpu.memory_space<vmem_shared>>
      tpu.enqueue_indirect_dma source(%arg8 : memref<80x128xf32, #tpu.memory_space<vmem>>) target(%dma_start3A_375 : memref<10240x128xf32, #tpu.memory_space<vmem_shared>>) offsets(%dma_start3A_372 : memref<80xi32, #tpu.memory_space<vmem>>) semaphore(%arg14 : memref<!tpu.dma_semaphore, #tpu.memory_space<semaphore_mem>>) {add = true}
      %add3A_376 = arith.constant 1 : i32
      %add3A_377 = arith.addi %mul3A_320, %add3A_376 : i32
      %dma_wait3A_378 = arith.constant 0 : i32
      %dma_wait3A_379 = arith.constant 0 : i32
      %dma_wait3A_380 = tpu.memref_slice %arg5[%dma_wait3A_378, %dma_wait3A_379] : memref<50x80xi32, #tpu.memory_space<vmem>> -> memref<1x80xi32, #tpu.memory_space<vmem>>
      %dma_wait3A_381 = tpu.memref_squeeze %dma_wait3A_380 : memref<1x80xi32, #tpu.memory_space<vmem>> -> memref<80xi32, #tpu.memory_space<vmem>>
      %dma_wait3A_382 = arith.constant 0 : i32
      %dma_wait3A_383 = arith.constant 0 : i32
      %dma_wait3A_384 = tpu.memref_slice %arg2[%dma_wait3A_382, %dma_wait3A_383] : memref<10000x128xf32, #tpu.memory_space<hbm>> -> memref<10000x128xf32, #tpu.memory_space<hbm>>
      tpu.wait_indirect_dma semaphore(%arg13 : memref<!tpu.dma_semaphore, #tpu.memory_space<semaphore_mem>>) src(%dma_wait3A_384 : memref<10000x128xf32, #tpu.memory_space<hbm>>) dst(%arg9 : memref<80x128xf32, #tpu.memory_space<vmem>>)
      %dma_wait3A_385 = arith.constant 25 : i32
      %dma_wait3A_386 = arith.constant 0 : i32
      %dma_wait3A_387 = tpu.memref_slice %arg5[%dma_wait3A_385, %dma_wait3A_386] : memref<50x80xi32, #tpu.memory_space<vmem>> -> memref<1x80xi32, #tpu.memory_space<vmem>>
      %dma_wait3A_388 = tpu.memref_squeeze %dma_wait3A_387 : memref<1x80xi32, #tpu.memory_space<vmem>> -> memref<80xi32, #tpu.memory_space<vmem>>
      %dma_wait3A_389 = arith.constant 0 : i32
      %dma_wait3A_390 = arith.constant 0 : i32
      %dma_wait3A_391 = tpu.memref_slice %arg10[%dma_wait3A_389, %dma_wait3A_390] : memref<10240x128xf32, #tpu.memory_space<vmem_shared>> -> memref<10240x128xf32, #tpu.memory_space<vmem_shared>>
      tpu.wait_indirect_dma semaphore(%arg14 : memref<!tpu.dma_semaphore, #tpu.memory_space<semaphore_mem>>) src(%arg8 : memref<80x128xf32, #tpu.memory_space<vmem>>) dst(%dma_wait3A_391 : memref<10240x128xf32, #tpu.memory_space<vmem_shared>>)
      %lt3A = arith.constant 7 : i32
      %lt3A_392 = arith.cmpi slt, %scan3A_318, %lt3A : i32
      %convert_element_type3A = arith.extui %lt3A_392 : i1 to i32
      %cond3A = arith.constant 0 : i32
      %cond3A_393 = arith.cmpi ne, %convert_element_type3A, %cond3A : i32
      scf.if %cond3A_393 {
        %add3A_413 = arith.constant 4 : i32
        %add3A_414 = arith.addi %mul3A_320, %add3A_413 : i32
        %dma_start3A_415 = arith.constant 0 : i32
        %dma_start3A_416 = tpu.memref_slice %arg5[%add3A_414, %dma_start3A_415] : memref<50x80xi32, #tpu.memory_space<vmem>> -> memref<1x80xi32, #tpu.memory_space<vmem>>
        %dma_start3A_417 = tpu.memref_squeeze %dma_start3A_416 : memref<1x80xi32, #tpu.memory_space<vmem>> -> memref<80xi32, #tpu.memory_space<vmem>>
        %dma_start3A_418 = arith.constant 0 : i32
        %dma_start3A_419 = arith.constant 0 : i32
        %dma_start3A_420 = tpu.memref_slice %arg2[%dma_start3A_418, %dma_start3A_419] : memref<10000x128xf32, #tpu.memory_space<hbm>> -> memref<10000x128xf32, #tpu.memory_space<hbm>>
        tpu.enqueue_indirect_dma source(%dma_start3A_420 : memref<10000x128xf32, #tpu.memory_space<hbm>>) target(%arg8 : memref<80x128xf32, #tpu.memory_space<vmem>>) offsets(%dma_start3A_417 : memref<80xi32, #tpu.memory_space<vmem>>) semaphore(%arg12 : memref<!tpu.dma_semaphore, #tpu.memory_space<semaphore_mem>>)
      } else {
      }
      %add3A_394 = arith.constant 2 : i32
      %add3A_395 = arith.addi %mul3A_320, %add3A_394 : i32
      %add3A_396 = arith.constant 25 : i32
      %add3A_397 = arith.addi %add3A_396, %add3A_395 : i32
      %dma_start3A_398 = arith.constant 0 : i32
      %dma_start3A_399 = tpu.memref_slice %arg5[%add3A_397, %dma_start3A_398] : memref<50x80xi32, #tpu.memory_space<vmem>> -> memref<1x80xi32, #tpu.memory_space<vmem>>
      %dma_start3A_400 = tpu.memref_squeeze %dma_start3A_399 : memref<1x80xi32, #tpu.memory_space<vmem>> -> memref<80xi32, #tpu.memory_space<vmem>>
      %dma_start3A_401 = arith.constant 0 : i32
      %dma_start3A_402 = arith.constant 0 : i32
      %dma_start3A_403 = tpu.memref_slice %arg10[%dma_start3A_401, %dma_start3A_402] : memref<10240x128xf32, #tpu.memory_space<vmem_shared>> -> memref<10240x128xf32, #tpu.memory_space<vmem_shared>>
      tpu.enqueue_indirect_dma source(%arg9 : memref<80x128xf32, #tpu.memory_space<vmem>>) target(%dma_start3A_403 : memref<10240x128xf32, #tpu.memory_space<vmem_shared>>) offsets(%dma_start3A_400 : memref<80xi32, #tpu.memory_space<vmem>>) semaphore(%arg14 : memref<!tpu.dma_semaphore, #tpu.memory_space<semaphore_mem>>) {add = true}
      %add3A_404 = arith.constant 2 : i32
      %add3A_405 = arith.addi %mul3A_320, %add3A_404 : i32
      %dma_wait3A_406 = arith.constant 25 : i32
      %dma_wait3A_407 = arith.constant 0 : i32
      %dma_wait3A_408 = tpu.memref_slice %arg5[%dma_wait3A_406, %dma_wait3A_407] : memref<50x80xi32, #tpu.memory_space<vmem>> -> memref<1x80xi32, #tpu.memory_space<vmem>>
      %dma_wait3A_409 = tpu.memref_squeeze %dma_wait3A_408 : memref<1x80xi32, #tpu.memory_space<vmem>> -> memref<80xi32, #tpu.memory_space<vmem>>
      %dma_wait3A_410 = arith.constant 0 : i32
      %dma_wait3A_411 = arith.constant 0 : i32
      %dma_wait3A_412 = tpu.memref_slice %arg10[%dma_wait3A_410, %dma_wait3A_411] : memref<10240x128xf32, #tpu.memory_space<vmem_shared>> -> memref<10240x128xf32, #tpu.memory_space<vmem_shared>>
      tpu.wait_indirect_dma semaphore(%arg14 : memref<!tpu.dma_semaphore, #tpu.memory_space<semaphore_mem>>) src(%arg9 : memref<80x128xf32, #tpu.memory_space<vmem>>) dst(%dma_wait3A_412 : memref<10240x128xf32, #tpu.memory_space<vmem_shared>>)
    }
    %scan3A_249 = arith.constant 8 : i32
    %dma_wait3A_250 = arith.constant 0 : i32
    %dma_wait3A_251 = arith.constant 0 : i32
    %dma_wait3A_252 = tpu.memref_slice %arg5[%dma_wait3A_250, %dma_wait3A_251] : memref<50x80xi32, #tpu.memory_space<vmem>> -> memref<1x80xi32, #tpu.memory_space<vmem>>
    %dma_wait3A_253 = tpu.memref_squeeze %dma_wait3A_252 : memref<1x80xi32, #tpu.memory_space<vmem>> -> memref<80xi32, #tpu.memory_space<vmem>>
    %dma_wait3A_254 = arith.constant 0 : i32
    %dma_wait3A_255 = arith.constant 0 : i32
    %dma_wait3A_256 = tpu.memref_slice %arg2[%dma_wait3A_254, %dma_wait3A_255] : memref<10000x128xf32, #tpu.memory_space<hbm>> -> memref<10000x128xf32, #tpu.memory_space<hbm>>
    tpu.wait_indirect_dma semaphore(%arg11 : memref<!tpu.dma_semaphore, #tpu.memory_space<semaphore_mem>>) src(%dma_wait3A_256 : memref<10000x128xf32, #tpu.memory_space<hbm>>) dst(%arg7 : memref<80x128xf32, #tpu.memory_space<vmem>>)
    %dma_start3A_257 = arith.constant 49 : i32
    %dma_start3A_258 = arith.constant 0 : i32
    %dma_start3A_259 = tpu.memref_slice %arg5[%dma_start3A_257, %dma_start3A_258] : memref<50x80xi32, #tpu.memory_space<vmem>> -> memref<1x80xi32, #tpu.memory_space<vmem>>
    %dma_start3A_260 = tpu.memref_squeeze %dma_start3A_259 : memref<1x80xi32, #tpu.memory_space<vmem>> -> memref<80xi32, #tpu.memory_space<vmem>>
    %dma_start3A_261 = arith.constant 0 : i32
    %dma_start3A_262 = arith.constant 0 : i32
    %dma_start3A_263 = tpu.memref_slice %arg10[%dma_start3A_261, %dma_start3A_262] : memref<10240x128xf32, #tpu.memory_space<vmem_shared>> -> memref<10240x128xf32, #tpu.memory_space<vmem_shared>>
    tpu.enqueue_indirect_dma source(%arg7 : memref<80x128xf32, #tpu.memory_space<vmem>>) target(%dma_start3A_263 : memref<10240x128xf32, #tpu.memory_space<vmem_shared>>) offsets(%dma_start3A_260 : memref<80xi32, #tpu.memory_space<vmem>>) semaphore(%arg14 : memref<!tpu.dma_semaphore, #tpu.memory_space<semaphore_mem>>) {add = true}
    %dma_wait3A_264 = arith.constant 25 : i32
    %dma_wait3A_265 = arith.constant 0 : i32
    %dma_wait3A_266 = tpu.memref_slice %arg5[%dma_wait3A_264, %dma_wait3A_265] : memref<50x80xi32, #tpu.memory_space<vmem>> -> memref<1x80xi32, #tpu.memory_space<vmem>>
    %dma_wait3A_267 = tpu.memref_squeeze %dma_wait3A_266 : memref<1x80xi32, #tpu.memory_space<vmem>> -> memref<80xi32, #tpu.memory_space<vmem>>
    %dma_wait3A_268 = arith.constant 0 : i32
    %dma_wait3A_269 = arith.constant 0 : i32
    %dma_wait3A_270 = tpu.memref_slice %arg10[%dma_wait3A_268, %dma_wait3A_269] : memref<10240x128xf32, #tpu.memory_space<vmem_shared>> -> memref<10240x128xf32, #tpu.memory_space<vmem_shared>>
    tpu.wait_indirect_dma semaphore(%arg14 : memref<!tpu.dma_semaphore, #tpu.memory_space<semaphore_mem>>) src(%arg7 : memref<80x128xf32, #tpu.memory_space<vmem>>) dst(%dma_wait3A_270 : memref<10240x128xf32, #tpu.memory_space<vmem_shared>>)
    %run_scoped3A_271 = arith.constant 4 : i32
    "tpu.region"() ({
      %run_scoped3A_318 = tpu.sem_alloc : memref<!tpu.dma_semaphore, #tpu.memory_space<semaphore_mem>>
      %dma_start3A_319 = arith.constant 0 : i32
      %dma_start3A_320 = arith.constant 0 : i32
      %dma_start3A_321 = tpu.memref_slice %arg3[%add3A, %run_scoped3A_271, %dma_start3A_319, %dma_start3A_320] : memref<32x5x50x80xi32, #tpu.memory_space<hbm>> -> memref<1x1x50x80xi32, #tpu.memory_space<hbm>>
      %dma_start3A_322 = tpu.memref_squeeze %dma_start3A_321 : memref<1x1x50x80xi32, #tpu.memory_space<hbm>> -> memref<50x80xi32, #tpu.memory_space<hbm>>
      %dma_start3A_323 = arith.constant 0 : i32
      %dma_start3A_324 = arith.constant 0 : i32
      %dma_start3A_325 = tpu.memref_slice %arg3[%add3A, %run_scoped3A_271, %dma_start3A_323, %dma_start3A_324] : memref<32x5x50x80xi32, #tpu.memory_space<hbm>> -> memref<1x1x50x80xi32, #tpu.memory_space<hbm>>
      %dma_start3A_326 = tpu.memref_squeeze %dma_start3A_325 : memref<1x1x50x80xi32, #tpu.memory_space<hbm>> -> memref<50x80xi32, #tpu.memory_space<hbm>>
      tpu.enqueue_dma source(%dma_start3A_326 : memref<50x80xi32, #tpu.memory_space<hbm>>) target(%arg5 : memref<50x80xi32, #tpu.memory_space<vmem>>) target_semaphore(%run_scoped3A_318 : memref<!tpu.dma_semaphore, #tpu.memory_space<semaphore_mem>>)
      %dma_wait3A_327 = arith.constant 0 : i32
      %dma_wait3A_328 = arith.constant 0 : i32
      %dma_wait3A_329 = tpu.memref_slice %arg3[%add3A, %run_scoped3A_271, %dma_wait3A_327, %dma_wait3A_328] : memref<32x5x50x80xi32, #tpu.memory_space<hbm>> -> memref<1x1x50x80xi32, #tpu.memory_space<hbm>>
      %dma_wait3A_330 = tpu.memref_squeeze %dma_wait3A_329 : memref<1x1x50x80xi32, #tpu.memory_space<hbm>> -> memref<50x80xi32, #tpu.memory_space<hbm>>
      %dma_wait3A_331 = arith.constant 0 : i32
      %dma_wait3A_332 = arith.constant 0 : i32
      %dma_wait3A_333 = tpu.memref_slice %arg3[%add3A, %run_scoped3A_271, %dma_wait3A_331, %dma_wait3A_332] : memref<32x5x50x80xi32, #tpu.memory_space<hbm>> -> memref<1x1x50x80xi32, #tpu.memory_space<hbm>>
      %dma_wait3A_334 = tpu.memref_squeeze %dma_wait3A_333 : memref<1x1x50x80xi32, #tpu.memory_space<hbm>> -> memref<50x80xi32, #tpu.memory_space<hbm>>
      tpu.wait_dma2 semaphore(%run_scoped3A_318 : memref<!tpu.dma_semaphore, #tpu.memory_space<semaphore_mem>>) src(%dma_wait3A_334 : memref<50x80xi32, #tpu.memory_space<hbm>>) dst(%arg5 : memref<50x80xi32, #tpu.memory_space<vmem>>)
      tpu.yield
    }) : () -> ()
    %dma_start3A_272 = arith.constant 0 : i32
    %dma_start3A_273 = arith.constant 0 : i32
    %dma_start3A_274 = tpu.memref_slice %arg5[%dma_start3A_272, %dma_start3A_273] : memref<50x80xi32, #tpu.memory_space<vmem>> -> memref<1x80xi32, #tpu.memory_space<vmem>>
    %dma_start3A_275 = tpu.memref_squeeze %dma_start3A_274 : memref<1x80xi32, #tpu.memory_space<vmem>> -> memref<80xi32, #tpu.memory_space<vmem>>
    %dma_start3A_276 = arith.constant 0 : i32
    %dma_start3A_277 = arith.constant 0 : i32
    %dma_start3A_278 = tpu.memref_slice %arg2[%dma_start3A_276, %dma_start3A_277] : memref<10000x128xf32, #tpu.memory_space<hbm>> -> memref<10000x128xf32, #tpu.memory_space<hbm>>
    tpu.enqueue_indirect_dma source(%dma_start3A_278 : memref<10000x128xf32, #tpu.memory_space<hbm>>) target(%arg7 : memref<80x128xf32, #tpu.memory_space<vmem>>) offsets(%dma_start3A_275 : memref<80xi32, #tpu.memory_space<vmem>>) semaphore(%arg11 : memref<!tpu.dma_semaphore, #tpu.memory_space<semaphore_mem>>)
    %dma_start3A_279 = arith.constant 1 : i32
    %dma_start3A_280 = arith.constant 0 : i32
    %dma_start3A_281 = tpu.memref_slice %arg5[%dma_start3A_279, %dma_start3A_280] : memref<50x80xi32, #tpu.memory_space<vmem>> -> memref<1x80xi32, #tpu.memory_space<vmem>>
    %dma_start3A_282 = tpu.memref_squeeze %dma_start3A_281 : memref<1x80xi32, #tpu.memory_space<vmem>> -> memref<80xi32, #tpu.memory_space<vmem>>
    %dma_start3A_283 = arith.constant 0 : i32
    %dma_start3A_284 = arith.constant 0 : i32
    %dma_start3A_285 = tpu.memref_slice %arg2[%dma_start3A_283, %dma_start3A_284] : memref<10000x128xf32, #tpu.memory_space<hbm>> -> memref<10000x128xf32, #tpu.memory_space<hbm>>
    tpu.enqueue_indirect_dma source(%dma_start3A_285 : memref<10000x128xf32, #tpu.memory_space<hbm>>) target(%arg8 : memref<80x128xf32, #tpu.memory_space<vmem>>) offsets(%dma_start3A_282 : memref<80xi32, #tpu.memory_space<vmem>>) semaphore(%arg12 : memref<!tpu.dma_semaphore, #tpu.memory_space<semaphore_mem>>)
    %scan3A_286 = arith.constant 0 : i32
    %scan3A_287 = arith.constant 0 : i32
    %scan3A_288 = arith.constant 8 : i32
    %scan3A_289 = arith.addi %scan3A_287, %scan3A_288 : i32
    %scan3A_290 = arith.constant 1 : i32
    scf.for %scan3A_318 = %scan3A_287 to %scan3A_289 step %scan3A_290  : i32 {
      %mul3A_319 = arith.constant 3 : i32
      %mul3A_320 = arith.muli %mul3A_319, %scan3A_318 : i32
      %add3A_321 = arith.constant 2 : i32
      %add3A_322 = arith.addi %mul3A_320, %add3A_321 : i32
      %dma_start3A_323 = arith.constant 0 : i32
      %dma_start3A_324 = tpu.memref_slice %arg5[%add3A_322, %dma_start3A_323] : memref<50x80xi32, #tpu.memory_space<vmem>> -> memref<1x80xi32, #tpu.memory_space<vmem>>
      %dma_start3A_325 = tpu.memref_squeeze %dma_start3A_324 : memref<1x80xi32, #tpu.memory_space<vmem>> -> memref<80xi32, #tpu.memory_space<vmem>>
      %dma_start3A_326 = arith.constant 0 : i32
      %dma_start3A_327 = arith.constant 0 : i32
      %dma_start3A_328 = tpu.memref_slice %arg2[%dma_start3A_326, %dma_start3A_327] : memref<10000x128xf32, #tpu.memory_space<hbm>> -> memref<10000x128xf32, #tpu.memory_space<hbm>>
      tpu.enqueue_indirect_dma source(%dma_start3A_328 : memref<10000x128xf32, #tpu.memory_space<hbm>>) target(%arg9 : memref<80x128xf32, #tpu.memory_space<vmem>>) offsets(%dma_start3A_325 : memref<80xi32, #tpu.memory_space<vmem>>) semaphore(%arg13 : memref<!tpu.dma_semaphore, #tpu.memory_space<semaphore_mem>>)
      %dma_wait3A_329 = arith.constant 0 : i32
      %dma_wait3A_330 = arith.constant 0 : i32
      %dma_wait3A_331 = tpu.memref_slice %arg5[%dma_wait3A_329, %dma_wait3A_330] : memref<50x80xi32, #tpu.memory_space<vmem>> -> memref<1x80xi32, #tpu.memory_space<vmem>>
      %dma_wait3A_332 = tpu.memref_squeeze %dma_wait3A_331 : memref<1x80xi32, #tpu.memory_space<vmem>> -> memref<80xi32, #tpu.memory_space<vmem>>
      %dma_wait3A_333 = arith.constant 0 : i32
      %dma_wait3A_334 = arith.constant 0 : i32
      %dma_wait3A_335 = tpu.memref_slice %arg2[%dma_wait3A_333, %dma_wait3A_334] : memref<10000x128xf32, #tpu.memory_space<hbm>> -> memref<10000x128xf32, #tpu.memory_space<hbm>>
      tpu.wait_indirect_dma semaphore(%arg11 : memref<!tpu.dma_semaphore, #tpu.memory_space<semaphore_mem>>) src(%dma_wait3A_335 : memref<10000x128xf32, #tpu.memory_space<hbm>>) dst(%arg7 : memref<80x128xf32, #tpu.memory_space<vmem>>)
      %add3A_336 = arith.constant 25 : i32
      %add3A_337 = arith.addi %add3A_336, %mul3A_320 : i32
      %dma_start3A_338 = arith.constant 0 : i32
      %dma_start3A_339 = tpu.memref_slice %arg5[%add3A_337, %dma_start3A_338] : memref<50x80xi32, #tpu.memory_space<vmem>> -> memref<1x80xi32, #tpu.memory_space<vmem>>
      %dma_start3A_340 = tpu.memref_squeeze %dma_start3A_339 : memref<1x80xi32, #tpu.memory_space<vmem>> -> memref<80xi32, #tpu.memory_space<vmem>>
      %dma_start3A_341 = arith.constant 0 : i32
      %dma_start3A_342 = arith.constant 0 : i32
      %dma_start3A_343 = tpu.memref_slice %arg10[%dma_start3A_341, %dma_start3A_342] : memref<10240x128xf32, #tpu.memory_space<vmem_shared>> -> memref<10240x128xf32, #tpu.memory_space<vmem_shared>>
      tpu.enqueue_indirect_dma source(%arg7 : memref<80x128xf32, #tpu.memory_space<vmem>>) target(%dma_start3A_343 : memref<10240x128xf32, #tpu.memory_space<vmem_shared>>) offsets(%dma_start3A_340 : memref<80xi32, #tpu.memory_space<vmem>>) semaphore(%arg14 : memref<!tpu.dma_semaphore, #tpu.memory_space<semaphore_mem>>) {add = true}
      %dma_wait3A_344 = arith.constant 0 : i32
      %dma_wait3A_345 = arith.constant 0 : i32
      %dma_wait3A_346 = tpu.memref_slice %arg5[%dma_wait3A_344, %dma_wait3A_345] : memref<50x80xi32, #tpu.memory_space<vmem>> -> memref<1x80xi32, #tpu.memory_space<vmem>>
      %dma_wait3A_347 = tpu.memref_squeeze %dma_wait3A_346 : memref<1x80xi32, #tpu.memory_space<vmem>> -> memref<80xi32, #tpu.memory_space<vmem>>
      %dma_wait3A_348 = arith.constant 0 : i32
      %dma_wait3A_349 = arith.constant 0 : i32
      %dma_wait3A_350 = tpu.memref_slice %arg2[%dma_wait3A_348, %dma_wait3A_349] : memref<10000x128xf32, #tpu.memory_space<hbm>> -> memref<10000x128xf32, #tpu.memory_space<hbm>>
      tpu.wait_indirect_dma semaphore(%arg12 : memref<!tpu.dma_semaphore, #tpu.memory_space<semaphore_mem>>) src(%dma_wait3A_350 : memref<10000x128xf32, #tpu.memory_space<hbm>>) dst(%arg8 : memref<80x128xf32, #tpu.memory_space<vmem>>)
      %dma_wait3A_351 = arith.constant 25 : i32
      %dma_wait3A_352 = arith.constant 0 : i32
      %dma_wait3A_353 = tpu.memref_slice %arg5[%dma_wait3A_351, %dma_wait3A_352] : memref<50x80xi32, #tpu.memory_space<vmem>> -> memref<1x80xi32, #tpu.memory_space<vmem>>
      %dma_wait3A_354 = tpu.memref_squeeze %dma_wait3A_353 : memref<1x80xi32, #tpu.memory_space<vmem>> -> memref<80xi32, #tpu.memory_space<vmem>>
      %dma_wait3A_355 = arith.constant 0 : i32
      %dma_wait3A_356 = arith.constant 0 : i32
      %dma_wait3A_357 = tpu.memref_slice %arg10[%dma_wait3A_355, %dma_wait3A_356] : memref<10240x128xf32, #tpu.memory_space<vmem_shared>> -> memref<10240x128xf32, #tpu.memory_space<vmem_shared>>
      tpu.wait_indirect_dma semaphore(%arg14 : memref<!tpu.dma_semaphore, #tpu.memory_space<semaphore_mem>>) src(%arg7 : memref<80x128xf32, #tpu.memory_space<vmem>>) dst(%dma_wait3A_357 : memref<10240x128xf32, #tpu.memory_space<vmem_shared>>)
      %add3A_358 = arith.constant 3 : i32
      %add3A_359 = arith.addi %mul3A_320, %add3A_358 : i32
      %dma_start3A_360 = arith.constant 0 : i32
      %dma_start3A_361 = tpu.memref_slice %arg5[%add3A_359, %dma_start3A_360] : memref<50x80xi32, #tpu.memory_space<vmem>> -> memref<1x80xi32, #tpu.memory_space<vmem>>
      %dma_start3A_362 = tpu.memref_squeeze %dma_start3A_361 : memref<1x80xi32, #tpu.memory_space<vmem>> -> memref<80xi32, #tpu.memory_space<vmem>>
      %dma_start3A_363 = arith.constant 0 : i32
      %dma_start3A_364 = arith.constant 0 : i32
      %dma_start3A_365 = tpu.memref_slice %arg2[%dma_start3A_363, %dma_start3A_364] : memref<10000x128xf32, #tpu.memory_space<hbm>> -> memref<10000x128xf32, #tpu.memory_space<hbm>>
      tpu.enqueue_indirect_dma source(%dma_start3A_365 : memref<10000x128xf32, #tpu.memory_space<hbm>>) target(%arg7 : memref<80x128xf32, #tpu.memory_space<vmem>>) offsets(%dma_start3A_362 : memref<80xi32, #tpu.memory_space<vmem>>) semaphore(%arg11 : memref<!tpu.dma_semaphore, #tpu.memory_space<semaphore_mem>>)
      %add3A_366 = arith.constant 1 : i32
      %add3A_367 = arith.addi %mul3A_320, %add3A_366 : i32
      %add3A_368 = arith.constant 25 : i32
      %add3A_369 = arith.addi %add3A_368, %add3A_367 : i32
      %dma_start3A_370 = arith.constant 0 : i32
      %dma_start3A_371 = tpu.memref_slice %arg5[%add3A_369, %dma_start3A_370] : memref<50x80xi32, #tpu.memory_space<vmem>> -> memref<1x80xi32, #tpu.memory_space<vmem>>
      %dma_start3A_372 = tpu.memref_squeeze %dma_start3A_371 : memref<1x80xi32, #tpu.memory_space<vmem>> -> memref<80xi32, #tpu.memory_space<vmem>>
      %dma_start3A_373 = arith.constant 0 : i32
      %dma_start3A_374 = arith.constant 0 : i32
      %dma_start3A_375 = tpu.memref_slice %arg10[%dma_start3A_373, %dma_start3A_374] : memref<10240x128xf32, #tpu.memory_space<vmem_shared>> -> memref<10240x128xf32, #tpu.memory_space<vmem_shared>>
      tpu.enqueue_indirect_dma source(%arg8 : memref<80x128xf32, #tpu.memory_space<vmem>>) target(%dma_start3A_375 : memref<10240x128xf32, #tpu.memory_space<vmem_shared>>) offsets(%dma_start3A_372 : memref<80xi32, #tpu.memory_space<vmem>>) semaphore(%arg14 : memref<!tpu.dma_semaphore, #tpu.memory_space<semaphore_mem>>) {add = true}
      %add3A_376 = arith.constant 1 : i32
      %add3A_377 = arith.addi %mul3A_320, %add3A_376 : i32
      %dma_wait3A_378 = arith.constant 0 : i32
      %dma_wait3A_379 = arith.constant 0 : i32
      %dma_wait3A_380 = tpu.memref_slice %arg5[%dma_wait3A_378, %dma_wait3A_379] : memref<50x80xi32, #tpu.memory_space<vmem>> -> memref<1x80xi32, #tpu.memory_space<vmem>>
      %dma_wait3A_381 = tpu.memref_squeeze %dma_wait3A_380 : memref<1x80xi32, #tpu.memory_space<vmem>> -> memref<80xi32, #tpu.memory_space<vmem>>
      %dma_wait3A_382 = arith.constant 0 : i32
      %dma_wait3A_383 = arith.constant 0 : i32
      %dma_wait3A_384 = tpu.memref_slice %arg2[%dma_wait3A_382, %dma_wait3A_383] : memref<10000x128xf32, #tpu.memory_space<hbm>> -> memref<10000x128xf32, #tpu.memory_space<hbm>>
      tpu.wait_indirect_dma semaphore(%arg13 : memref<!tpu.dma_semaphore, #tpu.memory_space<semaphore_mem>>) src(%dma_wait3A_384 : memref<10000x128xf32, #tpu.memory_space<hbm>>) dst(%arg9 : memref<80x128xf32, #tpu.memory_space<vmem>>)
      %dma_wait3A_385 = arith.constant 25 : i32
      %dma_wait3A_386 = arith.constant 0 : i32
      %dma_wait3A_387 = tpu.memref_slice %arg5[%dma_wait3A_385, %dma_wait3A_386] : memref<50x80xi32, #tpu.memory_space<vmem>> -> memref<1x80xi32, #tpu.memory_space<vmem>>
      %dma_wait3A_388 = tpu.memref_squeeze %dma_wait3A_387 : memref<1x80xi32, #tpu.memory_space<vmem>> -> memref<80xi32, #tpu.memory_space<vmem>>
      %dma_wait3A_389 = arith.constant 0 : i32
      %dma_wait3A_390 = arith.constant 0 : i32
      %dma_wait3A_391 = tpu.memref_slice %arg10[%dma_wait3A_389, %dma_wait3A_390] : memref<10240x128xf32, #tpu.memory_space<vmem_shared>> -> memref<10240x128xf32, #tpu.memory_space<vmem_shared>>
      tpu.wait_indirect_dma semaphore(%arg14 : memref<!tpu.dma_semaphore, #tpu.memory_space<semaphore_mem>>) src(%arg8 : memref<80x128xf32, #tpu.memory_space<vmem>>) dst(%dma_wait3A_391 : memref<10240x128xf32, #tpu.memory_space<vmem_shared>>)
      %lt3A = arith.constant 7 : i32
      %lt3A_392 = arith.cmpi slt, %scan3A_318, %lt3A : i32
      %convert_element_type3A = arith.extui %lt3A_392 : i1 to i32
      %cond3A = arith.constant 0 : i32
      %cond3A_393 = arith.cmpi ne, %convert_element_type3A, %cond3A : i32
      scf.if %cond3A_393 {
        %add3A_413 = arith.constant 4 : i32
        %add3A_414 = arith.addi %mul3A_320, %add3A_413 : i32
        %dma_start3A_415 = arith.constant 0 : i32
        %dma_start3A_416 = tpu.memref_slice %arg5[%add3A_414, %dma_start3A_415] : memref<50x80xi32, #tpu.memory_space<vmem>> -> memref<1x80xi32, #tpu.memory_space<vmem>>
        %dma_start3A_417 = tpu.memref_squeeze %dma_start3A_416 : memref<1x80xi32, #tpu.memory_space<vmem>> -> memref<80xi32, #tpu.memory_space<vmem>>
        %dma_start3A_418 = arith.constant 0 : i32
        %dma_start3A_419 = arith.constant 0 : i32
        %dma_start3A_420 = tpu.memref_slice %arg2[%dma_start3A_418, %dma_start3A_419] : memref<10000x128xf32, #tpu.memory_space<hbm>> -> memref<10000x128xf32, #tpu.memory_space<hbm>>
        tpu.enqueue_indirect_dma source(%dma_start3A_420 : memref<10000x128xf32, #tpu.memory_space<hbm>>) target(%arg8 : memref<80x128xf32, #tpu.memory_space<vmem>>) offsets(%dma_start3A_417 : memref<80xi32, #tpu.memory_space<vmem>>) semaphore(%arg12 : memref<!tpu.dma_semaphore, #tpu.memory_space<semaphore_mem>>)
      } else {
      }
      %add3A_394 = arith.constant 2 : i32
      %add3A_395 = arith.addi %mul3A_320, %add3A_394 : i32
      %add3A_396 = arith.constant 25 : i32
      %add3A_397 = arith.addi %add3A_396, %add3A_395 : i32
      %dma_start3A_398 = arith.constant 0 : i32
      %dma_start3A_399 = tpu.memref_slice %arg5[%add3A_397, %dma_start3A_398] : memref<50x80xi32, #tpu.memory_space<vmem>> -> memref<1x80xi32, #tpu.memory_space<vmem>>
      %dma_start3A_400 = tpu.memref_squeeze %dma_start3A_399 : memref<1x80xi32, #tpu.memory_space<vmem>> -> memref<80xi32, #tpu.memory_space<vmem>>
      %dma_start3A_401 = arith.constant 0 : i32
      %dma_start3A_402 = arith.constant 0 : i32
      %dma_start3A_403 = tpu.memref_slice %arg10[%dma_start3A_401, %dma_start3A_402] : memref<10240x128xf32, #tpu.memory_space<vmem_shared>> -> memref<10240x128xf32, #tpu.memory_space<vmem_shared>>
      tpu.enqueue_indirect_dma source(%arg9 : memref<80x128xf32, #tpu.memory_space<vmem>>) target(%dma_start3A_403 : memref<10240x128xf32, #tpu.memory_space<vmem_shared>>) offsets(%dma_start3A_400 : memref<80xi32, #tpu.memory_space<vmem>>) semaphore(%arg14 : memref<!tpu.dma_semaphore, #tpu.memory_space<semaphore_mem>>) {add = true}
      %add3A_404 = arith.constant 2 : i32
      %add3A_405 = arith.addi %mul3A_320, %add3A_404 : i32
      %dma_wait3A_406 = arith.constant 25 : i32
      %dma_wait3A_407 = arith.constant 0 : i32
      %dma_wait3A_408 = tpu.memref_slice %arg5[%dma_wait3A_406, %dma_wait3A_407] : memref<50x80xi32, #tpu.memory_space<vmem>> -> memref<1x80xi32, #tpu.memory_space<vmem>>
      %dma_wait3A_409 = tpu.memref_squeeze %dma_wait3A_408 : memref<1x80xi32, #tpu.memory_space<vmem>> -> memref<80xi32, #tpu.memory_space<vmem>>
      %dma_wait3A_410 = arith.constant 0 : i32
      %dma_wait3A_411 = arith.constant 0 : i32
      %dma_wait3A_412 = tpu.memref_slice %arg10[%dma_wait3A_410, %dma_wait3A_411] : memref<10240x128xf32, #tpu.memory_space<vmem_shared>> -> memref<10240x128xf32, #tpu.memory_space<vmem_shared>>
      tpu.wait_indirect_dma semaphore(%arg14 : memref<!tpu.dma_semaphore, #tpu.memory_space<semaphore_mem>>) src(%arg9 : memref<80x128xf32, #tpu.memory_space<vmem>>) dst(%dma_wait3A_412 : memref<10240x128xf32, #tpu.memory_space<vmem_shared>>)
    }
    %scan3A_291 = arith.constant 8 : i32
    %dma_wait3A_292 = arith.constant 0 : i32
    %dma_wait3A_293 = arith.constant 0 : i32
    %dma_wait3A_294 = tpu.memref_slice %arg5[%dma_wait3A_292, %dma_wait3A_293] : memref<50x80xi32, #tpu.memory_space<vmem>> -> memref<1x80xi32, #tpu.memory_space<vmem>>
    %dma_wait3A_295 = tpu.memref_squeeze %dma_wait3A_294 : memref<1x80xi32, #tpu.memory_space<vmem>> -> memref<80xi32, #tpu.memory_space<vmem>>
    %dma_wait3A_296 = arith.constant 0 : i32
    %dma_wait3A_297 = arith.constant 0 : i32
    %dma_wait3A_298 = tpu.memref_slice %arg2[%dma_wait3A_296, %dma_wait3A_297] : memref<10000x128xf32, #tpu.memory_space<hbm>> -> memref<10000x128xf32, #tpu.memory_space<hbm>>
    tpu.wait_indirect_dma semaphore(%arg11 : memref<!tpu.dma_semaphore, #tpu.memory_space<semaphore_mem>>) src(%dma_wait3A_298 : memref<10000x128xf32, #tpu.memory_space<hbm>>) dst(%arg7 : memref<80x128xf32, #tpu.memory_space<vmem>>)
    %dma_start3A_299 = arith.constant 49 : i32
    %dma_start3A_300 = arith.constant 0 : i32
    %dma_start3A_301 = tpu.memref_slice %arg5[%dma_start3A_299, %dma_start3A_300] : memref<50x80xi32, #tpu.memory_space<vmem>> -> memref<1x80xi32, #tpu.memory_space<vmem>>
    %dma_start3A_302 = tpu.memref_squeeze %dma_start3A_301 : memref<1x80xi32, #tpu.memory_space<vmem>> -> memref<80xi32, #tpu.memory_space<vmem>>
    %dma_start3A_303 = arith.constant 0 : i32
    %dma_start3A_304 = arith.constant 0 : i32
    %dma_start3A_305 = tpu.memref_slice %arg10[%dma_start3A_303, %dma_start3A_304] : memref<10240x128xf32, #tpu.memory_space<vmem_shared>> -> memref<10240x128xf32, #tpu.memory_space<vmem_shared>>
    tpu.enqueue_indirect_dma source(%arg7 : memref<80x128xf32, #tpu.memory_space<vmem>>) target(%dma_start3A_305 : memref<10240x128xf32, #tpu.memory_space<vmem_shared>>) offsets(%dma_start3A_302 : memref<80xi32, #tpu.memory_space<vmem>>) semaphore(%arg14 : memref<!tpu.dma_semaphore, #tpu.memory_space<semaphore_mem>>) {add = true}
    %dma_wait3A_306 = arith.constant 25 : i32
    %dma_wait3A_307 = arith.constant 0 : i32
    %dma_wait3A_308 = tpu.memref_slice %arg5[%dma_wait3A_306, %dma_wait3A_307] : memref<50x80xi32, #tpu.memory_space<vmem>> -> memref<1x80xi32, #tpu.memory_space<vmem>>
    %dma_wait3A_309 = tpu.memref_squeeze %dma_wait3A_308 : memref<1x80xi32, #tpu.memory_space<vmem>> -> memref<80xi32, #tpu.memory_space<vmem>>
    %dma_wait3A_310 = arith.constant 0 : i32
    %dma_wait3A_311 = arith.constant 0 : i32
    %dma_wait3A_312 = tpu.memref_slice %arg10[%dma_wait3A_310, %dma_wait3A_311] : memref<10240x128xf32, #tpu.memory_space<vmem_shared>> -> memref<10240x128xf32, #tpu.memory_space<vmem_shared>>
    tpu.wait_indirect_dma semaphore(%arg14 : memref<!tpu.dma_semaphore, #tpu.memory_space<semaphore_mem>>) src(%arg7 : memref<80x128xf32, #tpu.memory_space<vmem>>) dst(%dma_wait3A_312 : memref<10240x128xf32, #tpu.memory_space<vmem_shared>>)
    %barrier3A_313 = arith.constant 0 : index
    tpu.barrier barrier_id(%barrier3A_313)
    %mul3A_314 = arith.constant 640 : i32
    %mul3A_315 = arith.muli %arg1, %mul3A_314 : i32
    %mul3A_316 = arith.constant 640 : i32
    %mul3A_317 = arith.muli %arg1, %mul3A_316 : i32
    "tpu.region"() ({
      %run_scoped3A_318 = tpu.sem_alloc : memref<!tpu.dma_semaphore, #tpu.memory_space<semaphore_mem>>
      %dma_start3A_319 = arith.constant 0 : i32
      %dma_start3A_320 = tpu.memref_slice %arg4[%arg0, %mul3A_317, %dma_start3A_319] : memref<2x10240x128xf32, #tpu.memory_space<hbm>> -> memref<1x640x128xf32, #tpu.memory_space<hbm>>
      %dma_start3A_321 = tpu.memref_squeeze %dma_start3A_320 : memref<1x640x128xf32, #tpu.memory_space<hbm>> -> memref<640x128xf32, #tpu.memory_space<hbm>>
      %dma_start3A_322 = arith.constant 0 : i32
      %dma_start3A_323 = tpu.memref_slice %arg10[%mul3A_315, %dma_start3A_322] : memref<10240x128xf32, #tpu.memory_space<vmem_shared>> -> memref<640x128xf32, #tpu.memory_space<vmem_shared>>
      tpu.enqueue_dma source(%dma_start3A_323 : memref<640x128xf32, #tpu.memory_space<vmem_shared>>) target(%dma_start3A_321 : memref<640x128xf32, #tpu.memory_space<hbm>>) target_semaphore(%run_scoped3A_318 : memref<!tpu.dma_semaphore, #tpu.memory_space<semaphore_mem>>)
      %dma_wait3A_324 = arith.constant 0 : i32
      %dma_wait3A_325 = tpu.memref_slice %arg4[%arg0, %mul3A_317, %dma_wait3A_324] : memref<2x10240x128xf32, #tpu.memory_space<hbm>> -> memref<1x640x128xf32, #tpu.memory_space<hbm>>
      %dma_wait3A_326 = tpu.memref_squeeze %dma_wait3A_325 : memref<1x640x128xf32, #tpu.memory_space<hbm>> -> memref<640x128xf32, #tpu.memory_space<hbm>>
      %dma_wait3A_327 = arith.constant 0 : i32
      %dma_wait3A_328 = tpu.memref_slice %arg10[%mul3A_315, %dma_wait3A_327] : memref<10240x128xf32, #tpu.memory_space<vmem_shared>> -> memref<640x128xf32, #tpu.memory_space<vmem_shared>>
      tpu.wait_dma2 semaphore(%run_scoped3A_318 : memref<!tpu.dma_semaphore, #tpu.memory_space<semaphore_mem>>) src(%dma_wait3A_328 : memref<640x128xf32, #tpu.memory_space<vmem_shared>>) dst(%dma_wait3A_326 : memref<640x128xf32, #tpu.memory_space<hbm>>)
      tpu.yield
    }) : () -> ()
    return
  }
}

#map = affine_map<(d0, d1) -> (0, 0)>
#map1 = affine_map<(d0, d1) -> (0, 0, 0, 0)>
#map2 = affine_map<(d0, d1) -> (0, 0, 0)>
module attributes {stable_mosaic.version = 14 : i64} {
  func.func @body(%arg0: i32, %arg1: i32, %arg2: memref<10000x128xf32, #tpu.memory_space<hbm>>, %arg3: memref<32x5x50x80xi32, #tpu.memory_space<hbm>>, %arg4: memref<2x10240x128xf32, #tpu.memory_space<hbm>>, %arg5: memref<32x10240xf32, #tpu.memory_space<hbm>>, %arg6: memref<50x80xi32, #tpu.memory_space<vmem>>, %arg7: memref<10240xf32, #tpu.memory_space<vmem>>, %arg8: memref<80x128xf32, #tpu.memory_space<vmem>>, %arg9: memref<80x128xf32, #tpu.memory_space<vmem>>, %arg10: memref<80x128xf32, #tpu.memory_space<vmem>>, %arg11: memref<10240x128xf32, #tpu.memory_space<vmem_shared>>, %arg12: memref<!tpu.dma_semaphore, #tpu.memory_space<semaphore_mem>>, %arg13: memref<!tpu.dma_semaphore, #tpu.memory_space<semaphore_mem>>, %arg14: memref<!tpu.dma_semaphore, #tpu.memory_space<semaphore_mem>>, %arg15: memref<!tpu.dma_semaphore, #tpu.memory_space<semaphore_mem>>) attributes {dimension_semantics = [#tpu.dimension_semantics<core_parallel>, #tpu.dimension_semantics<subcore_parallel>], iteration_bounds = array<i64: 2, 16>, scalar_prefetch = 0 : i64, scratch_operands = 10 : i64, tpu.core_type = #tpu.core_type<sc_vector_subcore>, window_params = [{transform_indices = #map}, {transform_indices = #map1}, {transform_indices = #map2}, {transform_indices = #map}]} {
    %mul3A = arith.constant 2 : i32
    %mul3A_0 = arith.muli %arg1, %mul3A : i32
    %add3A = arith.addi %mul3A_0, %arg0 : i32
    %scan3A = arith.constant 0 : i32
    %scan3A_1 = arith.constant 0 : i32
    %scan3A_2 = arith.constant 640 : i32
    %scan3A_3 = arith.addi %scan3A_1, %scan3A_2 : i32
    %scan3A_4 = arith.constant 1 : i32
    %scan3A_5 = scf.for %scan3A_424 = %scan3A_1 to %scan3A_3 step %scan3A_4 iter_args(%scan3A_425 = %scan3A) -> (i32)  : i32 {
      %broadcast_in_dim3A_426 = arith.constant 0.000000e+00 : f32
      %broadcast_in_dim3A_427 = vector.broadcast %broadcast_in_dim3A_426 : f32 to vector<16xf32>
      %mul3A_428 = arith.constant 16 : i32
      %mul3A_429 = arith.muli %scan3A_424, %mul3A_428 : i32
      %swap3A = arith.index_cast %mul3A_429 : i32 to index
      %swap3A_430 = tpu.vector_load %arg7[%swap3A] {strides = array<i32>} : memref<10240xf32, #tpu.memory_space<vmem>>, vector<16xf32>,
      tpu.vector_store %arg7[%swap3A], %broadcast_in_dim3A_427 {strides = array<i32>} : memref<10240xf32, #tpu.memory_space<vmem>>, vector<16xf32>,
      %scan3A_431 = arith.constant 0 : i32
      scf.yield %scan3A_431 : i32
    }
    %scan3A_6 = arith.constant 640 : i32
    %scan3A_7 = arith.constant 0 : i32
    %scan3A_8 = arith.constant 0 : i32
    %scan3A_9 = arith.constant 640 : i32
    %scan3A_10 = arith.addi %scan3A_8, %scan3A_9 : i32
    %scan3A_11 = arith.constant 1 : i32
    %scan3A_12 = scf.for %scan3A_424 = %scan3A_8 to %scan3A_10 step %scan3A_11 iter_args(%scan3A_425 = %scan3A_7) -> (i32)  : i32 {
      %jit3A = arith.constant 8 : i32
      %div3A = arith.divsi %scan3A_424, %jit3A : i32
      %sign3A = arith.constant 0 : i32
      %sign3A_426 = arith.cmpi sgt, %scan3A_424, %sign3A : i32
      %sign3A_427 = arith.extui %sign3A_426 : i1 to i32
      %sign3A_428 = arith.constant 0 : i32
      %sign3A_429 = arith.cmpi slt, %scan3A_424, %sign3A_428 : i32
      %sign3A_430 = arith.extui %sign3A_429 : i1 to i32
      %sign3A_431 = arith.subi %sign3A_427, %sign3A_430 : i32
      %sign3A_432 = arith.constant 0 : i32
      %sign3A_433 = arith.cmpi sgt, %jit3A, %sign3A_432 : i32
      %sign3A_434 = arith.extui %sign3A_433 : i1 to i32
      %sign3A_435 = arith.constant 0 : i32
      %sign3A_436 = arith.cmpi slt, %jit3A, %sign3A_435 : i32
      %sign3A_437 = arith.extui %sign3A_436 : i1 to i32
      %sign3A_438 = arith.subi %sign3A_434, %sign3A_437 : i32
      %ne3A = arith.cmpi ne, %sign3A_431, %sign3A_438 : i32
      %rem3A = arith.remsi %scan3A_424, %jit3A : i32
      %ne3A_439 = arith.constant 0 : i32
      %ne3A_440 = arith.cmpi ne, %rem3A, %ne3A_439 : i32
      %and3A = arith.andi %ne3A, %ne3A_440 : i1
      %sub3A = arith.constant 1 : i32
      %sub3A_441 = arith.subi %div3A, %sub3A : i32
      %select_n3A = arith.select %and3A, %sub3A_441, %div3A : i32
      %jit3A_442 = arith.constant 8 : i32
      %eq3A = arith.constant 0 : i32
      %eq3A_443 = arith.cmpi eq, %jit3A_442, %eq3A : i32
      %jit3A_444 = arith.constant 1 : i32
      %select_n3A_445 = arith.select %eq3A_443, %jit3A_444, %jit3A_442 : i32
      %rem3A_446 = arith.remsi %scan3A_424, %select_n3A_445 : i32
      %ne3A_447 = arith.constant 0 : i32
      %ne3A_448 = arith.cmpi ne, %rem3A_446, %ne3A_447 : i32
      %lt3A = arith.constant 0 : i32
      %lt3A_449 = arith.cmpi slt, %rem3A_446, %lt3A : i32
      %lt3A_450 = arith.constant 0 : i32
      %lt3A_451 = arith.cmpi slt, %select_n3A_445, %lt3A_450 : i32
      %ne3A_452 = arith.xori %lt3A_449, %lt3A_451 : i1
      %and3A_453 = arith.andi %ne3A_452, %ne3A_448 : i1
      %add3A_454 = arith.addi %rem3A_446, %select_n3A_445 : i32
      %select_n3A_455 = arith.select %and3A_453, %add3A_454, %rem3A_446 : i32
      %broadcast_in_dim3A_456 = arith.constant 0.000000e+00 : f32
      %broadcast_in_dim3A_457 = vector.broadcast %broadcast_in_dim3A_456 : f32 to vector<16xf32>
      %mul3A_458 = arith.constant 16 : i32
      %mul3A_459 = arith.muli %select_n3A_455, %mul3A_458 : i32
      %swap3A = arith.index_cast %select_n3A : i32 to index
      %swap3A_460 = arith.index_cast %mul3A_459 : i32 to index
      %swap3A_461 = tpu.vector_load %arg8[%swap3A, %swap3A_460] {strides = array<i32>} : memref<80x128xf32, #tpu.memory_space<vmem>>, vector<16xf32>,
      tpu.vector_store %arg8[%swap3A, %swap3A_460], %broadcast_in_dim3A_457 {strides = array<i32>} : memref<80x128xf32, #tpu.memory_space<vmem>>, vector<16xf32>,
      %scan3A_462 = arith.constant 0 : i32
      scf.yield %scan3A_462 : i32
    }
    %scan3A_13 = arith.constant 640 : i32
    %mul3A_14 = arith.constant 640 : i32
    %mul3A_15 = arith.muli %arg1, %mul3A_14 : i32
    %add3A_16 = arith.constant 0 : i32
    %add3A_17 = arith.addi %mul3A_15, %add3A_16 : i32
    %dma_start3A = arith.constant 0 : i32
    %dma_start3A_18 = tpu.memref_slice %arg11[%add3A_17, %dma_start3A] : memref<10240x128xf32, #tpu.memory_space<vmem_shared>> -> memref<80x128xf32, #tpu.memory_space<vmem_shared>>
    %dma_start3A_19 = arith.constant 0 : i32
    %dma_start3A_20 = tpu.memref_slice %arg11[%add3A_17, %dma_start3A_19] : memref<10240x128xf32, #tpu.memory_space<vmem_shared>> -> memref<80x128xf32, #tpu.memory_space<vmem_shared>>
    tpu.enqueue_dma source(%arg8 : memref<80x128xf32, #tpu.memory_space<vmem>>) target(%dma_start3A_20 : memref<80x128xf32, #tpu.memory_space<vmem_shared>>) target_semaphore(%arg12 : memref<!tpu.dma_semaphore, #tpu.memory_space<semaphore_mem>>)
    %add3A_21 = arith.constant 80 : i32
    %add3A_22 = arith.addi %mul3A_15, %add3A_21 : i32
    %dma_start3A_23 = arith.constant 0 : i32
    %dma_start3A_24 = tpu.memref_slice %arg11[%add3A_22, %dma_start3A_23] : memref<10240x128xf32, #tpu.memory_space<vmem_shared>> -> memref<80x128xf32, #tpu.memory_space<vmem_shared>>
    %dma_start3A_25 = arith.constant 0 : i32
    %dma_start3A_26 = tpu.memref_slice %arg11[%add3A_22, %dma_start3A_25] : memref<10240x128xf32, #tpu.memory_space<vmem_shared>> -> memref<80x128xf32, #tpu.memory_space<vmem_shared>>
    tpu.enqueue_dma source(%arg8 : memref<80x128xf32, #tpu.memory_space<vmem>>) target(%dma_start3A_26 : memref<80x128xf32, #tpu.memory_space<vmem_shared>>) target_semaphore(%arg12 : memref<!tpu.dma_semaphore, #tpu.memory_space<semaphore_mem>>)
    %add3A_27 = arith.constant 160 : i32
    %add3A_28 = arith.addi %mul3A_15, %add3A_27 : i32
    %dma_start3A_29 = arith.constant 0 : i32
    %dma_start3A_30 = tpu.memref_slice %arg11[%add3A_28, %dma_start3A_29] : memref<10240x128xf32, #tpu.memory_space<vmem_shared>> -> memref<80x128xf32, #tpu.memory_space<vmem_shared>>
    %dma_start3A_31 = arith.constant 0 : i32
    %dma_start3A_32 = tpu.memref_slice %arg11[%add3A_28, %dma_start3A_31] : memref<10240x128xf32, #tpu.memory_space<vmem_shared>> -> memref<80x128xf32, #tpu.memory_space<vmem_shared>>
    tpu.enqueue_dma source(%arg8 : memref<80x128xf32, #tpu.memory_space<vmem>>) target(%dma_start3A_32 : memref<80x128xf32, #tpu.memory_space<vmem_shared>>) target_semaphore(%arg12 : memref<!tpu.dma_semaphore, #tpu.memory_space<semaphore_mem>>)
    %add3A_33 = arith.constant 240 : i32
    %add3A_34 = arith.addi %mul3A_15, %add3A_33 : i32
    %dma_start3A_35 = arith.constant 0 : i32
    %dma_start3A_36 = tpu.memref_slice %arg11[%add3A_34, %dma_start3A_35] : memref<10240x128xf32, #tpu.memory_space<vmem_shared>> -> memref<80x128xf32, #tpu.memory_space<vmem_shared>>
    %dma_start3A_37 = arith.constant 0 : i32
    %dma_start3A_38 = tpu.memref_slice %arg11[%add3A_34, %dma_start3A_37] : memref<10240x128xf32, #tpu.memory_space<vmem_shared>> -> memref<80x128xf32, #tpu.memory_space<vmem_shared>>
    tpu.enqueue_dma source(%arg8 : memref<80x128xf32, #tpu.memory_space<vmem>>) target(%dma_start3A_38 : memref<80x128xf32, #tpu.memory_space<vmem_shared>>) target_semaphore(%arg12 : memref<!tpu.dma_semaphore, #tpu.memory_space<semaphore_mem>>)
    %add3A_39 = arith.constant 320 : i32
    %add3A_40 = arith.addi %mul3A_15, %add3A_39 : i32
    %dma_start3A_41 = arith.constant 0 : i32
    %dma_start3A_42 = tpu.memref_slice %arg11[%add3A_40, %dma_start3A_41] : memref<10240x128xf32, #tpu.memory_space<vmem_shared>> -> memref<80x128xf32, #tpu.memory_space<vmem_shared>>
    %dma_start3A_43 = arith.constant 0 : i32
    %dma_start3A_44 = tpu.memref_slice %arg11[%add3A_40, %dma_start3A_43] : memref<10240x128xf32, #tpu.memory_space<vmem_shared>> -> memref<80x128xf32, #tpu.memory_space<vmem_shared>>
    tpu.enqueue_dma source(%arg8 : memref<80x128xf32, #tpu.memory_space<vmem>>) target(%dma_start3A_44 : memref<80x128xf32, #tpu.memory_space<vmem_shared>>) target_semaphore(%arg12 : memref<!tpu.dma_semaphore, #tpu.memory_space<semaphore_mem>>)
    %add3A_45 = arith.constant 400 : i32
    %add3A_46 = arith.addi %mul3A_15, %add3A_45 : i32
    %dma_start3A_47 = arith.constant 0 : i32
    %dma_start3A_48 = tpu.memref_slice %arg11[%add3A_46, %dma_start3A_47] : memref<10240x128xf32, #tpu.memory_space<vmem_shared>> -> memref<80x128xf32, #tpu.memory_space<vmem_shared>>
    %dma_start3A_49 = arith.constant 0 : i32
    %dma_start3A_50 = tpu.memref_slice %arg11[%add3A_46, %dma_start3A_49] : memref<10240x128xf32, #tpu.memory_space<vmem_shared>> -> memref<80x128xf32, #tpu.memory_space<vmem_shared>>
    tpu.enqueue_dma source(%arg8 : memref<80x128xf32, #tpu.memory_space<vmem>>) target(%dma_start3A_50 : memref<80x128xf32, #tpu.memory_space<vmem_shared>>) target_semaphore(%arg12 : memref<!tpu.dma_semaphore, #tpu.memory_space<semaphore_mem>>)
    %add3A_51 = arith.constant 480 : i32
    %add3A_52 = arith.addi %mul3A_15, %add3A_51 : i32
    %dma_start3A_53 = arith.constant 0 : i32
    %dma_start3A_54 = tpu.memref_slice %arg11[%add3A_52, %dma_start3A_53] : memref<10240x128xf32, #tpu.memory_space<vmem_shared>> -> memref<80x128xf32, #tpu.memory_space<vmem_shared>>
    %dma_start3A_55 = arith.constant 0 : i32
    %dma_start3A_56 = tpu.memref_slice %arg11[%add3A_52, %dma_start3A_55] : memref<10240x128xf32, #tpu.memory_space<vmem_shared>> -> memref<80x128xf32, #tpu.memory_space<vmem_shared>>
    tpu.enqueue_dma source(%arg8 : memref<80x128xf32, #tpu.memory_space<vmem>>) target(%dma_start3A_56 : memref<80x128xf32, #tpu.memory_space<vmem_shared>>) target_semaphore(%arg12 : memref<!tpu.dma_semaphore, #tpu.memory_space<semaphore_mem>>)
    %add3A_57 = arith.constant 560 : i32
    %add3A_58 = arith.addi %mul3A_15, %add3A_57 : i32
    %dma_start3A_59 = arith.constant 0 : i32
    %dma_start3A_60 = tpu.memref_slice %arg11[%add3A_58, %dma_start3A_59] : memref<10240x128xf32, #tpu.memory_space<vmem_shared>> -> memref<80x128xf32, #tpu.memory_space<vmem_shared>>
    %dma_start3A_61 = arith.constant 0 : i32
    %dma_start3A_62 = tpu.memref_slice %arg11[%add3A_58, %dma_start3A_61] : memref<10240x128xf32, #tpu.memory_space<vmem_shared>> -> memref<80x128xf32, #tpu.memory_space<vmem_shared>>
    tpu.enqueue_dma source(%arg8 : memref<80x128xf32, #tpu.memory_space<vmem>>) target(%dma_start3A_62 : memref<80x128xf32, #tpu.memory_space<vmem_shared>>) target_semaphore(%arg12 : memref<!tpu.dma_semaphore, #tpu.memory_space<semaphore_mem>>)
    %add3A_63 = arith.constant 0 : i32
    %add3A_64 = arith.addi %mul3A_15, %add3A_63 : i32
    %dma_wait3A = arith.constant 0 : i32
    %dma_wait3A_65 = tpu.memref_slice %arg11[%add3A_64, %dma_wait3A] : memref<10240x128xf32, #tpu.memory_space<vmem_shared>> -> memref<80x128xf32, #tpu.memory_space<vmem_shared>>
    %dma_wait3A_66 = arith.constant 0 : i32
    %dma_wait3A_67 = tpu.memref_slice %arg11[%add3A_64, %dma_wait3A_66] : memref<10240x128xf32, #tpu.memory_space<vmem_shared>> -> memref<80x128xf32, #tpu.memory_space<vmem_shared>>
    tpu.wait_dma2 semaphore(%arg12 : memref<!tpu.dma_semaphore, #tpu.memory_space<semaphore_mem>>) src(%arg8 : memref<80x128xf32, #tpu.memory_space<vmem>>) dst(%dma_wait3A_67 : memref<80x128xf32, #tpu.memory_space<vmem_shared>>)
    %add3A_68 = arith.constant 80 : i32
    %add3A_69 = arith.addi %mul3A_15, %add3A_68 : i32
    %dma_wait3A_70 = arith.constant 0 : i32
    %dma_wait3A_71 = tpu.memref_slice %arg11[%add3A_69, %dma_wait3A_70] : memref<10240x128xf32, #tpu.memory_space<vmem_shared>> -> memref<80x128xf32, #tpu.memory_space<vmem_shared>>
    %dma_wait3A_72 = arith.constant 0 : i32
    %dma_wait3A_73 = tpu.memref_slice %arg11[%add3A_69, %dma_wait3A_72] : memref<10240x128xf32, #tpu.memory_space<vmem_shared>> -> memref<80x128xf32, #tpu.memory_space<vmem_shared>>
    tpu.wait_dma2 semaphore(%arg12 : memref<!tpu.dma_semaphore, #tpu.memory_space<semaphore_mem>>) src(%arg8 : memref<80x128xf32, #tpu.memory_space<vmem>>) dst(%dma_wait3A_73 : memref<80x128xf32, #tpu.memory_space<vmem_shared>>)
    %add3A_74 = arith.constant 160 : i32
    %add3A_75 = arith.addi %mul3A_15, %add3A_74 : i32
    %dma_wait3A_76 = arith.constant 0 : i32
    %dma_wait3A_77 = tpu.memref_slice %arg11[%add3A_75, %dma_wait3A_76] : memref<10240x128xf32, #tpu.memory_space<vmem_shared>> -> memref<80x128xf32, #tpu.memory_space<vmem_shared>>
    %dma_wait3A_78 = arith.constant 0 : i32
    %dma_wait3A_79 = tpu.memref_slice %arg11[%add3A_75, %dma_wait3A_78] : memref<10240x128xf32, #tpu.memory_space<vmem_shared>> -> memref<80x128xf32, #tpu.memory_space<vmem_shared>>
    tpu.wait_dma2 semaphore(%arg12 : memref<!tpu.dma_semaphore, #tpu.memory_space<semaphore_mem>>) src(%arg8 : memref<80x128xf32, #tpu.memory_space<vmem>>) dst(%dma_wait3A_79 : memref<80x128xf32, #tpu.memory_space<vmem_shared>>)
    %add3A_80 = arith.constant 240 : i32
    %add3A_81 = arith.addi %mul3A_15, %add3A_80 : i32
    %dma_wait3A_82 = arith.constant 0 : i32
    %dma_wait3A_83 = tpu.memref_slice %arg11[%add3A_81, %dma_wait3A_82] : memref<10240x128xf32, #tpu.memory_space<vmem_shared>> -> memref<80x128xf32, #tpu.memory_space<vmem_shared>>
    %dma_wait3A_84 = arith.constant 0 : i32
    %dma_wait3A_85 = tpu.memref_slice %arg11[%add3A_81, %dma_wait3A_84] : memref<10240x128xf32, #tpu.memory_space<vmem_shared>> -> memref<80x128xf32, #tpu.memory_space<vmem_shared>>
    tpu.wait_dma2 semaphore(%arg12 : memref<!tpu.dma_semaphore, #tpu.memory_space<semaphore_mem>>) src(%arg8 : memref<80x128xf32, #tpu.memory_space<vmem>>) dst(%dma_wait3A_85 : memref<80x128xf32, #tpu.memory_space<vmem_shared>>)
    %add3A_86 = arith.constant 320 : i32
    %add3A_87 = arith.addi %mul3A_15, %add3A_86 : i32
    %dma_wait3A_88 = arith.constant 0 : i32
    %dma_wait3A_89 = tpu.memref_slice %arg11[%add3A_87, %dma_wait3A_88] : memref<10240x128xf32, #tpu.memory_space<vmem_shared>> -> memref<80x128xf32, #tpu.memory_space<vmem_shared>>
    %dma_wait3A_90 = arith.constant 0 : i32
    %dma_wait3A_91 = tpu.memref_slice %arg11[%add3A_87, %dma_wait3A_90] : memref<10240x128xf32, #tpu.memory_space<vmem_shared>> -> memref<80x128xf32, #tpu.memory_space<vmem_shared>>
    tpu.wait_dma2 semaphore(%arg12 : memref<!tpu.dma_semaphore, #tpu.memory_space<semaphore_mem>>) src(%arg8 : memref<80x128xf32, #tpu.memory_space<vmem>>) dst(%dma_wait3A_91 : memref<80x128xf32, #tpu.memory_space<vmem_shared>>)
    %add3A_92 = arith.constant 400 : i32
    %add3A_93 = arith.addi %mul3A_15, %add3A_92 : i32
    %dma_wait3A_94 = arith.constant 0 : i32
    %dma_wait3A_95 = tpu.memref_slice %arg11[%add3A_93, %dma_wait3A_94] : memref<10240x128xf32, #tpu.memory_space<vmem_shared>> -> memref<80x128xf32, #tpu.memory_space<vmem_shared>>
    %dma_wait3A_96 = arith.constant 0 : i32
    %dma_wait3A_97 = tpu.memref_slice %arg11[%add3A_93, %dma_wait3A_96] : memref<10240x128xf32, #tpu.memory_space<vmem_shared>> -> memref<80x128xf32, #tpu.memory_space<vmem_shared>>
    tpu.wait_dma2 semaphore(%arg12 : memref<!tpu.dma_semaphore, #tpu.memory_space<semaphore_mem>>) src(%arg8 : memref<80x128xf32, #tpu.memory_space<vmem>>) dst(%dma_wait3A_97 : memref<80x128xf32, #tpu.memory_space<vmem_shared>>)
    %add3A_98 = arith.constant 480 : i32
    %add3A_99 = arith.addi %mul3A_15, %add3A_98 : i32
    %dma_wait3A_100 = arith.constant 0 : i32
    %dma_wait3A_101 = tpu.memref_slice %arg11[%add3A_99, %dma_wait3A_100] : memref<10240x128xf32, #tpu.memory_space<vmem_shared>> -> memref<80x128xf32, #tpu.memory_space<vmem_shared>>
    %dma_wait3A_102 = arith.constant 0 : i32
    %dma_wait3A_103 = tpu.memref_slice %arg11[%add3A_99, %dma_wait3A_102] : memref<10240x128xf32, #tpu.memory_space<vmem_shared>> -> memref<80x128xf32, #tpu.memory_space<vmem_shared>>
    tpu.wait_dma2 semaphore(%arg12 : memref<!tpu.dma_semaphore, #tpu.memory_space<semaphore_mem>>) src(%arg8 : memref<80x128xf32, #tpu.memory_space<vmem>>) dst(%dma_wait3A_103 : memref<80x128xf32, #tpu.memory_space<vmem_shared>>)
    %add3A_104 = arith.constant 560 : i32
    %add3A_105 = arith.addi %mul3A_15, %add3A_104 : i32
    %dma_wait3A_106 = arith.constant 0 : i32
    %dma_wait3A_107 = tpu.memref_slice %arg11[%add3A_105, %dma_wait3A_106] : memref<10240x128xf32, #tpu.memory_space<vmem_shared>> -> memref<80x128xf32, #tpu.memory_space<vmem_shared>>
    %dma_wait3A_108 = arith.constant 0 : i32
    %dma_wait3A_109 = tpu.memref_slice %arg11[%add3A_105, %dma_wait3A_108] : memref<10240x128xf32, #tpu.memory_space<vmem_shared>> -> memref<80x128xf32, #tpu.memory_space<vmem_shared>>
    tpu.wait_dma2 semaphore(%arg12 : memref<!tpu.dma_semaphore, #tpu.memory_space<semaphore_mem>>) src(%arg8 : memref<80x128xf32, #tpu.memory_space<vmem>>) dst(%dma_wait3A_109 : memref<80x128xf32, #tpu.memory_space<vmem_shared>>)
    %barrier3A = arith.constant 0 : index
    tpu.barrier barrier_id(%barrier3A)
    %broadcast_in_dim3A = arith.constant 1.000000e+00 : f32
    %broadcast_in_dim3A_110 = vector.broadcast %broadcast_in_dim3A : f32 to vector<16xf32>
    %run_scoped3A = arith.constant 0 : i32
    "tpu.region"() ({
      %run_scoped3A_424 = tpu.sem_alloc : memref<!tpu.dma_semaphore, #tpu.memory_space<semaphore_mem>>
      %dma_start3A_425 = arith.constant 0 : i32
      %dma_start3A_426 = arith.constant 0 : i32
      %dma_start3A_427 = tpu.memref_slice %arg3[%add3A, %run_scoped3A, %dma_start3A_425, %dma_start3A_426] : memref<32x5x50x80xi32, #tpu.memory_space<hbm>> -> memref<1x1x50x80xi32, #tpu.memory_space<hbm>>
      %dma_start3A_428 = tpu.memref_squeeze %dma_start3A_427 : memref<1x1x50x80xi32, #tpu.memory_space<hbm>> -> memref<50x80xi32, #tpu.memory_space<hbm>>
      %dma_start3A_429 = arith.constant 0 : i32
      %dma_start3A_430 = arith.constant 0 : i32
      %dma_start3A_431 = tpu.memref_slice %arg3[%add3A, %run_scoped3A, %dma_start3A_429, %dma_start3A_430] : memref<32x5x50x80xi32, #tpu.memory_space<hbm>> -> memref<1x1x50x80xi32, #tpu.memory_space<hbm>>
      %dma_start3A_432 = tpu.memref_squeeze %dma_start3A_431 : memref<1x1x50x80xi32, #tpu.memory_space<hbm>> -> memref<50x80xi32, #tpu.memory_space<hbm>>
      tpu.enqueue_dma source(%dma_start3A_432 : memref<50x80xi32, #tpu.memory_space<hbm>>) target(%arg6 : memref<50x80xi32, #tpu.memory_space<vmem>>) target_semaphore(%run_scoped3A_424 : memref<!tpu.dma_semaphore, #tpu.memory_space<semaphore_mem>>)
      %dma_wait3A_433 = arith.constant 0 : i32
      %dma_wait3A_434 = arith.constant 0 : i32
      %dma_wait3A_435 = tpu.memref_slice %arg3[%add3A, %run_scoped3A, %dma_wait3A_433, %dma_wait3A_434] : memref<32x5x50x80xi32, #tpu.memory_space<hbm>> -> memref<1x1x50x80xi32, #tpu.memory_space<hbm>>
      %dma_wait3A_436 = tpu.memref_squeeze %dma_wait3A_435 : memref<1x1x50x80xi32, #tpu.memory_space<hbm>> -> memref<50x80xi32, #tpu.memory_space<hbm>>
      %dma_wait3A_437 = arith.constant 0 : i32
      %dma_wait3A_438 = arith.constant 0 : i32
      %dma_wait3A_439 = tpu.memref_slice %arg3[%add3A, %run_scoped3A, %dma_wait3A_437, %dma_wait3A_438] : memref<32x5x50x80xi32, #tpu.memory_space<hbm>> -> memref<1x1x50x80xi32, #tpu.memory_space<hbm>>
      %dma_wait3A_440 = tpu.memref_squeeze %dma_wait3A_439 : memref<1x1x50x80xi32, #tpu.memory_space<hbm>> -> memref<50x80xi32, #tpu.memory_space<hbm>>
      tpu.wait_dma2 semaphore(%run_scoped3A_424 : memref<!tpu.dma_semaphore, #tpu.memory_space<semaphore_mem>>) src(%dma_wait3A_440 : memref<50x80xi32, #tpu.memory_space<hbm>>) dst(%arg6 : memref<50x80xi32, #tpu.memory_space<vmem>>)
      tpu.yield
    }) : () -> ()
    %dma_start3A_111 = arith.constant 0 : i32
    %dma_start3A_112 = arith.constant 0 : i32
    %dma_start3A_113 = tpu.memref_slice %arg6[%dma_start3A_111, %dma_start3A_112] : memref<50x80xi32, #tpu.memory_space<vmem>> -> memref<1x80xi32, #tpu.memory_space<vmem>>
    %dma_start3A_114 = tpu.memref_squeeze %dma_start3A_113 : memref<1x80xi32, #tpu.memory_space<vmem>> -> memref<80xi32, #tpu.memory_space<vmem>>
    %dma_start3A_115 = arith.constant 0 : i32
    %dma_start3A_116 = arith.constant 0 : i32
    %dma_start3A_117 = tpu.memref_slice %arg2[%dma_start3A_115, %dma_start3A_116] : memref<10000x128xf32, #tpu.memory_space<hbm>> -> memref<10000x128xf32, #tpu.memory_space<hbm>>
    tpu.enqueue_indirect_dma source(%dma_start3A_117 : memref<10000x128xf32, #tpu.memory_space<hbm>>) target(%arg8 : memref<80x128xf32, #tpu.memory_space<vmem>>) offsets(%dma_start3A_114 : memref<80xi32, #tpu.memory_space<vmem>>) semaphore(%arg12 : memref<!tpu.dma_semaphore, #tpu.memory_space<semaphore_mem>>)
    %dma_start3A_118 = arith.constant 1 : i32
    %dma_start3A_119 = arith.constant 0 : i32
    %dma_start3A_120 = tpu.memref_slice %arg6[%dma_start3A_118, %dma_start3A_119] : memref<50x80xi32, #tpu.memory_space<vmem>> -> memref<1x80xi32, #tpu.memory_space<vmem>>
    %dma_start3A_121 = tpu.memref_squeeze %dma_start3A_120 : memref<1x80xi32, #tpu.memory_space<vmem>> -> memref<80xi32, #tpu.memory_space<vmem>>
    %dma_start3A_122 = arith.constant 0 : i32
    %dma_start3A_123 = arith.constant 0 : i32
    %dma_start3A_124 = tpu.memref_slice %arg2[%dma_start3A_122, %dma_start3A_123] : memref<10000x128xf32, #tpu.memory_space<hbm>> -> memref<10000x128xf32, #tpu.memory_space<hbm>>
    tpu.enqueue_indirect_dma source(%dma_start3A_124 : memref<10000x128xf32, #tpu.memory_space<hbm>>) target(%arg9 : memref<80x128xf32, #tpu.memory_space<vmem>>) offsets(%dma_start3A_121 : memref<80xi32, #tpu.memory_space<vmem>>) semaphore(%arg13 : memref<!tpu.dma_semaphore, #tpu.memory_space<semaphore_mem>>)
    %scan3A_125 = arith.constant 0 : i32
    %scan3A_126 = arith.constant 0 : i32
    %scan3A_127 = arith.constant 8 : i32
    %scan3A_128 = arith.addi %scan3A_126, %scan3A_127 : i32
    %scan3A_129 = arith.constant 1 : i32
    scf.for %scan3A_424 = %scan3A_126 to %scan3A_128 step %scan3A_129  : i32 {
      %mul3A_425 = arith.constant 3 : i32
      %mul3A_426 = arith.muli %mul3A_425, %scan3A_424 : i32
      %add3A_427 = arith.constant 2 : i32
      %add3A_428 = arith.addi %mul3A_426, %add3A_427 : i32
      %dma_start3A_429 = arith.constant 0 : i32
      %dma_start3A_430 = tpu.memref_slice %arg6[%add3A_428, %dma_start3A_429] : memref<50x80xi32, #tpu.memory_space<vmem>> -> memref<1x80xi32, #tpu.memory_space<vmem>>
      %dma_start3A_431 = tpu.memref_squeeze %dma_start3A_430 : memref<1x80xi32, #tpu.memory_space<vmem>> -> memref<80xi32, #tpu.memory_space<vmem>>
      %dma_start3A_432 = arith.constant 0 : i32
      %dma_start3A_433 = arith.constant 0 : i32
      %dma_start3A_434 = tpu.memref_slice %arg2[%dma_start3A_432, %dma_start3A_433] : memref<10000x128xf32, #tpu.memory_space<hbm>> -> memref<10000x128xf32, #tpu.memory_space<hbm>>
      tpu.enqueue_indirect_dma source(%dma_start3A_434 : memref<10000x128xf32, #tpu.memory_space<hbm>>) target(%arg10 : memref<80x128xf32, #tpu.memory_space<vmem>>) offsets(%dma_start3A_431 : memref<80xi32, #tpu.memory_space<vmem>>) semaphore(%arg14 : memref<!tpu.dma_semaphore, #tpu.memory_space<semaphore_mem>>)
      %dma_wait3A_435 = arith.constant 0 : i32
      %dma_wait3A_436 = arith.constant 0 : i32
      %dma_wait3A_437 = tpu.memref_slice %arg6[%dma_wait3A_435, %dma_wait3A_436] : memref<50x80xi32, #tpu.memory_space<vmem>> -> memref<1x80xi32, #tpu.memory_space<vmem>>
      %dma_wait3A_438 = tpu.memref_squeeze %dma_wait3A_437 : memref<1x80xi32, #tpu.memory_space<vmem>> -> memref<80xi32, #tpu.memory_space<vmem>>
      %dma_wait3A_439 = arith.constant 0 : i32
      %dma_wait3A_440 = arith.constant 0 : i32
      %dma_wait3A_441 = tpu.memref_slice %arg2[%dma_wait3A_439, %dma_wait3A_440] : memref<10000x128xf32, #tpu.memory_space<hbm>> -> memref<10000x128xf32, #tpu.memory_space<hbm>>
      tpu.wait_indirect_dma semaphore(%arg12 : memref<!tpu.dma_semaphore, #tpu.memory_space<semaphore_mem>>) src(%dma_wait3A_441 : memref<10000x128xf32, #tpu.memory_space<hbm>>) dst(%arg8 : memref<80x128xf32, #tpu.memory_space<vmem>>)
      %add3A_442 = arith.constant 25 : i32
      %add3A_443 = arith.addi %add3A_442, %mul3A_426 : i32
      %dma_start3A_444 = arith.constant 0 : i32
      %dma_start3A_445 = tpu.memref_slice %arg6[%add3A_443, %dma_start3A_444] : memref<50x80xi32, #tpu.memory_space<vmem>> -> memref<1x80xi32, #tpu.memory_space<vmem>>
      %dma_start3A_446 = tpu.memref_squeeze %dma_start3A_445 : memref<1x80xi32, #tpu.memory_space<vmem>> -> memref<80xi32, #tpu.memory_space<vmem>>
      %dma_start3A_447 = arith.constant 0 : i32
      %dma_start3A_448 = arith.constant 0 : i32
      %dma_start3A_449 = tpu.memref_slice %arg11[%dma_start3A_447, %dma_start3A_448] : memref<10240x128xf32, #tpu.memory_space<vmem_shared>> -> memref<10240x128xf32, #tpu.memory_space<vmem_shared>>
      tpu.enqueue_indirect_dma source(%arg8 : memref<80x128xf32, #tpu.memory_space<vmem>>) target(%dma_start3A_449 : memref<10240x128xf32, #tpu.memory_space<vmem_shared>>) offsets(%dma_start3A_446 : memref<80xi32, #tpu.memory_space<vmem>>) semaphore(%arg15 : memref<!tpu.dma_semaphore, #tpu.memory_space<semaphore_mem>>) {add = true}
      %add3A_450 = arith.constant 25 : i32
      %add3A_451 = arith.addi %add3A_450, %mul3A_426 : i32
      %get3A_452 = arith.index_cast %add3A_451 : i32 to index
      %get3A_453 = arith.constant 0 : index
      %get3A_454 = tpu.vector_load %arg6[%get3A_452, %get3A_453] {strides = array<i32>} : memref<50x80xi32, #tpu.memory_space<vmem>>, vector<16xi32>,
      tpu.vector_store_idx %arg7[%get3A_454], %broadcast_in_dim3A_110 {add = true} : memref<10240xf32, #tpu.memory_space<vmem>>[vector<16xi32>], vector<16xf32>,
      %add3A_455 = arith.constant 25 : i32
      %add3A_456 = arith.addi %add3A_455, %mul3A_426 : i32
      %get3A_457 = arith.index_cast %add3A_456 : i32 to index
      %get3A_458 = arith.constant 16 : index
      %get3A_459 = tpu.vector_load %arg6[%get3A_457, %get3A_458] {strides = array<i32>} : memref<50x80xi32, #tpu.memory_space<vmem>>, vector<16xi32>,
      tpu.vector_store_idx %arg7[%get3A_459], %broadcast_in_dim3A_110 {add = true} : memref<10240xf32, #tpu.memory_space<vmem>>[vector<16xi32>], vector<16xf32>,
      %add3A_460 = arith.constant 25 : i32
      %add3A_461 = arith.addi %add3A_460, %mul3A_426 : i32
      %get3A_462 = arith.index_cast %add3A_461 : i32 to index
      %get3A_463 = arith.constant 32 : index
      %get3A_464 = tpu.vector_load %arg6[%get3A_462, %get3A_463] {strides = array<i32>} : memref<50x80xi32, #tpu.memory_space<vmem>>, vector<16xi32>,
      tpu.vector_store_idx %arg7[%get3A_464], %broadcast_in_dim3A_110 {add = true} : memref<10240xf32, #tpu.memory_space<vmem>>[vector<16xi32>], vector<16xf32>,
      %add3A_465 = arith.constant 25 : i32
      %add3A_466 = arith.addi %add3A_465, %mul3A_426 : i32
      %get3A_467 = arith.index_cast %add3A_466 : i32 to index
      %get3A_468 = arith.constant 48 : index
      %get3A_469 = tpu.vector_load %arg6[%get3A_467, %get3A_468] {strides = array<i32>} : memref<50x80xi32, #tpu.memory_space<vmem>>, vector<16xi32>,
      tpu.vector_store_idx %arg7[%get3A_469], %broadcast_in_dim3A_110 {add = true} : memref<10240xf32, #tpu.memory_space<vmem>>[vector<16xi32>], vector<16xf32>,
      %add3A_470 = arith.constant 25 : i32
      %add3A_471 = arith.addi %add3A_470, %mul3A_426 : i32
      %get3A_472 = arith.index_cast %add3A_471 : i32 to index
      %get3A_473 = arith.constant 64 : index
      %get3A_474 = tpu.vector_load %arg6[%get3A_472, %get3A_473] {strides = array<i32>} : memref<50x80xi32, #tpu.memory_space<vmem>>, vector<16xi32>,
      tpu.vector_store_idx %arg7[%get3A_474], %broadcast_in_dim3A_110 {add = true} : memref<10240xf32, #tpu.memory_space<vmem>>[vector<16xi32>], vector<16xf32>,
      %dma_wait3A_475 = arith.constant 0 : i32
      %dma_wait3A_476 = arith.constant 0 : i32
      %dma_wait3A_477 = tpu.memref_slice %arg6[%dma_wait3A_475, %dma_wait3A_476] : memref<50x80xi32, #tpu.memory_space<vmem>> -> memref<1x80xi32, #tpu.memory_space<vmem>>
      %dma_wait3A_478 = tpu.memref_squeeze %dma_wait3A_477 : memref<1x80xi32, #tpu.memory_space<vmem>> -> memref<80xi32, #tpu.memory_space<vmem>>
      %dma_wait3A_479 = arith.constant 0 : i32
      %dma_wait3A_480 = arith.constant 0 : i32
      %dma_wait3A_481 = tpu.memref_slice %arg2[%dma_wait3A_479, %dma_wait3A_480] : memref<10000x128xf32, #tpu.memory_space<hbm>> -> memref<10000x128xf32, #tpu.memory_space<hbm>>
      tpu.wait_indirect_dma semaphore(%arg13 : memref<!tpu.dma_semaphore, #tpu.memory_space<semaphore_mem>>) src(%dma_wait3A_481 : memref<10000x128xf32, #tpu.memory_space<hbm>>) dst(%arg9 : memref<80x128xf32, #tpu.memory_space<vmem>>)
      %dma_wait3A_482 = arith.constant 25 : i32
      %dma_wait3A_483 = arith.constant 0 : i32
      %dma_wait3A_484 = tpu.memref_slice %arg6[%dma_wait3A_482, %dma_wait3A_483] : memref<50x80xi32, #tpu.memory_space<vmem>> -> memref<1x80xi32, #tpu.memory_space<vmem>>
      %dma_wait3A_485 = tpu.memref_squeeze %dma_wait3A_484 : memref<1x80xi32, #tpu.memory_space<vmem>> -> memref<80xi32, #tpu.memory_space<vmem>>
      %dma_wait3A_486 = arith.constant 0 : i32
      %dma_wait3A_487 = arith.constant 0 : i32
      %dma_wait3A_488 = tpu.memref_slice %arg11[%dma_wait3A_486, %dma_wait3A_487] : memref<10240x128xf32, #tpu.memory_space<vmem_shared>> -> memref<10240x128xf32, #tpu.memory_space<vmem_shared>>
      tpu.wait_indirect_dma semaphore(%arg15 : memref<!tpu.dma_semaphore, #tpu.memory_space<semaphore_mem>>) src(%arg8 : memref<80x128xf32, #tpu.memory_space<vmem>>) dst(%dma_wait3A_488 : memref<10240x128xf32, #tpu.memory_space<vmem_shared>>)
      %add3A_489 = arith.constant 3 : i32
      %add3A_490 = arith.addi %mul3A_426, %add3A_489 : i32
      %dma_start3A_491 = arith.constant 0 : i32
      %dma_start3A_492 = tpu.memref_slice %arg6[%add3A_490, %dma_start3A_491] : memref<50x80xi32, #tpu.memory_space<vmem>> -> memref<1x80xi32, #tpu.memory_space<vmem>>
      %dma_start3A_493 = tpu.memref_squeeze %dma_start3A_492 : memref<1x80xi32, #tpu.memory_space<vmem>> -> memref<80xi32, #tpu.memory_space<vmem>>
      %dma_start3A_494 = arith.constant 0 : i32
      %dma_start3A_495 = arith.constant 0 : i32
      %dma_start3A_496 = tpu.memref_slice %arg2[%dma_start3A_494, %dma_start3A_495] : memref<10000x128xf32, #tpu.memory_space<hbm>> -> memref<10000x128xf32, #tpu.memory_space<hbm>>
      tpu.enqueue_indirect_dma source(%dma_start3A_496 : memref<10000x128xf32, #tpu.memory_space<hbm>>) target(%arg8 : memref<80x128xf32, #tpu.memory_space<vmem>>) offsets(%dma_start3A_493 : memref<80xi32, #tpu.memory_space<vmem>>) semaphore(%arg12 : memref<!tpu.dma_semaphore, #tpu.memory_space<semaphore_mem>>)
      %add3A_497 = arith.constant 1 : i32
      %add3A_498 = arith.addi %mul3A_426, %add3A_497 : i32
      %add3A_499 = arith.constant 25 : i32
      %add3A_500 = arith.addi %add3A_499, %add3A_498 : i32
      %dma_start3A_501 = arith.constant 0 : i32
      %dma_start3A_502 = tpu.memref_slice %arg6[%add3A_500, %dma_start3A_501] : memref<50x80xi32, #tpu.memory_space<vmem>> -> memref<1x80xi32, #tpu.memory_space<vmem>>
      %dma_start3A_503 = tpu.memref_squeeze %dma_start3A_502 : memref<1x80xi32, #tpu.memory_space<vmem>> -> memref<80xi32, #tpu.memory_space<vmem>>
      %dma_start3A_504 = arith.constant 0 : i32
      %dma_start3A_505 = arith.constant 0 : i32
      %dma_start3A_506 = tpu.memref_slice %arg11[%dma_start3A_504, %dma_start3A_505] : memref<10240x128xf32, #tpu.memory_space<vmem_shared>> -> memref<10240x128xf32, #tpu.memory_space<vmem_shared>>
      tpu.enqueue_indirect_dma source(%arg9 : memref<80x128xf32, #tpu.memory_space<vmem>>) target(%dma_start3A_506 : memref<10240x128xf32, #tpu.memory_space<vmem_shared>>) offsets(%dma_start3A_503 : memref<80xi32, #tpu.memory_space<vmem>>) semaphore(%arg15 : memref<!tpu.dma_semaphore, #tpu.memory_space<semaphore_mem>>) {add = true}
      %add3A_507 = arith.constant 1 : i32
      %add3A_508 = arith.addi %mul3A_426, %add3A_507 : i32
      %add3A_509 = arith.constant 25 : i32
      %add3A_510 = arith.addi %add3A_509, %add3A_508 : i32
      %get3A_511 = arith.index_cast %add3A_510 : i32 to index
      %get3A_512 = arith.constant 0 : index
      %get3A_513 = tpu.vector_load %arg6[%get3A_511, %get3A_512] {strides = array<i32>} : memref<50x80xi32, #tpu.memory_space<vmem>>, vector<16xi32>,
      tpu.vector_store_idx %arg7[%get3A_513], %broadcast_in_dim3A_110 {add = true} : memref<10240xf32, #tpu.memory_space<vmem>>[vector<16xi32>], vector<16xf32>,
      %add3A_514 = arith.constant 25 : i32
      %add3A_515 = arith.addi %add3A_514, %add3A_508 : i32
      %get3A_516 = arith.index_cast %add3A_515 : i32 to index
      %get3A_517 = arith.constant 16 : index
      %get3A_518 = tpu.vector_load %arg6[%get3A_516, %get3A_517] {strides = array<i32>} : memref<50x80xi32, #tpu.memory_space<vmem>>, vector<16xi32>,
      tpu.vector_store_idx %arg7[%get3A_518], %broadcast_in_dim3A_110 {add = true} : memref<10240xf32, #tpu.memory_space<vmem>>[vector<16xi32>], vector<16xf32>,
      %add3A_519 = arith.constant 25 : i32
      %add3A_520 = arith.addi %add3A_519, %add3A_508 : i32
      %get3A_521 = arith.index_cast %add3A_520 : i32 to index
      %get3A_522 = arith.constant 32 : index
      %get3A_523 = tpu.vector_load %arg6[%get3A_521, %get3A_522] {strides = array<i32>} : memref<50x80xi32, #tpu.memory_space<vmem>>, vector<16xi32>,
      tpu.vector_store_idx %arg7[%get3A_523], %broadcast_in_dim3A_110 {add = true} : memref<10240xf32, #tpu.memory_space<vmem>>[vector<16xi32>], vector<16xf32>,
      %add3A_524 = arith.constant 25 : i32
      %add3A_525 = arith.addi %add3A_524, %add3A_508 : i32
      %get3A_526 = arith.index_cast %add3A_525 : i32 to index
      %get3A_527 = arith.constant 48 : index
      %get3A_528 = tpu.vector_load %arg6[%get3A_526, %get3A_527] {strides = array<i32>} : memref<50x80xi32, #tpu.memory_space<vmem>>, vector<16xi32>,
      tpu.vector_store_idx %arg7[%get3A_528], %broadcast_in_dim3A_110 {add = true} : memref<10240xf32, #tpu.memory_space<vmem>>[vector<16xi32>], vector<16xf32>,
      %add3A_529 = arith.constant 25 : i32
      %add3A_530 = arith.addi %add3A_529, %add3A_508 : i32
      %get3A_531 = arith.index_cast %add3A_530 : i32 to index
      %get3A_532 = arith.constant 64 : index
      %get3A_533 = tpu.vector_load %arg6[%get3A_531, %get3A_532] {strides = array<i32>} : memref<50x80xi32, #tpu.memory_space<vmem>>, vector<16xi32>,
      tpu.vector_store_idx %arg7[%get3A_533], %broadcast_in_dim3A_110 {add = true} : memref<10240xf32, #tpu.memory_space<vmem>>[vector<16xi32>], vector<16xf32>,
      %dma_wait3A_534 = arith.constant 0 : i32
      %dma_wait3A_535 = arith.constant 0 : i32
      %dma_wait3A_536 = tpu.memref_slice %arg6[%dma_wait3A_534, %dma_wait3A_535] : memref<50x80xi32, #tpu.memory_space<vmem>> -> memref<1x80xi32, #tpu.memory_space<vmem>>
      %dma_wait3A_537 = tpu.memref_squeeze %dma_wait3A_536 : memref<1x80xi32, #tpu.memory_space<vmem>> -> memref<80xi32, #tpu.memory_space<vmem>>
      %dma_wait3A_538 = arith.constant 0 : i32
      %dma_wait3A_539 = arith.constant 0 : i32
      %dma_wait3A_540 = tpu.memref_slice %arg2[%dma_wait3A_538, %dma_wait3A_539] : memref<10000x128xf32, #tpu.memory_space<hbm>> -> memref<10000x128xf32, #tpu.memory_space<hbm>>
      tpu.wait_indirect_dma semaphore(%arg14 : memref<!tpu.dma_semaphore, #tpu.memory_space<semaphore_mem>>) src(%dma_wait3A_540 : memref<10000x128xf32, #tpu.memory_space<hbm>>) dst(%arg10 : memref<80x128xf32, #tpu.memory_space<vmem>>)
      %dma_wait3A_541 = arith.constant 25 : i32
      %dma_wait3A_542 = arith.constant 0 : i32
      %dma_wait3A_543 = tpu.memref_slice %arg6[%dma_wait3A_541, %dma_wait3A_542] : memref<50x80xi32, #tpu.memory_space<vmem>> -> memref<1x80xi32, #tpu.memory_space<vmem>>
      %dma_wait3A_544 = tpu.memref_squeeze %dma_wait3A_543 : memref<1x80xi32, #tpu.memory_space<vmem>> -> memref<80xi32, #tpu.memory_space<vmem>>
      %dma_wait3A_545 = arith.constant 0 : i32
      %dma_wait3A_546 = arith.constant 0 : i32
      %dma_wait3A_547 = tpu.memref_slice %arg11[%dma_wait3A_545, %dma_wait3A_546] : memref<10240x128xf32, #tpu.memory_space<vmem_shared>> -> memref<10240x128xf32, #tpu.memory_space<vmem_shared>>
      tpu.wait_indirect_dma semaphore(%arg15 : memref<!tpu.dma_semaphore, #tpu.memory_space<semaphore_mem>>) src(%arg9 : memref<80x128xf32, #tpu.memory_space<vmem>>) dst(%dma_wait3A_547 : memref<10240x128xf32, #tpu.memory_space<vmem_shared>>)
      %lt3A = arith.constant 7 : i32
      %lt3A_548 = arith.cmpi slt, %scan3A_424, %lt3A : i32
      %convert_element_type3A = arith.extui %lt3A_548 : i1 to i32
      %cond3A = arith.constant 0 : i32
      %cond3A_549 = arith.cmpi ne, %convert_element_type3A, %cond3A : i32
      scf.if %cond3A_549 {
        %add3A_594 = arith.constant 4 : i32
        %add3A_595 = arith.addi %mul3A_426, %add3A_594 : i32
        %dma_start3A_596 = arith.constant 0 : i32
        %dma_start3A_597 = tpu.memref_slice %arg6[%add3A_595, %dma_start3A_596] : memref<50x80xi32, #tpu.memory_space<vmem>> -> memref<1x80xi32, #tpu.memory_space<vmem>>
        %dma_start3A_598 = tpu.memref_squeeze %dma_start3A_597 : memref<1x80xi32, #tpu.memory_space<vmem>> -> memref<80xi32, #tpu.memory_space<vmem>>
        %dma_start3A_599 = arith.constant 0 : i32
        %dma_start3A_600 = arith.constant 0 : i32
        %dma_start3A_601 = tpu.memref_slice %arg2[%dma_start3A_599, %dma_start3A_600] : memref<10000x128xf32, #tpu.memory_space<hbm>> -> memref<10000x128xf32, #tpu.memory_space<hbm>>
        tpu.enqueue_indirect_dma source(%dma_start3A_601 : memref<10000x128xf32, #tpu.memory_space<hbm>>) target(%arg9 : memref<80x128xf32, #tpu.memory_space<vmem>>) offsets(%dma_start3A_598 : memref<80xi32, #tpu.memory_space<vmem>>) semaphore(%arg13 : memref<!tpu.dma_semaphore, #tpu.memory_space<semaphore_mem>>)
      } else {
      }
      %add3A_550 = arith.constant 2 : i32
      %add3A_551 = arith.addi %mul3A_426, %add3A_550 : i32
      %add3A_552 = arith.constant 25 : i32
      %add3A_553 = arith.addi %add3A_552, %add3A_551 : i32
      %dma_start3A_554 = arith.constant 0 : i32
      %dma_start3A_555 = tpu.memref_slice %arg6[%add3A_553, %dma_start3A_554] : memref<50x80xi32, #tpu.memory_space<vmem>> -> memref<1x80xi32, #tpu.memory_space<vmem>>
      %dma_start3A_556 = tpu.memref_squeeze %dma_start3A_555 : memref<1x80xi32, #tpu.memory_space<vmem>> -> memref<80xi32, #tpu.memory_space<vmem>>
      %dma_start3A_557 = arith.constant 0 : i32
      %dma_start3A_558 = arith.constant 0 : i32
      %dma_start3A_559 = tpu.memref_slice %arg11[%dma_start3A_557, %dma_start3A_558] : memref<10240x128xf32, #tpu.memory_space<vmem_shared>> -> memref<10240x128xf32, #tpu.memory_space<vmem_shared>>
      tpu.enqueue_indirect_dma source(%arg10 : memref<80x128xf32, #tpu.memory_space<vmem>>) target(%dma_start3A_559 : memref<10240x128xf32, #tpu.memory_space<vmem_shared>>) offsets(%dma_start3A_556 : memref<80xi32, #tpu.memory_space<vmem>>) semaphore(%arg15 : memref<!tpu.dma_semaphore, #tpu.memory_space<semaphore_mem>>) {add = true}
      %add3A_560 = arith.constant 2 : i32
      %add3A_561 = arith.addi %mul3A_426, %add3A_560 : i32
      %add3A_562 = arith.constant 25 : i32
      %add3A_563 = arith.addi %add3A_562, %add3A_561 : i32
      %get3A_564 = arith.index_cast %add3A_563 : i32 to index
      %get3A_565 = arith.constant 0 : index
      %get3A_566 = tpu.vector_load %arg6[%get3A_564, %get3A_565] {strides = array<i32>} : memref<50x80xi32, #tpu.memory_space<vmem>>, vector<16xi32>,
      tpu.vector_store_idx %arg7[%get3A_566], %broadcast_in_dim3A_110 {add = true} : memref<10240xf32, #tpu.memory_space<vmem>>[vector<16xi32>], vector<16xf32>,
      %add3A_567 = arith.constant 25 : i32
      %add3A_568 = arith.addi %add3A_567, %add3A_561 : i32
      %get3A_569 = arith.index_cast %add3A_568 : i32 to index
      %get3A_570 = arith.constant 16 : index
      %get3A_571 = tpu.vector_load %arg6[%get3A_569, %get3A_570] {strides = array<i32>} : memref<50x80xi32, #tpu.memory_space<vmem>>, vector<16xi32>,
      tpu.vector_store_idx %arg7[%get3A_571], %broadcast_in_dim3A_110 {add = true} : memref<10240xf32, #tpu.memory_space<vmem>>[vector<16xi32>], vector<16xf32>,
      %add3A_572 = arith.constant 25 : i32
      %add3A_573 = arith.addi %add3A_572, %add3A_561 : i32
      %get3A_574 = arith.index_cast %add3A_573 : i32 to index
      %get3A_575 = arith.constant 32 : index
      %get3A_576 = tpu.vector_load %arg6[%get3A_574, %get3A_575] {strides = array<i32>} : memref<50x80xi32, #tpu.memory_space<vmem>>, vector<16xi32>,
      tpu.vector_store_idx %arg7[%get3A_576], %broadcast_in_dim3A_110 {add = true} : memref<10240xf32, #tpu.memory_space<vmem>>[vector<16xi32>], vector<16xf32>,
      %add3A_577 = arith.constant 25 : i32
      %add3A_578 = arith.addi %add3A_577, %add3A_561 : i32
      %get3A_579 = arith.index_cast %add3A_578 : i32 to index
      %get3A_580 = arith.constant 48 : index
      %get3A_581 = tpu.vector_load %arg6[%get3A_579, %get3A_580] {strides = array<i32>} : memref<50x80xi32, #tpu.memory_space<vmem>>, vector<16xi32>,
      tpu.vector_store_idx %arg7[%get3A_581], %broadcast_in_dim3A_110 {add = true} : memref<10240xf32, #tpu.memory_space<vmem>>[vector<16xi32>], vector<16xf32>,
      %add3A_582 = arith.constant 25 : i32
      %add3A_583 = arith.addi %add3A_582, %add3A_561 : i32
      %get3A_584 = arith.index_cast %add3A_583 : i32 to index
      %get3A_585 = arith.constant 64 : index
      %get3A_586 = tpu.vector_load %arg6[%get3A_584, %get3A_585] {strides = array<i32>} : memref<50x80xi32, #tpu.memory_space<vmem>>, vector<16xi32>,
      tpu.vector_store_idx %arg7[%get3A_586], %broadcast_in_dim3A_110 {add = true} : memref<10240xf32, #tpu.memory_space<vmem>>[vector<16xi32>], vector<16xf32>,
      %dma_wait3A_587 = arith.constant 25 : i32
      %dma_wait3A_588 = arith.constant 0 : i32
      %dma_wait3A_589 = tpu.memref_slice %arg6[%dma_wait3A_587, %dma_wait3A_588] : memref<50x80xi32, #tpu.memory_space<vmem>> -> memref<1x80xi32, #tpu.memory_space<vmem>>
      %dma_wait3A_590 = tpu.memref_squeeze %dma_wait3A_589 : memref<1x80xi32, #tpu.memory_space<vmem>> -> memref<80xi32, #tpu.memory_space<vmem>>
      %dma_wait3A_591 = arith.constant 0 : i32
      %dma_wait3A_592 = arith.constant 0 : i32
      %dma_wait3A_593 = tpu.memref_slice %arg11[%dma_wait3A_591, %dma_wait3A_592] : memref<10240x128xf32, #tpu.memory_space<vmem_shared>> -> memref<10240x128xf32, #tpu.memory_space<vmem_shared>>
      tpu.wait_indirect_dma semaphore(%arg15 : memref<!tpu.dma_semaphore, #tpu.memory_space<semaphore_mem>>) src(%arg10 : memref<80x128xf32, #tpu.memory_space<vmem>>) dst(%dma_wait3A_593 : memref<10240x128xf32, #tpu.memory_space<vmem_shared>>)
    }
    %scan3A_130 = arith.constant 8 : i32
    %dma_wait3A_131 = arith.constant 0 : i32
    %dma_wait3A_132 = arith.constant 0 : i32
    %dma_wait3A_133 = tpu.memref_slice %arg6[%dma_wait3A_131, %dma_wait3A_132] : memref<50x80xi32, #tpu.memory_space<vmem>> -> memref<1x80xi32, #tpu.memory_space<vmem>>
    %dma_wait3A_134 = tpu.memref_squeeze %dma_wait3A_133 : memref<1x80xi32, #tpu.memory_space<vmem>> -> memref<80xi32, #tpu.memory_space<vmem>>
    %dma_wait3A_135 = arith.constant 0 : i32
    %dma_wait3A_136 = arith.constant 0 : i32
    %dma_wait3A_137 = tpu.memref_slice %arg2[%dma_wait3A_135, %dma_wait3A_136] : memref<10000x128xf32, #tpu.memory_space<hbm>> -> memref<10000x128xf32, #tpu.memory_space<hbm>>
    tpu.wait_indirect_dma semaphore(%arg12 : memref<!tpu.dma_semaphore, #tpu.memory_space<semaphore_mem>>) src(%dma_wait3A_137 : memref<10000x128xf32, #tpu.memory_space<hbm>>) dst(%arg8 : memref<80x128xf32, #tpu.memory_space<vmem>>)
    %dma_start3A_138 = arith.constant 49 : i32
    %dma_start3A_139 = arith.constant 0 : i32
    %dma_start3A_140 = tpu.memref_slice %arg6[%dma_start3A_138, %dma_start3A_139] : memref<50x80xi32, #tpu.memory_space<vmem>> -> memref<1x80xi32, #tpu.memory_space<vmem>>
    %dma_start3A_141 = tpu.memref_squeeze %dma_start3A_140 : memref<1x80xi32, #tpu.memory_space<vmem>> -> memref<80xi32, #tpu.memory_space<vmem>>
    %dma_start3A_142 = arith.constant 0 : i32
    %dma_start3A_143 = arith.constant 0 : i32
    %dma_start3A_144 = tpu.memref_slice %arg11[%dma_start3A_142, %dma_start3A_143] : memref<10240x128xf32, #tpu.memory_space<vmem_shared>> -> memref<10240x128xf32, #tpu.memory_space<vmem_shared>>
    tpu.enqueue_indirect_dma source(%arg8 : memref<80x128xf32, #tpu.memory_space<vmem>>) target(%dma_start3A_144 : memref<10240x128xf32, #tpu.memory_space<vmem_shared>>) offsets(%dma_start3A_141 : memref<80xi32, #tpu.memory_space<vmem>>) semaphore(%arg15 : memref<!tpu.dma_semaphore, #tpu.memory_space<semaphore_mem>>) {add = true}
    %get3A = arith.constant 49 : i32
    %get3A_145 = arith.index_cast %get3A : i32 to index
    %get3A_146 = arith.constant 0 : index
    %get3A_147 = tpu.vector_load %arg6[%get3A_145, %get3A_146] {strides = array<i32>} : memref<50x80xi32, #tpu.memory_space<vmem>>, vector<16xi32>,
    tpu.vector_store_idx %arg7[%get3A_147], %broadcast_in_dim3A_110 {add = true} : memref<10240xf32, #tpu.memory_space<vmem>>[vector<16xi32>], vector<16xf32>,
    %get3A_148 = arith.constant 49 : i32
    %get3A_149 = arith.index_cast %get3A_148 : i32 to index
    %get3A_150 = arith.constant 16 : index
    %get3A_151 = tpu.vector_load %arg6[%get3A_149, %get3A_150] {strides = array<i32>} : memref<50x80xi32, #tpu.memory_space<vmem>>, vector<16xi32>,
    tpu.vector_store_idx %arg7[%get3A_151], %broadcast_in_dim3A_110 {add = true} : memref<10240xf32, #tpu.memory_space<vmem>>[vector<16xi32>], vector<16xf32>,
    %get3A_152 = arith.constant 49 : i32
    %get3A_153 = arith.index_cast %get3A_152 : i32 to index
    %get3A_154 = arith.constant 32 : index
    %get3A_155 = tpu.vector_load %arg6[%get3A_153, %get3A_154] {strides = array<i32>} : memref<50x80xi32, #tpu.memory_space<vmem>>, vector<16xi32>,
    tpu.vector_store_idx %arg7[%get3A_155], %broadcast_in_dim3A_110 {add = true} : memref<10240xf32, #tpu.memory_space<vmem>>[vector<16xi32>], vector<16xf32>,
    %get3A_156 = arith.constant 49 : i32
    %get3A_157 = arith.index_cast %get3A_156 : i32 to index
    %get3A_158 = arith.constant 48 : index
    %get3A_159 = tpu.vector_load %arg6[%get3A_157, %get3A_158] {strides = array<i32>} : memref<50x80xi32, #tpu.memory_space<vmem>>, vector<16xi32>,
    tpu.vector_store_idx %arg7[%get3A_159], %broadcast_in_dim3A_110 {add = true} : memref<10240xf32, #tpu.memory_space<vmem>>[vector<16xi32>], vector<16xf32>,
    %get3A_160 = arith.constant 49 : i32
    %get3A_161 = arith.index_cast %get3A_160 : i32 to index
    %get3A_162 = arith.constant 64 : index
    %get3A_163 = tpu.vector_load %arg6[%get3A_161, %get3A_162] {strides = array<i32>} : memref<50x80xi32, #tpu.memory_space<vmem>>, vector<16xi32>,
    tpu.vector_store_idx %arg7[%get3A_163], %broadcast_in_dim3A_110 {add = true} : memref<10240xf32, #tpu.memory_space<vmem>>[vector<16xi32>], vector<16xf32>,
    %dma_wait3A_164 = arith.constant 25 : i32
    %dma_wait3A_165 = arith.constant 0 : i32
    %dma_wait3A_166 = tpu.memref_slice %arg6[%dma_wait3A_164, %dma_wait3A_165] : memref<50x80xi32, #tpu.memory_space<vmem>> -> memref<1x80xi32, #tpu.memory_space<vmem>>
    %dma_wait3A_167 = tpu.memref_squeeze %dma_wait3A_166 : memref<1x80xi32, #tpu.memory_space<vmem>> -> memref<80xi32, #tpu.memory_space<vmem>>
    %dma_wait3A_168 = arith.constant 0 : i32
    %dma_wait3A_169 = arith.constant 0 : i32
    %dma_wait3A_170 = tpu.memref_slice %arg11[%dma_wait3A_168, %dma_wait3A_169] : memref<10240x128xf32, #tpu.memory_space<vmem_shared>> -> memref<10240x128xf32, #tpu.memory_space<vmem_shared>>
    tpu.wait_indirect_dma semaphore(%arg15 : memref<!tpu.dma_semaphore, #tpu.memory_space<semaphore_mem>>) src(%arg8 : memref<80x128xf32, #tpu.memory_space<vmem>>) dst(%dma_wait3A_170 : memref<10240x128xf32, #tpu.memory_space<vmem_shared>>)
    %run_scoped3A_171 = arith.constant 1 : i32
    "tpu.region"() ({
      %run_scoped3A_424 = tpu.sem_alloc : memref<!tpu.dma_semaphore, #tpu.memory_space<semaphore_mem>>
      %dma_start3A_425 = arith.constant 0 : i32
      %dma_start3A_426 = arith.constant 0 : i32
      %dma_start3A_427 = tpu.memref_slice %arg3[%add3A, %run_scoped3A_171, %dma_start3A_425, %dma_start3A_426] : memref<32x5x50x80xi32, #tpu.memory_space<hbm>> -> memref<1x1x50x80xi32, #tpu.memory_space<hbm>>
      %dma_start3A_428 = tpu.memref_squeeze %dma_start3A_427 : memref<1x1x50x80xi32, #tpu.memory_space<hbm>> -> memref<50x80xi32, #tpu.memory_space<hbm>>
      %dma_start3A_429 = arith.constant 0 : i32
      %dma_start3A_430 = arith.constant 0 : i32
      %dma_start3A_431 = tpu.memref_slice %arg3[%add3A, %run_scoped3A_171, %dma_start3A_429, %dma_start3A_430] : memref<32x5x50x80xi32, #tpu.memory_space<hbm>> -> memref<1x1x50x80xi32, #tpu.memory_space<hbm>>
      %dma_start3A_432 = tpu.memref_squeeze %dma_start3A_431 : memref<1x1x50x80xi32, #tpu.memory_space<hbm>> -> memref<50x80xi32, #tpu.memory_space<hbm>>
      tpu.enqueue_dma source(%dma_start3A_432 : memref<50x80xi32, #tpu.memory_space<hbm>>) target(%arg6 : memref<50x80xi32, #tpu.memory_space<vmem>>) target_semaphore(%run_scoped3A_424 : memref<!tpu.dma_semaphore, #tpu.memory_space<semaphore_mem>>)
      %dma_wait3A_433 = arith.constant 0 : i32
      %dma_wait3A_434 = arith.constant 0 : i32
      %dma_wait3A_435 = tpu.memref_slice %arg3[%add3A, %run_scoped3A_171, %dma_wait3A_433, %dma_wait3A_434] : memref<32x5x50x80xi32, #tpu.memory_space<hbm>> -> memref<1x1x50x80xi32, #tpu.memory_space<hbm>>
      %dma_wait3A_436 = tpu.memref_squeeze %dma_wait3A_435 : memref<1x1x50x80xi32, #tpu.memory_space<hbm>> -> memref<50x80xi32, #tpu.memory_space<hbm>>
      %dma_wait3A_437 = arith.constant 0 : i32
      %dma_wait3A_438 = arith.constant 0 : i32
      %dma_wait3A_439 = tpu.memref_slice %arg3[%add3A, %run_scoped3A_171, %dma_wait3A_437, %dma_wait3A_438] : memref<32x5x50x80xi32, #tpu.memory_space<hbm>> -> memref<1x1x50x80xi32, #tpu.memory_space<hbm>>
      %dma_wait3A_440 = tpu.memref_squeeze %dma_wait3A_439 : memref<1x1x50x80xi32, #tpu.memory_space<hbm>> -> memref<50x80xi32, #tpu.memory_space<hbm>>
      tpu.wait_dma2 semaphore(%run_scoped3A_424 : memref<!tpu.dma_semaphore, #tpu.memory_space<semaphore_mem>>) src(%dma_wait3A_440 : memref<50x80xi32, #tpu.memory_space<hbm>>) dst(%arg6 : memref<50x80xi32, #tpu.memory_space<vmem>>)
      tpu.yield
    }) : () -> ()
    %dma_start3A_172 = arith.constant 0 : i32
    %dma_start3A_173 = arith.constant 0 : i32
    %dma_start3A_174 = tpu.memref_slice %arg6[%dma_start3A_172, %dma_start3A_173] : memref<50x80xi32, #tpu.memory_space<vmem>> -> memref<1x80xi32, #tpu.memory_space<vmem>>
    %dma_start3A_175 = tpu.memref_squeeze %dma_start3A_174 : memref<1x80xi32, #tpu.memory_space<vmem>> -> memref<80xi32, #tpu.memory_space<vmem>>
    %dma_start3A_176 = arith.constant 0 : i32
    %dma_start3A_177 = arith.constant 0 : i32
    %dma_start3A_178 = tpu.memref_slice %arg2[%dma_start3A_176, %dma_start3A_177] : memref<10000x128xf32, #tpu.memory_space<hbm>> -> memref<10000x128xf32, #tpu.memory_space<hbm>>
    tpu.enqueue_indirect_dma source(%dma_start3A_178 : memref<10000x128xf32, #tpu.memory_space<hbm>>) target(%arg8 : memref<80x128xf32, #tpu.memory_space<vmem>>) offsets(%dma_start3A_175 : memref<80xi32, #tpu.memory_space<vmem>>) semaphore(%arg12 : memref<!tpu.dma_semaphore, #tpu.memory_space<semaphore_mem>>)
    %dma_start3A_179 = arith.constant 1 : i32
    %dma_start3A_180 = arith.constant 0 : i32
    %dma_start3A_181 = tpu.memref_slice %arg6[%dma_start3A_179, %dma_start3A_180] : memref<50x80xi32, #tpu.memory_space<vmem>> -> memref<1x80xi32, #tpu.memory_space<vmem>>
    %dma_start3A_182 = tpu.memref_squeeze %dma_start3A_181 : memref<1x80xi32, #tpu.memory_space<vmem>> -> memref<80xi32, #tpu.memory_space<vmem>>
    %dma_start3A_183 = arith.constant 0 : i32
    %dma_start3A_184 = arith.constant 0 : i32
    %dma_start3A_185 = tpu.memref_slice %arg2[%dma_start3A_183, %dma_start3A_184] : memref<10000x128xf32, #tpu.memory_space<hbm>> -> memref<10000x128xf32, #tpu.memory_space<hbm>>
    tpu.enqueue_indirect_dma source(%dma_start3A_185 : memref<10000x128xf32, #tpu.memory_space<hbm>>) target(%arg9 : memref<80x128xf32, #tpu.memory_space<vmem>>) offsets(%dma_start3A_182 : memref<80xi32, #tpu.memory_space<vmem>>) semaphore(%arg13 : memref<!tpu.dma_semaphore, #tpu.memory_space<semaphore_mem>>)
    %scan3A_186 = arith.constant 0 : i32
    %scan3A_187 = arith.constant 0 : i32
    %scan3A_188 = arith.constant 8 : i32
    %scan3A_189 = arith.addi %scan3A_187, %scan3A_188 : i32
    %scan3A_190 = arith.constant 1 : i32
    scf.for %scan3A_424 = %scan3A_187 to %scan3A_189 step %scan3A_190  : i32 {
      %mul3A_425 = arith.constant 3 : i32
      %mul3A_426 = arith.muli %mul3A_425, %scan3A_424 : i32
      %add3A_427 = arith.constant 2 : i32
      %add3A_428 = arith.addi %mul3A_426, %add3A_427 : i32
      %dma_start3A_429 = arith.constant 0 : i32
      %dma_start3A_430 = tpu.memref_slice %arg6[%add3A_428, %dma_start3A_429] : memref<50x80xi32, #tpu.memory_space<vmem>> -> memref<1x80xi32, #tpu.memory_space<vmem>>
      %dma_start3A_431 = tpu.memref_squeeze %dma_start3A_430 : memref<1x80xi32, #tpu.memory_space<vmem>> -> memref<80xi32, #tpu.memory_space<vmem>>
      %dma_start3A_432 = arith.constant 0 : i32
      %dma_start3A_433 = arith.constant 0 : i32
      %dma_start3A_434 = tpu.memref_slice %arg2[%dma_start3A_432, %dma_start3A_433] : memref<10000x128xf32, #tpu.memory_space<hbm>> -> memref<10000x128xf32, #tpu.memory_space<hbm>>
      tpu.enqueue_indirect_dma source(%dma_start3A_434 : memref<10000x128xf32, #tpu.memory_space<hbm>>) target(%arg10 : memref<80x128xf32, #tpu.memory_space<vmem>>) offsets(%dma_start3A_431 : memref<80xi32, #tpu.memory_space<vmem>>) semaphore(%arg14 : memref<!tpu.dma_semaphore, #tpu.memory_space<semaphore_mem>>)
      %dma_wait3A_435 = arith.constant 0 : i32
      %dma_wait3A_436 = arith.constant 0 : i32
      %dma_wait3A_437 = tpu.memref_slice %arg6[%dma_wait3A_435, %dma_wait3A_436] : memref<50x80xi32, #tpu.memory_space<vmem>> -> memref<1x80xi32, #tpu.memory_space<vmem>>
      %dma_wait3A_438 = tpu.memref_squeeze %dma_wait3A_437 : memref<1x80xi32, #tpu.memory_space<vmem>> -> memref<80xi32, #tpu.memory_space<vmem>>
      %dma_wait3A_439 = arith.constant 0 : i32
      %dma_wait3A_440 = arith.constant 0 : i32
      %dma_wait3A_441 = tpu.memref_slice %arg2[%dma_wait3A_439, %dma_wait3A_440] : memref<10000x128xf32, #tpu.memory_space<hbm>> -> memref<10000x128xf32, #tpu.memory_space<hbm>>
      tpu.wait_indirect_dma semaphore(%arg12 : memref<!tpu.dma_semaphore, #tpu.memory_space<semaphore_mem>>) src(%dma_wait3A_441 : memref<10000x128xf32, #tpu.memory_space<hbm>>) dst(%arg8 : memref<80x128xf32, #tpu.memory_space<vmem>>)
      %add3A_442 = arith.constant 25 : i32
      %add3A_443 = arith.addi %add3A_442, %mul3A_426 : i32
      %dma_start3A_444 = arith.constant 0 : i32
      %dma_start3A_445 = tpu.memref_slice %arg6[%add3A_443, %dma_start3A_444] : memref<50x80xi32, #tpu.memory_space<vmem>> -> memref<1x80xi32, #tpu.memory_space<vmem>>
      %dma_start3A_446 = tpu.memref_squeeze %dma_start3A_445 : memref<1x80xi32, #tpu.memory_space<vmem>> -> memref<80xi32, #tpu.memory_space<vmem>>
      %dma_start3A_447 = arith.constant 0 : i32
      %dma_start3A_448 = arith.constant 0 : i32
      %dma_start3A_449 = tpu.memref_slice %arg11[%dma_start3A_447, %dma_start3A_448] : memref<10240x128xf32, #tpu.memory_space<vmem_shared>> -> memref<10240x128xf32, #tpu.memory_space<vmem_shared>>
      tpu.enqueue_indirect_dma source(%arg8 : memref<80x128xf32, #tpu.memory_space<vmem>>) target(%dma_start3A_449 : memref<10240x128xf32, #tpu.memory_space<vmem_shared>>) offsets(%dma_start3A_446 : memref<80xi32, #tpu.memory_space<vmem>>) semaphore(%arg15 : memref<!tpu.dma_semaphore, #tpu.memory_space<semaphore_mem>>) {add = true}
      %add3A_450 = arith.constant 25 : i32
      %add3A_451 = arith.addi %add3A_450, %mul3A_426 : i32
      %get3A_452 = arith.index_cast %add3A_451 : i32 to index
      %get3A_453 = arith.constant 0 : index
      %get3A_454 = tpu.vector_load %arg6[%get3A_452, %get3A_453] {strides = array<i32>} : memref<50x80xi32, #tpu.memory_space<vmem>>, vector<16xi32>,
      tpu.vector_store_idx %arg7[%get3A_454], %broadcast_in_dim3A_110 {add = true} : memref<10240xf32, #tpu.memory_space<vmem>>[vector<16xi32>], vector<16xf32>,
      %add3A_455 = arith.constant 25 : i32
      %add3A_456 = arith.addi %add3A_455, %mul3A_426 : i32
      %get3A_457 = arith.index_cast %add3A_456 : i32 to index
      %get3A_458 = arith.constant 16 : index
      %get3A_459 = tpu.vector_load %arg6[%get3A_457, %get3A_458] {strides = array<i32>} : memref<50x80xi32, #tpu.memory_space<vmem>>, vector<16xi32>,
      tpu.vector_store_idx %arg7[%get3A_459], %broadcast_in_dim3A_110 {add = true} : memref<10240xf32, #tpu.memory_space<vmem>>[vector<16xi32>], vector<16xf32>,
      %add3A_460 = arith.constant 25 : i32
      %add3A_461 = arith.addi %add3A_460, %mul3A_426 : i32
      %get3A_462 = arith.index_cast %add3A_461 : i32 to index
      %get3A_463 = arith.constant 32 : index
      %get3A_464 = tpu.vector_load %arg6[%get3A_462, %get3A_463] {strides = array<i32>} : memref<50x80xi32, #tpu.memory_space<vmem>>, vector<16xi32>,
      tpu.vector_store_idx %arg7[%get3A_464], %broadcast_in_dim3A_110 {add = true} : memref<10240xf32, #tpu.memory_space<vmem>>[vector<16xi32>], vector<16xf32>,
      %add3A_465 = arith.constant 25 : i32
      %add3A_466 = arith.addi %add3A_465, %mul3A_426 : i32
      %get3A_467 = arith.index_cast %add3A_466 : i32 to index
      %get3A_468 = arith.constant 48 : index
      %get3A_469 = tpu.vector_load %arg6[%get3A_467, %get3A_468] {strides = array<i32>} : memref<50x80xi32, #tpu.memory_space<vmem>>, vector<16xi32>,
      tpu.vector_store_idx %arg7[%get3A_469], %broadcast_in_dim3A_110 {add = true} : memref<10240xf32, #tpu.memory_space<vmem>>[vector<16xi32>], vector<16xf32>,
      %add3A_470 = arith.constant 25 : i32
      %add3A_471 = arith.addi %add3A_470, %mul3A_426 : i32
      %get3A_472 = arith.index_cast %add3A_471 : i32 to index
      %get3A_473 = arith.constant 64 : index
      %get3A_474 = tpu.vector_load %arg6[%get3A_472, %get3A_473] {strides = array<i32>} : memref<50x80xi32, #tpu.memory_space<vmem>>, vector<16xi32>,
      tpu.vector_store_idx %arg7[%get3A_474], %broadcast_in_dim3A_110 {add = true} : memref<10240xf32, #tpu.memory_space<vmem>>[vector<16xi32>], vector<16xf32>,
      %dma_wait3A_475 = arith.constant 0 : i32
      %dma_wait3A_476 = arith.constant 0 : i32
      %dma_wait3A_477 = tpu.memref_slice %arg6[%dma_wait3A_475, %dma_wait3A_476] : memref<50x80xi32, #tpu.memory_space<vmem>> -> memref<1x80xi32, #tpu.memory_space<vmem>>
      %dma_wait3A_478 = tpu.memref_squeeze %dma_wait3A_477 : memref<1x80xi32, #tpu.memory_space<vmem>> -> memref<80xi32, #tpu.memory_space<vmem>>
      %dma_wait3A_479 = arith.constant 0 : i32
      %dma_wait3A_480 = arith.constant 0 : i32
      %dma_wait3A_481 = tpu.memref_slice %arg2[%dma_wait3A_479, %dma_wait3A_480] : memref<10000x128xf32, #tpu.memory_space<hbm>> -> memref<10000x128xf32, #tpu.memory_space<hbm>>
      tpu.wait_indirect_dma semaphore(%arg13 : memref<!tpu.dma_semaphore, #tpu.memory_space<semaphore_mem>>) src(%dma_wait3A_481 : memref<10000x128xf32, #tpu.memory_space<hbm>>) dst(%arg9 : memref<80x128xf32, #tpu.memory_space<vmem>>)
      %dma_wait3A_482 = arith.constant 25 : i32
      %dma_wait3A_483 = arith.constant 0 : i32
      %dma_wait3A_484 = tpu.memref_slice %arg6[%dma_wait3A_482, %dma_wait3A_483] : memref<50x80xi32, #tpu.memory_space<vmem>> -> memref<1x80xi32, #tpu.memory_space<vmem>>
      %dma_wait3A_485 = tpu.memref_squeeze %dma_wait3A_484 : memref<1x80xi32, #tpu.memory_space<vmem>> -> memref<80xi32, #tpu.memory_space<vmem>>
      %dma_wait3A_486 = arith.constant 0 : i32
      %dma_wait3A_487 = arith.constant 0 : i32
      %dma_wait3A_488 = tpu.memref_slice %arg11[%dma_wait3A_486, %dma_wait3A_487] : memref<10240x128xf32, #tpu.memory_space<vmem_shared>> -> memref<10240x128xf32, #tpu.memory_space<vmem_shared>>
      tpu.wait_indirect_dma semaphore(%arg15 : memref<!tpu.dma_semaphore, #tpu.memory_space<semaphore_mem>>) src(%arg8 : memref<80x128xf32, #tpu.memory_space<vmem>>) dst(%dma_wait3A_488 : memref<10240x128xf32, #tpu.memory_space<vmem_shared>>)
      %add3A_489 = arith.constant 3 : i32
      %add3A_490 = arith.addi %mul3A_426, %add3A_489 : i32
      %dma_start3A_491 = arith.constant 0 : i32
      %dma_start3A_492 = tpu.memref_slice %arg6[%add3A_490, %dma_start3A_491] : memref<50x80xi32, #tpu.memory_space<vmem>> -> memref<1x80xi32, #tpu.memory_space<vmem>>
      %dma_start3A_493 = tpu.memref_squeeze %dma_start3A_492 : memref<1x80xi32, #tpu.memory_space<vmem>> -> memref<80xi32, #tpu.memory_space<vmem>>
      %dma_start3A_494 = arith.constant 0 : i32
      %dma_start3A_495 = arith.constant 0 : i32
      %dma_start3A_496 = tpu.memref_slice %arg2[%dma_start3A_494, %dma_start3A_495] : memref<10000x128xf32, #tpu.memory_space<hbm>> -> memref<10000x128xf32, #tpu.memory_space<hbm>>
      tpu.enqueue_indirect_dma source(%dma_start3A_496 : memref<10000x128xf32, #tpu.memory_space<hbm>>) target(%arg8 : memref<80x128xf32, #tpu.memory_space<vmem>>) offsets(%dma_start3A_493 : memref<80xi32, #tpu.memory_space<vmem>>) semaphore(%arg12 : memref<!tpu.dma_semaphore, #tpu.memory_space<semaphore_mem>>)
      %add3A_497 = arith.constant 1 : i32
      %add3A_498 = arith.addi %mul3A_426, %add3A_497 : i32
      %add3A_499 = arith.constant 25 : i32
      %add3A_500 = arith.addi %add3A_499, %add3A_498 : i32
      %dma_start3A_501 = arith.constant 0 : i32
      %dma_start3A_502 = tpu.memref_slice %arg6[%add3A_500, %dma_start3A_501] : memref<50x80xi32, #tpu.memory_space<vmem>> -> memref<1x80xi32, #tpu.memory_space<vmem>>
      %dma_start3A_503 = tpu.memref_squeeze %dma_start3A_502 : memref<1x80xi32, #tpu.memory_space<vmem>> -> memref<80xi32, #tpu.memory_space<vmem>>
      %dma_start3A_504 = arith.constant 0 : i32
      %dma_start3A_505 = arith.constant 0 : i32
      %dma_start3A_506 = tpu.memref_slice %arg11[%dma_start3A_504, %dma_start3A_505] : memref<10240x128xf32, #tpu.memory_space<vmem_shared>> -> memref<10240x128xf32, #tpu.memory_space<vmem_shared>>
      tpu.enqueue_indirect_dma source(%arg9 : memref<80x128xf32, #tpu.memory_space<vmem>>) target(%dma_start3A_506 : memref<10240x128xf32, #tpu.memory_space<vmem_shared>>) offsets(%dma_start3A_503 : memref<80xi32, #tpu.memory_space<vmem>>) semaphore(%arg15 : memref<!tpu.dma_semaphore, #tpu.memory_space<semaphore_mem>>) {add = true}
      %add3A_507 = arith.constant 1 : i32
      %add3A_508 = arith.addi %mul3A_426, %add3A_507 : i32
      %add3A_509 = arith.constant 25 : i32
      %add3A_510 = arith.addi %add3A_509, %add3A_508 : i32
      %get3A_511 = arith.index_cast %add3A_510 : i32 to index
      %get3A_512 = arith.constant 0 : index
      %get3A_513 = tpu.vector_load %arg6[%get3A_511, %get3A_512] {strides = array<i32>} : memref<50x80xi32, #tpu.memory_space<vmem>>, vector<16xi32>,
      tpu.vector_store_idx %arg7[%get3A_513], %broadcast_in_dim3A_110 {add = true} : memref<10240xf32, #tpu.memory_space<vmem>>[vector<16xi32>], vector<16xf32>,
      %add3A_514 = arith.constant 25 : i32
      %add3A_515 = arith.addi %add3A_514, %add3A_508 : i32
      %get3A_516 = arith.index_cast %add3A_515 : i32 to index
      %get3A_517 = arith.constant 16 : index
      %get3A_518 = tpu.vector_load %arg6[%get3A_516, %get3A_517] {strides = array<i32>} : memref<50x80xi32, #tpu.memory_space<vmem>>, vector<16xi32>,
      tpu.vector_store_idx %arg7[%get3A_518], %broadcast_in_dim3A_110 {add = true} : memref<10240xf32, #tpu.memory_space<vmem>>[vector<16xi32>], vector<16xf32>,
      %add3A_519 = arith.constant 25 : i32
      %add3A_520 = arith.addi %add3A_519, %add3A_508 : i32
      %get3A_521 = arith.index_cast %add3A_520 : i32 to index
      %get3A_522 = arith.constant 32 : index
      %get3A_523 = tpu.vector_load %arg6[%get3A_521, %get3A_522] {strides = array<i32>} : memref<50x80xi32, #tpu.memory_space<vmem>>, vector<16xi32>,
      tpu.vector_store_idx %arg7[%get3A_523], %broadcast_in_dim3A_110 {add = true} : memref<10240xf32, #tpu.memory_space<vmem>>[vector<16xi32>], vector<16xf32>,
      %add3A_524 = arith.constant 25 : i32
      %add3A_525 = arith.addi %add3A_524, %add3A_508 : i32
      %get3A_526 = arith.index_cast %add3A_525 : i32 to index
      %get3A_527 = arith.constant 48 : index
      %get3A_528 = tpu.vector_load %arg6[%get3A_526, %get3A_527] {strides = array<i32>} : memref<50x80xi32, #tpu.memory_space<vmem>>, vector<16xi32>,
      tpu.vector_store_idx %arg7[%get3A_528], %broadcast_in_dim3A_110 {add = true} : memref<10240xf32, #tpu.memory_space<vmem>>[vector<16xi32>], vector<16xf32>,
      %add3A_529 = arith.constant 25 : i32
      %add3A_530 = arith.addi %add3A_529, %add3A_508 : i32
      %get3A_531 = arith.index_cast %add3A_530 : i32 to index
      %get3A_532 = arith.constant 64 : index
      %get3A_533 = tpu.vector_load %arg6[%get3A_531, %get3A_532] {strides = array<i32>} : memref<50x80xi32, #tpu.memory_space<vmem>>, vector<16xi32>,
      tpu.vector_store_idx %arg7[%get3A_533], %broadcast_in_dim3A_110 {add = true} : memref<10240xf32, #tpu.memory_space<vmem>>[vector<16xi32>], vector<16xf32>,
      %dma_wait3A_534 = arith.constant 0 : i32
      %dma_wait3A_535 = arith.constant 0 : i32
      %dma_wait3A_536 = tpu.memref_slice %arg6[%dma_wait3A_534, %dma_wait3A_535] : memref<50x80xi32, #tpu.memory_space<vmem>> -> memref<1x80xi32, #tpu.memory_space<vmem>>
      %dma_wait3A_537 = tpu.memref_squeeze %dma_wait3A_536 : memref<1x80xi32, #tpu.memory_space<vmem>> -> memref<80xi32, #tpu.memory_space<vmem>>
      %dma_wait3A_538 = arith.constant 0 : i32
      %dma_wait3A_539 = arith.constant 0 : i32
      %dma_wait3A_540 = tpu.memref_slice %arg2[%dma_wait3A_538, %dma_wait3A_539] : memref<10000x128xf32, #tpu.memory_space<hbm>> -> memref<10000x128xf32, #tpu.memory_space<hbm>>
      tpu.wait_indirect_dma semaphore(%arg14 : memref<!tpu.dma_semaphore, #tpu.memory_space<semaphore_mem>>) src(%dma_wait3A_540 : memref<10000x128xf32, #tpu.memory_space<hbm>>) dst(%arg10 : memref<80x128xf32, #tpu.memory_space<vmem>>)
      %dma_wait3A_541 = arith.constant 25 : i32
      %dma_wait3A_542 = arith.constant 0 : i32
      %dma_wait3A_543 = tpu.memref_slice %arg6[%dma_wait3A_541, %dma_wait3A_542] : memref<50x80xi32, #tpu.memory_space<vmem>> -> memref<1x80xi32, #tpu.memory_space<vmem>>
      %dma_wait3A_544 = tpu.memref_squeeze %dma_wait3A_543 : memref<1x80xi32, #tpu.memory_space<vmem>> -> memref<80xi32, #tpu.memory_space<vmem>>
      %dma_wait3A_545 = arith.constant 0 : i32
      %dma_wait3A_546 = arith.constant 0 : i32
      %dma_wait3A_547 = tpu.memref_slice %arg11[%dma_wait3A_545, %dma_wait3A_546] : memref<10240x128xf32, #tpu.memory_space<vmem_shared>> -> memref<10240x128xf32, #tpu.memory_space<vmem_shared>>
      tpu.wait_indirect_dma semaphore(%arg15 : memref<!tpu.dma_semaphore, #tpu.memory_space<semaphore_mem>>) src(%arg9 : memref<80x128xf32, #tpu.memory_space<vmem>>) dst(%dma_wait3A_547 : memref<10240x128xf32, #tpu.memory_space<vmem_shared>>)
      %lt3A = arith.constant 7 : i32
      %lt3A_548 = arith.cmpi slt, %scan3A_424, %lt3A : i32
      %convert_element_type3A = arith.extui %lt3A_548 : i1 to i32
      %cond3A = arith.constant 0 : i32
      %cond3A_549 = arith.cmpi ne, %convert_element_type3A, %cond3A : i32
      scf.if %cond3A_549 {
        %add3A_594 = arith.constant 4 : i32
        %add3A_595 = arith.addi %mul3A_426, %add3A_594 : i32
        %dma_start3A_596 = arith.constant 0 : i32
        %dma_start3A_597 = tpu.memref_slice %arg6[%add3A_595, %dma_start3A_596] : memref<50x80xi32, #tpu.memory_space<vmem>> -> memref<1x80xi32, #tpu.memory_space<vmem>>
        %dma_start3A_598 = tpu.memref_squeeze %dma_start3A_597 : memref<1x80xi32, #tpu.memory_space<vmem>> -> memref<80xi32, #tpu.memory_space<vmem>>
        %dma_start3A_599 = arith.constant 0 : i32
        %dma_start3A_600 = arith.constant 0 : i32
        %dma_start3A_601 = tpu.memref_slice %arg2[%dma_start3A_599, %dma_start3A_600] : memref<10000x128xf32, #tpu.memory_space<hbm>> -> memref<10000x128xf32, #tpu.memory_space<hbm>>
        tpu.enqueue_indirect_dma source(%dma_start3A_601 : memref<10000x128xf32, #tpu.memory_space<hbm>>) target(%arg9 : memref<80x128xf32, #tpu.memory_space<vmem>>) offsets(%dma_start3A_598 : memref<80xi32, #tpu.memory_space<vmem>>) semaphore(%arg13 : memref<!tpu.dma_semaphore, #tpu.memory_space<semaphore_mem>>)
      } else {
      }
      %add3A_550 = arith.constant 2 : i32
      %add3A_551 = arith.addi %mul3A_426, %add3A_550 : i32
      %add3A_552 = arith.constant 25 : i32
      %add3A_553 = arith.addi %add3A_552, %add3A_551 : i32
      %dma_start3A_554 = arith.constant 0 : i32
      %dma_start3A_555 = tpu.memref_slice %arg6[%add3A_553, %dma_start3A_554] : memref<50x80xi32, #tpu.memory_space<vmem>> -> memref<1x80xi32, #tpu.memory_space<vmem>>
      %dma_start3A_556 = tpu.memref_squeeze %dma_start3A_555 : memref<1x80xi32, #tpu.memory_space<vmem>> -> memref<80xi32, #tpu.memory_space<vmem>>
      %dma_start3A_557 = arith.constant 0 : i32
      %dma_start3A_558 = arith.constant 0 : i32
      %dma_start3A_559 = tpu.memref_slice %arg11[%dma_start3A_557, %dma_start3A_558] : memref<10240x128xf32, #tpu.memory_space<vmem_shared>> -> memref<10240x128xf32, #tpu.memory_space<vmem_shared>>
      tpu.enqueue_indirect_dma source(%arg10 : memref<80x128xf32, #tpu.memory_space<vmem>>) target(%dma_start3A_559 : memref<10240x128xf32, #tpu.memory_space<vmem_shared>>) offsets(%dma_start3A_556 : memref<80xi32, #tpu.memory_space<vmem>>) semaphore(%arg15 : memref<!tpu.dma_semaphore, #tpu.memory_space<semaphore_mem>>) {add = true}
      %add3A_560 = arith.constant 2 : i32
      %add3A_561 = arith.addi %mul3A_426, %add3A_560 : i32
      %add3A_562 = arith.constant 25 : i32
      %add3A_563 = arith.addi %add3A_562, %add3A_561 : i32
      %get3A_564 = arith.index_cast %add3A_563 : i32 to index
      %get3A_565 = arith.constant 0 : index
      %get3A_566 = tpu.vector_load %arg6[%get3A_564, %get3A_565] {strides = array<i32>} : memref<50x80xi32, #tpu.memory_space<vmem>>, vector<16xi32>,
      tpu.vector_store_idx %arg7[%get3A_566], %broadcast_in_dim3A_110 {add = true} : memref<10240xf32, #tpu.memory_space<vmem>>[vector<16xi32>], vector<16xf32>,
      %add3A_567 = arith.constant 25 : i32
      %add3A_568 = arith.addi %add3A_567, %add3A_561 : i32
      %get3A_569 = arith.index_cast %add3A_568 : i32 to index
      %get3A_570 = arith.constant 16 : index
      %get3A_571 = tpu.vector_load %arg6[%get3A_569, %get3A_570] {strides = array<i32>} : memref<50x80xi32, #tpu.memory_space<vmem>>, vector<16xi32>,
      tpu.vector_store_idx %arg7[%get3A_571], %broadcast_in_dim3A_110 {add = true} : memref<10240xf32, #tpu.memory_space<vmem>>[vector<16xi32>], vector<16xf32>,
      %add3A_572 = arith.constant 25 : i32
      %add3A_573 = arith.addi %add3A_572, %add3A_561 : i32
      %get3A_574 = arith.index_cast %add3A_573 : i32 to index
      %get3A_575 = arith.constant 32 : index
      %get3A_576 = tpu.vector_load %arg6[%get3A_574, %get3A_575] {strides = array<i32>} : memref<50x80xi32, #tpu.memory_space<vmem>>, vector<16xi32>,
      tpu.vector_store_idx %arg7[%get3A_576], %broadcast_in_dim3A_110 {add = true} : memref<10240xf32, #tpu.memory_space<vmem>>[vector<16xi32>], vector<16xf32>,
      %add3A_577 = arith.constant 25 : i32
      %add3A_578 = arith.addi %add3A_577, %add3A_561 : i32
      %get3A_579 = arith.index_cast %add3A_578 : i32 to index
      %get3A_580 = arith.constant 48 : index
      %get3A_581 = tpu.vector_load %arg6[%get3A_579, %get3A_580] {strides = array<i32>} : memref<50x80xi32, #tpu.memory_space<vmem>>, vector<16xi32>,
      tpu.vector_store_idx %arg7[%get3A_581], %broadcast_in_dim3A_110 {add = true} : memref<10240xf32, #tpu.memory_space<vmem>>[vector<16xi32>], vector<16xf32>,
      %add3A_582 = arith.constant 25 : i32
      %add3A_583 = arith.addi %add3A_582, %add3A_561 : i32
      %get3A_584 = arith.index_cast %add3A_583 : i32 to index
      %get3A_585 = arith.constant 64 : index
      %get3A_586 = tpu.vector_load %arg6[%get3A_584, %get3A_585] {strides = array<i32>} : memref<50x80xi32, #tpu.memory_space<vmem>>, vector<16xi32>,
      tpu.vector_store_idx %arg7[%get3A_586], %broadcast_in_dim3A_110 {add = true} : memref<10240xf32, #tpu.memory_space<vmem>>[vector<16xi32>], vector<16xf32>,
      %dma_wait3A_587 = arith.constant 25 : i32
      %dma_wait3A_588 = arith.constant 0 : i32
      %dma_wait3A_589 = tpu.memref_slice %arg6[%dma_wait3A_587, %dma_wait3A_588] : memref<50x80xi32, #tpu.memory_space<vmem>> -> memref<1x80xi32, #tpu.memory_space<vmem>>
      %dma_wait3A_590 = tpu.memref_squeeze %dma_wait3A_589 : memref<1x80xi32, #tpu.memory_space<vmem>> -> memref<80xi32, #tpu.memory_space<vmem>>
      %dma_wait3A_591 = arith.constant 0 : i32
      %dma_wait3A_592 = arith.constant 0 : i32
      %dma_wait3A_593 = tpu.memref_slice %arg11[%dma_wait3A_591, %dma_wait3A_592] : memref<10240x128xf32, #tpu.memory_space<vmem_shared>> -> memref<10240x128xf32, #tpu.memory_space<vmem_shared>>
      tpu.wait_indirect_dma semaphore(%arg15 : memref<!tpu.dma_semaphore, #tpu.memory_space<semaphore_mem>>) src(%arg10 : memref<80x128xf32, #tpu.memory_space<vmem>>) dst(%dma_wait3A_593 : memref<10240x128xf32, #tpu.memory_space<vmem_shared>>)
    }
    %scan3A_191 = arith.constant 8 : i32
    %dma_wait3A_192 = arith.constant 0 : i32
    %dma_wait3A_193 = arith.constant 0 : i32
    %dma_wait3A_194 = tpu.memref_slice %arg6[%dma_wait3A_192, %dma_wait3A_193] : memref<50x80xi32, #tpu.memory_space<vmem>> -> memref<1x80xi32, #tpu.memory_space<vmem>>
    %dma_wait3A_195 = tpu.memref_squeeze %dma_wait3A_194 : memref<1x80xi32, #tpu.memory_space<vmem>> -> memref<80xi32, #tpu.memory_space<vmem>>
    %dma_wait3A_196 = arith.constant 0 : i32
    %dma_wait3A_197 = arith.constant 0 : i32
    %dma_wait3A_198 = tpu.memref_slice %arg2[%dma_wait3A_196, %dma_wait3A_197] : memref<10000x128xf32, #tpu.memory_space<hbm>> -> memref<10000x128xf32, #tpu.memory_space<hbm>>
    tpu.wait_indirect_dma semaphore(%arg12 : memref<!tpu.dma_semaphore, #tpu.memory_space<semaphore_mem>>) src(%dma_wait3A_198 : memref<10000x128xf32, #tpu.memory_space<hbm>>) dst(%arg8 : memref<80x128xf32, #tpu.memory_space<vmem>>)
    %dma_start3A_199 = arith.constant 49 : i32
    %dma_start3A_200 = arith.constant 0 : i32
    %dma_start3A_201 = tpu.memref_slice %arg6[%dma_start3A_199, %dma_start3A_200] : memref<50x80xi32, #tpu.memory_space<vmem>> -> memref<1x80xi32, #tpu.memory_space<vmem>>
    %dma_start3A_202 = tpu.memref_squeeze %dma_start3A_201 : memref<1x80xi32, #tpu.memory_space<vmem>> -> memref<80xi32, #tpu.memory_space<vmem>>
    %dma_start3A_203 = arith.constant 0 : i32
    %dma_start3A_204 = arith.constant 0 : i32
    %dma_start3A_205 = tpu.memref_slice %arg11[%dma_start3A_203, %dma_start3A_204] : memref<10240x128xf32, #tpu.memory_space<vmem_shared>> -> memref<10240x128xf32, #tpu.memory_space<vmem_shared>>
    tpu.enqueue_indirect_dma source(%arg8 : memref<80x128xf32, #tpu.memory_space<vmem>>) target(%dma_start3A_205 : memref<10240x128xf32, #tpu.memory_space<vmem_shared>>) offsets(%dma_start3A_202 : memref<80xi32, #tpu.memory_space<vmem>>) semaphore(%arg15 : memref<!tpu.dma_semaphore, #tpu.memory_space<semaphore_mem>>) {add = true}
    %get3A_206 = arith.constant 49 : i32
    %get3A_207 = arith.index_cast %get3A_206 : i32 to index
    %get3A_208 = arith.constant 0 : index
    %get3A_209 = tpu.vector_load %arg6[%get3A_207, %get3A_208] {strides = array<i32>} : memref<50x80xi32, #tpu.memory_space<vmem>>, vector<16xi32>,
    tpu.vector_store_idx %arg7[%get3A_209], %broadcast_in_dim3A_110 {add = true} : memref<10240xf32, #tpu.memory_space<vmem>>[vector<16xi32>], vector<16xf32>,
    %get3A_210 = arith.constant 49 : i32
    %get3A_211 = arith.index_cast %get3A_210 : i32 to index
    %get3A_212 = arith.constant 16 : index
    %get3A_213 = tpu.vector_load %arg6[%get3A_211, %get3A_212] {strides = array<i32>} : memref<50x80xi32, #tpu.memory_space<vmem>>, vector<16xi32>,
    tpu.vector_store_idx %arg7[%get3A_213], %broadcast_in_dim3A_110 {add = true} : memref<10240xf32, #tpu.memory_space<vmem>>[vector<16xi32>], vector<16xf32>,
    %get3A_214 = arith.constant 49 : i32
    %get3A_215 = arith.index_cast %get3A_214 : i32 to index
    %get3A_216 = arith.constant 32 : index
    %get3A_217 = tpu.vector_load %arg6[%get3A_215, %get3A_216] {strides = array<i32>} : memref<50x80xi32, #tpu.memory_space<vmem>>, vector<16xi32>,
    tpu.vector_store_idx %arg7[%get3A_217], %broadcast_in_dim3A_110 {add = true} : memref<10240xf32, #tpu.memory_space<vmem>>[vector<16xi32>], vector<16xf32>,
    %get3A_218 = arith.constant 49 : i32
    %get3A_219 = arith.index_cast %get3A_218 : i32 to index
    %get3A_220 = arith.constant 48 : index
    %get3A_221 = tpu.vector_load %arg6[%get3A_219, %get3A_220] {strides = array<i32>} : memref<50x80xi32, #tpu.memory_space<vmem>>, vector<16xi32>,
    tpu.vector_store_idx %arg7[%get3A_221], %broadcast_in_dim3A_110 {add = true} : memref<10240xf32, #tpu.memory_space<vmem>>[vector<16xi32>], vector<16xf32>,
    %get3A_222 = arith.constant 49 : i32
    %get3A_223 = arith.index_cast %get3A_222 : i32 to index
    %get3A_224 = arith.constant 64 : index
    %get3A_225 = tpu.vector_load %arg6[%get3A_223, %get3A_224] {strides = array<i32>} : memref<50x80xi32, #tpu.memory_space<vmem>>, vector<16xi32>,
    tpu.vector_store_idx %arg7[%get3A_225], %broadcast_in_dim3A_110 {add = true} : memref<10240xf32, #tpu.memory_space<vmem>>[vector<16xi32>], vector<16xf32>,
    %dma_wait3A_226 = arith.constant 25 : i32
    %dma_wait3A_227 = arith.constant 0 : i32
    %dma_wait3A_228 = tpu.memref_slice %arg6[%dma_wait3A_226, %dma_wait3A_227] : memref<50x80xi32, #tpu.memory_space<vmem>> -> memref<1x80xi32, #tpu.memory_space<vmem>>
    %dma_wait3A_229 = tpu.memref_squeeze %dma_wait3A_228 : memref<1x80xi32, #tpu.memory_space<vmem>> -> memref<80xi32, #tpu.memory_space<vmem>>
    %dma_wait3A_230 = arith.constant 0 : i32
    %dma_wait3A_231 = arith.constant 0 : i32
    %dma_wait3A_232 = tpu.memref_slice %arg11[%dma_wait3A_230, %dma_wait3A_231] : memref<10240x128xf32, #tpu.memory_space<vmem_shared>> -> memref<10240x128xf32, #tpu.memory_space<vmem_shared>>
    tpu.wait_indirect_dma semaphore(%arg15 : memref<!tpu.dma_semaphore, #tpu.memory_space<semaphore_mem>>) src(%arg8 : memref<80x128xf32, #tpu.memory_space<vmem>>) dst(%dma_wait3A_232 : memref<10240x128xf32, #tpu.memory_space<vmem_shared>>)
    %run_scoped3A_233 = arith.constant 2 : i32
    "tpu.region"() ({
      %run_scoped3A_424 = tpu.sem_alloc : memref<!tpu.dma_semaphore, #tpu.memory_space<semaphore_mem>>
      %dma_start3A_425 = arith.constant 0 : i32
      %dma_start3A_426 = arith.constant 0 : i32
      %dma_start3A_427 = tpu.memref_slice %arg3[%add3A, %run_scoped3A_233, %dma_start3A_425, %dma_start3A_426] : memref<32x5x50x80xi32, #tpu.memory_space<hbm>> -> memref<1x1x50x80xi32, #tpu.memory_space<hbm>>
      %dma_start3A_428 = tpu.memref_squeeze %dma_start3A_427 : memref<1x1x50x80xi32, #tpu.memory_space<hbm>> -> memref<50x80xi32, #tpu.memory_space<hbm>>
      %dma_start3A_429 = arith.constant 0 : i32
      %dma_start3A_430 = arith.constant 0 : i32
      %dma_start3A_431 = tpu.memref_slice %arg3[%add3A, %run_scoped3A_233, %dma_start3A_429, %dma_start3A_430] : memref<32x5x50x80xi32, #tpu.memory_space<hbm>> -> memref<1x1x50x80xi32, #tpu.memory_space<hbm>>
      %dma_start3A_432 = tpu.memref_squeeze %dma_start3A_431 : memref<1x1x50x80xi32, #tpu.memory_space<hbm>> -> memref<50x80xi32, #tpu.memory_space<hbm>>
      tpu.enqueue_dma source(%dma_start3A_432 : memref<50x80xi32, #tpu.memory_space<hbm>>) target(%arg6 : memref<50x80xi32, #tpu.memory_space<vmem>>) target_semaphore(%run_scoped3A_424 : memref<!tpu.dma_semaphore, #tpu.memory_space<semaphore_mem>>)
      %dma_wait3A_433 = arith.constant 0 : i32
      %dma_wait3A_434 = arith.constant 0 : i32
      %dma_wait3A_435 = tpu.memref_slice %arg3[%add3A, %run_scoped3A_233, %dma_wait3A_433, %dma_wait3A_434] : memref<32x5x50x80xi32, #tpu.memory_space<hbm>> -> memref<1x1x50x80xi32, #tpu.memory_space<hbm>>
      %dma_wait3A_436 = tpu.memref_squeeze %dma_wait3A_435 : memref<1x1x50x80xi32, #tpu.memory_space<hbm>> -> memref<50x80xi32, #tpu.memory_space<hbm>>
      %dma_wait3A_437 = arith.constant 0 : i32
      %dma_wait3A_438 = arith.constant 0 : i32
      %dma_wait3A_439 = tpu.memref_slice %arg3[%add3A, %run_scoped3A_233, %dma_wait3A_437, %dma_wait3A_438] : memref<32x5x50x80xi32, #tpu.memory_space<hbm>> -> memref<1x1x50x80xi32, #tpu.memory_space<hbm>>
      %dma_wait3A_440 = tpu.memref_squeeze %dma_wait3A_439 : memref<1x1x50x80xi32, #tpu.memory_space<hbm>> -> memref<50x80xi32, #tpu.memory_space<hbm>>
      tpu.wait_dma2 semaphore(%run_scoped3A_424 : memref<!tpu.dma_semaphore, #tpu.memory_space<semaphore_mem>>) src(%dma_wait3A_440 : memref<50x80xi32, #tpu.memory_space<hbm>>) dst(%arg6 : memref<50x80xi32, #tpu.memory_space<vmem>>)
      tpu.yield
    }) : () -> ()
    %dma_start3A_234 = arith.constant 0 : i32
    %dma_start3A_235 = arith.constant 0 : i32
    %dma_start3A_236 = tpu.memref_slice %arg6[%dma_start3A_234, %dma_start3A_235] : memref<50x80xi32, #tpu.memory_space<vmem>> -> memref<1x80xi32, #tpu.memory_space<vmem>>
    %dma_start3A_237 = tpu.memref_squeeze %dma_start3A_236 : memref<1x80xi32, #tpu.memory_space<vmem>> -> memref<80xi32, #tpu.memory_space<vmem>>
    %dma_start3A_238 = arith.constant 0 : i32
    %dma_start3A_239 = arith.constant 0 : i32
    %dma_start3A_240 = tpu.memref_slice %arg2[%dma_start3A_238, %dma_start3A_239] : memref<10000x128xf32, #tpu.memory_space<hbm>> -> memref<10000x128xf32, #tpu.memory_space<hbm>>
    tpu.enqueue_indirect_dma source(%dma_start3A_240 : memref<10000x128xf32, #tpu.memory_space<hbm>>) target(%arg8 : memref<80x128xf32, #tpu.memory_space<vmem>>) offsets(%dma_start3A_237 : memref<80xi32, #tpu.memory_space<vmem>>) semaphore(%arg12 : memref<!tpu.dma_semaphore, #tpu.memory_space<semaphore_mem>>)
    %dma_start3A_241 = arith.constant 1 : i32
    %dma_start3A_242 = arith.constant 0 : i32
    %dma_start3A_243 = tpu.memref_slice %arg6[%dma_start3A_241, %dma_start3A_242] : memref<50x80xi32, #tpu.memory_space<vmem>> -> memref<1x80xi32, #tpu.memory_space<vmem>>
    %dma_start3A_244 = tpu.memref_squeeze %dma_start3A_243 : memref<1x80xi32, #tpu.memory_space<vmem>> -> memref<80xi32, #tpu.memory_space<vmem>>
    %dma_start3A_245 = arith.constant 0 : i32
    %dma_start3A_246 = arith.constant 0 : i32
    %dma_start3A_247 = tpu.memref_slice %arg2[%dma_start3A_245, %dma_start3A_246] : memref<10000x128xf32, #tpu.memory_space<hbm>> -> memref<10000x128xf32, #tpu.memory_space<hbm>>
    tpu.enqueue_indirect_dma source(%dma_start3A_247 : memref<10000x128xf32, #tpu.memory_space<hbm>>) target(%arg9 : memref<80x128xf32, #tpu.memory_space<vmem>>) offsets(%dma_start3A_244 : memref<80xi32, #tpu.memory_space<vmem>>) semaphore(%arg13 : memref<!tpu.dma_semaphore, #tpu.memory_space<semaphore_mem>>)
    %scan3A_248 = arith.constant 0 : i32
    %scan3A_249 = arith.constant 0 : i32
    %scan3A_250 = arith.constant 8 : i32
    %scan3A_251 = arith.addi %scan3A_249, %scan3A_250 : i32
    %scan3A_252 = arith.constant 1 : i32
    scf.for %scan3A_424 = %scan3A_249 to %scan3A_251 step %scan3A_252  : i32 {
      %mul3A_425 = arith.constant 3 : i32
      %mul3A_426 = arith.muli %mul3A_425, %scan3A_424 : i32
      %add3A_427 = arith.constant 2 : i32
      %add3A_428 = arith.addi %mul3A_426, %add3A_427 : i32
      %dma_start3A_429 = arith.constant 0 : i32
      %dma_start3A_430 = tpu.memref_slice %arg6[%add3A_428, %dma_start3A_429] : memref<50x80xi32, #tpu.memory_space<vmem>> -> memref<1x80xi32, #tpu.memory_space<vmem>>
      %dma_start3A_431 = tpu.memref_squeeze %dma_start3A_430 : memref<1x80xi32, #tpu.memory_space<vmem>> -> memref<80xi32, #tpu.memory_space<vmem>>
      %dma_start3A_432 = arith.constant 0 : i32
      %dma_start3A_433 = arith.constant 0 : i32
      %dma_start3A_434 = tpu.memref_slice %arg2[%dma_start3A_432, %dma_start3A_433] : memref<10000x128xf32, #tpu.memory_space<hbm>> -> memref<10000x128xf32, #tpu.memory_space<hbm>>
      tpu.enqueue_indirect_dma source(%dma_start3A_434 : memref<10000x128xf32, #tpu.memory_space<hbm>>) target(%arg10 : memref<80x128xf32, #tpu.memory_space<vmem>>) offsets(%dma_start3A_431 : memref<80xi32, #tpu.memory_space<vmem>>) semaphore(%arg14 : memref<!tpu.dma_semaphore, #tpu.memory_space<semaphore_mem>>)
      %dma_wait3A_435 = arith.constant 0 : i32
      %dma_wait3A_436 = arith.constant 0 : i32
      %dma_wait3A_437 = tpu.memref_slice %arg6[%dma_wait3A_435, %dma_wait3A_436] : memref<50x80xi32, #tpu.memory_space<vmem>> -> memref<1x80xi32, #tpu.memory_space<vmem>>
      %dma_wait3A_438 = tpu.memref_squeeze %dma_wait3A_437 : memref<1x80xi32, #tpu.memory_space<vmem>> -> memref<80xi32, #tpu.memory_space<vmem>>
      %dma_wait3A_439 = arith.constant 0 : i32
      %dma_wait3A_440 = arith.constant 0 : i32
      %dma_wait3A_441 = tpu.memref_slice %arg2[%dma_wait3A_439, %dma_wait3A_440] : memref<10000x128xf32, #tpu.memory_space<hbm>> -> memref<10000x128xf32, #tpu.memory_space<hbm>>
      tpu.wait_indirect_dma semaphore(%arg12 : memref<!tpu.dma_semaphore, #tpu.memory_space<semaphore_mem>>) src(%dma_wait3A_441 : memref<10000x128xf32, #tpu.memory_space<hbm>>) dst(%arg8 : memref<80x128xf32, #tpu.memory_space<vmem>>)
      %add3A_442 = arith.constant 25 : i32
      %add3A_443 = arith.addi %add3A_442, %mul3A_426 : i32
      %dma_start3A_444 = arith.constant 0 : i32
      %dma_start3A_445 = tpu.memref_slice %arg6[%add3A_443, %dma_start3A_444] : memref<50x80xi32, #tpu.memory_space<vmem>> -> memref<1x80xi32, #tpu.memory_space<vmem>>
      %dma_start3A_446 = tpu.memref_squeeze %dma_start3A_445 : memref<1x80xi32, #tpu.memory_space<vmem>> -> memref<80xi32, #tpu.memory_space<vmem>>
      %dma_start3A_447 = arith.constant 0 : i32
      %dma_start3A_448 = arith.constant 0 : i32
      %dma_start3A_449 = tpu.memref_slice %arg11[%dma_start3A_447, %dma_start3A_448] : memref<10240x128xf32, #tpu.memory_space<vmem_shared>> -> memref<10240x128xf32, #tpu.memory_space<vmem_shared>>
      tpu.enqueue_indirect_dma source(%arg8 : memref<80x128xf32, #tpu.memory_space<vmem>>) target(%dma_start3A_449 : memref<10240x128xf32, #tpu.memory_space<vmem_shared>>) offsets(%dma_start3A_446 : memref<80xi32, #tpu.memory_space<vmem>>) semaphore(%arg15 : memref<!tpu.dma_semaphore, #tpu.memory_space<semaphore_mem>>) {add = true}
      %add3A_450 = arith.constant 25 : i32
      %add3A_451 = arith.addi %add3A_450, %mul3A_426 : i32
      %get3A_452 = arith.index_cast %add3A_451 : i32 to index
      %get3A_453 = arith.constant 0 : index
      %get3A_454 = tpu.vector_load %arg6[%get3A_452, %get3A_453] {strides = array<i32>} : memref<50x80xi32, #tpu.memory_space<vmem>>, vector<16xi32>,
      tpu.vector_store_idx %arg7[%get3A_454], %broadcast_in_dim3A_110 {add = true} : memref<10240xf32, #tpu.memory_space<vmem>>[vector<16xi32>], vector<16xf32>,
      %add3A_455 = arith.constant 25 : i32
      %add3A_456 = arith.addi %add3A_455, %mul3A_426 : i32
      %get3A_457 = arith.index_cast %add3A_456 : i32 to index
      %get3A_458 = arith.constant 16 : index
      %get3A_459 = tpu.vector_load %arg6[%get3A_457, %get3A_458] {strides = array<i32>} : memref<50x80xi32, #tpu.memory_space<vmem>>, vector<16xi32>,
      tpu.vector_store_idx %arg7[%get3A_459], %broadcast_in_dim3A_110 {add = true} : memref<10240xf32, #tpu.memory_space<vmem>>[vector<16xi32>], vector<16xf32>,
      %add3A_460 = arith.constant 25 : i32
      %add3A_461 = arith.addi %add3A_460, %mul3A_426 : i32
      %get3A_462 = arith.index_cast %add3A_461 : i32 to index
      %get3A_463 = arith.constant 32 : index
      %get3A_464 = tpu.vector_load %arg6[%get3A_462, %get3A_463] {strides = array<i32>} : memref<50x80xi32, #tpu.memory_space<vmem>>, vector<16xi32>,
      tpu.vector_store_idx %arg7[%get3A_464], %broadcast_in_dim3A_110 {add = true} : memref<10240xf32, #tpu.memory_space<vmem>>[vector<16xi32>], vector<16xf32>,
      %add3A_465 = arith.constant 25 : i32
      %add3A_466 = arith.addi %add3A_465, %mul3A_426 : i32
      %get3A_467 = arith.index_cast %add3A_466 : i32 to index
      %get3A_468 = arith.constant 48 : index
      %get3A_469 = tpu.vector_load %arg6[%get3A_467, %get3A_468] {strides = array<i32>} : memref<50x80xi32, #tpu.memory_space<vmem>>, vector<16xi32>,
      tpu.vector_store_idx %arg7[%get3A_469], %broadcast_in_dim3A_110 {add = true} : memref<10240xf32, #tpu.memory_space<vmem>>[vector<16xi32>], vector<16xf32>,
      %add3A_470 = arith.constant 25 : i32
      %add3A_471 = arith.addi %add3A_470, %mul3A_426 : i32
      %get3A_472 = arith.index_cast %add3A_471 : i32 to index
      %get3A_473 = arith.constant 64 : index
      %get3A_474 = tpu.vector_load %arg6[%get3A_472, %get3A_473] {strides = array<i32>} : memref<50x80xi32, #tpu.memory_space<vmem>>, vector<16xi32>,
      tpu.vector_store_idx %arg7[%get3A_474], %broadcast_in_dim3A_110 {add = true} : memref<10240xf32, #tpu.memory_space<vmem>>[vector<16xi32>], vector<16xf32>,
      %dma_wait3A_475 = arith.constant 0 : i32
      %dma_wait3A_476 = arith.constant 0 : i32
      %dma_wait3A_477 = tpu.memref_slice %arg6[%dma_wait3A_475, %dma_wait3A_476] : memref<50x80xi32, #tpu.memory_space<vmem>> -> memref<1x80xi32, #tpu.memory_space<vmem>>
      %dma_wait3A_478 = tpu.memref_squeeze %dma_wait3A_477 : memref<1x80xi32, #tpu.memory_space<vmem>> -> memref<80xi32, #tpu.memory_space<vmem>>
      %dma_wait3A_479 = arith.constant 0 : i32
      %dma_wait3A_480 = arith.constant 0 : i32
      %dma_wait3A_481 = tpu.memref_slice %arg2[%dma_wait3A_479, %dma_wait3A_480] : memref<10000x128xf32, #tpu.memory_space<hbm>> -> memref<10000x128xf32, #tpu.memory_space<hbm>>
      tpu.wait_indirect_dma semaphore(%arg13 : memref<!tpu.dma_semaphore, #tpu.memory_space<semaphore_mem>>) src(%dma_wait3A_481 : memref<10000x128xf32, #tpu.memory_space<hbm>>) dst(%arg9 : memref<80x128xf32, #tpu.memory_space<vmem>>)
      %dma_wait3A_482 = arith.constant 25 : i32
      %dma_wait3A_483 = arith.constant 0 : i32
      %dma_wait3A_484 = tpu.memref_slice %arg6[%dma_wait3A_482, %dma_wait3A_483] : memref<50x80xi32, #tpu.memory_space<vmem>> -> memref<1x80xi32, #tpu.memory_space<vmem>>
      %dma_wait3A_485 = tpu.memref_squeeze %dma_wait3A_484 : memref<1x80xi32, #tpu.memory_space<vmem>> -> memref<80xi32, #tpu.memory_space<vmem>>
      %dma_wait3A_486 = arith.constant 0 : i32
      %dma_wait3A_487 = arith.constant 0 : i32
      %dma_wait3A_488 = tpu.memref_slice %arg11[%dma_wait3A_486, %dma_wait3A_487] : memref<10240x128xf32, #tpu.memory_space<vmem_shared>> -> memref<10240x128xf32, #tpu.memory_space<vmem_shared>>
      tpu.wait_indirect_dma semaphore(%arg15 : memref<!tpu.dma_semaphore, #tpu.memory_space<semaphore_mem>>) src(%arg8 : memref<80x128xf32, #tpu.memory_space<vmem>>) dst(%dma_wait3A_488 : memref<10240x128xf32, #tpu.memory_space<vmem_shared>>)
      %add3A_489 = arith.constant 3 : i32
      %add3A_490 = arith.addi %mul3A_426, %add3A_489 : i32
      %dma_start3A_491 = arith.constant 0 : i32
      %dma_start3A_492 = tpu.memref_slice %arg6[%add3A_490, %dma_start3A_491] : memref<50x80xi32, #tpu.memory_space<vmem>> -> memref<1x80xi32, #tpu.memory_space<vmem>>
      %dma_start3A_493 = tpu.memref_squeeze %dma_start3A_492 : memref<1x80xi32, #tpu.memory_space<vmem>> -> memref<80xi32, #tpu.memory_space<vmem>>
      %dma_start3A_494 = arith.constant 0 : i32
      %dma_start3A_495 = arith.constant 0 : i32
      %dma_start3A_496 = tpu.memref_slice %arg2[%dma_start3A_494, %dma_start3A_495] : memref<10000x128xf32, #tpu.memory_space<hbm>> -> memref<10000x128xf32, #tpu.memory_space<hbm>>
      tpu.enqueue_indirect_dma source(%dma_start3A_496 : memref<10000x128xf32, #tpu.memory_space<hbm>>) target(%arg8 : memref<80x128xf32, #tpu.memory_space<vmem>>) offsets(%dma_start3A_493 : memref<80xi32, #tpu.memory_space<vmem>>) semaphore(%arg12 : memref<!tpu.dma_semaphore, #tpu.memory_space<semaphore_mem>>)
      %add3A_497 = arith.constant 1 : i32
      %add3A_498 = arith.addi %mul3A_426, %add3A_497 : i32
      %add3A_499 = arith.constant 25 : i32
      %add3A_500 = arith.addi %add3A_499, %add3A_498 : i32
      %dma_start3A_501 = arith.constant 0 : i32
      %dma_start3A_502 = tpu.memref_slice %arg6[%add3A_500, %dma_start3A_501] : memref<50x80xi32, #tpu.memory_space<vmem>> -> memref<1x80xi32, #tpu.memory_space<vmem>>
      %dma_start3A_503 = tpu.memref_squeeze %dma_start3A_502 : memref<1x80xi32, #tpu.memory_space<vmem>> -> memref<80xi32, #tpu.memory_space<vmem>>
      %dma_start3A_504 = arith.constant 0 : i32
      %dma_start3A_505 = arith.constant 0 : i32
      %dma_start3A_506 = tpu.memref_slice %arg11[%dma_start3A_504, %dma_start3A_505] : memref<10240x128xf32, #tpu.memory_space<vmem_shared>> -> memref<10240x128xf32, #tpu.memory_space<vmem_shared>>
      tpu.enqueue_indirect_dma source(%arg9 : memref<80x128xf32, #tpu.memory_space<vmem>>) target(%dma_start3A_506 : memref<10240x128xf32, #tpu.memory_space<vmem_shared>>) offsets(%dma_start3A_503 : memref<80xi32, #tpu.memory_space<vmem>>) semaphore(%arg15 : memref<!tpu.dma_semaphore, #tpu.memory_space<semaphore_mem>>) {add = true}
      %add3A_507 = arith.constant 1 : i32
      %add3A_508 = arith.addi %mul3A_426, %add3A_507 : i32
      %add3A_509 = arith.constant 25 : i32
      %add3A_510 = arith.addi %add3A_509, %add3A_508 : i32
      %get3A_511 = arith.index_cast %add3A_510 : i32 to index
      %get3A_512 = arith.constant 0 : index
      %get3A_513 = tpu.vector_load %arg6[%get3A_511, %get3A_512] {strides = array<i32>} : memref<50x80xi32, #tpu.memory_space<vmem>>, vector<16xi32>,
      tpu.vector_store_idx %arg7[%get3A_513], %broadcast_in_dim3A_110 {add = true} : memref<10240xf32, #tpu.memory_space<vmem>>[vector<16xi32>], vector<16xf32>,
      %add3A_514 = arith.constant 25 : i32
      %add3A_515 = arith.addi %add3A_514, %add3A_508 : i32
      %get3A_516 = arith.index_cast %add3A_515 : i32 to index
      %get3A_517 = arith.constant 16 : index
      %get3A_518 = tpu.vector_load %arg6[%get3A_516, %get3A_517] {strides = array<i32>} : memref<50x80xi32, #tpu.memory_space<vmem>>, vector<16xi32>,
      tpu.vector_store_idx %arg7[%get3A_518], %broadcast_in_dim3A_110 {add = true} : memref<10240xf32, #tpu.memory_space<vmem>>[vector<16xi32>], vector<16xf32>,
      %add3A_519 = arith.constant 25 : i32
      %add3A_520 = arith.addi %add3A_519, %add3A_508 : i32
      %get3A_521 = arith.index_cast %add3A_520 : i32 to index
      %get3A_522 = arith.constant 32 : index
      %get3A_523 = tpu.vector_load %arg6[%get3A_521, %get3A_522] {strides = array<i32>} : memref<50x80xi32, #tpu.memory_space<vmem>>, vector<16xi32>,
      tpu.vector_store_idx %arg7[%get3A_523], %broadcast_in_dim3A_110 {add = true} : memref<10240xf32, #tpu.memory_space<vmem>>[vector<16xi32>], vector<16xf32>,
      %add3A_524 = arith.constant 25 : i32
      %add3A_525 = arith.addi %add3A_524, %add3A_508 : i32
      %get3A_526 = arith.index_cast %add3A_525 : i32 to index
      %get3A_527 = arith.constant 48 : index
      %get3A_528 = tpu.vector_load %arg6[%get3A_526, %get3A_527] {strides = array<i32>} : memref<50x80xi32, #tpu.memory_space<vmem>>, vector<16xi32>,
      tpu.vector_store_idx %arg7[%get3A_528], %broadcast_in_dim3A_110 {add = true} : memref<10240xf32, #tpu.memory_space<vmem>>[vector<16xi32>], vector<16xf32>,
      %add3A_529 = arith.constant 25 : i32
      %add3A_530 = arith.addi %add3A_529, %add3A_508 : i32
      %get3A_531 = arith.index_cast %add3A_530 : i32 to index
      %get3A_532 = arith.constant 64 : index
      %get3A_533 = tpu.vector_load %arg6[%get3A_531, %get3A_532] {strides = array<i32>} : memref<50x80xi32, #tpu.memory_space<vmem>>, vector<16xi32>,
      tpu.vector_store_idx %arg7[%get3A_533], %broadcast_in_dim3A_110 {add = true} : memref<10240xf32, #tpu.memory_space<vmem>>[vector<16xi32>], vector<16xf32>,
      %dma_wait3A_534 = arith.constant 0 : i32
      %dma_wait3A_535 = arith.constant 0 : i32
      %dma_wait3A_536 = tpu.memref_slice %arg6[%dma_wait3A_534, %dma_wait3A_535] : memref<50x80xi32, #tpu.memory_space<vmem>> -> memref<1x80xi32, #tpu.memory_space<vmem>>
      %dma_wait3A_537 = tpu.memref_squeeze %dma_wait3A_536 : memref<1x80xi32, #tpu.memory_space<vmem>> -> memref<80xi32, #tpu.memory_space<vmem>>
      %dma_wait3A_538 = arith.constant 0 : i32
      %dma_wait3A_539 = arith.constant 0 : i32
      %dma_wait3A_540 = tpu.memref_slice %arg2[%dma_wait3A_538, %dma_wait3A_539] : memref<10000x128xf32, #tpu.memory_space<hbm>> -> memref<10000x128xf32, #tpu.memory_space<hbm>>
      tpu.wait_indirect_dma semaphore(%arg14 : memref<!tpu.dma_semaphore, #tpu.memory_space<semaphore_mem>>) src(%dma_wait3A_540 : memref<10000x128xf32, #tpu.memory_space<hbm>>) dst(%arg10 : memref<80x128xf32, #tpu.memory_space<vmem>>)
      %dma_wait3A_541 = arith.constant 25 : i32
      %dma_wait3A_542 = arith.constant 0 : i32
      %dma_wait3A_543 = tpu.memref_slice %arg6[%dma_wait3A_541, %dma_wait3A_542] : memref<50x80xi32, #tpu.memory_space<vmem>> -> memref<1x80xi32, #tpu.memory_space<vmem>>
      %dma_wait3A_544 = tpu.memref_squeeze %dma_wait3A_543 : memref<1x80xi32, #tpu.memory_space<vmem>> -> memref<80xi32, #tpu.memory_space<vmem>>
      %dma_wait3A_545 = arith.constant 0 : i32
      %dma_wait3A_546 = arith.constant 0 : i32
      %dma_wait3A_547 = tpu.memref_slice %arg11[%dma_wait3A_545, %dma_wait3A_546] : memref<10240x128xf32, #tpu.memory_space<vmem_shared>> -> memref<10240x128xf32, #tpu.memory_space<vmem_shared>>
      tpu.wait_indirect_dma semaphore(%arg15 : memref<!tpu.dma_semaphore, #tpu.memory_space<semaphore_mem>>) src(%arg9 : memref<80x128xf32, #tpu.memory_space<vmem>>) dst(%dma_wait3A_547 : memref<10240x128xf32, #tpu.memory_space<vmem_shared>>)
      %lt3A = arith.constant 7 : i32
      %lt3A_548 = arith.cmpi slt, %scan3A_424, %lt3A : i32
      %convert_element_type3A = arith.extui %lt3A_548 : i1 to i32
      %cond3A = arith.constant 0 : i32
      %cond3A_549 = arith.cmpi ne, %convert_element_type3A, %cond3A : i32
      scf.if %cond3A_549 {
        %add3A_594 = arith.constant 4 : i32
        %add3A_595 = arith.addi %mul3A_426, %add3A_594 : i32
        %dma_start3A_596 = arith.constant 0 : i32
        %dma_start3A_597 = tpu.memref_slice %arg6[%add3A_595, %dma_start3A_596] : memref<50x80xi32, #tpu.memory_space<vmem>> -> memref<1x80xi32, #tpu.memory_space<vmem>>
        %dma_start3A_598 = tpu.memref_squeeze %dma_start3A_597 : memref<1x80xi32, #tpu.memory_space<vmem>> -> memref<80xi32, #tpu.memory_space<vmem>>
        %dma_start3A_599 = arith.constant 0 : i32
        %dma_start3A_600 = arith.constant 0 : i32
        %dma_start3A_601 = tpu.memref_slice %arg2[%dma_start3A_599, %dma_start3A_600] : memref<10000x128xf32, #tpu.memory_space<hbm>> -> memref<10000x128xf32, #tpu.memory_space<hbm>>
        tpu.enqueue_indirect_dma source(%dma_start3A_601 : memref<10000x128xf32, #tpu.memory_space<hbm>>) target(%arg9 : memref<80x128xf32, #tpu.memory_space<vmem>>) offsets(%dma_start3A_598 : memref<80xi32, #tpu.memory_space<vmem>>) semaphore(%arg13 : memref<!tpu.dma_semaphore, #tpu.memory_space<semaphore_mem>>)
      } else {
      }
      %add3A_550 = arith.constant 2 : i32
      %add3A_551 = arith.addi %mul3A_426, %add3A_550 : i32
      %add3A_552 = arith.constant 25 : i32
      %add3A_553 = arith.addi %add3A_552, %add3A_551 : i32
      %dma_start3A_554 = arith.constant 0 : i32
      %dma_start3A_555 = tpu.memref_slice %arg6[%add3A_553, %dma_start3A_554] : memref<50x80xi32, #tpu.memory_space<vmem>> -> memref<1x80xi32, #tpu.memory_space<vmem>>
      %dma_start3A_556 = tpu.memref_squeeze %dma_start3A_555 : memref<1x80xi32, #tpu.memory_space<vmem>> -> memref<80xi32, #tpu.memory_space<vmem>>
      %dma_start3A_557 = arith.constant 0 : i32
      %dma_start3A_558 = arith.constant 0 : i32
      %dma_start3A_559 = tpu.memref_slice %arg11[%dma_start3A_557, %dma_start3A_558] : memref<10240x128xf32, #tpu.memory_space<vmem_shared>> -> memref<10240x128xf32, #tpu.memory_space<vmem_shared>>
      tpu.enqueue_indirect_dma source(%arg10 : memref<80x128xf32, #tpu.memory_space<vmem>>) target(%dma_start3A_559 : memref<10240x128xf32, #tpu.memory_space<vmem_shared>>) offsets(%dma_start3A_556 : memref<80xi32, #tpu.memory_space<vmem>>) semaphore(%arg15 : memref<!tpu.dma_semaphore, #tpu.memory_space<semaphore_mem>>) {add = true}
      %add3A_560 = arith.constant 2 : i32
      %add3A_561 = arith.addi %mul3A_426, %add3A_560 : i32
      %add3A_562 = arith.constant 25 : i32
      %add3A_563 = arith.addi %add3A_562, %add3A_561 : i32
      %get3A_564 = arith.index_cast %add3A_563 : i32 to index
      %get3A_565 = arith.constant 0 : index
      %get3A_566 = tpu.vector_load %arg6[%get3A_564, %get3A_565] {strides = array<i32>} : memref<50x80xi32, #tpu.memory_space<vmem>>, vector<16xi32>,
      tpu.vector_store_idx %arg7[%get3A_566], %broadcast_in_dim3A_110 {add = true} : memref<10240xf32, #tpu.memory_space<vmem>>[vector<16xi32>], vector<16xf32>,
      %add3A_567 = arith.constant 25 : i32
      %add3A_568 = arith.addi %add3A_567, %add3A_561 : i32
      %get3A_569 = arith.index_cast %add3A_568 : i32 to index
      %get3A_570 = arith.constant 16 : index
      %get3A_571 = tpu.vector_load %arg6[%get3A_569, %get3A_570] {strides = array<i32>} : memref<50x80xi32, #tpu.memory_space<vmem>>, vector<16xi32>,
      tpu.vector_store_idx %arg7[%get3A_571], %broadcast_in_dim3A_110 {add = true} : memref<10240xf32, #tpu.memory_space<vmem>>[vector<16xi32>], vector<16xf32>,
      %add3A_572 = arith.constant 25 : i32
      %add3A_573 = arith.addi %add3A_572, %add3A_561 : i32
      %get3A_574 = arith.index_cast %add3A_573 : i32 to index
      %get3A_575 = arith.constant 32 : index
      %get3A_576 = tpu.vector_load %arg6[%get3A_574, %get3A_575] {strides = array<i32>} : memref<50x80xi32, #tpu.memory_space<vmem>>, vector<16xi32>,
      tpu.vector_store_idx %arg7[%get3A_576], %broadcast_in_dim3A_110 {add = true} : memref<10240xf32, #tpu.memory_space<vmem>>[vector<16xi32>], vector<16xf32>,
      %add3A_577 = arith.constant 25 : i32
      %add3A_578 = arith.addi %add3A_577, %add3A_561 : i32
      %get3A_579 = arith.index_cast %add3A_578 : i32 to index
      %get3A_580 = arith.constant 48 : index
      %get3A_581 = tpu.vector_load %arg6[%get3A_579, %get3A_580] {strides = array<i32>} : memref<50x80xi32, #tpu.memory_space<vmem>>, vector<16xi32>,
      tpu.vector_store_idx %arg7[%get3A_581], %broadcast_in_dim3A_110 {add = true} : memref<10240xf32, #tpu.memory_space<vmem>>[vector<16xi32>], vector<16xf32>,
      %add3A_582 = arith.constant 25 : i32
      %add3A_583 = arith.addi %add3A_582, %add3A_561 : i32
      %get3A_584 = arith.index_cast %add3A_583 : i32 to index
      %get3A_585 = arith.constant 64 : index
      %get3A_586 = tpu.vector_load %arg6[%get3A_584, %get3A_585] {strides = array<i32>} : memref<50x80xi32, #tpu.memory_space<vmem>>, vector<16xi32>,
      tpu.vector_store_idx %arg7[%get3A_586], %broadcast_in_dim3A_110 {add = true} : memref<10240xf32, #tpu.memory_space<vmem>>[vector<16xi32>], vector<16xf32>,
      %dma_wait3A_587 = arith.constant 25 : i32
      %dma_wait3A_588 = arith.constant 0 : i32
      %dma_wait3A_589 = tpu.memref_slice %arg6[%dma_wait3A_587, %dma_wait3A_588] : memref<50x80xi32, #tpu.memory_space<vmem>> -> memref<1x80xi32, #tpu.memory_space<vmem>>
      %dma_wait3A_590 = tpu.memref_squeeze %dma_wait3A_589 : memref<1x80xi32, #tpu.memory_space<vmem>> -> memref<80xi32, #tpu.memory_space<vmem>>
      %dma_wait3A_591 = arith.constant 0 : i32
      %dma_wait3A_592 = arith.constant 0 : i32
      %dma_wait3A_593 = tpu.memref_slice %arg11[%dma_wait3A_591, %dma_wait3A_592] : memref<10240x128xf32, #tpu.memory_space<vmem_shared>> -> memref<10240x128xf32, #tpu.memory_space<vmem_shared>>
      tpu.wait_indirect_dma semaphore(%arg15 : memref<!tpu.dma_semaphore, #tpu.memory_space<semaphore_mem>>) src(%arg10 : memref<80x128xf32, #tpu.memory_space<vmem>>) dst(%dma_wait3A_593 : memref<10240x128xf32, #tpu.memory_space<vmem_shared>>)
    }
    %scan3A_253 = arith.constant 8 : i32
    %dma_wait3A_254 = arith.constant 0 : i32
    %dma_wait3A_255 = arith.constant 0 : i32
    %dma_wait3A_256 = tpu.memref_slice %arg6[%dma_wait3A_254, %dma_wait3A_255] : memref<50x80xi32, #tpu.memory_space<vmem>> -> memref<1x80xi32, #tpu.memory_space<vmem>>
    %dma_wait3A_257 = tpu.memref_squeeze %dma_wait3A_256 : memref<1x80xi32, #tpu.memory_space<vmem>> -> memref<80xi32, #tpu.memory_space<vmem>>
    %dma_wait3A_258 = arith.constant 0 : i32
    %dma_wait3A_259 = arith.constant 0 : i32
    %dma_wait3A_260 = tpu.memref_slice %arg2[%dma_wait3A_258, %dma_wait3A_259] : memref<10000x128xf32, #tpu.memory_space<hbm>> -> memref<10000x128xf32, #tpu.memory_space<hbm>>
    tpu.wait_indirect_dma semaphore(%arg12 : memref<!tpu.dma_semaphore, #tpu.memory_space<semaphore_mem>>) src(%dma_wait3A_260 : memref<10000x128xf32, #tpu.memory_space<hbm>>) dst(%arg8 : memref<80x128xf32, #tpu.memory_space<vmem>>)
    %dma_start3A_261 = arith.constant 49 : i32
    %dma_start3A_262 = arith.constant 0 : i32
    %dma_start3A_263 = tpu.memref_slice %arg6[%dma_start3A_261, %dma_start3A_262] : memref<50x80xi32, #tpu.memory_space<vmem>> -> memref<1x80xi32, #tpu.memory_space<vmem>>
    %dma_start3A_264 = tpu.memref_squeeze %dma_start3A_263 : memref<1x80xi32, #tpu.memory_space<vmem>> -> memref<80xi32, #tpu.memory_space<vmem>>
    %dma_start3A_265 = arith.constant 0 : i32
    %dma_start3A_266 = arith.constant 0 : i32
    %dma_start3A_267 = tpu.memref_slice %arg11[%dma_start3A_265, %dma_start3A_266] : memref<10240x128xf32, #tpu.memory_space<vmem_shared>> -> memref<10240x128xf32, #tpu.memory_space<vmem_shared>>
    tpu.enqueue_indirect_dma source(%arg8 : memref<80x128xf32, #tpu.memory_space<vmem>>) target(%dma_start3A_267 : memref<10240x128xf32, #tpu.memory_space<vmem_shared>>) offsets(%dma_start3A_264 : memref<80xi32, #tpu.memory_space<vmem>>) semaphore(%arg15 : memref<!tpu.dma_semaphore, #tpu.memory_space<semaphore_mem>>) {add = true}
    %get3A_268 = arith.constant 49 : i32
    %get3A_269 = arith.index_cast %get3A_268 : i32 to index
    %get3A_270 = arith.constant 0 : index
    %get3A_271 = tpu.vector_load %arg6[%get3A_269, %get3A_270] {strides = array<i32>} : memref<50x80xi32, #tpu.memory_space<vmem>>, vector<16xi32>,
    tpu.vector_store_idx %arg7[%get3A_271], %broadcast_in_dim3A_110 {add = true} : memref<10240xf32, #tpu.memory_space<vmem>>[vector<16xi32>], vector<16xf32>,
    %get3A_272 = arith.constant 49 : i32
    %get3A_273 = arith.index_cast %get3A_272 : i32 to index
    %get3A_274 = arith.constant 16 : index
    %get3A_275 = tpu.vector_load %arg6[%get3A_273, %get3A_274] {strides = array<i32>} : memref<50x80xi32, #tpu.memory_space<vmem>>, vector<16xi32>,
    tpu.vector_store_idx %arg7[%get3A_275], %broadcast_in_dim3A_110 {add = true} : memref<10240xf32, #tpu.memory_space<vmem>>[vector<16xi32>], vector<16xf32>,
    %get3A_276 = arith.constant 49 : i32
    %get3A_277 = arith.index_cast %get3A_276 : i32 to index
    %get3A_278 = arith.constant 32 : index
    %get3A_279 = tpu.vector_load %arg6[%get3A_277, %get3A_278] {strides = array<i32>} : memref<50x80xi32, #tpu.memory_space<vmem>>, vector<16xi32>,
    tpu.vector_store_idx %arg7[%get3A_279], %broadcast_in_dim3A_110 {add = true} : memref<10240xf32, #tpu.memory_space<vmem>>[vector<16xi32>], vector<16xf32>,
    %get3A_280 = arith.constant 49 : i32
    %get3A_281 = arith.index_cast %get3A_280 : i32 to index
    %get3A_282 = arith.constant 48 : index
    %get3A_283 = tpu.vector_load %arg6[%get3A_281, %get3A_282] {strides = array<i32>} : memref<50x80xi32, #tpu.memory_space<vmem>>, vector<16xi32>,
    tpu.vector_store_idx %arg7[%get3A_283], %broadcast_in_dim3A_110 {add = true} : memref<10240xf32, #tpu.memory_space<vmem>>[vector<16xi32>], vector<16xf32>,
    %get3A_284 = arith.constant 49 : i32
    %get3A_285 = arith.index_cast %get3A_284 : i32 to index
    %get3A_286 = arith.constant 64 : index
    %get3A_287 = tpu.vector_load %arg6[%get3A_285, %get3A_286] {strides = array<i32>} : memref<50x80xi32, #tpu.memory_space<vmem>>, vector<16xi32>,
    tpu.vector_store_idx %arg7[%get3A_287], %broadcast_in_dim3A_110 {add = true} : memref<10240xf32, #tpu.memory_space<vmem>>[vector<16xi32>], vector<16xf32>,
    %dma_wait3A_288 = arith.constant 25 : i32
    %dma_wait3A_289 = arith.constant 0 : i32
    %dma_wait3A_290 = tpu.memref_slice %arg6[%dma_wait3A_288, %dma_wait3A_289] : memref<50x80xi32, #tpu.memory_space<vmem>> -> memref<1x80xi32, #tpu.memory_space<vmem>>
    %dma_wait3A_291 = tpu.memref_squeeze %dma_wait3A_290 : memref<1x80xi32, #tpu.memory_space<vmem>> -> memref<80xi32, #tpu.memory_space<vmem>>
    %dma_wait3A_292 = arith.constant 0 : i32
    %dma_wait3A_293 = arith.constant 0 : i32
    %dma_wait3A_294 = tpu.memref_slice %arg11[%dma_wait3A_292, %dma_wait3A_293] : memref<10240x128xf32, #tpu.memory_space<vmem_shared>> -> memref<10240x128xf32, #tpu.memory_space<vmem_shared>>
    tpu.wait_indirect_dma semaphore(%arg15 : memref<!tpu.dma_semaphore, #tpu.memory_space<semaphore_mem>>) src(%arg8 : memref<80x128xf32, #tpu.memory_space<vmem>>) dst(%dma_wait3A_294 : memref<10240x128xf32, #tpu.memory_space<vmem_shared>>)
    %run_scoped3A_295 = arith.constant 3 : i32
    "tpu.region"() ({
      %run_scoped3A_424 = tpu.sem_alloc : memref<!tpu.dma_semaphore, #tpu.memory_space<semaphore_mem>>
      %dma_start3A_425 = arith.constant 0 : i32
      %dma_start3A_426 = arith.constant 0 : i32
      %dma_start3A_427 = tpu.memref_slice %arg3[%add3A, %run_scoped3A_295, %dma_start3A_425, %dma_start3A_426] : memref<32x5x50x80xi32, #tpu.memory_space<hbm>> -> memref<1x1x50x80xi32, #tpu.memory_space<hbm>>
      %dma_start3A_428 = tpu.memref_squeeze %dma_start3A_427 : memref<1x1x50x80xi32, #tpu.memory_space<hbm>> -> memref<50x80xi32, #tpu.memory_space<hbm>>
      %dma_start3A_429 = arith.constant 0 : i32
      %dma_start3A_430 = arith.constant 0 : i32
      %dma_start3A_431 = tpu.memref_slice %arg3[%add3A, %run_scoped3A_295, %dma_start3A_429, %dma_start3A_430] : memref<32x5x50x80xi32, #tpu.memory_space<hbm>> -> memref<1x1x50x80xi32, #tpu.memory_space<hbm>>
      %dma_start3A_432 = tpu.memref_squeeze %dma_start3A_431 : memref<1x1x50x80xi32, #tpu.memory_space<hbm>> -> memref<50x80xi32, #tpu.memory_space<hbm>>
      tpu.enqueue_dma source(%dma_start3A_432 : memref<50x80xi32, #tpu.memory_space<hbm>>) target(%arg6 : memref<50x80xi32, #tpu.memory_space<vmem>>) target_semaphore(%run_scoped3A_424 : memref<!tpu.dma_semaphore, #tpu.memory_space<semaphore_mem>>)
      %dma_wait3A_433 = arith.constant 0 : i32
      %dma_wait3A_434 = arith.constant 0 : i32
      %dma_wait3A_435 = tpu.memref_slice %arg3[%add3A, %run_scoped3A_295, %dma_wait3A_433, %dma_wait3A_434] : memref<32x5x50x80xi32, #tpu.memory_space<hbm>> -> memref<1x1x50x80xi32, #tpu.memory_space<hbm>>
      %dma_wait3A_436 = tpu.memref_squeeze %dma_wait3A_435 : memref<1x1x50x80xi32, #tpu.memory_space<hbm>> -> memref<50x80xi32, #tpu.memory_space<hbm>>
      %dma_wait3A_437 = arith.constant 0 : i32
      %dma_wait3A_438 = arith.constant 0 : i32
      %dma_wait3A_439 = tpu.memref_slice %arg3[%add3A, %run_scoped3A_295, %dma_wait3A_437, %dma_wait3A_438] : memref<32x5x50x80xi32, #tpu.memory_space<hbm>> -> memref<1x1x50x80xi32, #tpu.memory_space<hbm>>
      %dma_wait3A_440 = tpu.memref_squeeze %dma_wait3A_439 : memref<1x1x50x80xi32, #tpu.memory_space<hbm>> -> memref<50x80xi32, #tpu.memory_space<hbm>>
      tpu.wait_dma2 semaphore(%run_scoped3A_424 : memref<!tpu.dma_semaphore, #tpu.memory_space<semaphore_mem>>) src(%dma_wait3A_440 : memref<50x80xi32, #tpu.memory_space<hbm>>) dst(%arg6 : memref<50x80xi32, #tpu.memory_space<vmem>>)
      tpu.yield
    }) : () -> ()
    %dma_start3A_296 = arith.constant 0 : i32
    %dma_start3A_297 = arith.constant 0 : i32
    %dma_start3A_298 = tpu.memref_slice %arg6[%dma_start3A_296, %dma_start3A_297] : memref<50x80xi32, #tpu.memory_space<vmem>> -> memref<1x80xi32, #tpu.memory_space<vmem>>
    %dma_start3A_299 = tpu.memref_squeeze %dma_start3A_298 : memref<1x80xi32, #tpu.memory_space<vmem>> -> memref<80xi32, #tpu.memory_space<vmem>>
    %dma_start3A_300 = arith.constant 0 : i32
    %dma_start3A_301 = arith.constant 0 : i32
    %dma_start3A_302 = tpu.memref_slice %arg2[%dma_start3A_300, %dma_start3A_301] : memref<10000x128xf32, #tpu.memory_space<hbm>> -> memref<10000x128xf32, #tpu.memory_space<hbm>>
    tpu.enqueue_indirect_dma source(%dma_start3A_302 : memref<10000x128xf32, #tpu.memory_space<hbm>>) target(%arg8 : memref<80x128xf32, #tpu.memory_space<vmem>>) offsets(%dma_start3A_299 : memref<80xi32, #tpu.memory_space<vmem>>) semaphore(%arg12 : memref<!tpu.dma_semaphore, #tpu.memory_space<semaphore_mem>>)
    %dma_start3A_303 = arith.constant 1 : i32
    %dma_start3A_304 = arith.constant 0 : i32
    %dma_start3A_305 = tpu.memref_slice %arg6[%dma_start3A_303, %dma_start3A_304] : memref<50x80xi32, #tpu.memory_space<vmem>> -> memref<1x80xi32, #tpu.memory_space<vmem>>
    %dma_start3A_306 = tpu.memref_squeeze %dma_start3A_305 : memref<1x80xi32, #tpu.memory_space<vmem>> -> memref<80xi32, #tpu.memory_space<vmem>>
    %dma_start3A_307 = arith.constant 0 : i32
    %dma_start3A_308 = arith.constant 0 : i32
    %dma_start3A_309 = tpu.memref_slice %arg2[%dma_start3A_307, %dma_start3A_308] : memref<10000x128xf32, #tpu.memory_space<hbm>> -> memref<10000x128xf32, #tpu.memory_space<hbm>>
    tpu.enqueue_indirect_dma source(%dma_start3A_309 : memref<10000x128xf32, #tpu.memory_space<hbm>>) target(%arg9 : memref<80x128xf32, #tpu.memory_space<vmem>>) offsets(%dma_start3A_306 : memref<80xi32, #tpu.memory_space<vmem>>) semaphore(%arg13 : memref<!tpu.dma_semaphore, #tpu.memory_space<semaphore_mem>>)
    %scan3A_310 = arith.constant 0 : i32
    %scan3A_311 = arith.constant 0 : i32
    %scan3A_312 = arith.constant 8 : i32
    %scan3A_313 = arith.addi %scan3A_311, %scan3A_312 : i32
    %scan3A_314 = arith.constant 1 : i32
    scf.for %scan3A_424 = %scan3A_311 to %scan3A_313 step %scan3A_314  : i32 {
      %mul3A_425 = arith.constant 3 : i32
      %mul3A_426 = arith.muli %mul3A_425, %scan3A_424 : i32
      %add3A_427 = arith.constant 2 : i32
      %add3A_428 = arith.addi %mul3A_426, %add3A_427 : i32
      %dma_start3A_429 = arith.constant 0 : i32
      %dma_start3A_430 = tpu.memref_slice %arg6[%add3A_428, %dma_start3A_429] : memref<50x80xi32, #tpu.memory_space<vmem>> -> memref<1x80xi32, #tpu.memory_space<vmem>>
      %dma_start3A_431 = tpu.memref_squeeze %dma_start3A_430 : memref<1x80xi32, #tpu.memory_space<vmem>> -> memref<80xi32, #tpu.memory_space<vmem>>
      %dma_start3A_432 = arith.constant 0 : i32
      %dma_start3A_433 = arith.constant 0 : i32
      %dma_start3A_434 = tpu.memref_slice %arg2[%dma_start3A_432, %dma_start3A_433] : memref<10000x128xf32, #tpu.memory_space<hbm>> -> memref<10000x128xf32, #tpu.memory_space<hbm>>
      tpu.enqueue_indirect_dma source(%dma_start3A_434 : memref<10000x128xf32, #tpu.memory_space<hbm>>) target(%arg10 : memref<80x128xf32, #tpu.memory_space<vmem>>) offsets(%dma_start3A_431 : memref<80xi32, #tpu.memory_space<vmem>>) semaphore(%arg14 : memref<!tpu.dma_semaphore, #tpu.memory_space<semaphore_mem>>)
      %dma_wait3A_435 = arith.constant 0 : i32
      %dma_wait3A_436 = arith.constant 0 : i32
      %dma_wait3A_437 = tpu.memref_slice %arg6[%dma_wait3A_435, %dma_wait3A_436] : memref<50x80xi32, #tpu.memory_space<vmem>> -> memref<1x80xi32, #tpu.memory_space<vmem>>
      %dma_wait3A_438 = tpu.memref_squeeze %dma_wait3A_437 : memref<1x80xi32, #tpu.memory_space<vmem>> -> memref<80xi32, #tpu.memory_space<vmem>>
      %dma_wait3A_439 = arith.constant 0 : i32
      %dma_wait3A_440 = arith.constant 0 : i32
      %dma_wait3A_441 = tpu.memref_slice %arg2[%dma_wait3A_439, %dma_wait3A_440] : memref<10000x128xf32, #tpu.memory_space<hbm>> -> memref<10000x128xf32, #tpu.memory_space<hbm>>
      tpu.wait_indirect_dma semaphore(%arg12 : memref<!tpu.dma_semaphore, #tpu.memory_space<semaphore_mem>>) src(%dma_wait3A_441 : memref<10000x128xf32, #tpu.memory_space<hbm>>) dst(%arg8 : memref<80x128xf32, #tpu.memory_space<vmem>>)
      %add3A_442 = arith.constant 25 : i32
      %add3A_443 = arith.addi %add3A_442, %mul3A_426 : i32
      %dma_start3A_444 = arith.constant 0 : i32
      %dma_start3A_445 = tpu.memref_slice %arg6[%add3A_443, %dma_start3A_444] : memref<50x80xi32, #tpu.memory_space<vmem>> -> memref<1x80xi32, #tpu.memory_space<vmem>>
      %dma_start3A_446 = tpu.memref_squeeze %dma_start3A_445 : memref<1x80xi32, #tpu.memory_space<vmem>> -> memref<80xi32, #tpu.memory_space<vmem>>
      %dma_start3A_447 = arith.constant 0 : i32
      %dma_start3A_448 = arith.constant 0 : i32
      %dma_start3A_449 = tpu.memref_slice %arg11[%dma_start3A_447, %dma_start3A_448] : memref<10240x128xf32, #tpu.memory_space<vmem_shared>> -> memref<10240x128xf32, #tpu.memory_space<vmem_shared>>
      tpu.enqueue_indirect_dma source(%arg8 : memref<80x128xf32, #tpu.memory_space<vmem>>) target(%dma_start3A_449 : memref<10240x128xf32, #tpu.memory_space<vmem_shared>>) offsets(%dma_start3A_446 : memref<80xi32, #tpu.memory_space<vmem>>) semaphore(%arg15 : memref<!tpu.dma_semaphore, #tpu.memory_space<semaphore_mem>>) {add = true}
      %add3A_450 = arith.constant 25 : i32
      %add3A_451 = arith.addi %add3A_450, %mul3A_426 : i32
      %get3A_452 = arith.index_cast %add3A_451 : i32 to index
      %get3A_453 = arith.constant 0 : index
      %get3A_454 = tpu.vector_load %arg6[%get3A_452, %get3A_453] {strides = array<i32>} : memref<50x80xi32, #tpu.memory_space<vmem>>, vector<16xi32>,
      tpu.vector_store_idx %arg7[%get3A_454], %broadcast_in_dim3A_110 {add = true} : memref<10240xf32, #tpu.memory_space<vmem>>[vector<16xi32>], vector<16xf32>,
      %add3A_455 = arith.constant 25 : i32
      %add3A_456 = arith.addi %add3A_455, %mul3A_426 : i32
      %get3A_457 = arith.index_cast %add3A_456 : i32 to index
      %get3A_458 = arith.constant 16 : index
      %get3A_459 = tpu.vector_load %arg6[%get3A_457, %get3A_458] {strides = array<i32>} : memref<50x80xi32, #tpu.memory_space<vmem>>, vector<16xi32>,
      tpu.vector_store_idx %arg7[%get3A_459], %broadcast_in_dim3A_110 {add = true} : memref<10240xf32, #tpu.memory_space<vmem>>[vector<16xi32>], vector<16xf32>,
      %add3A_460 = arith.constant 25 : i32
      %add3A_461 = arith.addi %add3A_460, %mul3A_426 : i32
      %get3A_462 = arith.index_cast %add3A_461 : i32 to index
      %get3A_463 = arith.constant 32 : index
      %get3A_464 = tpu.vector_load %arg6[%get3A_462, %get3A_463] {strides = array<i32>} : memref<50x80xi32, #tpu.memory_space<vmem>>, vector<16xi32>,
      tpu.vector_store_idx %arg7[%get3A_464], %broadcast_in_dim3A_110 {add = true} : memref<10240xf32, #tpu.memory_space<vmem>>[vector<16xi32>], vector<16xf32>,
      %add3A_465 = arith.constant 25 : i32
      %add3A_466 = arith.addi %add3A_465, %mul3A_426 : i32
      %get3A_467 = arith.index_cast %add3A_466 : i32 to index
      %get3A_468 = arith.constant 48 : index
      %get3A_469 = tpu.vector_load %arg6[%get3A_467, %get3A_468] {strides = array<i32>} : memref<50x80xi32, #tpu.memory_space<vmem>>, vector<16xi32>,
      tpu.vector_store_idx %arg7[%get3A_469], %broadcast_in_dim3A_110 {add = true} : memref<10240xf32, #tpu.memory_space<vmem>>[vector<16xi32>], vector<16xf32>,
      %add3A_470 = arith.constant 25 : i32
      %add3A_471 = arith.addi %add3A_470, %mul3A_426 : i32
      %get3A_472 = arith.index_cast %add3A_471 : i32 to index
      %get3A_473 = arith.constant 64 : index
      %get3A_474 = tpu.vector_load %arg6[%get3A_472, %get3A_473] {strides = array<i32>} : memref<50x80xi32, #tpu.memory_space<vmem>>, vector<16xi32>,
      tpu.vector_store_idx %arg7[%get3A_474], %broadcast_in_dim3A_110 {add = true} : memref<10240xf32, #tpu.memory_space<vmem>>[vector<16xi32>], vector<16xf32>,
      %dma_wait3A_475 = arith.constant 0 : i32
      %dma_wait3A_476 = arith.constant 0 : i32
      %dma_wait3A_477 = tpu.memref_slice %arg6[%dma_wait3A_475, %dma_wait3A_476] : memref<50x80xi32, #tpu.memory_space<vmem>> -> memref<1x80xi32, #tpu.memory_space<vmem>>
      %dma_wait3A_478 = tpu.memref_squeeze %dma_wait3A_477 : memref<1x80xi32, #tpu.memory_space<vmem>> -> memref<80xi32, #tpu.memory_space<vmem>>
      %dma_wait3A_479 = arith.constant 0 : i32
      %dma_wait3A_480 = arith.constant 0 : i32
      %dma_wait3A_481 = tpu.memref_slice %arg2[%dma_wait3A_479, %dma_wait3A_480] : memref<10000x128xf32, #tpu.memory_space<hbm>> -> memref<10000x128xf32, #tpu.memory_space<hbm>>
      tpu.wait_indirect_dma semaphore(%arg13 : memref<!tpu.dma_semaphore, #tpu.memory_space<semaphore_mem>>) src(%dma_wait3A_481 : memref<10000x128xf32, #tpu.memory_space<hbm>>) dst(%arg9 : memref<80x128xf32, #tpu.memory_space<vmem>>)
      %dma_wait3A_482 = arith.constant 25 : i32
      %dma_wait3A_483 = arith.constant 0 : i32
      %dma_wait3A_484 = tpu.memref_slice %arg6[%dma_wait3A_482, %dma_wait3A_483] : memref<50x80xi32, #tpu.memory_space<vmem>> -> memref<1x80xi32, #tpu.memory_space<vmem>>
      %dma_wait3A_485 = tpu.memref_squeeze %dma_wait3A_484 : memref<1x80xi32, #tpu.memory_space<vmem>> -> memref<80xi32, #tpu.memory_space<vmem>>
      %dma_wait3A_486 = arith.constant 0 : i32
      %dma_wait3A_487 = arith.constant 0 : i32
      %dma_wait3A_488 = tpu.memref_slice %arg11[%dma_wait3A_486, %dma_wait3A_487] : memref<10240x128xf32, #tpu.memory_space<vmem_shared>> -> memref<10240x128xf32, #tpu.memory_space<vmem_shared>>
      tpu.wait_indirect_dma semaphore(%arg15 : memref<!tpu.dma_semaphore, #tpu.memory_space<semaphore_mem>>) src(%arg8 : memref<80x128xf32, #tpu.memory_space<vmem>>) dst(%dma_wait3A_488 : memref<10240x128xf32, #tpu.memory_space<vmem_shared>>)
      %add3A_489 = arith.constant 3 : i32
      %add3A_490 = arith.addi %mul3A_426, %add3A_489 : i32
      %dma_start3A_491 = arith.constant 0 : i32
      %dma_start3A_492 = tpu.memref_slice %arg6[%add3A_490, %dma_start3A_491] : memref<50x80xi32, #tpu.memory_space<vmem>> -> memref<1x80xi32, #tpu.memory_space<vmem>>
      %dma_start3A_493 = tpu.memref_squeeze %dma_start3A_492 : memref<1x80xi32, #tpu.memory_space<vmem>> -> memref<80xi32, #tpu.memory_space<vmem>>
      %dma_start3A_494 = arith.constant 0 : i32
      %dma_start3A_495 = arith.constant 0 : i32
      %dma_start3A_496 = tpu.memref_slice %arg2[%dma_start3A_494, %dma_start3A_495] : memref<10000x128xf32, #tpu.memory_space<hbm>> -> memref<10000x128xf32, #tpu.memory_space<hbm>>
      tpu.enqueue_indirect_dma source(%dma_start3A_496 : memref<10000x128xf32, #tpu.memory_space<hbm>>) target(%arg8 : memref<80x128xf32, #tpu.memory_space<vmem>>) offsets(%dma_start3A_493 : memref<80xi32, #tpu.memory_space<vmem>>) semaphore(%arg12 : memref<!tpu.dma_semaphore, #tpu.memory_space<semaphore_mem>>)
      %add3A_497 = arith.constant 1 : i32
      %add3A_498 = arith.addi %mul3A_426, %add3A_497 : i32
      %add3A_499 = arith.constant 25 : i32
      %add3A_500 = arith.addi %add3A_499, %add3A_498 : i32
      %dma_start3A_501 = arith.constant 0 : i32
      %dma_start3A_502 = tpu.memref_slice %arg6[%add3A_500, %dma_start3A_501] : memref<50x80xi32, #tpu.memory_space<vmem>> -> memref<1x80xi32, #tpu.memory_space<vmem>>
      %dma_start3A_503 = tpu.memref_squeeze %dma_start3A_502 : memref<1x80xi32, #tpu.memory_space<vmem>> -> memref<80xi32, #tpu.memory_space<vmem>>
      %dma_start3A_504 = arith.constant 0 : i32
      %dma_start3A_505 = arith.constant 0 : i32
      %dma_start3A_506 = tpu.memref_slice %arg11[%dma_start3A_504, %dma_start3A_505] : memref<10240x128xf32, #tpu.memory_space<vmem_shared>> -> memref<10240x128xf32, #tpu.memory_space<vmem_shared>>
      tpu.enqueue_indirect_dma source(%arg9 : memref<80x128xf32, #tpu.memory_space<vmem>>) target(%dma_start3A_506 : memref<10240x128xf32, #tpu.memory_space<vmem_shared>>) offsets(%dma_start3A_503 : memref<80xi32, #tpu.memory_space<vmem>>) semaphore(%arg15 : memref<!tpu.dma_semaphore, #tpu.memory_space<semaphore_mem>>) {add = true}
      %add3A_507 = arith.constant 1 : i32
      %add3A_508 = arith.addi %mul3A_426, %add3A_507 : i32
      %add3A_509 = arith.constant 25 : i32
      %add3A_510 = arith.addi %add3A_509, %add3A_508 : i32
      %get3A_511 = arith.index_cast %add3A_510 : i32 to index
      %get3A_512 = arith.constant 0 : index
      %get3A_513 = tpu.vector_load %arg6[%get3A_511, %get3A_512] {strides = array<i32>} : memref<50x80xi32, #tpu.memory_space<vmem>>, vector<16xi32>,
      tpu.vector_store_idx %arg7[%get3A_513], %broadcast_in_dim3A_110 {add = true} : memref<10240xf32, #tpu.memory_space<vmem>>[vector<16xi32>], vector<16xf32>,
      %add3A_514 = arith.constant 25 : i32
      %add3A_515 = arith.addi %add3A_514, %add3A_508 : i32
      %get3A_516 = arith.index_cast %add3A_515 : i32 to index
      %get3A_517 = arith.constant 16 : index
      %get3A_518 = tpu.vector_load %arg6[%get3A_516, %get3A_517] {strides = array<i32>} : memref<50x80xi32, #tpu.memory_space<vmem>>, vector<16xi32>,
      tpu.vector_store_idx %arg7[%get3A_518], %broadcast_in_dim3A_110 {add = true} : memref<10240xf32, #tpu.memory_space<vmem>>[vector<16xi32>], vector<16xf32>,
      %add3A_519 = arith.constant 25 : i32
      %add3A_520 = arith.addi %add3A_519, %add3A_508 : i32
      %get3A_521 = arith.index_cast %add3A_520 : i32 to index
      %get3A_522 = arith.constant 32 : index
      %get3A_523 = tpu.vector_load %arg6[%get3A_521, %get3A_522] {strides = array<i32>} : memref<50x80xi32, #tpu.memory_space<vmem>>, vector<16xi32>,
      tpu.vector_store_idx %arg7[%get3A_523], %broadcast_in_dim3A_110 {add = true} : memref<10240xf32, #tpu.memory_space<vmem>>[vector<16xi32>], vector<16xf32>,
      %add3A_524 = arith.constant 25 : i32
      %add3A_525 = arith.addi %add3A_524, %add3A_508 : i32
      %get3A_526 = arith.index_cast %add3A_525 : i32 to index
      %get3A_527 = arith.constant 48 : index
      %get3A_528 = tpu.vector_load %arg6[%get3A_526, %get3A_527] {strides = array<i32>} : memref<50x80xi32, #tpu.memory_space<vmem>>, vector<16xi32>,
      tpu.vector_store_idx %arg7[%get3A_528], %broadcast_in_dim3A_110 {add = true} : memref<10240xf32, #tpu.memory_space<vmem>>[vector<16xi32>], vector<16xf32>,
      %add3A_529 = arith.constant 25 : i32
      %add3A_530 = arith.addi %add3A_529, %add3A_508 : i32
      %get3A_531 = arith.index_cast %add3A_530 : i32 to index
      %get3A_532 = arith.constant 64 : index
      %get3A_533 = tpu.vector_load %arg6[%get3A_531, %get3A_532] {strides = array<i32>} : memref<50x80xi32, #tpu.memory_space<vmem>>, vector<16xi32>,
      tpu.vector_store_idx %arg7[%get3A_533], %broadcast_in_dim3A_110 {add = true} : memref<10240xf32, #tpu.memory_space<vmem>>[vector<16xi32>], vector<16xf32>,
      %dma_wait3A_534 = arith.constant 0 : i32
      %dma_wait3A_535 = arith.constant 0 : i32
      %dma_wait3A_536 = tpu.memref_slice %arg6[%dma_wait3A_534, %dma_wait3A_535] : memref<50x80xi32, #tpu.memory_space<vmem>> -> memref<1x80xi32, #tpu.memory_space<vmem>>
      %dma_wait3A_537 = tpu.memref_squeeze %dma_wait3A_536 : memref<1x80xi32, #tpu.memory_space<vmem>> -> memref<80xi32, #tpu.memory_space<vmem>>
      %dma_wait3A_538 = arith.constant 0 : i32
      %dma_wait3A_539 = arith.constant 0 : i32
      %dma_wait3A_540 = tpu.memref_slice %arg2[%dma_wait3A_538, %dma_wait3A_539] : memref<10000x128xf32, #tpu.memory_space<hbm>> -> memref<10000x128xf32, #tpu.memory_space<hbm>>
      tpu.wait_indirect_dma semaphore(%arg14 : memref<!tpu.dma_semaphore, #tpu.memory_space<semaphore_mem>>) src(%dma_wait3A_540 : memref<10000x128xf32, #tpu.memory_space<hbm>>) dst(%arg10 : memref<80x128xf32, #tpu.memory_space<vmem>>)
      %dma_wait3A_541 = arith.constant 25 : i32
      %dma_wait3A_542 = arith.constant 0 : i32
      %dma_wait3A_543 = tpu.memref_slice %arg6[%dma_wait3A_541, %dma_wait3A_542] : memref<50x80xi32, #tpu.memory_space<vmem>> -> memref<1x80xi32, #tpu.memory_space<vmem>>
      %dma_wait3A_544 = tpu.memref_squeeze %dma_wait3A_543 : memref<1x80xi32, #tpu.memory_space<vmem>> -> memref<80xi32, #tpu.memory_space<vmem>>
      %dma_wait3A_545 = arith.constant 0 : i32
      %dma_wait3A_546 = arith.constant 0 : i32
      %dma_wait3A_547 = tpu.memref_slice %arg11[%dma_wait3A_545, %dma_wait3A_546] : memref<10240x128xf32, #tpu.memory_space<vmem_shared>> -> memref<10240x128xf32, #tpu.memory_space<vmem_shared>>
      tpu.wait_indirect_dma semaphore(%arg15 : memref<!tpu.dma_semaphore, #tpu.memory_space<semaphore_mem>>) src(%arg9 : memref<80x128xf32, #tpu.memory_space<vmem>>) dst(%dma_wait3A_547 : memref<10240x128xf32, #tpu.memory_space<vmem_shared>>)
      %lt3A = arith.constant 7 : i32
      %lt3A_548 = arith.cmpi slt, %scan3A_424, %lt3A : i32
      %convert_element_type3A = arith.extui %lt3A_548 : i1 to i32
      %cond3A = arith.constant 0 : i32
      %cond3A_549 = arith.cmpi ne, %convert_element_type3A, %cond3A : i32
      scf.if %cond3A_549 {
        %add3A_594 = arith.constant 4 : i32
        %add3A_595 = arith.addi %mul3A_426, %add3A_594 : i32
        %dma_start3A_596 = arith.constant 0 : i32
        %dma_start3A_597 = tpu.memref_slice %arg6[%add3A_595, %dma_start3A_596] : memref<50x80xi32, #tpu.memory_space<vmem>> -> memref<1x80xi32, #tpu.memory_space<vmem>>
        %dma_start3A_598 = tpu.memref_squeeze %dma_start3A_597 : memref<1x80xi32, #tpu.memory_space<vmem>> -> memref<80xi32, #tpu.memory_space<vmem>>
        %dma_start3A_599 = arith.constant 0 : i32
        %dma_start3A_600 = arith.constant 0 : i32
        %dma_start3A_601 = tpu.memref_slice %arg2[%dma_start3A_599, %dma_start3A_600] : memref<10000x128xf32, #tpu.memory_space<hbm>> -> memref<10000x128xf32, #tpu.memory_space<hbm>>
        tpu.enqueue_indirect_dma source(%dma_start3A_601 : memref<10000x128xf32, #tpu.memory_space<hbm>>) target(%arg9 : memref<80x128xf32, #tpu.memory_space<vmem>>) offsets(%dma_start3A_598 : memref<80xi32, #tpu.memory_space<vmem>>) semaphore(%arg13 : memref<!tpu.dma_semaphore, #tpu.memory_space<semaphore_mem>>)
      } else {
      }
      %add3A_550 = arith.constant 2 : i32
      %add3A_551 = arith.addi %mul3A_426, %add3A_550 : i32
      %add3A_552 = arith.constant 25 : i32
      %add3A_553 = arith.addi %add3A_552, %add3A_551 : i32
      %dma_start3A_554 = arith.constant 0 : i32
      %dma_start3A_555 = tpu.memref_slice %arg6[%add3A_553, %dma_start3A_554] : memref<50x80xi32, #tpu.memory_space<vmem>> -> memref<1x80xi32, #tpu.memory_space<vmem>>
      %dma_start3A_556 = tpu.memref_squeeze %dma_start3A_555 : memref<1x80xi32, #tpu.memory_space<vmem>> -> memref<80xi32, #tpu.memory_space<vmem>>
      %dma_start3A_557 = arith.constant 0 : i32
      %dma_start3A_558 = arith.constant 0 : i32
      %dma_start3A_559 = tpu.memref_slice %arg11[%dma_start3A_557, %dma_start3A_558] : memref<10240x128xf32, #tpu.memory_space<vmem_shared>> -> memref<10240x128xf32, #tpu.memory_space<vmem_shared>>
      tpu.enqueue_indirect_dma source(%arg10 : memref<80x128xf32, #tpu.memory_space<vmem>>) target(%dma_start3A_559 : memref<10240x128xf32, #tpu.memory_space<vmem_shared>>) offsets(%dma_start3A_556 : memref<80xi32, #tpu.memory_space<vmem>>) semaphore(%arg15 : memref<!tpu.dma_semaphore, #tpu.memory_space<semaphore_mem>>) {add = true}
      %add3A_560 = arith.constant 2 : i32
      %add3A_561 = arith.addi %mul3A_426, %add3A_560 : i32
      %add3A_562 = arith.constant 25 : i32
      %add3A_563 = arith.addi %add3A_562, %add3A_561 : i32
      %get3A_564 = arith.index_cast %add3A_563 : i32 to index
      %get3A_565 = arith.constant 0 : index
      %get3A_566 = tpu.vector_load %arg6[%get3A_564, %get3A_565] {strides = array<i32>} : memref<50x80xi32, #tpu.memory_space<vmem>>, vector<16xi32>,
      tpu.vector_store_idx %arg7[%get3A_566], %broadcast_in_dim3A_110 {add = true} : memref<10240xf32, #tpu.memory_space<vmem>>[vector<16xi32>], vector<16xf32>,
      %add3A_567 = arith.constant 25 : i32
      %add3A_568 = arith.addi %add3A_567, %add3A_561 : i32
      %get3A_569 = arith.index_cast %add3A_568 : i32 to index
      %get3A_570 = arith.constant 16 : index
      %get3A_571 = tpu.vector_load %arg6[%get3A_569, %get3A_570] {strides = array<i32>} : memref<50x80xi32, #tpu.memory_space<vmem>>, vector<16xi32>,
      tpu.vector_store_idx %arg7[%get3A_571], %broadcast_in_dim3A_110 {add = true} : memref<10240xf32, #tpu.memory_space<vmem>>[vector<16xi32>], vector<16xf32>,
      %add3A_572 = arith.constant 25 : i32
      %add3A_573 = arith.addi %add3A_572, %add3A_561 : i32
      %get3A_574 = arith.index_cast %add3A_573 : i32 to index
      %get3A_575 = arith.constant 32 : index
      %get3A_576 = tpu.vector_load %arg6[%get3A_574, %get3A_575] {strides = array<i32>} : memref<50x80xi32, #tpu.memory_space<vmem>>, vector<16xi32>,
      tpu.vector_store_idx %arg7[%get3A_576], %broadcast_in_dim3A_110 {add = true} : memref<10240xf32, #tpu.memory_space<vmem>>[vector<16xi32>], vector<16xf32>,
      %add3A_577 = arith.constant 25 : i32
      %add3A_578 = arith.addi %add3A_577, %add3A_561 : i32
      %get3A_579 = arith.index_cast %add3A_578 : i32 to index
      %get3A_580 = arith.constant 48 : index
      %get3A_581 = tpu.vector_load %arg6[%get3A_579, %get3A_580] {strides = array<i32>} : memref<50x80xi32, #tpu.memory_space<vmem>>, vector<16xi32>,
      tpu.vector_store_idx %arg7[%get3A_581], %broadcast_in_dim3A_110 {add = true} : memref<10240xf32, #tpu.memory_space<vmem>>[vector<16xi32>], vector<16xf32>,
      %add3A_582 = arith.constant 25 : i32
      %add3A_583 = arith.addi %add3A_582, %add3A_561 : i32
      %get3A_584 = arith.index_cast %add3A_583 : i32 to index
      %get3A_585 = arith.constant 64 : index
      %get3A_586 = tpu.vector_load %arg6[%get3A_584, %get3A_585] {strides = array<i32>} : memref<50x80xi32, #tpu.memory_space<vmem>>, vector<16xi32>,
      tpu.vector_store_idx %arg7[%get3A_586], %broadcast_in_dim3A_110 {add = true} : memref<10240xf32, #tpu.memory_space<vmem>>[vector<16xi32>], vector<16xf32>,
      %dma_wait3A_587 = arith.constant 25 : i32
      %dma_wait3A_588 = arith.constant 0 : i32
      %dma_wait3A_589 = tpu.memref_slice %arg6[%dma_wait3A_587, %dma_wait3A_588] : memref<50x80xi32, #tpu.memory_space<vmem>> -> memref<1x80xi32, #tpu.memory_space<vmem>>
      %dma_wait3A_590 = tpu.memref_squeeze %dma_wait3A_589 : memref<1x80xi32, #tpu.memory_space<vmem>> -> memref<80xi32, #tpu.memory_space<vmem>>
      %dma_wait3A_591 = arith.constant 0 : i32
      %dma_wait3A_592 = arith.constant 0 : i32
      %dma_wait3A_593 = tpu.memref_slice %arg11[%dma_wait3A_591, %dma_wait3A_592] : memref<10240x128xf32, #tpu.memory_space<vmem_shared>> -> memref<10240x128xf32, #tpu.memory_space<vmem_shared>>
      tpu.wait_indirect_dma semaphore(%arg15 : memref<!tpu.dma_semaphore, #tpu.memory_space<semaphore_mem>>) src(%arg10 : memref<80x128xf32, #tpu.memory_space<vmem>>) dst(%dma_wait3A_593 : memref<10240x128xf32, #tpu.memory_space<vmem_shared>>)
    }
    %scan3A_315 = arith.constant 8 : i32
    %dma_wait3A_316 = arith.constant 0 : i32
    %dma_wait3A_317 = arith.constant 0 : i32
    %dma_wait3A_318 = tpu.memref_slice %arg6[%dma_wait3A_316, %dma_wait3A_317] : memref<50x80xi32, #tpu.memory_space<vmem>> -> memref<1x80xi32, #tpu.memory_space<vmem>>
    %dma_wait3A_319 = tpu.memref_squeeze %dma_wait3A_318 : memref<1x80xi32, #tpu.memory_space<vmem>> -> memref<80xi32, #tpu.memory_space<vmem>>
    %dma_wait3A_320 = arith.constant 0 : i32
    %dma_wait3A_321 = arith.constant 0 : i32
    %dma_wait3A_322 = tpu.memref_slice %arg2[%dma_wait3A_320, %dma_wait3A_321] : memref<10000x128xf32, #tpu.memory_space<hbm>> -> memref<10000x128xf32, #tpu.memory_space<hbm>>
    tpu.wait_indirect_dma semaphore(%arg12 : memref<!tpu.dma_semaphore, #tpu.memory_space<semaphore_mem>>) src(%dma_wait3A_322 : memref<10000x128xf32, #tpu.memory_space<hbm>>) dst(%arg8 : memref<80x128xf32, #tpu.memory_space<vmem>>)
    %dma_start3A_323 = arith.constant 49 : i32
    %dma_start3A_324 = arith.constant 0 : i32
    %dma_start3A_325 = tpu.memref_slice %arg6[%dma_start3A_323, %dma_start3A_324] : memref<50x80xi32, #tpu.memory_space<vmem>> -> memref<1x80xi32, #tpu.memory_space<vmem>>
    %dma_start3A_326 = tpu.memref_squeeze %dma_start3A_325 : memref<1x80xi32, #tpu.memory_space<vmem>> -> memref<80xi32, #tpu.memory_space<vmem>>
    %dma_start3A_327 = arith.constant 0 : i32
    %dma_start3A_328 = arith.constant 0 : i32
    %dma_start3A_329 = tpu.memref_slice %arg11[%dma_start3A_327, %dma_start3A_328] : memref<10240x128xf32, #tpu.memory_space<vmem_shared>> -> memref<10240x128xf32, #tpu.memory_space<vmem_shared>>
    tpu.enqueue_indirect_dma source(%arg8 : memref<80x128xf32, #tpu.memory_space<vmem>>) target(%dma_start3A_329 : memref<10240x128xf32, #tpu.memory_space<vmem_shared>>) offsets(%dma_start3A_326 : memref<80xi32, #tpu.memory_space<vmem>>) semaphore(%arg15 : memref<!tpu.dma_semaphore, #tpu.memory_space<semaphore_mem>>) {add = true}
    %get3A_330 = arith.constant 49 : i32
    %get3A_331 = arith.index_cast %get3A_330 : i32 to index
    %get3A_332 = arith.constant 0 : index
    %get3A_333 = tpu.vector_load %arg6[%get3A_331, %get3A_332] {strides = array<i32>} : memref<50x80xi32, #tpu.memory_space<vmem>>, vector<16xi32>,
    tpu.vector_store_idx %arg7[%get3A_333], %broadcast_in_dim3A_110 {add = true} : memref<10240xf32, #tpu.memory_space<vmem>>[vector<16xi32>], vector<16xf32>,
    %get3A_334 = arith.constant 49 : i32
    %get3A_335 = arith.index_cast %get3A_334 : i32 to index
    %get3A_336 = arith.constant 16 : index
    %get3A_337 = tpu.vector_load %arg6[%get3A_335, %get3A_336] {strides = array<i32>} : memref<50x80xi32, #tpu.memory_space<vmem>>, vector<16xi32>,
    tpu.vector_store_idx %arg7[%get3A_337], %broadcast_in_dim3A_110 {add = true} : memref<10240xf32, #tpu.memory_space<vmem>>[vector<16xi32>], vector<16xf32>,
    %get3A_338 = arith.constant 49 : i32
    %get3A_339 = arith.index_cast %get3A_338 : i32 to index
    %get3A_340 = arith.constant 32 : index
    %get3A_341 = tpu.vector_load %arg6[%get3A_339, %get3A_340] {strides = array<i32>} : memref<50x80xi32, #tpu.memory_space<vmem>>, vector<16xi32>,
    tpu.vector_store_idx %arg7[%get3A_341], %broadcast_in_dim3A_110 {add = true} : memref<10240xf32, #tpu.memory_space<vmem>>[vector<16xi32>], vector<16xf32>,
    %get3A_342 = arith.constant 49 : i32
    %get3A_343 = arith.index_cast %get3A_342 : i32 to index
    %get3A_344 = arith.constant 48 : index
    %get3A_345 = tpu.vector_load %arg6[%get3A_343, %get3A_344] {strides = array<i32>} : memref<50x80xi32, #tpu.memory_space<vmem>>, vector<16xi32>,
    tpu.vector_store_idx %arg7[%get3A_345], %broadcast_in_dim3A_110 {add = true} : memref<10240xf32, #tpu.memory_space<vmem>>[vector<16xi32>], vector<16xf32>,
    %get3A_346 = arith.constant 49 : i32
    %get3A_347 = arith.index_cast %get3A_346 : i32 to index
    %get3A_348 = arith.constant 64 : index
    %get3A_349 = tpu.vector_load %arg6[%get3A_347, %get3A_348] {strides = array<i32>} : memref<50x80xi32, #tpu.memory_space<vmem>>, vector<16xi32>,
    tpu.vector_store_idx %arg7[%get3A_349], %broadcast_in_dim3A_110 {add = true} : memref<10240xf32, #tpu.memory_space<vmem>>[vector<16xi32>], vector<16xf32>,
    %dma_wait3A_350 = arith.constant 25 : i32
    %dma_wait3A_351 = arith.constant 0 : i32
    %dma_wait3A_352 = tpu.memref_slice %arg6[%dma_wait3A_350, %dma_wait3A_351] : memref<50x80xi32, #tpu.memory_space<vmem>> -> memref<1x80xi32, #tpu.memory_space<vmem>>
    %dma_wait3A_353 = tpu.memref_squeeze %dma_wait3A_352 : memref<1x80xi32, #tpu.memory_space<vmem>> -> memref<80xi32, #tpu.memory_space<vmem>>
    %dma_wait3A_354 = arith.constant 0 : i32
    %dma_wait3A_355 = arith.constant 0 : i32
    %dma_wait3A_356 = tpu.memref_slice %arg11[%dma_wait3A_354, %dma_wait3A_355] : memref<10240x128xf32, #tpu.memory_space<vmem_shared>> -> memref<10240x128xf32, #tpu.memory_space<vmem_shared>>
    tpu.wait_indirect_dma semaphore(%arg15 : memref<!tpu.dma_semaphore, #tpu.memory_space<semaphore_mem>>) src(%arg8 : memref<80x128xf32, #tpu.memory_space<vmem>>) dst(%dma_wait3A_356 : memref<10240x128xf32, #tpu.memory_space<vmem_shared>>)
    %run_scoped3A_357 = arith.constant 4 : i32
    "tpu.region"() ({
      %run_scoped3A_424 = tpu.sem_alloc : memref<!tpu.dma_semaphore, #tpu.memory_space<semaphore_mem>>
      %dma_start3A_425 = arith.constant 0 : i32
      %dma_start3A_426 = arith.constant 0 : i32
      %dma_start3A_427 = tpu.memref_slice %arg3[%add3A, %run_scoped3A_357, %dma_start3A_425, %dma_start3A_426] : memref<32x5x50x80xi32, #tpu.memory_space<hbm>> -> memref<1x1x50x80xi32, #tpu.memory_space<hbm>>
      %dma_start3A_428 = tpu.memref_squeeze %dma_start3A_427 : memref<1x1x50x80xi32, #tpu.memory_space<hbm>> -> memref<50x80xi32, #tpu.memory_space<hbm>>
      %dma_start3A_429 = arith.constant 0 : i32
      %dma_start3A_430 = arith.constant 0 : i32
      %dma_start3A_431 = tpu.memref_slice %arg3[%add3A, %run_scoped3A_357, %dma_start3A_429, %dma_start3A_430] : memref<32x5x50x80xi32, #tpu.memory_space<hbm>> -> memref<1x1x50x80xi32, #tpu.memory_space<hbm>>
      %dma_start3A_432 = tpu.memref_squeeze %dma_start3A_431 : memref<1x1x50x80xi32, #tpu.memory_space<hbm>> -> memref<50x80xi32, #tpu.memory_space<hbm>>
      tpu.enqueue_dma source(%dma_start3A_432 : memref<50x80xi32, #tpu.memory_space<hbm>>) target(%arg6 : memref<50x80xi32, #tpu.memory_space<vmem>>) target_semaphore(%run_scoped3A_424 : memref<!tpu.dma_semaphore, #tpu.memory_space<semaphore_mem>>)
      %dma_wait3A_433 = arith.constant 0 : i32
      %dma_wait3A_434 = arith.constant 0 : i32
      %dma_wait3A_435 = tpu.memref_slice %arg3[%add3A, %run_scoped3A_357, %dma_wait3A_433, %dma_wait3A_434] : memref<32x5x50x80xi32, #tpu.memory_space<hbm>> -> memref<1x1x50x80xi32, #tpu.memory_space<hbm>>
      %dma_wait3A_436 = tpu.memref_squeeze %dma_wait3A_435 : memref<1x1x50x80xi32, #tpu.memory_space<hbm>> -> memref<50x80xi32, #tpu.memory_space<hbm>>
      %dma_wait3A_437 = arith.constant 0 : i32
      %dma_wait3A_438 = arith.constant 0 : i32
      %dma_wait3A_439 = tpu.memref_slice %arg3[%add3A, %run_scoped3A_357, %dma_wait3A_437, %dma_wait3A_438] : memref<32x5x50x80xi32, #tpu.memory_space<hbm>> -> memref<1x1x50x80xi32, #tpu.memory_space<hbm>>
      %dma_wait3A_440 = tpu.memref_squeeze %dma_wait3A_439 : memref<1x1x50x80xi32, #tpu.memory_space<hbm>> -> memref<50x80xi32, #tpu.memory_space<hbm>>
      tpu.wait_dma2 semaphore(%run_scoped3A_424 : memref<!tpu.dma_semaphore, #tpu.memory_space<semaphore_mem>>) src(%dma_wait3A_440 : memref<50x80xi32, #tpu.memory_space<hbm>>) dst(%arg6 : memref<50x80xi32, #tpu.memory_space<vmem>>)
      tpu.yield
    }) : () -> ()
    %dma_start3A_358 = arith.constant 0 : i32
    %dma_start3A_359 = arith.constant 0 : i32
    %dma_start3A_360 = tpu.memref_slice %arg6[%dma_start3A_358, %dma_start3A_359] : memref<50x80xi32, #tpu.memory_space<vmem>> -> memref<1x80xi32, #tpu.memory_space<vmem>>
    %dma_start3A_361 = tpu.memref_squeeze %dma_start3A_360 : memref<1x80xi32, #tpu.memory_space<vmem>> -> memref<80xi32, #tpu.memory_space<vmem>>
    %dma_start3A_362 = arith.constant 0 : i32
    %dma_start3A_363 = arith.constant 0 : i32
    %dma_start3A_364 = tpu.memref_slice %arg2[%dma_start3A_362, %dma_start3A_363] : memref<10000x128xf32, #tpu.memory_space<hbm>> -> memref<10000x128xf32, #tpu.memory_space<hbm>>
    tpu.enqueue_indirect_dma source(%dma_start3A_364 : memref<10000x128xf32, #tpu.memory_space<hbm>>) target(%arg8 : memref<80x128xf32, #tpu.memory_space<vmem>>) offsets(%dma_start3A_361 : memref<80xi32, #tpu.memory_space<vmem>>) semaphore(%arg12 : memref<!tpu.dma_semaphore, #tpu.memory_space<semaphore_mem>>)
    %dma_start3A_365 = arith.constant 1 : i32
    %dma_start3A_366 = arith.constant 0 : i32
    %dma_start3A_367 = tpu.memref_slice %arg6[%dma_start3A_365, %dma_start3A_366] : memref<50x80xi32, #tpu.memory_space<vmem>> -> memref<1x80xi32, #tpu.memory_space<vmem>>
    %dma_start3A_368 = tpu.memref_squeeze %dma_start3A_367 : memref<1x80xi32, #tpu.memory_space<vmem>> -> memref<80xi32, #tpu.memory_space<vmem>>
    %dma_start3A_369 = arith.constant 0 : i32
    %dma_start3A_370 = arith.constant 0 : i32
    %dma_start3A_371 = tpu.memref_slice %arg2[%dma_start3A_369, %dma_start3A_370] : memref<10000x128xf32, #tpu.memory_space<hbm>> -> memref<10000x128xf32, #tpu.memory_space<hbm>>
    tpu.enqueue_indirect_dma source(%dma_start3A_371 : memref<10000x128xf32, #tpu.memory_space<hbm>>) target(%arg9 : memref<80x128xf32, #tpu.memory_space<vmem>>) offsets(%dma_start3A_368 : memref<80xi32, #tpu.memory_space<vmem>>) semaphore(%arg13 : memref<!tpu.dma_semaphore, #tpu.memory_space<semaphore_mem>>)
    %scan3A_372 = arith.constant 0 : i32
    %scan3A_373 = arith.constant 0 : i32
    %scan3A_374 = arith.constant 8 : i32
    %scan3A_375 = arith.addi %scan3A_373, %scan3A_374 : i32
    %scan3A_376 = arith.constant 1 : i32
    scf.for %scan3A_424 = %scan3A_373 to %scan3A_375 step %scan3A_376  : i32 {
      %mul3A_425 = arith.constant 3 : i32
      %mul3A_426 = arith.muli %mul3A_425, %scan3A_424 : i32
      %add3A_427 = arith.constant 2 : i32
      %add3A_428 = arith.addi %mul3A_426, %add3A_427 : i32
      %dma_start3A_429 = arith.constant 0 : i32
      %dma_start3A_430 = tpu.memref_slice %arg6[%add3A_428, %dma_start3A_429] : memref<50x80xi32, #tpu.memory_space<vmem>> -> memref<1x80xi32, #tpu.memory_space<vmem>>
      %dma_start3A_431 = tpu.memref_squeeze %dma_start3A_430 : memref<1x80xi32, #tpu.memory_space<vmem>> -> memref<80xi32, #tpu.memory_space<vmem>>
      %dma_start3A_432 = arith.constant 0 : i32
      %dma_start3A_433 = arith.constant 0 : i32
      %dma_start3A_434 = tpu.memref_slice %arg2[%dma_start3A_432, %dma_start3A_433] : memref<10000x128xf32, #tpu.memory_space<hbm>> -> memref<10000x128xf32, #tpu.memory_space<hbm>>
      tpu.enqueue_indirect_dma source(%dma_start3A_434 : memref<10000x128xf32, #tpu.memory_space<hbm>>) target(%arg10 : memref<80x128xf32, #tpu.memory_space<vmem>>) offsets(%dma_start3A_431 : memref<80xi32, #tpu.memory_space<vmem>>) semaphore(%arg14 : memref<!tpu.dma_semaphore, #tpu.memory_space<semaphore_mem>>)
      %dma_wait3A_435 = arith.constant 0 : i32
      %dma_wait3A_436 = arith.constant 0 : i32
      %dma_wait3A_437 = tpu.memref_slice %arg6[%dma_wait3A_435, %dma_wait3A_436] : memref<50x80xi32, #tpu.memory_space<vmem>> -> memref<1x80xi32, #tpu.memory_space<vmem>>
      %dma_wait3A_438 = tpu.memref_squeeze %dma_wait3A_437 : memref<1x80xi32, #tpu.memory_space<vmem>> -> memref<80xi32, #tpu.memory_space<vmem>>
      %dma_wait3A_439 = arith.constant 0 : i32
      %dma_wait3A_440 = arith.constant 0 : i32
      %dma_wait3A_441 = tpu.memref_slice %arg2[%dma_wait3A_439, %dma_wait3A_440] : memref<10000x128xf32, #tpu.memory_space<hbm>> -> memref<10000x128xf32, #tpu.memory_space<hbm>>
      tpu.wait_indirect_dma semaphore(%arg12 : memref<!tpu.dma_semaphore, #tpu.memory_space<semaphore_mem>>) src(%dma_wait3A_441 : memref<10000x128xf32, #tpu.memory_space<hbm>>) dst(%arg8 : memref<80x128xf32, #tpu.memory_space<vmem>>)
      %add3A_442 = arith.constant 25 : i32
      %add3A_443 = arith.addi %add3A_442, %mul3A_426 : i32
      %dma_start3A_444 = arith.constant 0 : i32
      %dma_start3A_445 = tpu.memref_slice %arg6[%add3A_443, %dma_start3A_444] : memref<50x80xi32, #tpu.memory_space<vmem>> -> memref<1x80xi32, #tpu.memory_space<vmem>>
      %dma_start3A_446 = tpu.memref_squeeze %dma_start3A_445 : memref<1x80xi32, #tpu.memory_space<vmem>> -> memref<80xi32, #tpu.memory_space<vmem>>
      %dma_start3A_447 = arith.constant 0 : i32
      %dma_start3A_448 = arith.constant 0 : i32
      %dma_start3A_449 = tpu.memref_slice %arg11[%dma_start3A_447, %dma_start3A_448] : memref<10240x128xf32, #tpu.memory_space<vmem_shared>> -> memref<10240x128xf32, #tpu.memory_space<vmem_shared>>
      tpu.enqueue_indirect_dma source(%arg8 : memref<80x128xf32, #tpu.memory_space<vmem>>) target(%dma_start3A_449 : memref<10240x128xf32, #tpu.memory_space<vmem_shared>>) offsets(%dma_start3A_446 : memref<80xi32, #tpu.memory_space<vmem>>) semaphore(%arg15 : memref<!tpu.dma_semaphore, #tpu.memory_space<semaphore_mem>>) {add = true}
      %add3A_450 = arith.constant 25 : i32
      %add3A_451 = arith.addi %add3A_450, %mul3A_426 : i32
      %get3A_452 = arith.index_cast %add3A_451 : i32 to index
      %get3A_453 = arith.constant 0 : index
      %get3A_454 = tpu.vector_load %arg6[%get3A_452, %get3A_453] {strides = array<i32>} : memref<50x80xi32, #tpu.memory_space<vmem>>, vector<16xi32>,
      tpu.vector_store_idx %arg7[%get3A_454], %broadcast_in_dim3A_110 {add = true} : memref<10240xf32, #tpu.memory_space<vmem>>[vector<16xi32>], vector<16xf32>,
      %add3A_455 = arith.constant 25 : i32
      %add3A_456 = arith.addi %add3A_455, %mul3A_426 : i32
      %get3A_457 = arith.index_cast %add3A_456 : i32 to index
      %get3A_458 = arith.constant 16 : index
      %get3A_459 = tpu.vector_load %arg6[%get3A_457, %get3A_458] {strides = array<i32>} : memref<50x80xi32, #tpu.memory_space<vmem>>, vector<16xi32>,
      tpu.vector_store_idx %arg7[%get3A_459], %broadcast_in_dim3A_110 {add = true} : memref<10240xf32, #tpu.memory_space<vmem>>[vector<16xi32>], vector<16xf32>,
      %add3A_460 = arith.constant 25 : i32
      %add3A_461 = arith.addi %add3A_460, %mul3A_426 : i32
      %get3A_462 = arith.index_cast %add3A_461 : i32 to index
      %get3A_463 = arith.constant 32 : index
      %get3A_464 = tpu.vector_load %arg6[%get3A_462, %get3A_463] {strides = array<i32>} : memref<50x80xi32, #tpu.memory_space<vmem>>, vector<16xi32>,
      tpu.vector_store_idx %arg7[%get3A_464], %broadcast_in_dim3A_110 {add = true} : memref<10240xf32, #tpu.memory_space<vmem>>[vector<16xi32>], vector<16xf32>,
      %add3A_465 = arith.constant 25 : i32
      %add3A_466 = arith.addi %add3A_465, %mul3A_426 : i32
      %get3A_467 = arith.index_cast %add3A_466 : i32 to index
      %get3A_468 = arith.constant 48 : index
      %get3A_469 = tpu.vector_load %arg6[%get3A_467, %get3A_468] {strides = array<i32>} : memref<50x80xi32, #tpu.memory_space<vmem>>, vector<16xi32>,
      tpu.vector_store_idx %arg7[%get3A_469], %broadcast_in_dim3A_110 {add = true} : memref<10240xf32, #tpu.memory_space<vmem>>[vector<16xi32>], vector<16xf32>,
      %add3A_470 = arith.constant 25 : i32
      %add3A_471 = arith.addi %add3A_470, %mul3A_426 : i32
      %get3A_472 = arith.index_cast %add3A_471 : i32 to index
      %get3A_473 = arith.constant 64 : index
      %get3A_474 = tpu.vector_load %arg6[%get3A_472, %get3A_473] {strides = array<i32>} : memref<50x80xi32, #tpu.memory_space<vmem>>, vector<16xi32>,
      tpu.vector_store_idx %arg7[%get3A_474], %broadcast_in_dim3A_110 {add = true} : memref<10240xf32, #tpu.memory_space<vmem>>[vector<16xi32>], vector<16xf32>,
      %dma_wait3A_475 = arith.constant 0 : i32
      %dma_wait3A_476 = arith.constant 0 : i32
      %dma_wait3A_477 = tpu.memref_slice %arg6[%dma_wait3A_475, %dma_wait3A_476] : memref<50x80xi32, #tpu.memory_space<vmem>> -> memref<1x80xi32, #tpu.memory_space<vmem>>
      %dma_wait3A_478 = tpu.memref_squeeze %dma_wait3A_477 : memref<1x80xi32, #tpu.memory_space<vmem>> -> memref<80xi32, #tpu.memory_space<vmem>>
      %dma_wait3A_479 = arith.constant 0 : i32
      %dma_wait3A_480 = arith.constant 0 : i32
      %dma_wait3A_481 = tpu.memref_slice %arg2[%dma_wait3A_479, %dma_wait3A_480] : memref<10000x128xf32, #tpu.memory_space<hbm>> -> memref<10000x128xf32, #tpu.memory_space<hbm>>
      tpu.wait_indirect_dma semaphore(%arg13 : memref<!tpu.dma_semaphore, #tpu.memory_space<semaphore_mem>>) src(%dma_wait3A_481 : memref<10000x128xf32, #tpu.memory_space<hbm>>) dst(%arg9 : memref<80x128xf32, #tpu.memory_space<vmem>>)
      %dma_wait3A_482 = arith.constant 25 : i32
      %dma_wait3A_483 = arith.constant 0 : i32
      %dma_wait3A_484 = tpu.memref_slice %arg6[%dma_wait3A_482, %dma_wait3A_483] : memref<50x80xi32, #tpu.memory_space<vmem>> -> memref<1x80xi32, #tpu.memory_space<vmem>>
      %dma_wait3A_485 = tpu.memref_squeeze %dma_wait3A_484 : memref<1x80xi32, #tpu.memory_space<vmem>> -> memref<80xi32, #tpu.memory_space<vmem>>
      %dma_wait3A_486 = arith.constant 0 : i32
      %dma_wait3A_487 = arith.constant 0 : i32
      %dma_wait3A_488 = tpu.memref_slice %arg11[%dma_wait3A_486, %dma_wait3A_487] : memref<10240x128xf32, #tpu.memory_space<vmem_shared>> -> memref<10240x128xf32, #tpu.memory_space<vmem_shared>>
      tpu.wait_indirect_dma semaphore(%arg15 : memref<!tpu.dma_semaphore, #tpu.memory_space<semaphore_mem>>) src(%arg8 : memref<80x128xf32, #tpu.memory_space<vmem>>) dst(%dma_wait3A_488 : memref<10240x128xf32, #tpu.memory_space<vmem_shared>>)
      %add3A_489 = arith.constant 3 : i32
      %add3A_490 = arith.addi %mul3A_426, %add3A_489 : i32
      %dma_start3A_491 = arith.constant 0 : i32
      %dma_start3A_492 = tpu.memref_slice %arg6[%add3A_490, %dma_start3A_491] : memref<50x80xi32, #tpu.memory_space<vmem>> -> memref<1x80xi32, #tpu.memory_space<vmem>>
      %dma_start3A_493 = tpu.memref_squeeze %dma_start3A_492 : memref<1x80xi32, #tpu.memory_space<vmem>> -> memref<80xi32, #tpu.memory_space<vmem>>
      %dma_start3A_494 = arith.constant 0 : i32
      %dma_start3A_495 = arith.constant 0 : i32
      %dma_start3A_496 = tpu.memref_slice %arg2[%dma_start3A_494, %dma_start3A_495] : memref<10000x128xf32, #tpu.memory_space<hbm>> -> memref<10000x128xf32, #tpu.memory_space<hbm>>
      tpu.enqueue_indirect_dma source(%dma_start3A_496 : memref<10000x128xf32, #tpu.memory_space<hbm>>) target(%arg8 : memref<80x128xf32, #tpu.memory_space<vmem>>) offsets(%dma_start3A_493 : memref<80xi32, #tpu.memory_space<vmem>>) semaphore(%arg12 : memref<!tpu.dma_semaphore, #tpu.memory_space<semaphore_mem>>)
      %add3A_497 = arith.constant 1 : i32
      %add3A_498 = arith.addi %mul3A_426, %add3A_497 : i32
      %add3A_499 = arith.constant 25 : i32
      %add3A_500 = arith.addi %add3A_499, %add3A_498 : i32
      %dma_start3A_501 = arith.constant 0 : i32
      %dma_start3A_502 = tpu.memref_slice %arg6[%add3A_500, %dma_start3A_501] : memref<50x80xi32, #tpu.memory_space<vmem>> -> memref<1x80xi32, #tpu.memory_space<vmem>>
      %dma_start3A_503 = tpu.memref_squeeze %dma_start3A_502 : memref<1x80xi32, #tpu.memory_space<vmem>> -> memref<80xi32, #tpu.memory_space<vmem>>
      %dma_start3A_504 = arith.constant 0 : i32
      %dma_start3A_505 = arith.constant 0 : i32
      %dma_start3A_506 = tpu.memref_slice %arg11[%dma_start3A_504, %dma_start3A_505] : memref<10240x128xf32, #tpu.memory_space<vmem_shared>> -> memref<10240x128xf32, #tpu.memory_space<vmem_shared>>
      tpu.enqueue_indirect_dma source(%arg9 : memref<80x128xf32, #tpu.memory_space<vmem>>) target(%dma_start3A_506 : memref<10240x128xf32, #tpu.memory_space<vmem_shared>>) offsets(%dma_start3A_503 : memref<80xi32, #tpu.memory_space<vmem>>) semaphore(%arg15 : memref<!tpu.dma_semaphore, #tpu.memory_space<semaphore_mem>>) {add = true}
      %add3A_507 = arith.constant 1 : i32
      %add3A_508 = arith.addi %mul3A_426, %add3A_507 : i32
      %add3A_509 = arith.constant 25 : i32
      %add3A_510 = arith.addi %add3A_509, %add3A_508 : i32
      %get3A_511 = arith.index_cast %add3A_510 : i32 to index
      %get3A_512 = arith.constant 0 : index
      %get3A_513 = tpu.vector_load %arg6[%get3A_511, %get3A_512] {strides = array<i32>} : memref<50x80xi32, #tpu.memory_space<vmem>>, vector<16xi32>,
      tpu.vector_store_idx %arg7[%get3A_513], %broadcast_in_dim3A_110 {add = true} : memref<10240xf32, #tpu.memory_space<vmem>>[vector<16xi32>], vector<16xf32>,
      %add3A_514 = arith.constant 25 : i32
      %add3A_515 = arith.addi %add3A_514, %add3A_508 : i32
      %get3A_516 = arith.index_cast %add3A_515 : i32 to index
      %get3A_517 = arith.constant 16 : index
      %get3A_518 = tpu.vector_load %arg6[%get3A_516, %get3A_517] {strides = array<i32>} : memref<50x80xi32, #tpu.memory_space<vmem>>, vector<16xi32>,
      tpu.vector_store_idx %arg7[%get3A_518], %broadcast_in_dim3A_110 {add = true} : memref<10240xf32, #tpu.memory_space<vmem>>[vector<16xi32>], vector<16xf32>,
      %add3A_519 = arith.constant 25 : i32
      %add3A_520 = arith.addi %add3A_519, %add3A_508 : i32
      %get3A_521 = arith.index_cast %add3A_520 : i32 to index
      %get3A_522 = arith.constant 32 : index
      %get3A_523 = tpu.vector_load %arg6[%get3A_521, %get3A_522] {strides = array<i32>} : memref<50x80xi32, #tpu.memory_space<vmem>>, vector<16xi32>,
      tpu.vector_store_idx %arg7[%get3A_523], %broadcast_in_dim3A_110 {add = true} : memref<10240xf32, #tpu.memory_space<vmem>>[vector<16xi32>], vector<16xf32>,
      %add3A_524 = arith.constant 25 : i32
      %add3A_525 = arith.addi %add3A_524, %add3A_508 : i32
      %get3A_526 = arith.index_cast %add3A_525 : i32 to index
      %get3A_527 = arith.constant 48 : index
      %get3A_528 = tpu.vector_load %arg6[%get3A_526, %get3A_527] {strides = array<i32>} : memref<50x80xi32, #tpu.memory_space<vmem>>, vector<16xi32>,
      tpu.vector_store_idx %arg7[%get3A_528], %broadcast_in_dim3A_110 {add = true} : memref<10240xf32, #tpu.memory_space<vmem>>[vector<16xi32>], vector<16xf32>,
      %add3A_529 = arith.constant 25 : i32
      %add3A_530 = arith.addi %add3A_529, %add3A_508 : i32
      %get3A_531 = arith.index_cast %add3A_530 : i32 to index
      %get3A_532 = arith.constant 64 : index
      %get3A_533 = tpu.vector_load %arg6[%get3A_531, %get3A_532] {strides = array<i32>} : memref<50x80xi32, #tpu.memory_space<vmem>>, vector<16xi32>,
      tpu.vector_store_idx %arg7[%get3A_533], %broadcast_in_dim3A_110 {add = true} : memref<10240xf32, #tpu.memory_space<vmem>>[vector<16xi32>], vector<16xf32>,
      %dma_wait3A_534 = arith.constant 0 : i32
      %dma_wait3A_535 = arith.constant 0 : i32
      %dma_wait3A_536 = tpu.memref_slice %arg6[%dma_wait3A_534, %dma_wait3A_535] : memref<50x80xi32, #tpu.memory_space<vmem>> -> memref<1x80xi32, #tpu.memory_space<vmem>>
      %dma_wait3A_537 = tpu.memref_squeeze %dma_wait3A_536 : memref<1x80xi32, #tpu.memory_space<vmem>> -> memref<80xi32, #tpu.memory_space<vmem>>
      %dma_wait3A_538 = arith.constant 0 : i32
      %dma_wait3A_539 = arith.constant 0 : i32
      %dma_wait3A_540 = tpu.memref_slice %arg2[%dma_wait3A_538, %dma_wait3A_539] : memref<10000x128xf32, #tpu.memory_space<hbm>> -> memref<10000x128xf32, #tpu.memory_space<hbm>>
      tpu.wait_indirect_dma semaphore(%arg14 : memref<!tpu.dma_semaphore, #tpu.memory_space<semaphore_mem>>) src(%dma_wait3A_540 : memref<10000x128xf32, #tpu.memory_space<hbm>>) dst(%arg10 : memref<80x128xf32, #tpu.memory_space<vmem>>)
      %dma_wait3A_541 = arith.constant 25 : i32
      %dma_wait3A_542 = arith.constant 0 : i32
      %dma_wait3A_543 = tpu.memref_slice %arg6[%dma_wait3A_541, %dma_wait3A_542] : memref<50x80xi32, #tpu.memory_space<vmem>> -> memref<1x80xi32, #tpu.memory_space<vmem>>
      %dma_wait3A_544 = tpu.memref_squeeze %dma_wait3A_543 : memref<1x80xi32, #tpu.memory_space<vmem>> -> memref<80xi32, #tpu.memory_space<vmem>>
      %dma_wait3A_545 = arith.constant 0 : i32
      %dma_wait3A_546 = arith.constant 0 : i32
      %dma_wait3A_547 = tpu.memref_slice %arg11[%dma_wait3A_545, %dma_wait3A_546] : memref<10240x128xf32, #tpu.memory_space<vmem_shared>> -> memref<10240x128xf32, #tpu.memory_space<vmem_shared>>
      tpu.wait_indirect_dma semaphore(%arg15 : memref<!tpu.dma_semaphore, #tpu.memory_space<semaphore_mem>>) src(%arg9 : memref<80x128xf32, #tpu.memory_space<vmem>>) dst(%dma_wait3A_547 : memref<10240x128xf32, #tpu.memory_space<vmem_shared>>)
      %lt3A = arith.constant 7 : i32
      %lt3A_548 = arith.cmpi slt, %scan3A_424, %lt3A : i32
      %convert_element_type3A = arith.extui %lt3A_548 : i1 to i32
      %cond3A = arith.constant 0 : i32
      %cond3A_549 = arith.cmpi ne, %convert_element_type3A, %cond3A : i32
      scf.if %cond3A_549 {
        %add3A_594 = arith.constant 4 : i32
        %add3A_595 = arith.addi %mul3A_426, %add3A_594 : i32
        %dma_start3A_596 = arith.constant 0 : i32
        %dma_start3A_597 = tpu.memref_slice %arg6[%add3A_595, %dma_start3A_596] : memref<50x80xi32, #tpu.memory_space<vmem>> -> memref<1x80xi32, #tpu.memory_space<vmem>>
        %dma_start3A_598 = tpu.memref_squeeze %dma_start3A_597 : memref<1x80xi32, #tpu.memory_space<vmem>> -> memref<80xi32, #tpu.memory_space<vmem>>
        %dma_start3A_599 = arith.constant 0 : i32
        %dma_start3A_600 = arith.constant 0 : i32
        %dma_start3A_601 = tpu.memref_slice %arg2[%dma_start3A_599, %dma_start3A_600] : memref<10000x128xf32, #tpu.memory_space<hbm>> -> memref<10000x128xf32, #tpu.memory_space<hbm>>
        tpu.enqueue_indirect_dma source(%dma_start3A_601 : memref<10000x128xf32, #tpu.memory_space<hbm>>) target(%arg9 : memref<80x128xf32, #tpu.memory_space<vmem>>) offsets(%dma_start3A_598 : memref<80xi32, #tpu.memory_space<vmem>>) semaphore(%arg13 : memref<!tpu.dma_semaphore, #tpu.memory_space<semaphore_mem>>)
      } else {
      }
      %add3A_550 = arith.constant 2 : i32
      %add3A_551 = arith.addi %mul3A_426, %add3A_550 : i32
      %add3A_552 = arith.constant 25 : i32
      %add3A_553 = arith.addi %add3A_552, %add3A_551 : i32
      %dma_start3A_554 = arith.constant 0 : i32
      %dma_start3A_555 = tpu.memref_slice %arg6[%add3A_553, %dma_start3A_554] : memref<50x80xi32, #tpu.memory_space<vmem>> -> memref<1x80xi32, #tpu.memory_space<vmem>>
      %dma_start3A_556 = tpu.memref_squeeze %dma_start3A_555 : memref<1x80xi32, #tpu.memory_space<vmem>> -> memref<80xi32, #tpu.memory_space<vmem>>
      %dma_start3A_557 = arith.constant 0 : i32
      %dma_start3A_558 = arith.constant 0 : i32
      %dma_start3A_559 = tpu.memref_slice %arg11[%dma_start3A_557, %dma_start3A_558] : memref<10240x128xf32, #tpu.memory_space<vmem_shared>> -> memref<10240x128xf32, #tpu.memory_space<vmem_shared>>
      tpu.enqueue_indirect_dma source(%arg10 : memref<80x128xf32, #tpu.memory_space<vmem>>) target(%dma_start3A_559 : memref<10240x128xf32, #tpu.memory_space<vmem_shared>>) offsets(%dma_start3A_556 : memref<80xi32, #tpu.memory_space<vmem>>) semaphore(%arg15 : memref<!tpu.dma_semaphore, #tpu.memory_space<semaphore_mem>>) {add = true}
      %add3A_560 = arith.constant 2 : i32
      %add3A_561 = arith.addi %mul3A_426, %add3A_560 : i32
      %add3A_562 = arith.constant 25 : i32
      %add3A_563 = arith.addi %add3A_562, %add3A_561 : i32
      %get3A_564 = arith.index_cast %add3A_563 : i32 to index
      %get3A_565 = arith.constant 0 : index
      %get3A_566 = tpu.vector_load %arg6[%get3A_564, %get3A_565] {strides = array<i32>} : memref<50x80xi32, #tpu.memory_space<vmem>>, vector<16xi32>,
      tpu.vector_store_idx %arg7[%get3A_566], %broadcast_in_dim3A_110 {add = true} : memref<10240xf32, #tpu.memory_space<vmem>>[vector<16xi32>], vector<16xf32>,
      %add3A_567 = arith.constant 25 : i32
      %add3A_568 = arith.addi %add3A_567, %add3A_561 : i32
      %get3A_569 = arith.index_cast %add3A_568 : i32 to index
      %get3A_570 = arith.constant 16 : index
      %get3A_571 = tpu.vector_load %arg6[%get3A_569, %get3A_570] {strides = array<i32>} : memref<50x80xi32, #tpu.memory_space<vmem>>, vector<16xi32>,
      tpu.vector_store_idx %arg7[%get3A_571], %broadcast_in_dim3A_110 {add = true} : memref<10240xf32, #tpu.memory_space<vmem>>[vector<16xi32>], vector<16xf32>,
      %add3A_572 = arith.constant 25 : i32
      %add3A_573 = arith.addi %add3A_572, %add3A_561 : i32
      %get3A_574 = arith.index_cast %add3A_573 : i32 to index
      %get3A_575 = arith.constant 32 : index
      %get3A_576 = tpu.vector_load %arg6[%get3A_574, %get3A_575] {strides = array<i32>} : memref<50x80xi32, #tpu.memory_space<vmem>>, vector<16xi32>,
      tpu.vector_store_idx %arg7[%get3A_576], %broadcast_in_dim3A_110 {add = true} : memref<10240xf32, #tpu.memory_space<vmem>>[vector<16xi32>], vector<16xf32>,
      %add3A_577 = arith.constant 25 : i32
      %add3A_578 = arith.addi %add3A_577, %add3A_561 : i32
      %get3A_579 = arith.index_cast %add3A_578 : i32 to index
      %get3A_580 = arith.constant 48 : index
      %get3A_581 = tpu.vector_load %arg6[%get3A_579, %get3A_580] {strides = array<i32>} : memref<50x80xi32, #tpu.memory_space<vmem>>, vector<16xi32>,
      tpu.vector_store_idx %arg7[%get3A_581], %broadcast_in_dim3A_110 {add = true} : memref<10240xf32, #tpu.memory_space<vmem>>[vector<16xi32>], vector<16xf32>,
      %add3A_582 = arith.constant 25 : i32
      %add3A_583 = arith.addi %add3A_582, %add3A_561 : i32
      %get3A_584 = arith.index_cast %add3A_583 : i32 to index
      %get3A_585 = arith.constant 64 : index
      %get3A_586 = tpu.vector_load %arg6[%get3A_584, %get3A_585] {strides = array<i32>} : memref<50x80xi32, #tpu.memory_space<vmem>>, vector<16xi32>,
      tpu.vector_store_idx %arg7[%get3A_586], %broadcast_in_dim3A_110 {add = true} : memref<10240xf32, #tpu.memory_space<vmem>>[vector<16xi32>], vector<16xf32>,
      %dma_wait3A_587 = arith.constant 25 : i32
      %dma_wait3A_588 = arith.constant 0 : i32
      %dma_wait3A_589 = tpu.memref_slice %arg6[%dma_wait3A_587, %dma_wait3A_588] : memref<50x80xi32, #tpu.memory_space<vmem>> -> memref<1x80xi32, #tpu.memory_space<vmem>>
      %dma_wait3A_590 = tpu.memref_squeeze %dma_wait3A_589 : memref<1x80xi32, #tpu.memory_space<vmem>> -> memref<80xi32, #tpu.memory_space<vmem>>
      %dma_wait3A_591 = arith.constant 0 : i32
      %dma_wait3A_592 = arith.constant 0 : i32
      %dma_wait3A_593 = tpu.memref_slice %arg11[%dma_wait3A_591, %dma_wait3A_592] : memref<10240x128xf32, #tpu.memory_space<vmem_shared>> -> memref<10240x128xf32, #tpu.memory_space<vmem_shared>>
      tpu.wait_indirect_dma semaphore(%arg15 : memref<!tpu.dma_semaphore, #tpu.memory_space<semaphore_mem>>) src(%arg10 : memref<80x128xf32, #tpu.memory_space<vmem>>) dst(%dma_wait3A_593 : memref<10240x128xf32, #tpu.memory_space<vmem_shared>>)
    }
    %scan3A_377 = arith.constant 8 : i32
    %dma_wait3A_378 = arith.constant 0 : i32
    %dma_wait3A_379 = arith.constant 0 : i32
    %dma_wait3A_380 = tpu.memref_slice %arg6[%dma_wait3A_378, %dma_wait3A_379] : memref<50x80xi32, #tpu.memory_space<vmem>> -> memref<1x80xi32, #tpu.memory_space<vmem>>
    %dma_wait3A_381 = tpu.memref_squeeze %dma_wait3A_380 : memref<1x80xi32, #tpu.memory_space<vmem>> -> memref<80xi32, #tpu.memory_space<vmem>>
    %dma_wait3A_382 = arith.constant 0 : i32
    %dma_wait3A_383 = arith.constant 0 : i32
    %dma_wait3A_384 = tpu.memref_slice %arg2[%dma_wait3A_382, %dma_wait3A_383] : memref<10000x128xf32, #tpu.memory_space<hbm>> -> memref<10000x128xf32, #tpu.memory_space<hbm>>
    tpu.wait_indirect_dma semaphore(%arg12 : memref<!tpu.dma_semaphore, #tpu.memory_space<semaphore_mem>>) src(%dma_wait3A_384 : memref<10000x128xf32, #tpu.memory_space<hbm>>) dst(%arg8 : memref<80x128xf32, #tpu.memory_space<vmem>>)
    %dma_start3A_385 = arith.constant 49 : i32
    %dma_start3A_386 = arith.constant 0 : i32
    %dma_start3A_387 = tpu.memref_slice %arg6[%dma_start3A_385, %dma_start3A_386] : memref<50x80xi32, #tpu.memory_space<vmem>> -> memref<1x80xi32, #tpu.memory_space<vmem>>
    %dma_start3A_388 = tpu.memref_squeeze %dma_start3A_387 : memref<1x80xi32, #tpu.memory_space<vmem>> -> memref<80xi32, #tpu.memory_space<vmem>>
    %dma_start3A_389 = arith.constant 0 : i32
    %dma_start3A_390 = arith.constant 0 : i32
    %dma_start3A_391 = tpu.memref_slice %arg11[%dma_start3A_389, %dma_start3A_390] : memref<10240x128xf32, #tpu.memory_space<vmem_shared>> -> memref<10240x128xf32, #tpu.memory_space<vmem_shared>>
    tpu.enqueue_indirect_dma source(%arg8 : memref<80x128xf32, #tpu.memory_space<vmem>>) target(%dma_start3A_391 : memref<10240x128xf32, #tpu.memory_space<vmem_shared>>) offsets(%dma_start3A_388 : memref<80xi32, #tpu.memory_space<vmem>>) semaphore(%arg15 : memref<!tpu.dma_semaphore, #tpu.memory_space<semaphore_mem>>) {add = true}
    %get3A_392 = arith.constant 49 : i32
    %get3A_393 = arith.index_cast %get3A_392 : i32 to index
    %get3A_394 = arith.constant 0 : index
    %get3A_395 = tpu.vector_load %arg6[%get3A_393, %get3A_394] {strides = array<i32>} : memref<50x80xi32, #tpu.memory_space<vmem>>, vector<16xi32>,
    tpu.vector_store_idx %arg7[%get3A_395], %broadcast_in_dim3A_110 {add = true} : memref<10240xf32, #tpu.memory_space<vmem>>[vector<16xi32>], vector<16xf32>,
    %get3A_396 = arith.constant 49 : i32
    %get3A_397 = arith.index_cast %get3A_396 : i32 to index
    %get3A_398 = arith.constant 16 : index
    %get3A_399 = tpu.vector_load %arg6[%get3A_397, %get3A_398] {strides = array<i32>} : memref<50x80xi32, #tpu.memory_space<vmem>>, vector<16xi32>,
    tpu.vector_store_idx %arg7[%get3A_399], %broadcast_in_dim3A_110 {add = true} : memref<10240xf32, #tpu.memory_space<vmem>>[vector<16xi32>], vector<16xf32>,
    %get3A_400 = arith.constant 49 : i32
    %get3A_401 = arith.index_cast %get3A_400 : i32 to index
    %get3A_402 = arith.constant 32 : index
    %get3A_403 = tpu.vector_load %arg6[%get3A_401, %get3A_402] {strides = array<i32>} : memref<50x80xi32, #tpu.memory_space<vmem>>, vector<16xi32>,
    tpu.vector_store_idx %arg7[%get3A_403], %broadcast_in_dim3A_110 {add = true} : memref<10240xf32, #tpu.memory_space<vmem>>[vector<16xi32>], vector<16xf32>,
    %get3A_404 = arith.constant 49 : i32
    %get3A_405 = arith.index_cast %get3A_404 : i32 to index
    %get3A_406 = arith.constant 48 : index
    %get3A_407 = tpu.vector_load %arg6[%get3A_405, %get3A_406] {strides = array<i32>} : memref<50x80xi32, #tpu.memory_space<vmem>>, vector<16xi32>,
    tpu.vector_store_idx %arg7[%get3A_407], %broadcast_in_dim3A_110 {add = true} : memref<10240xf32, #tpu.memory_space<vmem>>[vector<16xi32>], vector<16xf32>,
    %get3A_408 = arith.constant 49 : i32
    %get3A_409 = arith.index_cast %get3A_408 : i32 to index
    %get3A_410 = arith.constant 64 : index
    %get3A_411 = tpu.vector_load %arg6[%get3A_409, %get3A_410] {strides = array<i32>} : memref<50x80xi32, #tpu.memory_space<vmem>>, vector<16xi32>,
    tpu.vector_store_idx %arg7[%get3A_411], %broadcast_in_dim3A_110 {add = true} : memref<10240xf32, #tpu.memory_space<vmem>>[vector<16xi32>], vector<16xf32>,
    %dma_wait3A_412 = arith.constant 25 : i32
    %dma_wait3A_413 = arith.constant 0 : i32
    %dma_wait3A_414 = tpu.memref_slice %arg6[%dma_wait3A_412, %dma_wait3A_413] : memref<50x80xi32, #tpu.memory_space<vmem>> -> memref<1x80xi32, #tpu.memory_space<vmem>>
    %dma_wait3A_415 = tpu.memref_squeeze %dma_wait3A_414 : memref<1x80xi32, #tpu.memory_space<vmem>> -> memref<80xi32, #tpu.memory_space<vmem>>
    %dma_wait3A_416 = arith.constant 0 : i32
    %dma_wait3A_417 = arith.constant 0 : i32
    %dma_wait3A_418 = tpu.memref_slice %arg11[%dma_wait3A_416, %dma_wait3A_417] : memref<10240x128xf32, #tpu.memory_space<vmem_shared>> -> memref<10240x128xf32, #tpu.memory_space<vmem_shared>>
    tpu.wait_indirect_dma semaphore(%arg15 : memref<!tpu.dma_semaphore, #tpu.memory_space<semaphore_mem>>) src(%arg8 : memref<80x128xf32, #tpu.memory_space<vmem>>) dst(%dma_wait3A_418 : memref<10240x128xf32, #tpu.memory_space<vmem_shared>>)
    %barrier3A_419 = arith.constant 0 : index
    tpu.barrier barrier_id(%barrier3A_419)
    %mul3A_420 = arith.constant 640 : i32
    %mul3A_421 = arith.muli %arg1, %mul3A_420 : i32
    %mul3A_422 = arith.constant 640 : i32
    %mul3A_423 = arith.muli %arg1, %mul3A_422 : i32
    "tpu.region"() ({
      %run_scoped3A_424 = tpu.sem_alloc : memref<!tpu.dma_semaphore, #tpu.memory_space<semaphore_mem>>
      %dma_start3A_425 = arith.constant 0 : i32
      %dma_start3A_426 = tpu.memref_slice %arg4[%arg0, %mul3A_423, %dma_start3A_425] : memref<2x10240x128xf32, #tpu.memory_space<hbm>> -> memref<1x640x128xf32, #tpu.memory_space<hbm>>
      %dma_start3A_427 = tpu.memref_squeeze %dma_start3A_426 : memref<1x640x128xf32, #tpu.memory_space<hbm>> -> memref<640x128xf32, #tpu.memory_space<hbm>>
      %dma_start3A_428 = arith.constant 0 : i32
      %dma_start3A_429 = tpu.memref_slice %arg11[%mul3A_421, %dma_start3A_428] : memref<10240x128xf32, #tpu.memory_space<vmem_shared>> -> memref<640x128xf32, #tpu.memory_space<vmem_shared>>
      tpu.enqueue_dma source(%dma_start3A_429 : memref<640x128xf32, #tpu.memory_space<vmem_shared>>) target(%dma_start3A_427 : memref<640x128xf32, #tpu.memory_space<hbm>>) target_semaphore(%run_scoped3A_424 : memref<!tpu.dma_semaphore, #tpu.memory_space<semaphore_mem>>)
      %dma_wait3A_430 = arith.constant 0 : i32
      %dma_wait3A_431 = tpu.memref_slice %arg4[%arg0, %mul3A_423, %dma_wait3A_430] : memref<2x10240x128xf32, #tpu.memory_space<hbm>> -> memref<1x640x128xf32, #tpu.memory_space<hbm>>
      %dma_wait3A_432 = tpu.memref_squeeze %dma_wait3A_431 : memref<1x640x128xf32, #tpu.memory_space<hbm>> -> memref<640x128xf32, #tpu.memory_space<hbm>>
      %dma_wait3A_433 = arith.constant 0 : i32
      %dma_wait3A_434 = tpu.memref_slice %arg11[%mul3A_421, %dma_wait3A_433] : memref<10240x128xf32, #tpu.memory_space<vmem_shared>> -> memref<640x128xf32, #tpu.memory_space<vmem_shared>>
      tpu.wait_dma2 semaphore(%run_scoped3A_424 : memref<!tpu.dma_semaphore, #tpu.memory_space<semaphore_mem>>) src(%dma_wait3A_434 : memref<640x128xf32, #tpu.memory_space<vmem_shared>>) dst(%dma_wait3A_432 : memref<640x128xf32, #tpu.memory_space<hbm>>)
      tpu.yield
    }) : () -> ()
    "tpu.region"() ({
      %run_scoped3A_424 = tpu.sem_alloc : memref<!tpu.dma_semaphore, #tpu.memory_space<semaphore_mem>>
      %dma_start3A_425 = arith.constant 0 : i32
      %dma_start3A_426 = tpu.memref_slice %arg5[%add3A, %dma_start3A_425] : memref<32x10240xf32, #tpu.memory_space<hbm>> -> memref<1x10240xf32, #tpu.memory_space<hbm>>
      %dma_start3A_427 = tpu.memref_squeeze %dma_start3A_426 : memref<1x10240xf32, #tpu.memory_space<hbm>> -> memref<10240xf32, #tpu.memory_space<hbm>>
      %dma_start3A_428 = arith.constant 0 : i32
      %dma_start3A_429 = tpu.memref_slice %arg5[%add3A, %dma_start3A_428] : memref<32x10240xf32, #tpu.memory_space<hbm>> -> memref<1x10240xf32, #tpu.memory_space<hbm>>
      %dma_start3A_430 = tpu.memref_squeeze %dma_start3A_429 : memref<1x10240xf32, #tpu.memory_space<hbm>> -> memref<10240xf32, #tpu.memory_space<hbm>>
      tpu.enqueue_dma source(%arg7 : memref<10240xf32, #tpu.memory_space<vmem>>) target(%dma_start3A_430 : memref<10240xf32, #tpu.memory_space<hbm>>) target_semaphore(%run_scoped3A_424 : memref<!tpu.dma_semaphore, #tpu.memory_space<semaphore_mem>>)
      %dma_wait3A_431 = arith.constant 0 : i32
      %dma_wait3A_432 = tpu.memref_slice %arg5[%add3A, %dma_wait3A_431] : memref<32x10240xf32, #tpu.memory_space<hbm>> -> memref<1x10240xf32, #tpu.memory_space<hbm>>
      %dma_wait3A_433 = tpu.memref_squeeze %dma_wait3A_432 : memref<1x10240xf32, #tpu.memory_space<hbm>> -> memref<10240xf32, #tpu.memory_space<hbm>>
      %dma_wait3A_434 = arith.constant 0 : i32
      %dma_wait3A_435 = tpu.memref_slice %arg5[%add3A, %dma_wait3A_434] : memref<32x10240xf32, #tpu.memory_space<hbm>> -> memref<1x10240xf32, #tpu.memory_space<hbm>>
      %dma_wait3A_436 = tpu.memref_squeeze %dma_wait3A_435 : memref<1x10240xf32, #tpu.memory_space<hbm>> -> memref<10240xf32, #tpu.memory_space<hbm>>
      tpu.wait_dma2 semaphore(%run_scoped3A_424 : memref<!tpu.dma_semaphore, #tpu.memory_space<semaphore_mem>>) src(%arg7 : memref<10240xf32, #tpu.memory_space<vmem>>) dst(%dma_wait3A_436 : memref<10240xf32, #tpu.memory_space<hbm>>)
      tpu.yield
    }) : () -> ()
    return
  }
}

module attributes {stable_mosaic.version = 14 : i64} {
  func.func @_mm_body(%arg0: i32, %arg1: memref<1024x128xf32, #tpu.memory_space<vmem>>, %arg2: memref<128x256xf32, #tpu.memory_space<vmem>>, %arg3: memref<1024x256xf32, #tpu.memory_space<vmem>>) attributes {dimension_semantics = [#tpu.dimension_semantics<arbitrary>], iteration_bounds = array<i64: 10>, scalar_prefetch = 0 : i64, scratch_operands = 0 : i64, tpu.core_type = #tpu.core_type<tc>, window_params = [{transform_indices = @transform_0, window_bounds = array<i64: 1024, 128>}, {pipeline_mode = #tpu.pipeline_mode<synchronous>, transform_indices = @transform_1, window_bounds = array<i64: 128, 256>}, {transform_indices = @transform_2, window_bounds = array<i64: 1024, 256>}]} {
    %get3A = arith.constant 0 : index
    %get3A_0 = arith.constant 0 : index
    %get3A_1 = vector.load %arg1[%get3A, %get3A_0] : memref<1024x128xf32, #tpu.memory_space<vmem>>, vector<1024x128xf32>
    %get3A_2 = arith.constant 0 : index
    %get3A_3 = arith.constant 0 : index
    %get3A_4 = vector.load %arg2[%get3A_2, %get3A_3] : memref<128x256xf32, #tpu.memory_space<vmem>>, vector<128x256xf32>
    %dot_general3A = arith.constant dense<0.000000e+00> : vector<1024x256xf32>
    %dot_general3A_5 = tpu.matmul %get3A_1, %get3A_4, %dot_general3A {dimension_numbers = #tpu.dot_dimension_numbers<[1], [0], [0], [1], [0, 0, 1, 1], [], []>, transpose_lhs_hint = false} : vector<1024x128xf32>, vector<128x256xf32>, vector<1024x256xf32> -> vector<1024x256xf32>
    %swap3A = arith.constant 0 : index
    %swap3A_6 = arith.constant 0 : index
    %swap3A_7 = vector.load %arg3[%swap3A, %swap3A_6] : memref<1024x256xf32, #tpu.memory_space<vmem>>, vector<1024x256xf32>
    tpu.vector_store %arg3[%swap3A, %swap3A_6], %dot_general3A_5 {strides = array<i32>} : memref<1024x256xf32, #tpu.memory_space<vmem>>, vector<1024x256xf32>,
    return
  }
  func.func @transform_0(%arg0: i32) -> (i32, i32) {
    %c0_i32 = arith.constant 0 : i32
    %c0_i32_0 = arith.constant 0 : i32
    return %arg0, %c0_i32 : i32, i32
  }
  func.func @transform_1(%arg0: i32) -> (i32, i32) {
    %c0_i32 = arith.constant 0 : i32
    %c0_i32_0 = arith.constant 0 : i32
    %c0_i32_1 = arith.constant 0 : i32
    return %c0_i32, %c0_i32_0 : i32, i32
  }
  func.func @transform_2(%arg0: i32) -> (i32, i32) {
    %c0_i32 = arith.constant 0 : i32
    %c0_i32_0 = arith.constant 0 : i32
    return %arg0, %c0_i32 : i32, i32
  }
}

module attributes {stable_mosaic.version = 14 : i64} {
  func.func @_tc1_body(%arg0: i32, %arg1: memref<2x1024x128xf32, #tpu.memory_space<vmem>>, %arg2: memref<32x1024xf32, #tpu.memory_space<vmem>>, %arg3: memref<1024x256xf32, #tpu.memory_space<vmem>>, %arg4: memref<128x256xf32, #tpu.memory_space<vmem>>, %arg5: memref<1x256xf32, #tpu.memory_space<vmem>>, %arg6: memref<256x128xf32, #tpu.memory_space<vmem>>, %arg7: memref<1024x256xf32, #tpu.memory_space<vmem>>, %arg8: memref<1024x128xf32, #tpu.memory_space<vmem>>) attributes {dimension_semantics = [#tpu.dimension_semantics<arbitrary>], iteration_bounds = array<i64: 10>, scalar_prefetch = 0 : i64, scratch_operands = 0 : i64, tpu.core_type = #tpu.core_type<tc>, window_params = [{transform_indices = @transform_0, window_bounds = array<i64: 2, 1024, 128>}, {transform_indices = @transform_1, window_bounds = array<i64: 32, 1024>}, {transform_indices = @transform_2, window_bounds = array<i64: 1024, 256>}, {pipeline_mode = #tpu.pipeline_mode<synchronous>, transform_indices = @transform_3, window_bounds = array<i64: 128, 256>}, {pipeline_mode = #tpu.pipeline_mode<synchronous>, transform_indices = @transform_4, window_bounds = array<i64: 1, 256>}, {pipeline_mode = #tpu.pipeline_mode<synchronous>, transform_indices = @transform_5, window_bounds = array<i64: 256, 128>}, {transform_indices = @transform_6, window_bounds = array<i64: 1024, 256>}, {transform_indices = @transform_7, window_bounds = array<i64: 1024, 128>}]} {
    %get3A = arith.constant 0 : index
    %get3A_0 = arith.constant 0 : index
    %get3A_1 = arith.constant 0 : index
    %get3A_2 = vector.load %arg1[%get3A, %get3A_0, %get3A_1] : memref<2x1024x128xf32, #tpu.memory_space<vmem>>, vector<1x1024x128xf32>
    %get3A_3 = vector.shape_cast %get3A_2 : vector<1x1024x128xf32> to vector<1024x128xf32>
    %get3A_4 = arith.constant 1 : index
    %get3A_5 = arith.constant 0 : index
    %get3A_6 = arith.constant 0 : index
    %get3A_7 = vector.load %arg1[%get3A_4, %get3A_5, %get3A_6] : memref<2x1024x128xf32, #tpu.memory_space<vmem>>, vector<1x1024x128xf32>
    %get3A_8 = vector.shape_cast %get3A_7 : vector<1x1024x128xf32> to vector<1024x128xf32>
    %add3A = arith.addf %get3A_3, %get3A_8 : vector<1024x128xf32>
    %get3A_9 = arith.constant 0 : index
    %get3A_10 = arith.constant 0 : index
    %get3A_11 = vector.load %arg2[%get3A_9, %get3A_10] : memref<32x1024xf32, #tpu.memory_space<vmem>>, vector<32x1024xf32>
    %reduce_sum3A = arith.constant dense<0.000000e+00> : vector<1024xf32>
    %reduce_sum3A_12 = vector.multi_reduction <add>, %get3A_11, %reduce_sum3A [0] : vector<32x1024xf32> to vector<1024xf32>
    %max3A = arith.constant 1.000000e+00 : f32
    %max3A_13 = vector.broadcast %max3A : f32 to vector<1024xf32>
    %max3A_14 = arith.maximumf %reduce_sum3A_12, %max3A_13 : vector<1024xf32>
    %broadcast_in_dim3A = vector.shape_cast %max3A_14 : vector<1024xf32> to vector<1024x1xf32>
    %div3A = vector.broadcast %broadcast_in_dim3A : vector<1024x1xf32> to vector<1024x128xf32>
    %div3A_15 = arith.divf %add3A, %div3A : vector<1024x128xf32>
    %get3A_16 = arith.constant 0 : index
    %get3A_17 = arith.constant 0 : index
    %get3A_18 = vector.load %arg4[%get3A_16, %get3A_17] : memref<128x256xf32, #tpu.memory_space<vmem>>, vector<128x256xf32>
    %dot_general3A = arith.constant dense<0.000000e+00> : vector<1024x256xf32>
    %dot_general3A_19 = tpu.matmul %div3A_15, %get3A_18, %dot_general3A {dimension_numbers = #tpu.dot_dimension_numbers<[1], [0], [0], [1], [0, 0, 1, 1], [], []>, transpose_lhs_hint = false} : vector<1024x128xf32>, vector<128x256xf32>, vector<1024x256xf32> -> vector<1024x256xf32>
    %get3A_20 = arith.constant 0 : index
    %get3A_21 = arith.constant 0 : index
    %get3A_22 = vector.load %arg3[%get3A_20, %get3A_21] : memref<1024x256xf32, #tpu.memory_space<vmem>>, vector<1024x256xf32>
    %add3A_23 = arith.addf %dot_general3A_19, %get3A_22 : vector<1024x256xf32>
    %get3A_24 = arith.constant 0 : index
    %get3A_25 = arith.constant 0 : index
    %get3A_26 = vector.load %arg5[%get3A_24, %get3A_25] : memref<1x256xf32, #tpu.memory_space<vmem>>, vector<1x256xf32>
    %add3A_27 = vector.broadcast %get3A_26 : vector<1x256xf32> to vector<1024x256xf32>
    %add3A_28 = arith.addf %add3A_23, %add3A_27 : vector<1024x256xf32>
    %max3A_29 = arith.constant 0.000000e+00 : f32
    %max3A_30 = vector.broadcast %max3A_29 : f32 to vector<1024x256xf32>
    %max3A_31 = arith.maximumf %add3A_28, %max3A_30 : vector<1024x256xf32>
    %swap3A = arith.constant 0 : index
    %swap3A_32 = arith.constant 0 : index
    %swap3A_33 = vector.load %arg7[%swap3A, %swap3A_32] : memref<1024x256xf32, #tpu.memory_space<vmem>>, vector<1024x256xf32>
    tpu.vector_store %arg7[%swap3A, %swap3A_32], %max3A_31 {strides = array<i32>} : memref<1024x256xf32, #tpu.memory_space<vmem>>, vector<1024x256xf32>,
    %get3A_34 = arith.constant 0 : index
    %get3A_35 = arith.constant 0 : index
    %get3A_36 = vector.load %arg6[%get3A_34, %get3A_35] : memref<256x128xf32, #tpu.memory_space<vmem>>, vector<256x128xf32>
    %dot_general3A_37 = arith.constant dense<0.000000e+00> : vector<1024x128xf32>
    %dot_general3A_38 = tpu.matmul %max3A_31, %get3A_36, %dot_general3A_37 {dimension_numbers = #tpu.dot_dimension_numbers<[1], [0], [0], [1], [0, 0, 1, 1], [], []>, transpose_lhs_hint = false} : vector<1024x256xf32>, vector<256x128xf32>, vector<1024x128xf32> -> vector<1024x128xf32>
    %swap3A_39 = arith.constant 0 : index
    %swap3A_40 = arith.constant 0 : index
    %swap3A_41 = vector.load %arg8[%swap3A_39, %swap3A_40] : memref<1024x128xf32, #tpu.memory_space<vmem>>, vector<1024x128xf32>
    tpu.vector_store %arg8[%swap3A_39, %swap3A_40], %dot_general3A_38 {strides = array<i32>} : memref<1024x128xf32, #tpu.memory_space<vmem>>, vector<1024x128xf32>,
    return
  }
  func.func @transform_0(%arg0: i32) -> (i32, i32, i32) {
    %c0_i32 = arith.constant 0 : i32
    %c0_i32_0 = arith.constant 0 : i32
    %c0_i32_1 = arith.constant 0 : i32
    return %c0_i32, %arg0, %c0_i32_0 : i32, i32, i32
  }
  func.func @transform_1(%arg0: i32) -> (i32, i32) {
    %c0_i32 = arith.constant 0 : i32
    %c0_i32_0 = arith.constant 0 : i32
    return %c0_i32, %arg0 : i32, i32
  }
  func.func @transform_2(%arg0: i32) -> (i32, i32) {
    %c0_i32 = arith.constant 0 : i32
    %c0_i32_0 = arith.constant 0 : i32
    return %arg0, %c0_i32 : i32, i32
  }
  func.func @transform_3(%arg0: i32) -> (i32, i32) {
    %c0_i32 = arith.constant 0 : i32
    %c0_i32_0 = arith.constant 0 : i32
    %c0_i32_1 = arith.constant 0 : i32
    return %c0_i32, %c0_i32_0 : i32, i32
  }
  func.func @transform_4(%arg0: i32) -> (i32, i32) {
    %c0_i32 = arith.constant 0 : i32
    %c0_i32_0 = arith.constant 0 : i32
    %c0_i32_1 = arith.constant 0 : i32
    return %c0_i32, %c0_i32_0 : i32, i32
  }
  func.func @transform_5(%arg0: i32) -> (i32, i32) {
    %c0_i32 = arith.constant 0 : i32
    %c0_i32_0 = arith.constant 0 : i32
    %c0_i32_1 = arith.constant 0 : i32
    return %c0_i32, %c0_i32_0 : i32, i32
  }
  func.func @transform_6(%arg0: i32) -> (i32, i32) {
    %c0_i32 = arith.constant 0 : i32
    %c0_i32_0 = arith.constant 0 : i32
    return %arg0, %c0_i32 : i32, i32
  }
  func.func @transform_7(%arg0: i32) -> (i32, i32) {
    %c0_i32 = arith.constant 0 : i32
    %c0_i32_0 = arith.constant 0 : i32
    return %arg0, %c0_i32 : i32, i32
  }
}

module attributes {stable_mosaic.version = 14 : i64} {
  func.func @_mm_body(%arg0: i32, %arg1: memref<1024x256xf32, #tpu.memory_space<vmem>>, %arg2: memref<256x128xf32, #tpu.memory_space<vmem>>, %arg3: memref<1024x128xf32, #tpu.memory_space<vmem>>) attributes {dimension_semantics = [#tpu.dimension_semantics<arbitrary>], iteration_bounds = array<i64: 10>, scalar_prefetch = 0 : i64, scratch_operands = 0 : i64, tpu.core_type = #tpu.core_type<tc>, window_params = [{transform_indices = @transform_0, window_bounds = array<i64: 1024, 256>}, {pipeline_mode = #tpu.pipeline_mode<synchronous>, transform_indices = @transform_1, window_bounds = array<i64: 256, 128>}, {transform_indices = @transform_2, window_bounds = array<i64: 1024, 128>}]} {
    %get3A = arith.constant 0 : index
    %get3A_0 = arith.constant 0 : index
    %get3A_1 = vector.load %arg1[%get3A, %get3A_0] : memref<1024x256xf32, #tpu.memory_space<vmem>>, vector<1024x256xf32>
    %get3A_2 = arith.constant 0 : index
    %get3A_3 = arith.constant 0 : index
    %get3A_4 = vector.load %arg2[%get3A_2, %get3A_3] : memref<256x128xf32, #tpu.memory_space<vmem>>, vector<256x128xf32>
    %dot_general3A = arith.constant dense<0.000000e+00> : vector<1024x128xf32>
    %dot_general3A_5 = tpu.matmul %get3A_1, %get3A_4, %dot_general3A {dimension_numbers = #tpu.dot_dimension_numbers<[1], [0], [0], [1], [0, 0, 1, 1], [], []>, transpose_lhs_hint = false} : vector<1024x256xf32>, vector<256x128xf32>, vector<1024x128xf32> -> vector<1024x128xf32>
    %swap3A = arith.constant 0 : index
    %swap3A_6 = arith.constant 0 : index
    %swap3A_7 = vector.load %arg3[%swap3A, %swap3A_6] : memref<1024x128xf32, #tpu.memory_space<vmem>>, vector<1024x128xf32>
    tpu.vector_store %arg3[%swap3A, %swap3A_6], %dot_general3A_5 {strides = array<i32>} : memref<1024x128xf32, #tpu.memory_space<vmem>>, vector<1024x128xf32>,
    return
  }
  func.func @transform_0(%arg0: i32) -> (i32, i32) {
    %c0_i32 = arith.constant 0 : i32
    %c0_i32_0 = arith.constant 0 : i32
    return %arg0, %c0_i32 : i32, i32
  }
  func.func @transform_1(%arg0: i32) -> (i32, i32) {
    %c0_i32 = arith.constant 0 : i32
    %c0_i32_0 = arith.constant 0 : i32
    %c0_i32_1 = arith.constant 0 : i32
    return %c0_i32, %c0_i32_0 : i32, i32
  }
  func.func @transform_2(%arg0: i32) -> (i32, i32) {
    %c0_i32 = arith.constant 0 : i32
    %c0_i32_0 = arith.constant 0 : i32
    return %arg0, %c0_i32 : i32, i32
  }
}

module attributes {stable_mosaic.version = 14 : i64} {
  func.func @_tc2_body(%arg0: i32, %arg1: memref<2x1024x128xf32, #tpu.memory_space<vmem>>, %arg2: memref<32x1024xf32, #tpu.memory_space<vmem>>, %arg3: memref<1024x128xf32, #tpu.memory_space<vmem>>, %arg4: memref<1x128xf32, #tpu.memory_space<vmem>>, %arg5: memref<1024x128xf32, #tpu.memory_space<vmem>>) attributes {dimension_semantics = [#tpu.dimension_semantics<arbitrary>], iteration_bounds = array<i64: 10>, scalar_prefetch = 0 : i64, scratch_operands = 0 : i64, tpu.core_type = #tpu.core_type<tc>, window_params = [{transform_indices = @transform_0, window_bounds = array<i64: 2, 1024, 128>}, {transform_indices = @transform_1, window_bounds = array<i64: 32, 1024>}, {transform_indices = @transform_2, window_bounds = array<i64: 1024, 128>}, {pipeline_mode = #tpu.pipeline_mode<synchronous>, transform_indices = @transform_3, window_bounds = array<i64: 1, 128>}, {transform_indices = @transform_4, window_bounds = array<i64: 1024, 128>}]} {
    %get3A = arith.constant 0 : index
    %get3A_0 = arith.constant 0 : index
    %get3A_1 = arith.constant 0 : index
    %get3A_2 = vector.load %arg1[%get3A, %get3A_0, %get3A_1] : memref<2x1024x128xf32, #tpu.memory_space<vmem>>, vector<1x1024x128xf32>
    %get3A_3 = vector.shape_cast %get3A_2 : vector<1x1024x128xf32> to vector<1024x128xf32>
    %get3A_4 = arith.constant 1 : index
    %get3A_5 = arith.constant 0 : index
    %get3A_6 = arith.constant 0 : index
    %get3A_7 = vector.load %arg1[%get3A_4, %get3A_5, %get3A_6] : memref<2x1024x128xf32, #tpu.memory_space<vmem>>, vector<1x1024x128xf32>
    %get3A_8 = vector.shape_cast %get3A_7 : vector<1x1024x128xf32> to vector<1024x128xf32>
    %add3A = arith.addf %get3A_3, %get3A_8 : vector<1024x128xf32>
    %get3A_9 = arith.constant 0 : index
    %get3A_10 = arith.constant 0 : index
    %get3A_11 = vector.load %arg2[%get3A_9, %get3A_10] : memref<32x1024xf32, #tpu.memory_space<vmem>>, vector<32x1024xf32>
    %reduce_sum3A = arith.constant dense<0.000000e+00> : vector<1024xf32>
    %reduce_sum3A_12 = vector.multi_reduction <add>, %get3A_11, %reduce_sum3A [0] : vector<32x1024xf32> to vector<1024xf32>
    %max3A = arith.constant 1.000000e+00 : f32
    %max3A_13 = vector.broadcast %max3A : f32 to vector<1024xf32>
    %max3A_14 = arith.maximumf %reduce_sum3A_12, %max3A_13 : vector<1024xf32>
    %broadcast_in_dim3A = vector.shape_cast %max3A_14 : vector<1024xf32> to vector<1024x1xf32>
    %div3A = vector.broadcast %broadcast_in_dim3A : vector<1024x1xf32> to vector<1024x128xf32>
    %div3A_15 = arith.divf %add3A, %div3A : vector<1024x128xf32>
    %get3A_16 = arith.constant 0 : index
    %get3A_17 = arith.constant 0 : index
    %get3A_18 = vector.load %arg3[%get3A_16, %get3A_17] : memref<1024x128xf32, #tpu.memory_space<vmem>>, vector<1024x128xf32>
    %add3A_19 = arith.addf %div3A_15, %get3A_18 : vector<1024x128xf32>
    %get3A_20 = arith.constant 0 : index
    %get3A_21 = arith.constant 0 : index
    %get3A_22 = vector.load %arg4[%get3A_20, %get3A_21] : memref<1x128xf32, #tpu.memory_space<vmem>>, vector<1x128xf32>
    %add3A_23 = vector.broadcast %get3A_22 : vector<1x128xf32> to vector<1024x128xf32>
    %add3A_24 = arith.addf %add3A_19, %add3A_23 : vector<1024x128xf32>
    %swap3A = arith.constant 0 : index
    %swap3A_25 = arith.constant 0 : index
    %swap3A_26 = vector.load %arg5[%swap3A, %swap3A_25] : memref<1024x128xf32, #tpu.memory_space<vmem>>, vector<1024x128xf32>
    tpu.vector_store %arg5[%swap3A, %swap3A_25], %add3A_24 {strides = array<i32>} : memref<1024x128xf32, #tpu.memory_space<vmem>>, vector<1024x128xf32>,
    return
  }
  func.func @transform_0(%arg0: i32) -> (i32, i32, i32) {
    %c0_i32 = arith.constant 0 : i32
    %c0_i32_0 = arith.constant 0 : i32
    %c0_i32_1 = arith.constant 0 : i32
    return %c0_i32, %arg0, %c0_i32_0 : i32, i32, i32
  }
  func.func @transform_1(%arg0: i32) -> (i32, i32) {
    %c0_i32 = arith.constant 0 : i32
    %c0_i32_0 = arith.constant 0 : i32
    return %c0_i32, %arg0 : i32, i32
  }
  func.func @transform_2(%arg0: i32) -> (i32, i32) {
    %c0_i32 = arith.constant 0 : i32
    %c0_i32_0 = arith.constant 0 : i32
    return %arg0, %c0_i32 : i32, i32
  }
  func.func @transform_3(%arg0: i32) -> (i32, i32) {
    %c0_i32 = arith.constant 0 : i32
    %c0_i32_0 = arith.constant 0 : i32
    %c0_i32_1 = arith.constant 0 : i32
    return %c0_i32, %c0_i32_0 : i32, i32
  }
  func.func @transform_4(%arg0: i32) -> (i32, i32) {
    %c0_i32 = arith.constant 0 : i32
    %c0_i32_0 = arith.constant 0 : i32
    return %arg0, %c0_i32 : i32, i32
  }
}

</mosaic_0001>

<sc_bundles>
// kernel: kernel.11.cloned.1.call-start
scs
__scs_entry_jumppad:
0x0: {  	(pc) =	sbr.rel $0x88, $3  }
0x1: {  	(tag) =	ssettag $0x0;
	lr =	simm.s32 $0x1  }
0x2: {  	[smem:$0x3F99] =	sst lr;
	_ =	strace $0xD0000000  }
0x3: {  	_ = 	snop  }
0x4: {  	_ = 	snop  }
0x5: {  	_ = 	snop  }
0x6: {  	_ = 	snop  }
0x7: {  	_ = 	snop  }
__scs_overlays_trampoline_lowered:
0x8: {  	[smem:$0x3FA8] =	sst s0  }
0x9: {  	[smem:$0x3FA9] =	sst s1  }
0xa: {  	[smem:$0x3FAA] =	sst s2  }
0xb: {  	[smem:$0x3FAB] =	sst s3  }
0xc: {  	[smem:$0x3FAC] =	sst s4  }
0xd: {  	[smem:$0x3FAD] =	sst s5  }
0xe: {  	[smem:$0x3FAE] =	sst s6  }
0xf: {  	[smem:$0x3FAF] =	sst s7  }
0x10: {  	[smem:$0x3FB0] =	sst s8  }
0x11: {  	[smem:$0x3FB1] =	sst s9;
	s0 =	simm.s32 @!p0 $0x0  }
0x12: {  	s1 =	sld [smem:$0x3F97];
	s0 =	simm.s32 @p0 $0x1  }
0x13: {  	[smem:$0x3FB2] =	sst s0;
	s0 =	simm.s32 @!p1 $0x0  }
0x14: {  	s2 =	sld [smem:$0x3F96];
	s0 =	simm.s32 @p1 $0x1  }
0x15: {  	[smem:$0x3FB3] =	sst s0;
	s0 =	simm.s32 @!p2 $0x0  }
0x16: {  	s3 =	sld [smem:$0x3FDB];
	s0 =	simm.s32 @p2 $0x1  }
0x17: {  	s4 =	simm.s32 $0x1BF5;
	[smem:$0x3FB5] =	sst s0  }
0x18: {  	s0 =	sld [smem:$0x3F98];
	_ =	swait.ge [sflag:s4], $0x0  }
0x19: {  	s7 =	sld [smem:$0x3F99]  }
0x1a: {  	s8 =	sadd.s32 $0xFFFFE003, lr  }
0x1b: {  	s9 =	sadd.s32 $0xFFFFFEF7, lr;
	s5 =	simm.s32 $0xFFFFFFFF;
	p2 =	slt.u32 s8, $0xFFFFF086  }
0x1c: {  	p1 =	slt.u32 s9, $0xF7A;
	s5 =	simm.s32 @!p2 $0x0  }
0x1d: {  	s5 =	simm.s32 @p1 $0x1;
	p0 =	seq.s32 s7, s2  }
0x1e: {  	s7 =	smul.u32 @!p0 $0xF7A, s2;
	p2 =	seq.s32 @!p0 s5, $0x0  }
0x1f: {  	s9 =	smul.u32 $0xF7A, s1;
	s8 =	simm.s32 @!p0 $0x1BF5;
	p2 =	por !p2, p0  }
0x20: {  	[sflag:s8] =	ssyncset.s32 @!p0 $0xFFFFF086;
	s6 =	sadd.s32 @!p0 s3, s7;
	s7 =	simm.s32 @!p0 $0x108  }
0x21: {  	s3 =	sadd.s32 s3, s9;
	s6 =	sadd.s32 @!p0 $0x88, s6;
	s7 =	simm.s32 @p2 $0x1082  }
0x22: {  	[simem:s7], [sflag:s8] =	dma.local @!p0 [hbm:s6], $0xF7A  }
0x23: {  	s9 =	sor.u32 $0xD0000000, s2;
	s6 =	simm.s32 $0x108;
	_ =	swait.ge @!p0 [sflag:s8], $0x0  }
0x24: {  	s3 =	sadd.s32 $0x88, s3;
	s6 =	simm.s32 @!p1 $0x1082;
	[sflag:s4] =	ssyncset.s32 $0xFFFFF086  }
0x25: {  	[simem:s6], [sflag:s4] =	dma.local [hbm:s3], $0xF7A  }
0x26: {  	[smem:$0x3F99] =	sst s1;
	(tag) =	ssettag s2;
	_ =	strace s9  }
0x27: {  	s1 =	sld [smem:$0x3FA9]  }
0x28: {  	s2 =	sld [smem:$0x3FAA]  }
0x29: {  	s4 =	sld [smem:$0x3FAC]  }
0x2a: {  	p0 =	seq.s32 s5, $0x0;
	s5 =	sld [smem:$0x3FAD]  }
0x2b: {  	s6 =	sld [smem:$0x3FAE]  }
0x2c: {  	s7 =	sld [smem:$0x3FAF]  }
0x2d: {  	s3 =	simm.s32 $0x108;
	s8 =	sld [smem:$0x3FB0]  }
0x2e: {  	s3 =	simm.s32 @!p0 $0x1082;
	s9 =	sld [smem:$0x3FB1]  }
0x2f: {  	lr =	sadd.s32 s0, s3;
	s0 =	sld [smem:$0x3FA8]  }
0x30: {  	s3 =	sld [smem:$0x3FAB]  }
0x31: {  	[smem:$0x3FB4] =	sst s10  }
0x32: {  	s10 =	sld [smem:$0x3FB2];
	_ =	sdelay $0x3  }
0x33: {  	p0 =	seq.s32 s10, $0x1;
	s10 =	sld [smem:$0x3FB4];
	_ =	sdelay $0x3  }
0x34: {  	[smem:$0x3FB4] =	sst s10  }
0x35: {  	s10 =	sld [smem:$0x3FB3];
	_ =	sdelay $0x3  }
0x36: {  	p1 =	seq.s32 s10, $0x1;
	s10 =	sld [smem:$0x3FB4];
	_ =	sdelay $0x3  }
0x37: {  	[smem:$0x3FB4] =	sst s10  }
0x38: {  	s10 =	sld [smem:$0x3FB5]  }
0x39: {  	_ = 	snop;
	(pc) =	sbr.ind lr, $3  }
0x3a: {  	_ = 	snop  }
0x3b: {  	_ = 	snop  }
0x3c: {  	p2 =	seq.s32 s10, $0x1;
	s10 =	sld [smem:$0x3FB4]  }
0x3d: {  	_ =	shalt  }
0x3e: {  	_ =	shalt  }
0x3f: {  	_ =	shalt  }
0x40: {  	_ =	shalt  }
0x41: {  	_ =	shalt  }
0x42: {  	_ =	shalt  }
0x43: {  	_ =	shalt  }
0x44: {  	_ =	shalt  }
0x45: {  	_ =	shalt  }
0x46: {  	_ =	shalt  }
0x47: {  	_ =	shalt  }
0x48: {  	_ =	shalt  }
0x49: {  	_ =	shalt  }
0x4a: {  	_ =	shalt  }
0x4b: {  	_ =	shalt  }
0x4c: {  	_ =	shalt  }
0x4d: {  	_ =	shalt  }
0x4e: {  	_ =	shalt  }
0x4f: {  	_ =	shalt  }
0x50: {  	_ =	shalt  }
0x51: {  	_ =	shalt  }
0x52: {  	_ =	shalt  }
0x53: {  	_ =	shalt  }
0x54: {  	_ =	shalt  }
0x55: {  	_ =	shalt  }
0x56: {  	_ =	shalt  }
0x57: {  	_ =	shalt  }
0x58: {  	_ =	shalt  }
0x59: {  	_ =	shalt  }
0x5a: {  	_ =	shalt  }
0x5b: {  	_ =	shalt  }
0x5c: {  	_ =	shalt  }
0x5d: {  	_ =	shalt  }
0x5e: {  	_ =	shalt  }
0x5f: {  	_ =	shalt  }
0x60: {  	_ =	shalt  }
0x61: {  	_ =	shalt  }
0x62: {  	_ =	shalt  }
0x63: {  	_ =	shalt  }
0x64: {  	_ =	shalt  }
0x65: {  	_ =	shalt  }
0x66: {  	_ =	shalt  }
0x67: {  	_ =	shalt  }
0x68: {  	_ =	shalt  }
0x69: {  	_ =	shalt  }
0x6a: {  	_ =	shalt  }
0x6b: {  	_ =	shalt  }
0x6c: {  	_ =	shalt  }
0x6d: {  	_ =	shalt  }
0x6e: {  	_ =	shalt  }
0x6f: {  	_ =	shalt  }
0x70: {  	_ =	shalt  }
0x71: {  	_ =	shalt  }
0x72: {  	_ =	shalt  }
0x73: {  	_ =	shalt  }
0x74: {  	_ =	shalt  }
0x75: {  	_ =	shalt  }
0x76: {  	_ =	shalt  }
0x77: {  	_ =	shalt  }
0x78: {  	_ =	shalt  }
0x79: {  	_ =	shalt  }
0x7a: {  	_ =	shalt  }
0x7b: {  	_ =	shalt  }
0x7c: {  	_ =	shalt  }
0x7d: {  	_ =	shalt  }
0x7e: {  	_ =	shalt  }
0x7f: {  	_ =	shalt  }
0x80: {  	_ =	shalt  }
0x81: {  	_ =	shalt  }
0x82: {  	_ =	shalt  }
0x83: {  	_ =	shalt  }
0x84: {  	_ =	shalt  }
0x85: {  	_ =	shalt  }
0x86: {  	_ =	shalt  }
0x87: {  	_ =	shalt  }
.Lfunc_end0:
.L_simem_size_0:
called_computation.1_lowered:
.L_overlay_start_0:
0x88: {  	s2 =	sld [smem:$0x3FD9]  }
0x89: {  	s3 =	sld [smem:$0x3FFE];
	_ =	sdelay $0x1  }
0x8a: {  	s1 =	srdreg.scid  }
0x8b: {  	s0 =	sand.u32 $0x1, s1  }
0x8c: {  	s17 =	sshll.u32 s0, $0xA;
	s2 =	sadd.s32 s3, s2  }
0x8d: {  	s2 =	sadd.s32 s2, s17  }
0x8e: {  	[smem:$0x3FC0] =	sst s2  }
0x8f: {  	_ = 	snop  }
0x90: {  	s2 =	sld [smem:$0x3FD0];
	(tm) =	ssettm $0x1  }
0x91: {  	s18 =	sld [smem:$0x3FFB];
	_ =	sdelay $0x3  }
0x92: {  	_ =	strace s18  }
0x93: {  	s3 =	sld [smem:$0x3FFC];
	_ =	sdelay $0x3  }
0x94: {  	_ =	strace s3  }
0x95: {  	s3 =	sld [smem:$0x3FFD];
	_ =	sdelay $0x3  }
0x96: {  	_ =	strace s3  }
0x97: {  	_ =	strace $0x8FFFFFFF  }
0x98: {  	s19 =	sld [smem:$0x3FDB];
	_ =	sdelay $0x1  }
0x99: {  	s4 =	simm.s32 $_scs_section_size  }
0x9a: {  	s5 =	simm.s32 $_size__tile_overlayer_lowered;
	s6 =	simm.s32 $_tile_overlayer_lowered  }
0x9b: {  	s22 =	simm.s32 $0x1BFF;
	s21 =	sshll.u32 s6, $0x1;
	s3 =	sadd.s32 s4, s19  }
0x9c: {  	s7 =	simm.s32 $0x0;
	s20 =	sshll.u32 s5, $0x1;
	s5 =	sadd.s32 s21, s3  }
0x9d: {  	[timem:s7], [sflag:s22] =	dma.local [hbm:s5], s20  }
0x9e: {  	_ =	swait.ge [sflag:s22], s20  }
0x9f: {  	s4 =	ssub.s32 $0x0, s20;
	[sflag:s22] =	ssyncset.done $0x0  }
0xa0: {  	[sflag:s22] =	ssyncadd.s32 s4;
	_ =	sdelay $0x1  }
0xa1: {  	s23 =	simm.s32 $0x1B8B  }
0xa2: {  	_ =	swait.ge [sflag:s23], $0x1  }
0xa3: {  	[sflag:s23] =	ssyncset.done $0x0  }
0xa4: {  	s25 =	simm.s32 $0x1B8E;
	s24 =	sld [smem:$0x3FFE];
	[sflag:s23] =	ssyncadd.s32 $0xFFFFFFFF  }
0xa5: {  	s26 =	simm.s32 $execute0_lowered;
	[smem:$0x3FD2] =	sst s25  }
0xa6: {  	s5 =	sshll.u32 s26, $0x1;
	_ =	strace $0x80000049;
	[dreg:$0x1] =	wrdreg $0xFFFFFFFF  }
0xa7: {  	s28 =	simm.s32 $_size_execute0_lowered;
	s3 =	sadd.s32 s3, s5;
	[dreg:$0x0] =	wrdreg $0x0  }
0xa8: {  	s5 =	sshll.u32 s28, $0x1;
	[dreg:$0x2] =	wrdreg s3  }
0xa9: {  	[dreg:$0x3] =	wrdreg s5  }
0xaa: {  	[dreg:$0x4] =	wrdreg $0xC0  }
0xab: {  	_ =	task [dreg:s7], $0x5FFFF  }
0xac: {  	[dreg:$0x1] =	wrdreg $0xFFFFFFFF  }
0xad: {  	[dreg:$0x0] =	wrdreg $0x60  }
0xae: {  	[dreg:$0x2] =	wrdreg s2  }
0xaf: {  	[dreg:$0x3] =	wrdreg s24  }
0xb0: {  	[dreg:$0x4] =	wrdreg $0x94000  }
0xb1: {  	[dreg:$0x5] =	wrdreg $0x9  }
0xb2: {  	_ =	task.clear_ibuf [dreg:s7], $0x6FFFF;
	_ =	strace $0x90000049  }
0xb3: {  	s29 =	simm.s32 $0x9;
	_ =	strace $0x8000004B  }
0xb4: {  	_ =	swait.ge [sflag:s29], $0x1  }
0xb5: {  	[sflag:s29] =	ssyncadd.s32 $0xFFFFFFFF  }
0xb6: {  	_ =	strace $0x9000004B  }
0xb7: {  	_ =	sfence  }
0xb8: {  	s30 =	sld [smem:$0x0];
	_ =	sdelay $0x2  }
0xb9: {  	s31 =	sshll.u32 s1, $0xD;
	s1 =	sshrl.u32 s1, $0x2  }
0xba: {  	s3 =	sand.u32 $0x4000, s31;
	s1 =	sadd.s32 s1, s30  }
0xbb: {  	s0 =	sor.u32 s3, s0;
	s1 =	sshll.u32 s1, $0x11  }
0xbc: {  	s0 =	sor.u32 s1, s0  }
0xbd: {  	s0 =	sadd.s32 $0x8F2B, s0  }
0xbe: {  	[sflag:s0] =	ssyncadd.remote.s32 $0x1  }
0xbf: {  	_ =	sfence.sel $0xFFFF  }
0xc0: {  	[dreg:$0x0] =	wrdreg $0xFFFFFFFF;
	(pc) =	sbr.abs _section_cstart, $3  }
0xc1: {  	[dreg:$0x1] =	wrdreg $0xFFFFFFFF  }
0xc2: {  	_ =	task.clear_ibuf [dreg:s7], $0x2FFFF;
	_ =	strace $0x9FFFFFFF  }
0xc3: {  	(tm) =	ssettm $0x7FFFFFFF  }
tec
execute0_lowered:
.L_overlay_start_1:
0x0: {  	(tag) =	ssettag $0x1  }
0x1: {  	s0 =	srdreg.scid;
	s2 =	rddreg [dreg:$0x0]  }
0x2: {  	s8 =	stileid.u32;
	s5 =	rddreg [dreg:$0x1]  }
0x3: {  	s3 =	rddreg [dreg:$0x2];
	s18 =	simm.s32 $0x0;
	s7 =	smul.u32 $0x14000, s8  }
0x4: {  	s0 =	sand.u32 $0x1, s0;
	s1 =	sshll.u32 s8, $0x1;
	s8 =	smul.u32 $0x50000, s8  }
0x5: {  	s28 =	simm.s32 $0x6C00;
	s30 =	simm.s32 $0x2;
	s6 =	smul.u32 $0x140000, s0  }
0x6: {  	s31 =	simm.s32 $0x4;
	[smem:$0x7FF] =	sst s18;
	s13 =	sshrl.u32 s8, $0x2  }
0x7: {  	s1 =	sor.u32 s0, s1;
	s6 =	sadd.s32 s7, s6;
	s7 =	sadd.s32 s13, s3  }
0x8: {  	_ =	strace $0x8000004A;
	s15 =	sadd.s32 $0x2800, s7;
	[dreg:$0x4] =	wrdreg s7  }
0x9: {  	s0 =	ssub.s32 $0x2, s0;
	s16 =	sadd.s32 $0x5000, s7;
	[dreg:$0x5] =	wrdreg s15  }
0xa: {  	s1 =	smul.u32 $0x8C00, s1;
	s17 =	sadd.s32 $0x7800, s7;
	[dreg:$0x6] =	wrdreg s16  }
0xb: {  	s14 =	sshrl.u32 s0, $0x1;
	s19 =	sadd.s32 $0xA000, s7;
	[dreg:$0x7] =	wrdreg s17  }
0xc: {  	s0 =	ssub.s32 s0, s14;
	s20 =	sadd.s32 $0xC800, s7;
	[dreg:$0x8] =	wrdreg s19  }
0xd: {  	s13 =	simm.s32 $0x0;
	s21 =	sadd.s32 $0xF000, s7;
	[dreg:$0x9] =	wrdreg s20  }
0xe: {  	s1 =	sshrl.u32 s1, $0x3;
	s22 =	sadd.s32 $0x11800, s7;
	[dreg:$0xa] =	wrdreg s21  }
0xf: {  	s0 =	smax.u32 s0, $0x1;
	s1 =	sadd.s32 s1, s5;
	[dreg:$0xb] =	wrdreg s22  }
0x10: {  	s6 =	sshrl.u32 s6, $0x3;
	[dreg:$0x12] =	wrdreg s0;
	s23 =	sadd.s32 $0x2A00, s1  }
0x11: {  	s5 =	sadd.s32 s6, s5;
	s24 =	sadd.s32 $0x2D80, s1;
	[dreg:$0xc] =	wrdreg s23  }
0x12: {  	s20 =	simm.s32 $0x1C00;
	s25 =	sadd.s32 $0x3100, s1;
	[dreg:$0xd] =	wrdreg s24  }
0x13: {  	s21 =	simm.s32 $0x1;
	s26 =	sadd.s32 $0x3480, s1;
	[dreg:$0xe] =	wrdreg s25  }
0x14: {  	s22 =	simm.s32 $0x5;
	s1 =	sadd.s32 $0x3800, s1;
	[dreg:$0xf] =	wrdreg s26  }
0x15: {  	s6 =	simm.s32 $0x3;
	s29 =	sadd.s32 $0x25A00, s5;
	[dreg:$0x10] =	wrdreg s1  }
0x16: {  	v0 =	vimm.f32 $0.0e+00;
	[dreg:$0x11] =	wrdreg s29;
	s23 =	simm.s32 $0x50;
	s25 =	simm.s32 $0x4400  }
.LBB2_1:
0x17: {  	s14 =	sand.u32 $0xFE00, s18  }
0x18: {  	s15 =	sand.u32 $0x70, s18;
	s16 =	sshrl.u32 s14, $0x2  }
0x19: {  	s14 =	simm.s32 $0x40;
	s16 =	sor.u32 s15, s16;
	s15 =	simm.s32 $0x0  }
.LBB2_2:
0x1a: {  	p0 =	sne.s32 s14, $0x9FC0  }
0x1b: {  	[tilespmem:s16+$0x1C00] =	vst v0;
	s15 =	sadd.s32 $0x10, s15;
	s16 =	smov.u32 s14;
	s14 =	sadd.s32 $0x40, s14  }
.Ltmp0:
0x1c: {  	(pc) =	sbr.rel @p0 .LBB2_2-.Ltmp0, $4  }
0x1d: {  	_ = 	snop  }
0x1e: {  	s16 =	sand.u32 $0xFE00, s16  }
0x1f: {  	s17 =	sand.u32 $0x70, s15;
	s16 =	sshrl.u32 s16, $0x2  }
0x20: {  	s16 =	sor.u32 s17, s16  }
0x21: {  	[tilespmem:s16+$0x1C00] =	vst v0;
	s0 =	rddreg [dreg:$0x4]  }
0x22: {  	[spmem:s0] =	stream.linear.scatter [tilespmem:s20], [sflag:$0x1], $0x2800, $0x38;
	[tilespmem:$0x1D400] =	vst v63  }
0x23: {  	s14 =	rddreg [dreg:$0x5]  }
0x24: {  	[spmem:s14] =	stream.linear.scatter [tilespmem:s20], [sflag:$0x1], $0x2800, $0x38;
	[tilespmem:$0x1D400] =	vst v63  }
0x25: {  	s29 =	rddreg [dreg:$0x6]  }
0x26: {  	[spmem:s29] =	stream.linear.scatter [tilespmem:s20], [sflag:$0x1], $0x2800, $0x38;
	[tilespmem:$0x1D400] =	vst v63  }
0x27: {  	s0 =	rddreg [dreg:$0x7]  }
0x28: {  	[spmem:s0] =	stream.linear.scatter [tilespmem:s20], [sflag:$0x1], $0x2800, $0x38;
	[tilespmem:$0x1D400] =	vst v63  }
0x29: {  	s1 =	rddreg [dreg:$0x8]  }
0x2a: {  	[spmem:s1] =	stream.linear.scatter [tilespmem:s20], [sflag:$0x1], $0x2800, $0x38;
	[tilespmem:$0x1D400] =	vst v63  }
0x2b: {  	s4 =	rddreg [dreg:$0x9]  }
0x2c: {  	[spmem:s4] =	stream.linear.scatter [tilespmem:s20], [sflag:$0x1], $0x2800, $0x38;
	[tilespmem:$0x1D400] =	vst v63  }
0x2d: {  	s5 =	rddreg [dreg:$0xa]  }
0x2e: {  	[spmem:s5] =	stream.linear.scatter [tilespmem:s20], [sflag:$0x1], $0x2800, $0x38;
	[tilespmem:$0x1D400] =	vst v63  }
0x2f: {  	s7 =	rddreg [dreg:$0xb]  }
0x30: {  	[spmem:s7] =	stream.linear.scatter [tilespmem:s20], [sflag:$0x1], $0x2800, $0x38;
	[tilespmem:$0x1D400] =	vst v63  }
0x31: {  	_ =	swait.ge [sflag:s21], $0x2800  }
0x32: {  	[sflag:s21] =	ssyncset.done $0x0  }
0x33: {  	[sflag:s21] =	ssyncadd.s32 $0xFFFFD800  }
0x34: {  	_ =	swait.ge [sflag:s21], $0x2800  }
0x35: {  	[sflag:s21] =	ssyncset.done $0x0  }
0x36: {  	[sflag:s21] =	ssyncadd.s32 $0xFFFFD800  }
0x37: {  	_ =	swait.ge [sflag:s21], $0x2800  }
0x38: {  	[sflag:s21] =	ssyncset.done $0x0  }
0x39: {  	[sflag:s21] =	ssyncadd.s32 $0xFFFFD800  }
0x3a: {  	_ =	swait.ge [sflag:s21], $0x2800  }
0x3b: {  	[sflag:s21] =	ssyncset.done $0x0  }
0x3c: {  	[sflag:s21] =	ssyncadd.s32 $0xFFFFD800  }
0x3d: {  	_ =	swait.ge [sflag:s21], $0x2800  }
0x3e: {  	[sflag:s21] =	ssyncset.done $0x0  }
0x3f: {  	[sflag:s21] =	ssyncadd.s32 $0xFFFFD800  }
0x40: {  	_ =	swait.ge [sflag:s21], $0x2800  }
0x41: {  	[sflag:s21] =	ssyncset.done $0x0  }
0x42: {  	[sflag:s21] =	ssyncadd.s32 $0xFFFFD800  }
0x43: {  	_ =	swait.ge [sflag:s21], $0x2800  }
0x44: {  	[sflag:s21] =	ssyncset.done $0x0  }
0x45: {  	[sflag:s21] =	ssyncadd.s32 $0xFFFFD800  }
0x46: {  	_ =	swait.ge [sflag:s21], $0x2800  }
0x47: {  	[sflag:s21] =	ssyncset.done $0x0  }
0x48: {  	[sflag:s21] =	ssyncadd.s32 $0xFFFFD800  }
0x49: {  	[bflag:$0x0] =	sbarrier.arrive $0xFFFF  }
0x4a: {  	s8 =	rddreg [dreg:$0xc]  }
0x4b: {  	[tilespmem:s18], [sflag:$0x5] =	stream.linear.gather [hbm4b:s8+s18], $0x1900, $0x38;
	[tilespmem:$0x1D400] =	vst v63  }
0x4c: {  	_ =	swait.ge [sflag:s22], $0x1900  }
0x4d: {  	[sflag:s22] =	ssyncset.done $0x0  }
0x4e: {  	[sflag:s22] =	ssyncadd.s32 $0xFFFFE700  }
0x4f: {  	[tilespmem:s20], [sflag:$0x1] =	stream.indirect.gather [hbm4b:s2+s23], $0x80, s18, s23, $0xb8;
	[tilespmem:$0x1D400] =	vst v63  }
0x50: {  	s9 =	simm.s32 $0x80  }
0x51: {  	[tilespmem:s25], [sflag:$0x2] =	stream.indirect.gather [hbm4b:s2+s23], $0x80, s9, s23, $0xb8;
	[tilespmem:$0x1D400] =	vst v63  }
0x52: {  	s10 =	simm.s32 $0x100  }
0x53: {  	[tilespmem:s28], [sflag:$0x3] =	stream.indirect.gather [hbm4b:s2+s23], $0x80, s10, s23, $0xb8;
	[tilespmem:$0x1D400] =	vst v63  }
0x54: {  	_ =	swait.ge [sflag:s21], $0x2800  }
0x55: {  	[sflag:s21] =	ssyncset.done $0x0  }
0x56: {  	s11 =	simm.s32 $0xC80;
	[sflag:s21] =	ssyncadd.s32 $0xFFFFD800  }
0x57: {  	[spmem:s3] =	stream.indirect.scatter.add.f32 [tilespmem:s20], [sflag:$0x4], $0x80, s11, s23, $0xb8;
	[tilespmem:$0x1D400] =	vst v63  }
0x58: {  	_ =	swait.ge [sflag:s30], $0x2800  }
0x59: {  	[sflag:s30] =	ssyncset.done $0x0  }
0x5a: {  	[sflag:s30] =	ssyncadd.s32 $0xFFFFD800  }
0x5b: {  	_ =	swait.ge [sflag:s31], $0x2800  }
0x5c: {  	[sflag:s31] =	ssyncset.done $0x0  }
0x5d: {  	s12 =	simm.s32 $0x180;
	[sflag:s31] =	ssyncadd.s32 $0xFFFFD800  }
0x5e: {  	[tilespmem:s20], [sflag:$0x1] =	stream.indirect.gather [hbm4b:s2+s23], $0x80, s12, s23, $0xb8;
	[tilespmem:$0x1D400] =	vst v63  }
0x5f: {  	s14 =	simm.s32 $0xD00  }
0x60: {  	[spmem:s3] =	stream.indirect.scatter.add.f32 [tilespmem:s25], [sflag:$0x4], $0x80, s14, s23, $0xb8;
	[tilespmem:$0x1D400] =	vst v63  }
0x61: {  	_ =	swait.ge [sflag:s6], $0x2800  }
0x62: {  	[sflag:s6] =	ssyncset.done $0x0  }
0x63: {  	[sflag:s6] =	ssyncadd.s32 $0xFFFFD800  }
0x64: {  	_ =	swait.ge [sflag:s31], $0x2800  }
0x65: {  	[sflag:s31] =	ssyncset.done $0x0  }
0x66: {  	s15 =	simm.s32 $0x200;
	[sflag:s31] =	ssyncadd.s32 $0xFFFFD800  }
0x67: {  	[tilespmem:s25], [sflag:$0x2] =	stream.indirect.gather [hbm4b:s2+s23], $0x80, s15, s23, $0xb8;
	[tilespmem:$0x1D400] =	vst v63  }
0x68: {  	s16 =	simm.s32 $0xD80  }
0x69: {  	[spmem:s3] =	stream.indirect.scatter.add.f32 [tilespmem:s28], [sflag:$0x4], $0x80, s16, s23, $0xb8;
	[tilespmem:$0x1D400] =	vst v63  }
0x6a: {  	_ =	swait.ge [sflag:s31], $0x2800  }
0x6b: {  	[sflag:s31] =	ssyncset.done $0x0  }
0x6c: {  	s17 =	simm.s32 $0x280;
	[sflag:s31] =	ssyncadd.s32 $0xFFFFD800  }
0x6d: {  	[tilespmem:s28], [sflag:$0x3] =	stream.indirect.gather [hbm4b:s2+s23], $0x80, s17, s23, $0xb8;
	[tilespmem:$0x1D400] =	vst v63  }
0x6e: {  	_ =	swait.ge [sflag:s21], $0x2800  }
0x6f: {  	[sflag:s21] =	ssyncset.done $0x0  }
0x70: {  	s19 =	simm.s32 $0xE00;
	[sflag:s21] =	ssyncadd.s32 $0xFFFFD800  }
0x71: {  	[spmem:s3] =	stream.indirect.scatter.add.f32 [tilespmem:s20], [sflag:$0x4], $0x80, s19, s23, $0xb8;
	[tilespmem:$0x1D400] =	vst v63  }
0x72: {  	_ =	swait.ge [sflag:s30], $0x2800  }
0x73: {  	[sflag:s30] =	ssyncset.done $0x0  }
0x74: {  	[sflag:s30] =	ssyncadd.s32 $0xFFFFD800  }
0x75: {  	_ =	swait.ge [sflag:s31], $0x2800  }
0x76: {  	[sflag:s31] =	ssyncset.done $0x0  }
0x77: {  	s24 =	simm.s32 $0x300;
	[sflag:s31] =	ssyncadd.s32 $0xFFFFD800  }
0x78: {  	[tilespmem:s20], [sflag:$0x1] =	stream.indirect.gather [hbm4b:s2+s23], $0x80, s24, s23, $0xb8;
	[tilespmem:$0x1D400] =	vst v63  }
0x79: {  	s26 =	simm.s32 $0xE80  }
0x7a: {  	[spmem:s3] =	stream.indirect.scatter.add.f32 [tilespmem:s25], [sflag:$0x4], $0x80, s26, s23, $0xb8;
	[tilespmem:$0x1D400] =	vst v63  }
0x7b: {  	_ =	swait.ge [sflag:s6], $0x2800  }
0x7c: {  	[sflag:s6] =	ssyncset.done $0x0  }
0x7d: {  	[sflag:s6] =	ssyncadd.s32 $0xFFFFD800  }
0x7e: {  	_ =	swait.ge [sflag:s31], $0x2800  }
0x7f: {  	[sflag:s31] =	ssyncset.done $0x0  }
0x80: {  	s29 =	simm.s32 $0x380;
	[sflag:s31] =	ssyncadd.s32 $0xFFFFD800  }
0x81: {  	[tilespmem:s25], [sflag:$0x2] =	stream.indirect.gather [hbm4b:s2+s23], $0x80, s29, s23, $0xb8;
	[tilespmem:$0x1D400] =	vst v63  }
0x82: {  	s11 =	simm.s32 $0xF00  }
0x83: {  	[spmem:s3] =	stream.indirect.scatter.add.f32 [tilespmem:s28], [sflag:$0x4], $0x80, s11, s23, $0xb8;
	[tilespmem:$0x1D400] =	vst v63  }
0x84: {  	_ =	swait.ge [sflag:s31], $0x2800  }
0x85: {  	[sflag:s31] =	ssyncset.done $0x0  }
0x86: {  	s12 =	simm.s32 $0x400;
	[sflag:s31] =	ssyncadd.s32 $0xFFFFD800  }
0x87: {  	[tilespmem:s28], [sflag:$0x3] =	stream.indirect.gather [hbm4b:s2+s23], $0x80, s12, s23, $0xb8;
	[tilespmem:$0x1D400] =	vst v63  }
0x88: {  	_ =	swait.ge [sflag:s21], $0x2800  }
0x89: {  	[sflag:s21] =	ssyncset.done $0x0  }
0x8a: {  	s14 =	simm.s32 $0xF80;
	[sflag:s21] =	ssyncadd.s32 $0xFFFFD800  }
0x8b: {  	[spmem:s3] =	stream.indirect.scatter.add.f32 [tilespmem:s20], [sflag:$0x4], $0x80, s14, s23, $0xb8;
	[tilespmem:$0x1D400] =	vst v63  }
0x8c: {  	_ =	swait.ge [sflag:s30], $0x2800  }
0x8d: {  	[sflag:s30] =	ssyncset.done $0x0  }
0x8e: {  	[sflag:s30] =	ssyncadd.s32 $0xFFFFD800  }
0x8f: {  	_ =	swait.ge [sflag:s31], $0x2800  }
0x90: {  	[sflag:s31] =	ssyncset.done $0x0  }
0x91: {  	s15 =	simm.s32 $0x480;
	[sflag:s31] =	ssyncadd.s32 $0xFFFFD800  }
0x92: {  	[tilespmem:s20], [sflag:$0x1] =	stream.indirect.gather [hbm4b:s2+s23], $0x80, s15, s23, $0xb8;
	[tilespmem:$0x1D400] =	vst v63  }
0x93: {  	s16 =	simm.s32 $0x1000  }
0x94: {  	[spmem:s3] =	stream.indirect.scatter.add.f32 [tilespmem:s25], [sflag:$0x4], $0x80, s16, s23, $0xb8;
	[tilespmem:$0x1D400] =	vst v63  }
0x95: {  	_ =	swait.ge [sflag:s6], $0x2800  }
0x96: {  	[sflag:s6] =	ssyncset.done $0x0  }
0x97: {  	[sflag:s6] =	ssyncadd.s32 $0xFFFFD800  }
0x98: {  	_ =	swait.ge [sflag:s31], $0x2800  }
0x99: {  	[sflag:s31] =	ssyncset.done $0x0  }
0x9a: {  	s17 =	simm.s32 $0x500;
	[sflag:s31] =	ssyncadd.s32 $0xFFFFD800  }
0x9b: {  	[tilespmem:s25], [sflag:$0x2] =	stream.indirect.gather [hbm4b:s2+s23], $0x80, s17, s23, $0xb8;
	[tilespmem:$0x1D400] =	vst v63  }
0x9c: {  	s19 =	simm.s32 $0x1080  }
0x9d: {  	[spmem:s3] =	stream.indirect.scatter.add.f32 [tilespmem:s28], [sflag:$0x4], $0x80, s19, s23, $0xb8;
	[tilespmem:$0x1D400] =	vst v63  }
0x9e: {  	_ =	swait.ge [sflag:s31], $0x2800  }
0x9f: {  	[sflag:s31] =	ssyncset.done $0x0  }
0xa0: {  	s24 =	simm.s32 $0x580;
	[sflag:s31] =	ssyncadd.s32 $0xFFFFD800  }
0xa1: {  	[tilespmem:s28], [sflag:$0x3] =	stream.indirect.gather [hbm4b:s2+s23], $0x80, s24, s23, $0xb8;
	[tilespmem:$0x1D400] =	vst v63  }
0xa2: {  	_ =	swait.ge [sflag:s21], $0x2800  }
0xa3: {  	[sflag:s21] =	ssyncset.done $0x0  }
0xa4: {  	s26 =	simm.s32 $0x1100;
	[sflag:s21] =	ssyncadd.s32 $0xFFFFD800  }
0xa5: {  	[spmem:s3] =	stream.indirect.scatter.add.f32 [tilespmem:s20], [sflag:$0x4], $0x80, s26, s23, $0xb8;
	[tilespmem:$0x1D400] =	vst v63  }
0xa6: {  	_ =	swait.ge [sflag:s30], $0x2800  }
0xa7: {  	[sflag:s30] =	ssyncset.done $0x0  }
0xa8: {  	[sflag:s30] =	ssyncadd.s32 $0xFFFFD800  }
0xa9: {  	_ =	swait.ge [sflag:s31], $0x2800  }
0xaa: {  	[sflag:s31] =	ssyncset.done $0x0  }
0xab: {  	s29 =	simm.s32 $0x600;
	[sflag:s31] =	ssyncadd.s32 $0xFFFFD800  }
0xac: {  	[tilespmem:s20], [sflag:$0x1] =	stream.indirect.gather [hbm4b:s2+s23], $0x80, s29, s23, $0xb8;
	[tilespmem:$0x1D400] =	vst v63  }
0xad: {  	s0 =	simm.s32 $0x1180  }
0xae: {  	[spmem:s3] =	stream.indirect.scatter.add.f32 [tilespmem:s25], [sflag:$0x4], $0x80, s0, s23, $0xb8;
	[tilespmem:$0x1D400] =	vst v63  }
0xaf: {  	_ =	swait.ge [sflag:s6], $0x2800  }
0xb0: {  	[sflag:s6] =	ssyncset.done $0x0  }
0xb1: {  	[sflag:s6] =	ssyncadd.s32 $0xFFFFD800  }
0xb2: {  	_ =	swait.ge [sflag:s31], $0x2800  }
0xb3: {  	[sflag:s31] =	ssyncset.done $0x0  }
0xb4: {  	s11 =	simm.s32 $0x680;
	[sflag:s31] =	ssyncadd.s32 $0xFFFFD800  }
0xb5: {  	[tilespmem:s25], [sflag:$0x2] =	stream.indirect.gather [hbm4b:s2+s23], $0x80, s11, s23, $0xb8;
	[tilespmem:$0x1D400] =	vst v63  }
0xb6: {  	s12 =	simm.s32 $0x1200  }
0xb7: {  	[spmem:s3] =	stream.indirect.scatter.add.f32 [tilespmem:s28], [sflag:$0x4], $0x80, s12, s23, $0xb8;
	[tilespmem:$0x1D400] =	vst v63  }
0xb8: {  	_ =	swait.ge [sflag:s31], $0x2800  }
0xb9: {  	[sflag:s31] =	ssyncset.done $0x0  }
0xba: {  	s15 =	simm.s32 $0x700;
	[sflag:s31] =	ssyncadd.s32 $0xFFFFD800  }
0xbb: {  	[tilespmem:s28], [sflag:$0x3] =	stream.indirect.gather [hbm4b:s2+s23], $0x80, s15, s23, $0xb8;
	[tilespmem:$0x1D400] =	vst v63  }
0xbc: {  	_ =	swait.ge [sflag:s21], $0x2800  }
0xbd: {  	[sflag:s21] =	ssyncset.done $0x0  }
0xbe: {  	s16 =	simm.s32 $0x1280;
	[sflag:s21] =	ssyncadd.s32 $0xFFFFD800  }
0xbf: {  	[spmem:s3] =	stream.indirect.scatter.add.f32 [tilespmem:s20], [sflag:$0x4], $0x80, s16, s23, $0xb8;
	[tilespmem:$0x1D400] =	vst v63  }
0xc0: {  	_ =	swait.ge [sflag:s30], $0x2800  }
0xc1: {  	[sflag:s30] =	ssyncset.done $0x0  }
0xc2: {  	[sflag:s30] =	ssyncadd.s32 $0xFFFFD800  }
0xc3: {  	_ =	swait.ge [sflag:s31], $0x2800  }
0xc4: {  	[sflag:s31] =	ssyncset.done $0x0  }
0xc5: {  	s17 =	simm.s32 $0x780;
	[sflag:s31] =	ssyncadd.s32 $0xFFFFD800  }
0xc6: {  	[tilespmem:s20], [sflag:$0x1] =	stream.indirect.gather [hbm4b:s2+s23], $0x80, s17, s23, $0xb8;
	[tilespmem:$0x1D400] =	vst v63  }
0xc7: {  	s19 =	simm.s32 $0x1300  }
0xc8: {  	[spmem:s3] =	stream.indirect.scatter.add.f32 [tilespmem:s25], [sflag:$0x4], $0x80, s19, s23, $0xb8;
	[tilespmem:$0x1D400] =	vst v63  }
0xc9: {  	_ =	swait.ge [sflag:s6], $0x2800  }
0xca: {  	[sflag:s6] =	ssyncset.done $0x0  }
0xcb: {  	[sflag:s6] =	ssyncadd.s32 $0xFFFFD800  }
0xcc: {  	_ =	swait.ge [sflag:s31], $0x2800  }
0xcd: {  	[sflag:s31] =	ssyncset.done $0x0  }
0xce: {  	s24 =	simm.s32 $0x800;
	[sflag:s31] =	ssyncadd.s32 $0xFFFFD800  }
0xcf: {  	[tilespmem:s25], [sflag:$0x2] =	stream.indirect.gather [hbm4b:s2+s23], $0x80, s24, s23, $0xb8;
	[tilespmem:$0x1D400] =	vst v63  }
0xd0: {  	s26 =	simm.s32 $0x1380  }
0xd1: {  	[spmem:s3] =	stream.indirect.scatter.add.f32 [tilespmem:s28], [sflag:$0x4], $0x80, s26, s23, $0xb8;
	[tilespmem:$0x1D400] =	vst v63  }
0xd2: {  	_ =	swait.ge [sflag:s31], $0x2800  }
0xd3: {  	[sflag:s31] =	ssyncset.done $0x0  }
0xd4: {  	s29 =	simm.s32 $0x880;
	[sflag:s31] =	ssyncadd.s32 $0xFFFFD800  }
0xd5: {  	[tilespmem:s28], [sflag:$0x3] =	stream.indirect.gather [hbm4b:s2+s23], $0x80, s29, s23, $0xb8;
	[tilespmem:$0x1D400] =	vst v63  }
0xd6: {  	_ =	swait.ge [sflag:s21], $0x2800  }
0xd7: {  	[sflag:s21] =	ssyncset.done $0x0  }
0xd8: {  	s0 =	simm.s32 $0x1400;
	[sflag:s21] =	ssyncadd.s32 $0xFFFFD800  }
0xd9: {  	[spmem:s3] =	stream.indirect.scatter.add.f32 [tilespmem:s20], [sflag:$0x4], $0x80, s0, s23, $0xb8;
	[tilespmem:$0x1D400] =	vst v63  }
0xda: {  	_ =	swait.ge [sflag:s30], $0x2800  }
0xdb: {  	[sflag:s30] =	ssyncset.done $0x0  }
0xdc: {  	[sflag:s30] =	ssyncadd.s32 $0xFFFFD800  }
0xdd: {  	_ =	swait.ge [sflag:s31], $0x2800  }
0xde: {  	[sflag:s31] =	ssyncset.done $0x0  }
0xdf: {  	s11 =	simm.s32 $0x900;
	[sflag:s31] =	ssyncadd.s32 $0xFFFFD800  }
0xe0: {  	[tilespmem:s20], [sflag:$0x1] =	stream.indirect.gather [hbm4b:s2+s23], $0x80, s11, s23, $0xb8;
	[tilespmem:$0x1D400] =	vst v63  }
0xe1: {  	s26 =	simm.s32 $0x1480  }
0xe2: {  	[spmem:s3] =	stream.indirect.scatter.add.f32 [tilespmem:s25], [sflag:$0x4], $0x80, s26, s23, $0xb8;
	[tilespmem:$0x1D400] =	vst v63  }
0xe3: {  	_ =	swait.ge [sflag:s6], $0x2800  }
0xe4: {  	[sflag:s6] =	ssyncset.done $0x0  }
0xe5: {  	[sflag:s6] =	ssyncadd.s32 $0xFFFFD800  }
0xe6: {  	_ =	swait.ge [sflag:s31], $0x2800  }
0xe7: {  	[sflag:s31] =	ssyncset.done $0x0  }
0xe8: {  	s29 =	simm.s32 $0x980;
	[sflag:s31] =	ssyncadd.s32 $0xFFFFD800  }
0xe9: {  	[tilespmem:s25], [sflag:$0x2] =	stream.indirect.gather [hbm4b:s2+s23], $0x80, s29, s23, $0xb8;
	[tilespmem:$0x1D400] =	vst v63  }
0xea: {  	s0 =	simm.s32 $0x1500  }
0xeb: {  	[spmem:s3] =	stream.indirect.scatter.add.f32 [tilespmem:s28], [sflag:$0x4], $0x80, s0, s23, $0xb8;
	[tilespmem:$0x1D400] =	vst v63  }
0xec: {  	_ =	swait.ge [sflag:s31], $0x2800  }
0xed: {  	[sflag:s31] =	ssyncset.done $0x0  }
0xee: {  	s11 =	simm.s32 $0xA00;
	[sflag:s31] =	ssyncadd.s32 $0xFFFFD800  }
0xef: {  	[tilespmem:s28], [sflag:$0x3] =	stream.indirect.gather [hbm4b:s2+s23], $0x80, s11, s23, $0xb8;
	[tilespmem:$0x1D400] =	vst v63  }
0xf0: {  	_ =	swait.ge [sflag:s21], $0x2800  }
0xf1: {  	[sflag:s21] =	ssyncset.done $0x0  }
0xf2: {  	s0 =	simm.s32 $0x1580;
	[sflag:s21] =	ssyncadd.s32 $0xFFFFD800  }
0xf3: {  	[spmem:s3] =	stream.indirect.scatter.add.f32 [tilespmem:s20], [sflag:$0x4], $0x80, s0, s23, $0xb8;
	[tilespmem:$0x1D400] =	vst v63  }
0xf4: {  	_ =	swait.ge [sflag:s30], $0x2800  }
0xf5: {  	[sflag:s30] =	ssyncset.done $0x0  }
0xf6: {  	[sflag:s30] =	ssyncadd.s32 $0xFFFFD800  }
0xf7: {  	_ =	swait.ge [sflag:s31], $0x2800  }
0xf8: {  	[sflag:s31] =	ssyncset.done $0x0  }
0xf9: {  	s11 =	simm.s32 $0xA80;
	[sflag:s31] =	ssyncadd.s32 $0xFFFFD800  }
0xfa: {  	[tilespmem:s20], [sflag:$0x1] =	stream.indirect.gather [hbm4b:s2+s23], $0x80, s11, s23, $0xb8;
	[tilespmem:$0x1D400] =	vst v63  }
0xfb: {  	s0 =	simm.s32 $0x1600  }
0xfc: {  	[spmem:s3] =	stream.indirect.scatter.add.f32 [tilespmem:s25], [sflag:$0x4], $0x80, s0, s23, $0xb8;
	[tilespmem:$0x1D400] =	vst v63  }
0xfd: {  	_ =	swait.ge [sflag:s6], $0x2800  }
0xfe: {  	[sflag:s6] =	ssyncset.done $0x0  }
0xff: {  	[sflag:s6] =	ssyncadd.s32 $0xFFFFD800  }
0x100: {  	_ =	swait.ge [sflag:s31], $0x2800  }
0x101: {  	[sflag:s31] =	ssyncset.done $0x0  }
0x102: {  	s11 =	simm.s32 $0xB00;
	[sflag:s31] =	ssyncadd.s32 $0xFFFFD800  }
0x103: {  	[tilespmem:s25], [sflag:$0x2] =	stream.indirect.gather [hbm4b:s2+s23], $0x80, s11, s23, $0xb8;
	[tilespmem:$0x1D400] =	vst v63  }
0x104: {  	s0 =	simm.s32 $0x1680  }
0x105: {  	[spmem:s3] =	stream.indirect.scatter.add.f32 [tilespmem:s28], [sflag:$0x4], $0x80, s0, s23, $0xb8;
	[tilespmem:$0x1D400] =	vst v63  }
0x106: {  	_ =	swait.ge [sflag:s31], $0x2800  }
0x107: {  	[sflag:s31] =	ssyncset.done $0x0  }
0x108: {  	s11 =	simm.s32 $0xB80;
	[sflag:s31] =	ssyncadd.s32 $0xFFFFD800  }
0x109: {  	[tilespmem:s28], [sflag:$0x3] =	stream.indirect.gather [hbm4b:s2+s23], $0x80, s11, s23, $0xb8;
	[tilespmem:$0x1D400] =	vst v63  }
0x10a: {  	_ =	swait.ge [sflag:s21], $0x2800  }
0x10b: {  	[sflag:s21] =	ssyncset.done $0x0  }
0x10c: {  	s0 =	simm.s32 $0x1700;
	[sflag:s21] =	ssyncadd.s32 $0xFFFFD800  }
0x10d: {  	[spmem:s3] =	stream.indirect.scatter.add.f32 [tilespmem:s20], [sflag:$0x4], $0x80, s0, s23, $0xb8;
	[tilespmem:$0x1D400] =	vst v63  }
0x10e: {  	_ =	swait.ge [sflag:s30], $0x2800  }
0x10f: {  	[sflag:s30] =	ssyncset.done $0x0  }
0x110: {  	[sflag:s30] =	ssyncadd.s32 $0xFFFFD800  }
0x111: {  	_ =	swait.ge [sflag:s31], $0x2800  }
0x112: {  	[sflag:s31] =	ssyncset.done $0x0  }
0x113: {  	s11 =	simm.s32 $0xC00;
	[sflag:s31] =	ssyncadd.s32 $0xFFFFD800  }
0x114: {  	[tilespmem:s20], [sflag:$0x1] =	stream.indirect.gather [hbm4b:s2+s23], $0x80, s11, s23, $0xb8;
	[tilespmem:$0x1D400] =	vst v63  }
0x115: {  	s0 =	simm.s32 $0x1780  }
0x116: {  	[spmem:s3] =	stream.indirect.scatter.add.f32 [tilespmem:s25], [sflag:$0x4], $0x80, s0, s23, $0xb8;
	[tilespmem:$0x1D400] =	vst v63  }
0x117: {  	_ =	swait.ge [sflag:s6], $0x2800  }
0x118: {  	[sflag:s6] =	ssyncset.done $0x0  }
0x119: {  	[sflag:s6] =	ssyncadd.s32 $0xFFFFD800  }
0x11a: {  	_ =	swait.ge [sflag:s31], $0x2800  }
0x11b: {  	[sflag:s31] =	ssyncset.done $0x0  }
0x11c: {  	s11 =	simm.s32 $0x1800;
	[sflag:s31] =	ssyncadd.s32 $0xFFFFD800  }
0x11d: {  	[spmem:s3] =	stream.indirect.scatter.add.f32 [tilespmem:s28], [sflag:$0x4], $0x80, s11, s23, $0xb8;
	[tilespmem:$0x1D400] =	vst v63  }
0x11e: {  	_ =	swait.ge [sflag:s31], $0x2800  }
0x11f: {  	[sflag:s31] =	ssyncset.done $0x0  }
0x120: {  	[sflag:s31] =	ssyncadd.s32 $0xFFFFD800  }
0x121: {  	_ =	swait.ge [sflag:s21], $0x2800  }
0x122: {  	[sflag:s21] =	ssyncset.done $0x0  }
0x123: {  	s0 =	simm.s32 $0x1880;
	[sflag:s21] =	ssyncadd.s32 $0xFFFFD800  }
0x124: {  	[spmem:s3] =	stream.indirect.scatter.add.f32 [tilespmem:s20], [sflag:$0x4], $0x80, s0, s23, $0xb8;
	[tilespmem:$0x1D400] =	vst v63  }
0x125: {  	_ =	swait.ge [sflag:s31], $0x2800  }
0x126: {  	[sflag:s31] =	ssyncset.done $0x0  }
0x127: {  	s11 =	rddreg [dreg:$0xd];
	[sflag:s31] =	ssyncadd.s32 $0xFFFFD800  }
0x128: {  	[tilespmem:s18], [sflag:$0x5] =	stream.linear.gather [hbm4b:s11+s18], $0x1900, $0x38;
	[tilespmem:$0x1D400] =	vst v63  }
0x129: {  	_ =	swait.ge [sflag:s22], $0x1900  }
0x12a: {  	[sflag:s22] =	ssyncset.done $0x0  }
0x12b: {  	[sflag:s22] =	ssyncadd.s32 $0xFFFFE700  }
0x12c: {  	[tilespmem:s20], [sflag:$0x1] =	stream.indirect.gather [hbm4b:s2+s23], $0x80, s18, s23, $0xb8;
	[tilespmem:$0x1D400] =	vst v63  }
0x12d: {  	s1 =	simm.s32 $0x80  }
0x12e: {  	[tilespmem:s25], [sflag:$0x2] =	stream.indirect.gather [hbm4b:s2+s23], $0x80, s1, s23, $0xb8;
	[tilespmem:$0x1D400] =	vst v63  }
0x12f: {  	s7 =	simm.s32 $0x100  }
0x130: {  	[tilespmem:s28], [sflag:$0x3] =	stream.indirect.gather [hbm4b:s2+s23], $0x80, s7, s23, $0xb8;
	[tilespmem:$0x1D400] =	vst v63  }
0x131: {  	_ =	swait.ge [sflag:s21], $0x2800  }
0x132: {  	[sflag:s21] =	ssyncset.done $0x0  }
0x133: {  	s8 =	simm.s32 $0xC80;
	[sflag:s21] =	ssyncadd.s32 $0xFFFFD800  }
0x134: {  	[spmem:s3] =	stream.indirect.scatter.add.f32 [tilespmem:s20], [sflag:$0x4], $0x80, s8, s23, $0xb8;
	[tilespmem:$0x1D400] =	vst v63  }
0x135: {  	_ =	swait.ge [sflag:s30], $0x2800  }
0x136: {  	[sflag:s30] =	ssyncset.done $0x0  }
0x137: {  	[sflag:s30] =	ssyncadd.s32 $0xFFFFD800  }
0x138: {  	_ =	swait.ge [sflag:s31], $0x2800  }
0x139: {  	[sflag:s31] =	ssyncset.done $0x0  }
0x13a: {  	s4 =	simm.s32 $0x180;
	[sflag:s31] =	ssyncadd.s32 $0xFFFFD800  }
0x13b: {  	[tilespmem:s20], [sflag:$0x1] =	stream.indirect.gather [hbm4b:s2+s23], $0x80, s4, s23, $0xb8;
	[tilespmem:$0x1D400] =	vst v63  }
0x13c: {  	s5 =	simm.s32 $0xD00  }
0x13d: {  	[spmem:s3] =	stream.indirect.scatter.add.f32 [tilespmem:s25], [sflag:$0x4], $0x80, s5, s23, $0xb8;
	[tilespmem:$0x1D400] =	vst v63  }
0x13e: {  	_ =	swait.ge [sflag:s6], $0x2800  }
0x13f: {  	[sflag:s6] =	ssyncset.done $0x0  }
0x140: {  	[sflag:s6] =	ssyncadd.s32 $0xFFFFD800  }
0x141: {  	_ =	swait.ge [sflag:s31], $0x2800  }
0x142: {  	[sflag:s31] =	ssyncset.done $0x0  }
0x143: {  	s5 =	simm.s32 $0x200;
	[sflag:s31] =	ssyncadd.s32 $0xFFFFD800  }
0x144: {  	[tilespmem:s25], [sflag:$0x2] =	stream.indirect.gather [hbm4b:s2+s23], $0x80, s5, s23, $0xb8;
	[tilespmem:$0x1D400] =	vst v63  }
0x145: {  	s9 =	simm.s32 $0xD80  }
0x146: {  	[spmem:s3] =	stream.indirect.scatter.add.f32 [tilespmem:s28], [sflag:$0x4], $0x80, s9, s23, $0xb8;
	[tilespmem:$0x1D400] =	vst v63  }
0x147: {  	_ =	swait.ge [sflag:s31], $0x2800  }
0x148: {  	[sflag:s31] =	ssyncset.done $0x0  }
0x149: {  	s10 =	simm.s32 $0x280;
	[sflag:s31] =	ssyncadd.s32 $0xFFFFD800  }
0x14a: {  	[tilespmem:s28], [sflag:$0x3] =	stream.indirect.gather [hbm4b:s2+s23], $0x80, s10, s23, $0xb8;
	[tilespmem:$0x1D400] =	vst v63  }
0x14b: {  	_ =	swait.ge [sflag:s21], $0x2800  }
0x14c: {  	[sflag:s21] =	ssyncset.done $0x0  }
0x14d: {  	s7 =	simm.s32 $0xE00;
	[sflag:s21] =	ssyncadd.s32 $0xFFFFD800  }
0x14e: {  	[spmem:s3] =	stream.indirect.scatter.add.f32 [tilespmem:s20], [sflag:$0x4], $0x80, s7, s23, $0xb8;
	[tilespmem:$0x1D400] =	vst v63  }
0x14f: {  	_ =	swait.ge [sflag:s30], $0x2800  }
0x150: {  	[sflag:s30] =	ssyncset.done $0x0  }
0x151: {  	[sflag:s30] =	ssyncadd.s32 $0xFFFFD800  }
0x152: {  	_ =	swait.ge [sflag:s31], $0x2800  }
0x153: {  	[sflag:s31] =	ssyncset.done $0x0  }
0x154: {  	s0 =	simm.s32 $0x300;
	[sflag:s31] =	ssyncadd.s32 $0xFFFFD800  }
0x155: {  	[tilespmem:s20], [sflag:$0x1] =	stream.indirect.gather [hbm4b:s2+s23], $0x80, s0, s23, $0xb8;
	[tilespmem:$0x1D400] =	vst v63  }
0x156: {  	s8 =	simm.s32 $0xE80  }
0x157: {  	[spmem:s3] =	stream.indirect.scatter.add.f32 [tilespmem:s25], [sflag:$0x4], $0x80, s8, s23, $0xb8;
	[tilespmem:$0x1D400] =	vst v63  }
0x158: {  	_ =	swait.ge [sflag:s6], $0x2800  }
0x159: {  	[sflag:s6] =	ssyncset.done $0x0  }
0x15a: {  	[sflag:s6] =	ssyncadd.s32 $0xFFFFD800  }
0x15b: {  	_ =	swait.ge [sflag:s31], $0x2800  }
0x15c: {  	[sflag:s31] =	ssyncset.done $0x0  }
0x15d: {  	s1 =	simm.s32 $0x380;
	[sflag:s31] =	ssyncadd.s32 $0xFFFFD800  }
0x15e: {  	[tilespmem:s25], [sflag:$0x2] =	stream.indirect.gather [hbm4b:s2+s23], $0x80, s1, s23, $0xb8;
	[tilespmem:$0x1D400] =	vst v63  }
0x15f: {  	s9 =	simm.s32 $0xF00  }
0x160: {  	[spmem:s3] =	stream.indirect.scatter.add.f32 [tilespmem:s28], [sflag:$0x4], $0x80, s9, s23, $0xb8;
	[tilespmem:$0x1D400] =	vst v63  }
0x161: {  	_ =	swait.ge [sflag:s31], $0x2800  }
0x162: {  	[sflag:s31] =	ssyncset.done $0x0  }
0x163: {  	s10 =	simm.s32 $0x400;
	[sflag:s31] =	ssyncadd.s32 $0xFFFFD800  }
0x164: {  	[tilespmem:s28], [sflag:$0x3] =	stream.indirect.gather [hbm4b:s2+s23], $0x80, s10, s23, $0xb8;
	[tilespmem:$0x1D400] =	vst v63  }
0x165: {  	_ =	swait.ge [sflag:s21], $0x2800  }
0x166: {  	[sflag:s21] =	ssyncset.done $0x0  }
0x167: {  	s11 =	simm.s32 $0xF80;
	[sflag:s21] =	ssyncadd.s32 $0xFFFFD800  }
0x168: {  	[spmem:s3] =	stream.indirect.scatter.add.f32 [tilespmem:s20], [sflag:$0x4], $0x80, s11, s23, $0xb8;
	[tilespmem:$0x1D400] =	vst v63  }
0x169: {  	_ =	swait.ge [sflag:s30], $0x2800  }
0x16a: {  	[sflag:s30] =	ssyncset.done $0x0  }
0x16b: {  	[sflag:s30] =	ssyncadd.s32 $0xFFFFD800  }
0x16c: {  	_ =	swait.ge [sflag:s31], $0x2800  }
0x16d: {  	[sflag:s31] =	ssyncset.done $0x0  }
0x16e: {  	s4 =	simm.s32 $0x480;
	[sflag:s31] =	ssyncadd.s32 $0xFFFFD800  }
0x16f: {  	[tilespmem:s20], [sflag:$0x1] =	stream.indirect.gather [hbm4b:s2+s23], $0x80, s4, s23, $0xb8;
	[tilespmem:$0x1D400] =	vst v63  }
0x170: {  	s14 =	simm.s32 $0x1000  }
0x171: {  	[spmem:s3] =	stream.indirect.scatter.add.f32 [tilespmem:s25], [sflag:$0x4], $0x80, s14, s23, $0xb8;
	[tilespmem:$0x1D400] =	vst v63  }
0x172: {  	_ =	swait.ge [sflag:s6], $0x2800  }
0x173: {  	[sflag:s6] =	ssyncset.done $0x0  }
0x174: {  	[sflag:s6] =	ssyncadd.s32 $0xFFFFD800  }
0x175: {  	_ =	swait.ge [sflag:s31], $0x2800  }
0x176: {  	[sflag:s31] =	ssyncset.done $0x0  }
0x177: {  	s14 =	simm.s32 $0x500;
	[sflag:s31] =	ssyncadd.s32 $0xFFFFD800  }
0x178: {  	[tilespmem:s25], [sflag:$0x2] =	stream.indirect.gather [hbm4b:s2+s23], $0x80, s14, s23, $0xb8;
	[tilespmem:$0x1D400] =	vst v63  }
0x179: {  	s14 =	simm.s32 $0x1080  }
0x17a: {  	[spmem:s3] =	stream.indirect.scatter.add.f32 [tilespmem:s28], [sflag:$0x4], $0x80, s14, s23, $0xb8;
	[tilespmem:$0x1D400] =	vst v63  }
0x17b: {  	_ =	swait.ge [sflag:s31], $0x2800  }
0x17c: {  	[sflag:s31] =	ssyncset.done $0x0  }
0x17d: {  	s14 =	simm.s32 $0x580;
	[sflag:s31] =	ssyncadd.s32 $0xFFFFD800  }
0x17e: {  	[tilespmem:s28], [sflag:$0x3] =	stream.indirect.gather [hbm4b:s2+s23], $0x80, s14, s23, $0xb8;
	[tilespmem:$0x1D400] =	vst v63  }
0x17f: {  	_ =	swait.ge [sflag:s21], $0x2800  }
0x180: {  	[sflag:s21] =	ssyncset.done $0x0  }
0x181: {  	s14 =	simm.s32 $0x1100;
	[sflag:s21] =	ssyncadd.s32 $0xFFFFD800  }
0x182: {  	[spmem:s3] =	stream.indirect.scatter.add.f32 [tilespmem:s20], [sflag:$0x4], $0x80, s14, s23, $0xb8;
	[tilespmem:$0x1D400] =	vst v63  }
0x183: {  	_ =	swait.ge [sflag:s30], $0x2800  }
0x184: {  	[sflag:s30] =	ssyncset.done $0x0  }
0x185: {  	[sflag:s30] =	ssyncadd.s32 $0xFFFFD800  }
0x186: {  	_ =	swait.ge [sflag:s31], $0x2800  }
0x187: {  	[sflag:s31] =	ssyncset.done $0x0  }
0x188: {  	s14 =	simm.s32 $0x600;
	[sflag:s31] =	ssyncadd.s32 $0xFFFFD800  }
0x189: {  	[tilespmem:s20], [sflag:$0x1] =	stream.indirect.gather [hbm4b:s2+s23], $0x80, s14, s23, $0xb8;
	[tilespmem:$0x1D400] =	vst v63  }
0x18a: {  	s14 =	simm.s32 $0x1180  }
0x18b: {  	[spmem:s3] =	stream.indirect.scatter.add.f32 [tilespmem:s25], [sflag:$0x4], $0x80, s14, s23, $0xb8;
	[tilespmem:$0x1D400] =	vst v63  }
0x18c: {  	_ =	swait.ge [sflag:s6], $0x2800  }
0x18d: {  	[sflag:s6] =	ssyncset.done $0x0  }
0x18e: {  	[sflag:s6] =	ssyncadd.s32 $0xFFFFD800  }
0x18f: {  	_ =	swait.ge [sflag:s31], $0x2800  }
0x190: {  	[sflag:s31] =	ssyncset.done $0x0  }
0x191: {  	s14 =	simm.s32 $0x680;
	[sflag:s31] =	ssyncadd.s32 $0xFFFFD800  }
0x192: {  	[tilespmem:s25], [sflag:$0x2] =	stream.indirect.gather [hbm4b:s2+s23], $0x80, s14, s23, $0xb8;
	[tilespmem:$0x1D400] =	vst v63  }
0x193: {  	s14 =	simm.s32 $0x1200  }
0x194: {  	[spmem:s3] =	stream.indirect.scatter.add.f32 [tilespmem:s28], [sflag:$0x4], $0x80, s14, s23, $0xb8;
	[tilespmem:$0x1D400] =	vst v63  }
0x195: {  	_ =	swait.ge [sflag:s31], $0x2800  }
0x196: {  	[sflag:s31] =	ssyncset.done $0x0  }
0x197: {  	s12 =	simm.s32 $0x700;
	[sflag:s31] =	ssyncadd.s32 $0xFFFFD800  }
0x198: {  	[tilespmem:s28], [sflag:$0x3] =	stream.indirect.gather [hbm4b:s2+s23], $0x80, s12, s23, $0xb8;
	[tilespmem:$0x1D400] =	vst v63  }
0x199: {  	_ =	swait.ge [sflag:s21], $0x2800  }
0x19a: {  	[sflag:s21] =	ssyncset.done $0x0  }
0x19b: {  	s15 =	simm.s32 $0x1280;
	[sflag:s21] =	ssyncadd.s32 $0xFFFFD800  }
0x19c: {  	[spmem:s3] =	stream.indirect.scatter.add.f32 [tilespmem:s20], [sflag:$0x4], $0x80, s15, s23, $0xb8;
	[tilespmem:$0x1D400] =	vst v63  }
0x19d: {  	_ =	swait.ge [sflag:s30], $0x2800  }
0x19e: {  	[sflag:s30] =	ssyncset.done $0x0  }
0x19f: {  	[sflag:s30] =	ssyncadd.s32 $0xFFFFD800  }
0x1a0: {  	_ =	swait.ge [sflag:s31], $0x2800  }
0x1a1: {  	[sflag:s31] =	ssyncset.done $0x0  }
0x1a2: {  	s15 =	simm.s32 $0x780;
	[sflag:s31] =	ssyncadd.s32 $0xFFFFD800  }
0x1a3: {  	[tilespmem:s20], [sflag:$0x1] =	stream.indirect.gather [hbm4b:s2+s23], $0x80, s15, s23, $0xb8;
	[tilespmem:$0x1D400] =	vst v63  }
0x1a4: {  	s16 =	simm.s32 $0x1300  }
0x1a5: {  	[spmem:s3] =	stream.indirect.scatter.add.f32 [tilespmem:s25], [sflag:$0x4], $0x80, s16, s23, $0xb8;
	[tilespmem:$0x1D400] =	vst v63  }
0x1a6: {  	_ =	swait.ge [sflag:s6], $0x2800  }
0x1a7: {  	[sflag:s6] =	ssyncset.done $0x0  }
0x1a8: {  	[sflag:s6] =	ssyncadd.s32 $0xFFFFD800  }
0x1a9: {  	_ =	swait.ge [sflag:s31], $0x2800  }
0x1aa: {  	[sflag:s31] =	ssyncset.done $0x0  }
0x1ab: {  	s16 =	simm.s32 $0x800;
	[sflag:s31] =	ssyncadd.s32 $0xFFFFD800  }
0x1ac: {  	[tilespmem:s25], [sflag:$0x2] =	stream.indirect.gather [hbm4b:s2+s23], $0x80, s16, s23, $0xb8;
	[tilespmem:$0x1D400] =	vst v63  }
0x1ad: {  	s17 =	simm.s32 $0x1380  }
0x1ae: {  	[spmem:s3] =	stream.indirect.scatter.add.f32 [tilespmem:s28], [sflag:$0x4], $0x80, s17, s23, $0xb8;
	[tilespmem:$0x1D400] =	vst v63  }
0x1af: {  	_ =	swait.ge [sflag:s31], $0x2800  }
0x1b0: {  	[sflag:s31] =	ssyncset.done $0x0  }
0x1b1: {  	s19 =	simm.s32 $0x880;
	[sflag:s31] =	ssyncadd.s32 $0xFFFFD800  }
0x1b2: {  	[tilespmem:s28], [sflag:$0x3] =	stream.indirect.gather [hbm4b:s2+s23], $0x80, s19, s23, $0xb8;
	[tilespmem:$0x1D400] =	vst v63  }
0x1b3: {  	_ =	swait.ge [sflag:s21], $0x2800  }
0x1b4: {  	[sflag:s21] =	ssyncset.done $0x0  }
0x1b5: {  	s24 =	simm.s32 $0x1400;
	[sflag:s21] =	ssyncadd.s32 $0xFFFFD800  }
0x1b6: {  	[spmem:s3] =	stream.indirect.scatter.add.f32 [tilespmem:s20], [sflag:$0x4], $0x80, s24, s23, $0xb8;
	[tilespmem:$0x1D400] =	vst v63  }
0x1b7: {  	_ =	swait.ge [sflag:s30], $0x2800  }
0x1b8: {  	[sflag:s30] =	ssyncset.done $0x0  }
0x1b9: {  	[sflag:s30] =	ssyncadd.s32 $0xFFFFD800  }
0x1ba: {  	_ =	swait.ge [sflag:s31], $0x2800  }
0x1bb: {  	[sflag:s31] =	ssyncset.done $0x0  }
0x1bc: {  	s19 =	simm.s32 $0x900;
	[sflag:s31] =	ssyncadd.s32 $0xFFFFD800  }
0x1bd: {  	[tilespmem:s20], [sflag:$0x1] =	stream.indirect.gather [hbm4b:s2+s23], $0x80, s19, s23, $0xb8;
	[tilespmem:$0x1D400] =	vst v63  }
0x1be: {  	s26 =	simm.s32 $0x1480  }
0x1bf: {  	[spmem:s3] =	stream.indirect.scatter.add.f32 [tilespmem:s25], [sflag:$0x4], $0x80, s26, s23, $0xb8;
	[tilespmem:$0x1D400] =	vst v63  }
0x1c0: {  	_ =	swait.ge [sflag:s6], $0x2800  }
0x1c1: {  	[sflag:s6] =	ssyncset.done $0x0  }
0x1c2: {  	[sflag:s6] =	ssyncadd.s32 $0xFFFFD800  }
0x1c3: {  	_ =	swait.ge [sflag:s31], $0x2800  }
0x1c4: {  	[sflag:s31] =	ssyncset.done $0x0  }
0x1c5: {  	s24 =	simm.s32 $0x980;
	[sflag:s31] =	ssyncadd.s32 $0xFFFFD800  }
0x1c6: {  	[tilespmem:s25], [sflag:$0x2] =	stream.indirect.gather [hbm4b:s2+s23], $0x80, s24, s23, $0xb8;
	[tilespmem:$0x1D400] =	vst v63  }
0x1c7: {  	s29 =	simm.s32 $0x1500  }
0x1c8: {  	[spmem:s3] =	stream.indirect.scatter.add.f32 [tilespmem:s28], [sflag:$0x4], $0x80, s29, s23, $0xb8;
	[tilespmem:$0x1D400] =	vst v63  }
0x1c9: {  	_ =	swait.ge [sflag:s31], $0x2800  }
0x1ca: {  	[sflag:s31] =	ssyncset.done $0x0  }
0x1cb: {  	s26 =	simm.s32 $0xA00;
	[sflag:s31] =	ssyncadd.s32 $0xFFFFD800  }
0x1cc: {  	[tilespmem:s28], [sflag:$0x3] =	stream.indirect.gather [hbm4b:s2+s23], $0x80, s26, s23, $0xb8;
	[tilespmem:$0x1D400] =	vst v63  }
0x1cd: {  	_ =	swait.ge [sflag:s21], $0x2800  }
0x1ce: {  	[sflag:s21] =	ssyncset.done $0x0  }
0x1cf: {  	s19 =	simm.s32 $0x1580;
	[sflag:s21] =	ssyncadd.s32 $0xFFFFD800  }
0x1d0: {  	[spmem:s3] =	stream.indirect.scatter.add.f32 [tilespmem:s20], [sflag:$0x4], $0x80, s19, s23, $0xb8;
	[tilespmem:$0x1D400] =	vst v63  }
0x1d1: {  	_ =	swait.ge [sflag:s30], $0x2800  }
0x1d2: {  	[sflag:s30] =	ssyncset.done $0x0  }
0x1d3: {  	[sflag:s30] =	ssyncadd.s32 $0xFFFFD800  }
0x1d4: {  	_ =	swait.ge [sflag:s31], $0x2800  }
0x1d5: {  	[sflag:s31] =	ssyncset.done $0x0  }
0x1d6: {  	s24 =	simm.s32 $0xA80;
	[sflag:s31] =	ssyncadd.s32 $0xFFFFD800  }
0x1d7: {  	[tilespmem:s20], [sflag:$0x1] =	stream.indirect.gather [hbm4b:s2+s23], $0x80, s24, s23, $0xb8;
	[tilespmem:$0x1D400] =	vst v63  }
0x1d8: {  	s26 =	simm.s32 $0x1600  }
0x1d9: {  	[spmem:s3] =	stream.indirect.scatter.add.f32 [tilespmem:s25], [sflag:$0x4], $0x80, s26, s23, $0xb8;
	[tilespmem:$0x1D400] =	vst v63  }
0x1da: {  	_ =	swait.ge [sflag:s6], $0x2800  }
0x1db: {  	[sflag:s6] =	ssyncset.done $0x0  }
0x1dc: {  	[sflag:s6] =	ssyncadd.s32 $0xFFFFD800  }
0x1dd: {  	_ =	swait.ge [sflag:s31], $0x2800  }
0x1de: {  	[sflag:s31] =	ssyncset.done $0x0  }
0x1df: {  	s24 =	simm.s32 $0xB00;
	[sflag:s31] =	ssyncadd.s32 $0xFFFFD800  }
0x1e0: {  	[tilespmem:s25], [sflag:$0x2] =	stream.indirect.gather [hbm4b:s2+s23], $0x80, s24, s23, $0xb8;
	[tilespmem:$0x1D400] =	vst v63  }
0x1e1: {  	s26 =	simm.s32 $0x1680  }
0x1e2: {  	[spmem:s3] =	stream.indirect.scatter.add.f32 [tilespmem:s28], [sflag:$0x4], $0x80, s26, s23, $0xb8;
	[tilespmem:$0x1D400] =	vst v63  }
0x1e3: {  	_ =	swait.ge [sflag:s31], $0x2800  }
0x1e4: {  	[sflag:s31] =	ssyncset.done $0x0  }
0x1e5: {  	s26 =	simm.s32 $0xB80;
	[sflag:s31] =	ssyncadd.s32 $0xFFFFD800  }
0x1e6: {  	[tilespmem:s28], [sflag:$0x3] =	stream.indirect.gather [hbm4b:s2+s23], $0x80, s26, s23, $0xb8;
	[tilespmem:$0x1D400] =	vst v63  }
0x1e7: {  	_ =	swait.ge [sflag:s21], $0x2800  }
0x1e8: {  	[sflag:s21] =	ssyncset.done $0x0  }
0x1e9: {  	s26 =	simm.s32 $0x1700;
	[sflag:s21] =	ssyncadd.s32 $0xFFFFD800  }
0x1ea: {  	[spmem:s3] =	stream.indirect.scatter.add.f32 [tilespmem:s20], [sflag:$0x4], $0x80, s26, s23, $0xb8;
	[tilespmem:$0x1D400] =	vst v63  }
0x1eb: {  	_ =	swait.ge [sflag:s30], $0x2800  }
0x1ec: {  	[sflag:s30] =	ssyncset.done $0x0  }
0x1ed: {  	[sflag:s30] =	ssyncadd.s32 $0xFFFFD800  }
0x1ee: {  	_ =	swait.ge [sflag:s31], $0x2800  }
0x1ef: {  	[sflag:s31] =	ssyncset.done $0x0  }
0x1f0: {  	s26 =	simm.s32 $0xC00;
	[sflag:s31] =	ssyncadd.s32 $0xFFFFD800  }
0x1f1: {  	[tilespmem:s20], [sflag:$0x1] =	stream.indirect.gather [hbm4b:s2+s23], $0x80, s26, s23, $0xb8;
	[tilespmem:$0x1D400] =	vst v63  }
0x1f2: {  	s14 =	simm.s32 $0x1780  }
0x1f3: {  	[spmem:s3] =	stream.indirect.scatter.add.f32 [tilespmem:s25], [sflag:$0x4], $0x80, s14, s23, $0xb8;
	[tilespmem:$0x1D400] =	vst v63  }
0x1f4: {  	_ =	swait.ge [sflag:s6], $0x2800  }
0x1f5: {  	[sflag:s6] =	ssyncset.done $0x0  }
0x1f6: {  	[sflag:s6] =	ssyncadd.s32 $0xFFFFD800  }
0x1f7: {  	_ =	swait.ge [sflag:s31], $0x2800  }
0x1f8: {  	[sflag:s31] =	ssyncset.done $0x0  }
0x1f9: {  	s14 =	simm.s32 $0x1800;
	[sflag:s31] =	ssyncadd.s32 $0xFFFFD800  }
0x1fa: {  	[spmem:s3] =	stream.indirect.scatter.add.f32 [tilespmem:s28], [sflag:$0x4], $0x80, s14, s23, $0xb8;
	[tilespmem:$0x1D400] =	vst v63  }
0x1fb: {  	_ =	swait.ge [sflag:s31], $0x2800  }
0x1fc: {  	[sflag:s31] =	ssyncset.done $0x0  }
0x1fd: {  	[sflag:s31] =	ssyncadd.s32 $0xFFFFD800  }
0x1fe: {  	_ =	swait.ge [sflag:s21], $0x2800  }
0x1ff: {  	[sflag:s21] =	ssyncset.done $0x0  }
0x200: {  	s14 =	simm.s32 $0x1880;
	[sflag:s21] =	ssyncadd.s32 $0xFFFFD800  }
0x201: {  	[spmem:s3] =	stream.indirect.scatter.add.f32 [tilespmem:s20], [sflag:$0x4], $0x80, s14, s23, $0xb8;
	[tilespmem:$0x1D400] =	vst v63  }
0x202: {  	_ =	swait.ge [sflag:s31], $0x2800  }
0x203: {  	[sflag:s31] =	ssyncset.done $0x0  }
0x204: {  	s14 =	rddreg [dreg:$0xe];
	[sflag:s31] =	ssyncadd.s32 $0xFFFFD800  }
0x205: {  	[tilespmem:s18], [sflag:$0x5] =	stream.linear.gather [hbm4b:s14+s18], $0x1900, $0x38;
	[tilespmem:$0x1D400] =	vst v63  }
0x206: {  	_ =	swait.ge [sflag:s22], $0x1900  }
0x207: {  	[sflag:s22] =	ssyncset.done $0x0  }
0x208: {  	[sflag:s22] =	ssyncadd.s32 $0xFFFFE700  }
0x209: {  	[tilespmem:s20], [sflag:$0x1] =	stream.indirect.gather [hbm4b:s2+s23], $0x80, s18, s23, $0xb8;
	[tilespmem:$0x1D400] =	vst v63  }
0x20a: {  	s14 =	simm.s32 $0x80  }
0x20b: {  	[tilespmem:s25], [sflag:$0x2] =	stream.indirect.gather [hbm4b:s2+s23], $0x80, s14, s23, $0xb8;
	[tilespmem:$0x1D400] =	vst v63  }
0x20c: {  	s14 =	simm.s32 $0x100  }
0x20d: {  	[tilespmem:s28], [sflag:$0x3] =	stream.indirect.gather [hbm4b:s2+s23], $0x80, s14, s23, $0xb8;
	[tilespmem:$0x1D400] =	vst v63  }
0x20e: {  	_ =	swait.ge [sflag:s21], $0x2800  }
0x20f: {  	[sflag:s21] =	ssyncset.done $0x0  }
0x210: {  	s14 =	simm.s32 $0xC80;
	[sflag:s21] =	ssyncadd.s32 $0xFFFFD800  }
0x211: {  	[spmem:s3] =	stream.indirect.scatter.add.f32 [tilespmem:s20], [sflag:$0x4], $0x80, s14, s23, $0xb8;
	[tilespmem:$0x1D400] =	vst v63  }
0x212: {  	_ =	swait.ge [sflag:s30], $0x2800  }
0x213: {  	[sflag:s30] =	ssyncset.done $0x0  }
0x214: {  	[sflag:s30] =	ssyncadd.s32 $0xFFFFD800  }
0x215: {  	_ =	swait.ge [sflag:s31], $0x2800  }
0x216: {  	[sflag:s31] =	ssyncset.done $0x0  }
0x217: {  	s14 =	simm.s32 $0x180;
	[sflag:s31] =	ssyncadd.s32 $0xFFFFD800  }
0x218: {  	[tilespmem:s20], [sflag:$0x1] =	stream.indirect.gather [hbm4b:s2+s23], $0x80, s14, s23, $0xb8;
	[tilespmem:$0x1D400] =	vst v63  }
0x219: {  	s14 =	simm.s32 $0xD00  }
0x21a: {  	[spmem:s3] =	stream.indirect.scatter.add.f32 [tilespmem:s25], [sflag:$0x4], $0x80, s14, s23, $0xb8;
	[tilespmem:$0x1D400] =	vst v63  }
0x21b: {  	_ =	swait.ge [sflag:s6], $0x2800  }
0x21c: {  	[sflag:s6] =	ssyncset.done $0x0  }
0x21d: {  	[sflag:s6] =	ssyncadd.s32 $0xFFFFD800  }
0x21e: {  	_ =	swait.ge [sflag:s31], $0x2800  }
0x21f: {  	[sflag:s31] =	ssyncset.done $0x0  }
0x220: {  	[sflag:s31] =	ssyncadd.s32 $0xFFFFD800  }
0x221: {  	[tilespmem:s25], [sflag:$0x2] =	stream.indirect.gather [hbm4b:s2+s23], $0x80, s5, s23, $0xb8;
	[tilespmem:$0x1D400] =	vst v63  }
0x222: {  	s14 =	simm.s32 $0xD80  }
0x223: {  	[spmem:s3] =	stream.indirect.scatter.add.f32 [tilespmem:s28], [sflag:$0x4], $0x80, s14, s23, $0xb8;
	[tilespmem:$0x1D400] =	vst v63  }
0x224: {  	_ =	swait.ge [sflag:s31], $0x2800  }
0x225: {  	[sflag:s31] =	ssyncset.done $0x0  }
0x226: {  	s14 =	simm.s32 $0x280;
	[sflag:s31] =	ssyncadd.s32 $0xFFFFD800  }
0x227: {  	[tilespmem:s28], [sflag:$0x3] =	stream.indirect.gather [hbm4b:s2+s23], $0x80, s14, s23, $0xb8;
	[tilespmem:$0x1D400] =	vst v63  }
0x228: {  	_ =	swait.ge [sflag:s21], $0x2800  }
0x229: {  	[sflag:s21] =	ssyncset.done $0x0  }
0x22a: {  	[sflag:s21] =	ssyncadd.s32 $0xFFFFD800  }
0x22b: {  	[spmem:s3] =	stream.indirect.scatter.add.f32 [tilespmem:s20], [sflag:$0x4], $0x80, s7, s23, $0xb8;
	[tilespmem:$0x1D400] =	vst v63  }
0x22c: {  	_ =	swait.ge [sflag:s30], $0x2800  }
0x22d: {  	[sflag:s30] =	ssyncset.done $0x0  }
0x22e: {  	[sflag:s30] =	ssyncadd.s32 $0xFFFFD800  }
0x22f: {  	_ =	swait.ge [sflag:s31], $0x2800  }
0x230: {  	[sflag:s31] =	ssyncset.done $0x0  }
0x231: {  	[sflag:s31] =	ssyncadd.s32 $0xFFFFD800  }
0x232: {  	[tilespmem:s20], [sflag:$0x1] =	stream.indirect.gather [hbm4b:s2+s23], $0x80, s0, s23, $0xb8;
	[tilespmem:$0x1D400] =	vst v63  }
0x233: {  	_ = 	snop  }
0x234: {  	[spmem:s3] =	stream.indirect.scatter.add.f32 [tilespmem:s25], [sflag:$0x4], $0x80, s8, s23, $0xb8;
	[tilespmem:$0x1D400] =	vst v63  }
0x235: {  	_ =	swait.ge [sflag:s6], $0x2800  }
0x236: {  	[sflag:s6] =	ssyncset.done $0x0  }
0x237: {  	[sflag:s6] =	ssyncadd.s32 $0xFFFFD800  }
0x238: {  	_ =	swait.ge [sflag:s31], $0x2800  }
0x239: {  	[sflag:s31] =	ssyncset.done $0x0  }
0x23a: {  	[sflag:s31] =	ssyncadd.s32 $0xFFFFD800  }
0x23b: {  	[tilespmem:s25], [sflag:$0x2] =	stream.indirect.gather [hbm4b:s2+s23], $0x80, s1, s23, $0xb8;
	[tilespmem:$0x1D400] =	vst v63  }
0x23c: {  	_ = 	snop  }
0x23d: {  	[spmem:s3] =	stream.indirect.scatter.add.f32 [tilespmem:s28], [sflag:$0x4], $0x80, s9, s23, $0xb8;
	[tilespmem:$0x1D400] =	vst v63  }
0x23e: {  	_ =	swait.ge [sflag:s31], $0x2800  }
0x23f: {  	[sflag:s31] =	ssyncset.done $0x0  }
0x240: {  	[sflag:s31] =	ssyncadd.s32 $0xFFFFD800  }
0x241: {  	[tilespmem:s28], [sflag:$0x3] =	stream.indirect.gather [hbm4b:s2+s23], $0x80, s10, s23, $0xb8;
	[tilespmem:$0x1D400] =	vst v63  }
0x242: {  	_ =	swait.ge [sflag:s21], $0x2800  }
0x243: {  	[sflag:s21] =	ssyncset.done $0x0  }
0x244: {  	[sflag:s21] =	ssyncadd.s32 $0xFFFFD800  }
0x245: {  	[spmem:s3] =	stream.indirect.scatter.add.f32 [tilespmem:s20], [sflag:$0x4], $0x80, s11, s23, $0xb8;
	[tilespmem:$0x1D400] =	vst v63  }
0x246: {  	_ =	swait.ge [sflag:s30], $0x2800  }
0x247: {  	[sflag:s30] =	ssyncset.done $0x0  }
0x248: {  	[sflag:s30] =	ssyncadd.s32 $0xFFFFD800  }
0x249: {  	_ =	swait.ge [sflag:s31], $0x2800  }
0x24a: {  	[sflag:s31] =	ssyncset.done $0x0  }
0x24b: {  	[sflag:s31] =	ssyncadd.s32 $0xFFFFD800  }
0x24c: {  	[tilespmem:s20], [sflag:$0x1] =	stream.indirect.gather [hbm4b:s2+s23], $0x80, s4, s23, $0xb8;
	[tilespmem:$0x1D400] =	vst v63  }
0x24d: {  	s14 =	simm.s32 $0x1000  }
0x24e: {  	[spmem:s3] =	stream.indirect.scatter.add.f32 [tilespmem:s25], [sflag:$0x4], $0x80, s14, s23, $0xb8;
	[tilespmem:$0x1D400] =	vst v63  }
0x24f: {  	_ =	swait.ge [sflag:s6], $0x2800  }
0x250: {  	[sflag:s6] =	ssyncset.done $0x0  }
0x251: {  	[sflag:s6] =	ssyncadd.s32 $0xFFFFD800  }
0x252: {  	_ =	swait.ge [sflag:s31], $0x2800  }
0x253: {  	[sflag:s31] =	ssyncset.done $0x0  }
0x254: {  	s14 =	simm.s32 $0x500;
	[sflag:s31] =	ssyncadd.s32 $0xFFFFD800  }
0x255: {  	[tilespmem:s25], [sflag:$0x2] =	stream.indirect.gather [hbm4b:s2+s23], $0x80, s14, s23, $0xb8;
	[tilespmem:$0x1D400] =	vst v63  }
0x256: {  	s14 =	simm.s32 $0x1080  }
0x257: {  	[spmem:s3] =	stream.indirect.scatter.add.f32 [tilespmem:s28], [sflag:$0x4], $0x80, s14, s23, $0xb8;
	[tilespmem:$0x1D400] =	vst v63  }
0x258: {  	_ =	swait.ge [sflag:s31], $0x2800  }
0x259: {  	[sflag:s31] =	ssyncset.done $0x0  }
0x25a: {  	s14 =	simm.s32 $0x580;
	[sflag:s31] =	ssyncadd.s32 $0xFFFFD800  }
0x25b: {  	[tilespmem:s28], [sflag:$0x3] =	stream.indirect.gather [hbm4b:s2+s23], $0x80, s14, s23, $0xb8;
	[tilespmem:$0x1D400] =	vst v63  }
0x25c: {  	_ =	swait.ge [sflag:s21], $0x2800  }
0x25d: {  	[sflag:s21] =	ssyncset.done $0x0  }
0x25e: {  	s14 =	simm.s32 $0x1100;
	[sflag:s21] =	ssyncadd.s32 $0xFFFFD800  }
0x25f: {  	[spmem:s3] =	stream.indirect.scatter.add.f32 [tilespmem:s20], [sflag:$0x4], $0x80, s14, s23, $0xb8;
	[tilespmem:$0x1D400] =	vst v63  }
0x260: {  	_ =	swait.ge [sflag:s30], $0x2800  }
0x261: {  	[sflag:s30] =	ssyncset.done $0x0  }
0x262: {  	[sflag:s30] =	ssyncadd.s32 $0xFFFFD800  }
0x263: {  	_ =	swait.ge [sflag:s31], $0x2800  }
0x264: {  	[sflag:s31] =	ssyncset.done $0x0  }
0x265: {  	s14 =	simm.s32 $0x600;
	[sflag:s31] =	ssyncadd.s32 $0xFFFFD800  }
0x266: {  	[tilespmem:s20], [sflag:$0x1] =	stream.indirect.gather [hbm4b:s2+s23], $0x80, s14, s23, $0xb8;
	[tilespmem:$0x1D400] =	vst v63  }
0x267: {  	s14 =	simm.s32 $0x1180  }
0x268: {  	[spmem:s3] =	stream.indirect.scatter.add.f32 [tilespmem:s25], [sflag:$0x4], $0x80, s14, s23, $0xb8;
	[tilespmem:$0x1D400] =	vst v63  }
0x269: {  	_ =	swait.ge [sflag:s6], $0x2800  }
0x26a: {  	[sflag:s6] =	ssyncset.done $0x0  }
0x26b: {  	[sflag:s6] =	ssyncadd.s32 $0xFFFFD800  }
0x26c: {  	_ =	swait.ge [sflag:s31], $0x2800  }
0x26d: {  	[sflag:s31] =	ssyncset.done $0x0  }
0x26e: {  	s14 =	simm.s32 $0x680;
	[sflag:s31] =	ssyncadd.s32 $0xFFFFD800  }
0x26f: {  	[tilespmem:s25], [sflag:$0x2] =	stream.indirect.gather [hbm4b:s2+s23], $0x80, s14, s23, $0xb8;
	[tilespmem:$0x1D400] =	vst v63  }
0x270: {  	s14 =	simm.s32 $0x1200  }
0x271: {  	[spmem:s3] =	stream.indirect.scatter.add.f32 [tilespmem:s28], [sflag:$0x4], $0x80, s14, s23, $0xb8;
	[tilespmem:$0x1D400] =	vst v63  }
0x272: {  	_ =	swait.ge [sflag:s31], $0x2800  }
0x273: {  	[sflag:s31] =	ssyncset.done $0x0  }
0x274: {  	s14 =	simm.s32 $0x700;
	[sflag:s31] =	ssyncadd.s32 $0xFFFFD800  }
0x275: {  	[tilespmem:s28], [sflag:$0x3] =	stream.indirect.gather [hbm4b:s2+s23], $0x80, s14, s23, $0xb8;
	[tilespmem:$0x1D400] =	vst v63  }
0x276: {  	_ =	swait.ge [sflag:s21], $0x2800  }
0x277: {  	[sflag:s21] =	ssyncset.done $0x0  }
0x278: {  	s14 =	simm.s32 $0x1280;
	[sflag:s21] =	ssyncadd.s32 $0xFFFFD800  }
0x279: {  	[spmem:s3] =	stream.indirect.scatter.add.f32 [tilespmem:s20], [sflag:$0x4], $0x80, s14, s23, $0xb8;
	[tilespmem:$0x1D400] =	vst v63  }
0x27a: {  	_ =	swait.ge [sflag:s30], $0x2800  }
0x27b: {  	[sflag:s30] =	ssyncset.done $0x0  }
0x27c: {  	[sflag:s30] =	ssyncadd.s32 $0xFFFFD800  }
0x27d: {  	_ =	swait.ge [sflag:s31], $0x2800  }
0x27e: {  	[sflag:s31] =	ssyncset.done $0x0  }
0x27f: {  	s12 =	simm.s32 $0x780;
	[sflag:s31] =	ssyncadd.s32 $0xFFFFD800  }
0x280: {  	[tilespmem:s20], [sflag:$0x1] =	stream.indirect.gather [hbm4b:s2+s23], $0x80, s12, s23, $0xb8;
	[tilespmem:$0x1D400] =	vst v63  }
0x281: {  	s14 =	simm.s32 $0x1300  }
0x282: {  	[spmem:s3] =	stream.indirect.scatter.add.f32 [tilespmem:s25], [sflag:$0x4], $0x80, s14, s23, $0xb8;
	[tilespmem:$0x1D400] =	vst v63  }
0x283: {  	_ =	swait.ge [sflag:s6], $0x2800  }
0x284: {  	[sflag:s6] =	ssyncset.done $0x0  }
0x285: {  	[sflag:s6] =	ssyncadd.s32 $0xFFFFD800  }
0x286: {  	_ =	swait.ge [sflag:s31], $0x2800  }
0x287: {  	[sflag:s31] =	ssyncset.done $0x0  }
0x288: {  	s15 =	simm.s32 $0x800;
	[sflag:s31] =	ssyncadd.s32 $0xFFFFD800  }
0x289: {  	[tilespmem:s25], [sflag:$0x2] =	stream.indirect.gather [hbm4b:s2+s23], $0x80, s15, s23, $0xb8;
	[tilespmem:$0x1D400] =	vst v63  }
0x28a: {  	s15 =	simm.s32 $0x1380  }
0x28b: {  	[spmem:s3] =	stream.indirect.scatter.add.f32 [tilespmem:s28], [sflag:$0x4], $0x80, s15, s23, $0xb8;
	[tilespmem:$0x1D400] =	vst v63  }
0x28c: {  	_ =	swait.ge [sflag:s31], $0x2800  }
0x28d: {  	[sflag:s31] =	ssyncset.done $0x0  }
0x28e: {  	s14 =	simm.s32 $0x880;
	[sflag:s31] =	ssyncadd.s32 $0xFFFFD800  }
0x28f: {  	[tilespmem:s28], [sflag:$0x3] =	stream.indirect.gather [hbm4b:s2+s23], $0x80, s14, s23, $0xb8;
	[tilespmem:$0x1D400] =	vst v63  }
0x290: {  	_ =	swait.ge [sflag:s21], $0x2800  }
0x291: {  	[sflag:s21] =	ssyncset.done $0x0  }
0x292: {  	s15 =	simm.s32 $0x1400;
	[sflag:s21] =	ssyncadd.s32 $0xFFFFD800  }
0x293: {  	[spmem:s3] =	stream.indirect.scatter.add.f32 [tilespmem:s20], [sflag:$0x4], $0x80, s15, s23, $0xb8;
	[tilespmem:$0x1D400] =	vst v63  }
0x294: {  	_ =	swait.ge [sflag:s30], $0x2800  }
0x295: {  	[sflag:s30] =	ssyncset.done $0x0  }
0x296: {  	[sflag:s30] =	ssyncadd.s32 $0xFFFFD800  }
0x297: {  	_ =	swait.ge [sflag:s31], $0x2800  }
0x298: {  	[sflag:s31] =	ssyncset.done $0x0  }
0x299: {  	s16 =	simm.s32 $0x900;
	[sflag:s31] =	ssyncadd.s32 $0xFFFFD800  }
0x29a: {  	[tilespmem:s20], [sflag:$0x1] =	stream.indirect.gather [hbm4b:s2+s23], $0x80, s16, s23, $0xb8;
	[tilespmem:$0x1D400] =	vst v63  }
0x29b: {  	s16 =	simm.s32 $0x1480  }
0x29c: {  	[spmem:s3] =	stream.indirect.scatter.add.f32 [tilespmem:s25], [sflag:$0x4], $0x80, s16, s23, $0xb8;
	[tilespmem:$0x1D400] =	vst v63  }
0x29d: {  	_ =	swait.ge [sflag:s6], $0x2800  }
0x29e: {  	[sflag:s6] =	ssyncset.done $0x0  }
0x29f: {  	[sflag:s6] =	ssyncadd.s32 $0xFFFFD800  }
0x2a0: {  	_ =	swait.ge [sflag:s31], $0x2800  }
0x2a1: {  	[sflag:s31] =	ssyncset.done $0x0  }
0x2a2: {  	s17 =	simm.s32 $0x980;
	[sflag:s31] =	ssyncadd.s32 $0xFFFFD800  }
0x2a3: {  	[tilespmem:s25], [sflag:$0x2] =	stream.indirect.gather [hbm4b:s2+s23], $0x80, s17, s23, $0xb8;
	[tilespmem:$0x1D400] =	vst v63  }
0x2a4: {  	s29 =	simm.s32 $0x1500  }
0x2a5: {  	[spmem:s3] =	stream.indirect.scatter.add.f32 [tilespmem:s28], [sflag:$0x4], $0x80, s29, s23, $0xb8;
	[tilespmem:$0x1D400] =	vst v63  }
0x2a6: {  	_ =	swait.ge [sflag:s31], $0x2800  }
0x2a7: {  	[sflag:s31] =	ssyncset.done $0x0  }
0x2a8: {  	s29 =	simm.s32 $0xA00;
	[sflag:s31] =	ssyncadd.s32 $0xFFFFD800  }
0x2a9: {  	[tilespmem:s28], [sflag:$0x3] =	stream.indirect.gather [hbm4b:s2+s23], $0x80, s29, s23, $0xb8;
	[tilespmem:$0x1D400] =	vst v63  }
0x2aa: {  	_ =	swait.ge [sflag:s21], $0x2800  }
0x2ab: {  	[sflag:s21] =	ssyncset.done $0x0  }
0x2ac: {  	s14 =	simm.s32 $0x1580;
	[sflag:s21] =	ssyncadd.s32 $0xFFFFD800  }
0x2ad: {  	[spmem:s3] =	stream.indirect.scatter.add.f32 [tilespmem:s20], [sflag:$0x4], $0x80, s14, s23, $0xb8;
	[tilespmem:$0x1D400] =	vst v63  }
0x2ae: {  	_ =	swait.ge [sflag:s30], $0x2800  }
0x2af: {  	[sflag:s30] =	ssyncset.done $0x0  }
0x2b0: {  	[sflag:s30] =	ssyncadd.s32 $0xFFFFD800  }
0x2b1: {  	_ =	swait.ge [sflag:s31], $0x2800  }
0x2b2: {  	[sflag:s31] =	ssyncset.done $0x0  }
0x2b3: {  	s19 =	simm.s32 $0xA80;
	[sflag:s31] =	ssyncadd.s32 $0xFFFFD800  }
0x2b4: {  	[tilespmem:s20], [sflag:$0x1] =	stream.indirect.gather [hbm4b:s2+s23], $0x80, s19, s23, $0xb8;
	[tilespmem:$0x1D400] =	vst v63  }
0x2b5: {  	s15 =	simm.s32 $0x1600  }
0x2b6: {  	[spmem:s3] =	stream.indirect.scatter.add.f32 [tilespmem:s25], [sflag:$0x4], $0x80, s15, s23, $0xb8;
	[tilespmem:$0x1D400] =	vst v63  }
0x2b7: {  	_ =	swait.ge [sflag:s6], $0x2800  }
0x2b8: {  	[sflag:s6] =	ssyncset.done $0x0  }
0x2b9: {  	[sflag:s6] =	ssyncadd.s32 $0xFFFFD800  }
0x2ba: {  	_ =	swait.ge [sflag:s31], $0x2800  }
0x2bb: {  	[sflag:s31] =	ssyncset.done $0x0  }
0x2bc: {  	s24 =	simm.s32 $0xB00;
	[sflag:s31] =	ssyncadd.s32 $0xFFFFD800  }
0x2bd: {  	[tilespmem:s25], [sflag:$0x2] =	stream.indirect.gather [hbm4b:s2+s23], $0x80, s24, s23, $0xb8;
	[tilespmem:$0x1D400] =	vst v63  }
0x2be: {  	s16 =	simm.s32 $0x1680  }
0x2bf: {  	[spmem:s3] =	stream.indirect.scatter.add.f32 [tilespmem:s28], [sflag:$0x4], $0x80, s16, s23, $0xb8;
	[tilespmem:$0x1D400] =	vst v63  }
0x2c0: {  	_ =	swait.ge [sflag:s31], $0x2800  }
0x2c1: {  	[sflag:s31] =	ssyncset.done $0x0  }
0x2c2: {  	s17 =	simm.s32 $0xB80;
	[sflag:s31] =	ssyncadd.s32 $0xFFFFD800  }
0x2c3: {  	[tilespmem:s28], [sflag:$0x3] =	stream.indirect.gather [hbm4b:s2+s23], $0x80, s17, s23, $0xb8;
	[tilespmem:$0x1D400] =	vst v63  }
0x2c4: {  	_ =	swait.ge [sflag:s21], $0x2800  }
0x2c5: {  	[sflag:s21] =	ssyncset.done $0x0  }
0x2c6: {  	s19 =	simm.s32 $0x1700;
	[sflag:s21] =	ssyncadd.s32 $0xFFFFD800  }
0x2c7: {  	[spmem:s3] =	stream.indirect.scatter.add.f32 [tilespmem:s20], [sflag:$0x4], $0x80, s19, s23, $0xb8;
	[tilespmem:$0x1D400] =	vst v63  }
0x2c8: {  	_ =	swait.ge [sflag:s30], $0x2800  }
0x2c9: {  	[sflag:s30] =	ssyncset.done $0x0  }
0x2ca: {  	[sflag:s30] =	ssyncadd.s32 $0xFFFFD800  }
0x2cb: {  	_ =	swait.ge [sflag:s31], $0x2800  }
0x2cc: {  	[sflag:s31] =	ssyncset.done $0x0  }
0x2cd: {  	s26 =	simm.s32 $0xC00;
	[sflag:s31] =	ssyncadd.s32 $0xFFFFD800  }
0x2ce: {  	[tilespmem:s20], [sflag:$0x1] =	stream.indirect.gather [hbm4b:s2+s23], $0x80, s26, s23, $0xb8;
	[tilespmem:$0x1D400] =	vst v63  }
0x2cf: {  	s24 =	simm.s32 $0x1780  }
0x2d0: {  	[spmem:s3] =	stream.indirect.scatter.add.f32 [tilespmem:s25], [sflag:$0x4], $0x80, s24, s23, $0xb8;
	[tilespmem:$0x1D400] =	vst v63  }
0x2d1: {  	_ =	swait.ge [sflag:s6], $0x2800  }
0x2d2: {  	[sflag:s6] =	ssyncset.done $0x0  }
0x2d3: {  	[sflag:s6] =	ssyncadd.s32 $0xFFFFD800  }
0x2d4: {  	_ =	swait.ge [sflag:s31], $0x2800  }
0x2d5: {  	[sflag:s31] =	ssyncset.done $0x0  }
0x2d6: {  	s26 =	simm.s32 $0x1800;
	[sflag:s31] =	ssyncadd.s32 $0xFFFFD800  }
0x2d7: {  	[spmem:s3] =	stream.indirect.scatter.add.f32 [tilespmem:s28], [sflag:$0x4], $0x80, s26, s23, $0xb8;
	[tilespmem:$0x1D400] =	vst v63  }
0x2d8: {  	_ =	swait.ge [sflag:s31], $0x2800  }
0x2d9: {  	[sflag:s31] =	ssyncset.done $0x0  }
0x2da: {  	[sflag:s31] =	ssyncadd.s32 $0xFFFFD800  }
0x2db: {  	_ =	swait.ge [sflag:s21], $0x2800  }
0x2dc: {  	[sflag:s21] =	ssyncset.done $0x0  }
0x2dd: {  	s14 =	simm.s32 $0x1880;
	[sflag:s21] =	ssyncadd.s32 $0xFFFFD800  }
0x2de: {  	[spmem:s3] =	stream.indirect.scatter.add.f32 [tilespmem:s20], [sflag:$0x4], $0x80, s14, s23, $0xb8;
	[tilespmem:$0x1D400] =	vst v63  }
0x2df: {  	_ =	swait.ge [sflag:s31], $0x2800  }
0x2e0: {  	[sflag:s31] =	ssyncset.done $0x0  }
0x2e1: {  	s15 =	rddreg [dreg:$0xf];
	[sflag:s31] =	ssyncadd.s32 $0xFFFFD800  }
0x2e2: {  	[tilespmem:s18], [sflag:$0x5] =	stream.linear.gather [hbm4b:s15+s18], $0x1900, $0x38;
	[tilespmem:$0x1D400] =	vst v63  }
0x2e3: {  	_ =	swait.ge [sflag:s22], $0x1900  }
0x2e4: {  	[sflag:s22] =	ssyncset.done $0x0  }
0x2e5: {  	[sflag:s22] =	ssyncadd.s32 $0xFFFFE700  }
0x2e6: {  	[tilespmem:s20], [sflag:$0x1] =	stream.indirect.gather [hbm4b:s2+s23], $0x80, s18, s23, $0xb8;
	[tilespmem:$0x1D400] =	vst v63  }
0x2e7: {  	s16 =	simm.s32 $0x80  }
0x2e8: {  	[tilespmem:s25], [sflag:$0x2] =	stream.indirect.gather [hbm4b:s2+s23], $0x80, s16, s23, $0xb8;
	[tilespmem:$0x1D400] =	vst v63  }
0x2e9: {  	s17 =	simm.s32 $0x100  }
0x2ea: {  	[tilespmem:s28], [sflag:$0x3] =	stream.indirect.gather [hbm4b:s2+s23], $0x80, s17, s23, $0xb8;
	[tilespmem:$0x1D400] =	vst v63  }
0x2eb: {  	_ =	swait.ge [sflag:s21], $0x2800  }
0x2ec: {  	[sflag:s21] =	ssyncset.done $0x0  }
0x2ed: {  	s19 =	simm.s32 $0xC80;
	[sflag:s21] =	ssyncadd.s32 $0xFFFFD800  }
0x2ee: {  	[spmem:s3] =	stream.indirect.scatter.add.f32 [tilespmem:s20], [sflag:$0x4], $0x80, s19, s23, $0xb8;
	[tilespmem:$0x1D400] =	vst v63  }
0x2ef: {  	_ =	swait.ge [sflag:s30], $0x2800  }
0x2f0: {  	[sflag:s30] =	ssyncset.done $0x0  }
0x2f1: {  	[sflag:s30] =	ssyncadd.s32 $0xFFFFD800  }
0x2f2: {  	_ =	swait.ge [sflag:s31], $0x2800  }
0x2f3: {  	[sflag:s31] =	ssyncset.done $0x0  }
0x2f4: {  	s24 =	simm.s32 $0x180;
	[sflag:s31] =	ssyncadd.s32 $0xFFFFD800  }
0x2f5: {  	[tilespmem:s20], [sflag:$0x1] =	stream.indirect.gather [hbm4b:s2+s23], $0x80, s24, s23, $0xb8;
	[tilespmem:$0x1D400] =	vst v63  }
0x2f6: {  	s26 =	simm.s32 $0xD00  }
0x2f7: {  	[spmem:s3] =	stream.indirect.scatter.add.f32 [tilespmem:s25], [sflag:$0x4], $0x80, s26, s23, $0xb8;
	[tilespmem:$0x1D400] =	vst v63  }
0x2f8: {  	_ =	swait.ge [sflag:s6], $0x2800  }
0x2f9: {  	[sflag:s6] =	ssyncset.done $0x0  }
0x2fa: {  	[sflag:s6] =	ssyncadd.s32 $0xFFFFD800  }
0x2fb: {  	_ =	swait.ge [sflag:s31], $0x2800  }
0x2fc: {  	[sflag:s31] =	ssyncset.done $0x0  }
0x2fd: {  	s5 =	simm.s32 $0x200;
	[sflag:s31] =	ssyncadd.s32 $0xFFFFD800  }
0x2fe: {  	[tilespmem:s25], [sflag:$0x2] =	stream.indirect.gather [hbm4b:s2+s23], $0x80, s5, s23, $0xb8;
	[tilespmem:$0x1D400] =	vst v63  }
0x2ff: {  	s14 =	simm.s32 $0xD80  }
0x300: {  	[spmem:s3] =	stream.indirect.scatter.add.f32 [tilespmem:s28], [sflag:$0x4], $0x80, s14, s23, $0xb8;
	[tilespmem:$0x1D400] =	vst v63  }
0x301: {  	_ =	swait.ge [sflag:s31], $0x2800  }
0x302: {  	[sflag:s31] =	ssyncset.done $0x0  }
0x303: {  	s15 =	simm.s32 $0x280;
	[sflag:s31] =	ssyncadd.s32 $0xFFFFD800  }
0x304: {  	[tilespmem:s28], [sflag:$0x3] =	stream.indirect.gather [hbm4b:s2+s23], $0x80, s15, s23, $0xb8;
	[tilespmem:$0x1D400] =	vst v63  }
0x305: {  	_ =	swait.ge [sflag:s21], $0x2800  }
0x306: {  	[sflag:s21] =	ssyncset.done $0x0  }
0x307: {  	s7 =	simm.s32 $0xE00;
	[sflag:s21] =	ssyncadd.s32 $0xFFFFD800  }
0x308: {  	[spmem:s3] =	stream.indirect.scatter.add.f32 [tilespmem:s20], [sflag:$0x4], $0x80, s7, s23, $0xb8;
	[tilespmem:$0x1D400] =	vst v63  }
0x309: {  	_ =	swait.ge [sflag:s30], $0x2800  }
0x30a: {  	[sflag:s30] =	ssyncset.done $0x0  }
0x30b: {  	[sflag:s30] =	ssyncadd.s32 $0xFFFFD800  }
0x30c: {  	_ =	swait.ge [sflag:s31], $0x2800  }
0x30d: {  	[sflag:s31] =	ssyncset.done $0x0  }
0x30e: {  	s0 =	simm.s32 $0x300;
	[sflag:s31] =	ssyncadd.s32 $0xFFFFD800  }
0x30f: {  	[tilespmem:s20], [sflag:$0x1] =	stream.indirect.gather [hbm4b:s2+s23], $0x80, s0, s23, $0xb8;
	[tilespmem:$0x1D400] =	vst v63  }
0x310: {  	s8 =	simm.s32 $0xE80  }
0x311: {  	[spmem:s3] =	stream.indirect.scatter.add.f32 [tilespmem:s25], [sflag:$0x4], $0x80, s8, s23, $0xb8;
	[tilespmem:$0x1D400] =	vst v63  }
0x312: {  	_ =	swait.ge [sflag:s6], $0x2800  }
0x313: {  	[sflag:s6] =	ssyncset.done $0x0  }
0x314: {  	[sflag:s6] =	ssyncadd.s32 $0xFFFFD800  }
0x315: {  	_ =	swait.ge [sflag:s31], $0x2800  }
0x316: {  	[sflag:s31] =	ssyncset.done $0x0  }
0x317: {  	s1 =	simm.s32 $0x380;
	[sflag:s31] =	ssyncadd.s32 $0xFFFFD800  }
0x318: {  	[tilespmem:s25], [sflag:$0x2] =	stream.indirect.gather [hbm4b:s2+s23], $0x80, s1, s23, $0xb8;
	[tilespmem:$0x1D400] =	vst v63  }
0x319: {  	s9 =	simm.s32 $0xF00  }
0x31a: {  	[spmem:s3] =	stream.indirect.scatter.add.f32 [tilespmem:s28], [sflag:$0x4], $0x80, s9, s23, $0xb8;
	[tilespmem:$0x1D400] =	vst v63  }
0x31b: {  	_ =	swait.ge [sflag:s31], $0x2800  }
0x31c: {  	[sflag:s31] =	ssyncset.done $0x0  }
0x31d: {  	s10 =	simm.s32 $0x400;
	[sflag:s31] =	ssyncadd.s32 $0xFFFFD800  }
0x31e: {  	[tilespmem:s28], [sflag:$0x3] =	stream.indirect.gather [hbm4b:s2+s23], $0x80, s10, s23, $0xb8;
	[tilespmem:$0x1D400] =	vst v63  }
0x31f: {  	_ =	swait.ge [sflag:s21], $0x2800  }
0x320: {  	[sflag:s21] =	ssyncset.done $0x0  }
0x321: {  	s11 =	simm.s32 $0xF80;
	[sflag:s21] =	ssyncadd.s32 $0xFFFFD800  }
0x322: {  	[spmem:s3] =	stream.indirect.scatter.add.f32 [tilespmem:s20], [sflag:$0x4], $0x80, s11, s23, $0xb8;
	[tilespmem:$0x1D400] =	vst v63  }
0x323: {  	_ =	swait.ge [sflag:s30], $0x2800  }
0x324: {  	[sflag:s30] =	ssyncset.done $0x0  }
0x325: {  	[sflag:s30] =	ssyncadd.s32 $0xFFFFD800  }
0x326: {  	_ =	swait.ge [sflag:s31], $0x2800  }
0x327: {  	[sflag:s31] =	ssyncset.done $0x0  }
0x328: {  	s4 =	simm.s32 $0x480;
	[sflag:s31] =	ssyncadd.s32 $0xFFFFD800  }
0x329: {  	[tilespmem:s20], [sflag:$0x1] =	stream.indirect.gather [hbm4b:s2+s23], $0x80, s4, s23, $0xb8;
	[tilespmem:$0x1D400] =	vst v63  }
0x32a: {  	s16 =	simm.s32 $0x1000  }
0x32b: {  	[spmem:s3] =	stream.indirect.scatter.add.f32 [tilespmem:s25], [sflag:$0x4], $0x80, s16, s23, $0xb8;
	[tilespmem:$0x1D400] =	vst v63  }
0x32c: {  	_ =	swait.ge [sflag:s6], $0x2800  }
0x32d: {  	[sflag:s6] =	ssyncset.done $0x0  }
0x32e: {  	[sflag:s6] =	ssyncadd.s32 $0xFFFFD800  }
0x32f: {  	_ =	swait.ge [sflag:s31], $0x2800  }
0x330: {  	[sflag:s31] =	ssyncset.done $0x0  }
0x331: {  	s17 =	simm.s32 $0x500;
	[sflag:s31] =	ssyncadd.s32 $0xFFFFD800  }
0x332: {  	[tilespmem:s25], [sflag:$0x2] =	stream.indirect.gather [hbm4b:s2+s23], $0x80, s17, s23, $0xb8;
	[tilespmem:$0x1D400] =	vst v63  }
0x333: {  	s19 =	simm.s32 $0x1080  }
0x334: {  	[spmem:s3] =	stream.indirect.scatter.add.f32 [tilespmem:s28], [sflag:$0x4], $0x80, s19, s23, $0xb8;
	[tilespmem:$0x1D400] =	vst v63  }
0x335: {  	_ =	swait.ge [sflag:s31], $0x2800  }
0x336: {  	[sflag:s31] =	ssyncset.done $0x0  }
0x337: {  	s24 =	simm.s32 $0x580;
	[sflag:s31] =	ssyncadd.s32 $0xFFFFD800  }
0x338: {  	[tilespmem:s28], [sflag:$0x3] =	stream.indirect.gather [hbm4b:s2+s23], $0x80, s24, s23, $0xb8;
	[tilespmem:$0x1D400] =	vst v63  }
0x339: {  	_ =	swait.ge [sflag:s21], $0x2800  }
0x33a: {  	[sflag:s21] =	ssyncset.done $0x0  }
0x33b: {  	s26 =	simm.s32 $0x1100;
	[sflag:s21] =	ssyncadd.s32 $0xFFFFD800  }
0x33c: {  	[spmem:s3] =	stream.indirect.scatter.add.f32 [tilespmem:s20], [sflag:$0x4], $0x80, s26, s23, $0xb8;
	[tilespmem:$0x1D400] =	vst v63  }
0x33d: {  	_ =	swait.ge [sflag:s30], $0x2800  }
0x33e: {  	[sflag:s30] =	ssyncset.done $0x0  }
0x33f: {  	[sflag:s30] =	ssyncadd.s32 $0xFFFFD800  }
0x340: {  	_ =	swait.ge [sflag:s31], $0x2800  }
0x341: {  	[sflag:s31] =	ssyncset.done $0x0  }
0x342: {  	s15 =	simm.s32 $0x600;
	[sflag:s31] =	ssyncadd.s32 $0xFFFFD800  }
0x343: {  	[tilespmem:s20], [sflag:$0x1] =	stream.indirect.gather [hbm4b:s2+s23], $0x80, s15, s23, $0xb8;
	[tilespmem:$0x1D400] =	vst v63  }
0x344: {  	s16 =	simm.s32 $0x1180  }
0x345: {  	[spmem:s3] =	stream.indirect.scatter.add.f32 [tilespmem:s25], [sflag:$0x4], $0x80, s16, s23, $0xb8;
	[tilespmem:$0x1D400] =	vst v63  }
0x346: {  	_ =	swait.ge [sflag:s6], $0x2800  }
0x347: {  	[sflag:s6] =	ssyncset.done $0x0  }
0x348: {  	[sflag:s6] =	ssyncadd.s32 $0xFFFFD800  }
0x349: {  	_ =	swait.ge [sflag:s31], $0x2800  }
0x34a: {  	[sflag:s31] =	ssyncset.done $0x0  }
0x34b: {  	s17 =	simm.s32 $0x680;
	[sflag:s31] =	ssyncadd.s32 $0xFFFFD800  }
0x34c: {  	[tilespmem:s25], [sflag:$0x2] =	stream.indirect.gather [hbm4b:s2+s23], $0x80, s17, s23, $0xb8;
	[tilespmem:$0x1D400] =	vst v63  }
0x34d: {  	s19 =	simm.s32 $0x1200  }
0x34e: {  	[spmem:s3] =	stream.indirect.scatter.add.f32 [tilespmem:s28], [sflag:$0x4], $0x80, s19, s23, $0xb8;
	[tilespmem:$0x1D400] =	vst v63  }
0x34f: {  	_ =	swait.ge [sflag:s31], $0x2800  }
0x350: {  	[sflag:s31] =	ssyncset.done $0x0  }
0x351: {  	s24 =	simm.s32 $0x700;
	[sflag:s31] =	ssyncadd.s32 $0xFFFFD800  }
0x352: {  	[tilespmem:s28], [sflag:$0x3] =	stream.indirect.gather [hbm4b:s2+s23], $0x80, s24, s23, $0xb8;
	[tilespmem:$0x1D400] =	vst v63  }
0x353: {  	_ =	swait.ge [sflag:s21], $0x2800  }
0x354: {  	[sflag:s21] =	ssyncset.done $0x0  }
0x355: {  	s26 =	simm.s32 $0x1280;
	[sflag:s21] =	ssyncadd.s32 $0xFFFFD800  }
0x356: {  	[spmem:s3] =	stream.indirect.scatter.add.f32 [tilespmem:s20], [sflag:$0x4], $0x80, s26, s23, $0xb8;
	[tilespmem:$0x1D400] =	vst v63  }
0x357: {  	_ =	swait.ge [sflag:s30], $0x2800  }
0x358: {  	[sflag:s30] =	ssyncset.done $0x0  }
0x359: {  	[sflag:s30] =	ssyncadd.s32 $0xFFFFD800  }
0x35a: {  	_ =	swait.ge [sflag:s31], $0x2800  }
0x35b: {  	[sflag:s31] =	ssyncset.done $0x0  }
0x35c: {  	s17 =	simm.s32 $0x780;
	[sflag:s31] =	ssyncadd.s32 $0xFFFFD800  }
0x35d: {  	[tilespmem:s20], [sflag:$0x1] =	stream.indirect.gather [hbm4b:s2+s23], $0x80, s17, s23, $0xb8;
	[tilespmem:$0x1D400] =	vst v63  }
0x35e: {  	s19 =	simm.s32 $0x1300  }
0x35f: {  	[spmem:s3] =	stream.indirect.scatter.add.f32 [tilespmem:s25], [sflag:$0x4], $0x80, s19, s23, $0xb8;
	[tilespmem:$0x1D400] =	vst v63  }
0x360: {  	_ =	swait.ge [sflag:s6], $0x2800  }
0x361: {  	[sflag:s6] =	ssyncset.done $0x0  }
0x362: {  	[sflag:s6] =	ssyncadd.s32 $0xFFFFD800  }
0x363: {  	_ =	swait.ge [sflag:s31], $0x2800  }
0x364: {  	[sflag:s31] =	ssyncset.done $0x0  }
0x365: {  	s24 =	simm.s32 $0x800;
	[sflag:s31] =	ssyncadd.s32 $0xFFFFD800  }
0x366: {  	[tilespmem:s25], [sflag:$0x2] =	stream.indirect.gather [hbm4b:s2+s23], $0x80, s24, s23, $0xb8;
	[tilespmem:$0x1D400] =	vst v63  }
0x367: {  	s26 =	simm.s32 $0x1380  }
0x368: {  	[spmem:s3] =	stream.indirect.scatter.add.f32 [tilespmem:s28], [sflag:$0x4], $0x80, s26, s23, $0xb8;
	[tilespmem:$0x1D400] =	vst v63  }
0x369: {  	_ =	swait.ge [sflag:s31], $0x2800  }
0x36a: {  	[sflag:s31] =	ssyncset.done $0x0  }
0x36b: {  	s24 =	simm.s32 $0x880;
	[sflag:s31] =	ssyncadd.s32 $0xFFFFD800  }
0x36c: {  	[tilespmem:s28], [sflag:$0x3] =	stream.indirect.gather [hbm4b:s2+s23], $0x80, s24, s23, $0xb8;
	[tilespmem:$0x1D400] =	vst v63  }
0x36d: {  	_ =	swait.ge [sflag:s21], $0x2800  }
0x36e: {  	[sflag:s21] =	ssyncset.done $0x0  }
0x36f: {  	s26 =	simm.s32 $0x1400;
	[sflag:s21] =	ssyncadd.s32 $0xFFFFD800  }
0x370: {  	[spmem:s3] =	stream.indirect.scatter.add.f32 [tilespmem:s20], [sflag:$0x4], $0x80, s26, s23, $0xb8;
	[tilespmem:$0x1D400] =	vst v63  }
0x371: {  	_ =	swait.ge [sflag:s30], $0x2800  }
0x372: {  	[sflag:s30] =	ssyncset.done $0x0  }
0x373: {  	[sflag:s30] =	ssyncadd.s32 $0xFFFFD800  }
0x374: {  	_ =	swait.ge [sflag:s31], $0x2800  }
0x375: {  	[sflag:s31] =	ssyncset.done $0x0  }
0x376: {  	s24 =	simm.s32 $0x900;
	[sflag:s31] =	ssyncadd.s32 $0xFFFFD800  }
0x377: {  	[tilespmem:s20], [sflag:$0x1] =	stream.indirect.gather [hbm4b:s2+s23], $0x80, s24, s23, $0xb8;
	[tilespmem:$0x1D400] =	vst v63  }
0x378: {  	s26 =	simm.s32 $0x1480  }
0x379: {  	[spmem:s3] =	stream.indirect.scatter.add.f32 [tilespmem:s25], [sflag:$0x4], $0x80, s26, s23, $0xb8;
	[tilespmem:$0x1D400] =	vst v63  }
0x37a: {  	_ =	swait.ge [sflag:s6], $0x2800  }
0x37b: {  	[sflag:s6] =	ssyncset.done $0x0  }
0x37c: {  	[sflag:s6] =	ssyncadd.s32 $0xFFFFD800  }
0x37d: {  	_ =	swait.ge [sflag:s31], $0x2800  }
0x37e: {  	[sflag:s31] =	ssyncset.done $0x0  }
0x37f: {  	s26 =	simm.s32 $0x980;
	[sflag:s31] =	ssyncadd.s32 $0xFFFFD800  }
0x380: {  	[tilespmem:s25], [sflag:$0x2] =	stream.indirect.gather [hbm4b:s2+s23], $0x80, s26, s23, $0xb8;
	[tilespmem:$0x1D400] =	vst v63  }
0x381: {  	s14 =	simm.s32 $0x1500  }
0x382: {  	[spmem:s3] =	stream.indirect.scatter.add.f32 [tilespmem:s28], [sflag:$0x4], $0x80, s14, s23, $0xb8;
	[tilespmem:$0x1D400] =	vst v63  }
0x383: {  	_ =	swait.ge [sflag:s31], $0x2800  }
0x384: {  	[sflag:s31] =	ssyncset.done $0x0  }
0x385: {  	s14 =	simm.s32 $0xA00;
	[sflag:s31] =	ssyncadd.s32 $0xFFFFD800  }
0x386: {  	[tilespmem:s28], [sflag:$0x3] =	stream.indirect.gather [hbm4b:s2+s23], $0x80, s14, s23, $0xb8;
	[tilespmem:$0x1D400] =	vst v63  }
0x387: {  	_ =	swait.ge [sflag:s21], $0x2800  }
0x388: {  	[sflag:s21] =	ssyncset.done $0x0  }
0x389: {  	s14 =	simm.s32 $0x1580;
	[sflag:s21] =	ssyncadd.s32 $0xFFFFD800  }
0x38a: {  	[spmem:s3] =	stream.indirect.scatter.add.f32 [tilespmem:s20], [sflag:$0x4], $0x80, s14, s23, $0xb8;
	[tilespmem:$0x1D400] =	vst v63  }
0x38b: {  	_ =	swait.ge [sflag:s30], $0x2800  }
0x38c: {  	[sflag:s30] =	ssyncset.done $0x0  }
0x38d: {  	[sflag:s30] =	ssyncadd.s32 $0xFFFFD800  }
0x38e: {  	_ =	swait.ge [sflag:s31], $0x2800  }
0x38f: {  	[sflag:s31] =	ssyncset.done $0x0  }
0x390: {  	s29 =	simm.s32 $0xA80;
	[sflag:s31] =	ssyncadd.s32 $0xFFFFD800  }
0x391: {  	[tilespmem:s20], [sflag:$0x1] =	stream.indirect.gather [hbm4b:s2+s23], $0x80, s29, s23, $0xb8;
	[tilespmem:$0x1D400] =	vst v63  }
0x392: {  	s14 =	simm.s32 $0x1600  }
0x393: {  	[spmem:s3] =	stream.indirect.scatter.add.f32 [tilespmem:s25], [sflag:$0x4], $0x80, s14, s23, $0xb8;
	[tilespmem:$0x1D400] =	vst v63  }
0x394: {  	_ =	swait.ge [sflag:s6], $0x2800  }
0x395: {  	[sflag:s6] =	ssyncset.done $0x0  }
0x396: {  	[sflag:s6] =	ssyncadd.s32 $0xFFFFD800  }
0x397: {  	_ =	swait.ge [sflag:s31], $0x2800  }
0x398: {  	[sflag:s31] =	ssyncset.done $0x0  }
0x399: {  	s14 =	simm.s32 $0xB00;
	[sflag:s31] =	ssyncadd.s32 $0xFFFFD800  }
0x39a: {  	[tilespmem:s25], [sflag:$0x2] =	stream.indirect.gather [hbm4b:s2+s23], $0x80, s14, s23, $0xb8;
	[tilespmem:$0x1D400] =	vst v63  }
0x39b: {  	s14 =	simm.s32 $0x1680  }
0x39c: {  	[spmem:s3] =	stream.indirect.scatter.add.f32 [tilespmem:s28], [sflag:$0x4], $0x80, s14, s23, $0xb8;
	[tilespmem:$0x1D400] =	vst v63  }
0x39d: {  	_ =	swait.ge [sflag:s31], $0x2800  }
0x39e: {  	[sflag:s31] =	ssyncset.done $0x0  }
0x39f: {  	s14 =	simm.s32 $0xB80;
	[sflag:s31] =	ssyncadd.s32 $0xFFFFD800  }
0x3a0: {  	[tilespmem:s28], [sflag:$0x3] =	stream.indirect.gather [hbm4b:s2+s23], $0x80, s14, s23, $0xb8;
	[tilespmem:$0x1D400] =	vst v63  }
0x3a1: {  	_ =	swait.ge [sflag:s21], $0x2800  }
0x3a2: {  	[sflag:s21] =	ssyncset.done $0x0  }
0x3a3: {  	s14 =	simm.s32 $0x1700;
	[sflag:s21] =	ssyncadd.s32 $0xFFFFD800  }
0x3a4: {  	[spmem:s3] =	stream.indirect.scatter.add.f32 [tilespmem:s20], [sflag:$0x4], $0x80, s14, s23, $0xb8;
	[tilespmem:$0x1D400] =	vst v63  }
0x3a5: {  	_ =	swait.ge [sflag:s30], $0x2800  }
0x3a6: {  	[sflag:s30] =	ssyncset.done $0x0  }
0x3a7: {  	[sflag:s30] =	ssyncadd.s32 $0xFFFFD800  }
0x3a8: {  	_ =	swait.ge [sflag:s31], $0x2800  }
0x3a9: {  	[sflag:s31] =	ssyncset.done $0x0  }
0x3aa: {  	s14 =	simm.s32 $0xC00;
	[sflag:s31] =	ssyncadd.s32 $0xFFFFD800  }
0x3ab: {  	[tilespmem:s20], [sflag:$0x1] =	stream.indirect.gather [hbm4b:s2+s23], $0x80, s14, s23, $0xb8;
	[tilespmem:$0x1D400] =	vst v63  }
0x3ac: {  	s14 =	simm.s32 $0x1780  }
0x3ad: {  	[spmem:s3] =	stream.indirect.scatter.add.f32 [tilespmem:s25], [sflag:$0x4], $0x80, s14, s23, $0xb8;
	[tilespmem:$0x1D400] =	vst v63  }
0x3ae: {  	_ =	swait.ge [sflag:s6], $0x2800  }
0x3af: {  	[sflag:s6] =	ssyncset.done $0x0  }
0x3b0: {  	[sflag:s6] =	ssyncadd.s32 $0xFFFFD800  }
0x3b1: {  	_ =	swait.ge [sflag:s31], $0x2800  }
0x3b2: {  	[sflag:s31] =	ssyncset.done $0x0  }
0x3b3: {  	s14 =	simm.s32 $0x1800;
	[sflag:s31] =	ssyncadd.s32 $0xFFFFD800  }
0x3b4: {  	[spmem:s3] =	stream.indirect.scatter.add.f32 [tilespmem:s28], [sflag:$0x4], $0x80, s14, s23, $0xb8;
	[tilespmem:$0x1D400] =	vst v63  }
0x3b5: {  	_ =	swait.ge [sflag:s31], $0x2800  }
0x3b6: {  	[sflag:s31] =	ssyncset.done $0x0  }
0x3b7: {  	[sflag:s31] =	ssyncadd.s32 $0xFFFFD800  }
0x3b8: {  	_ =	swait.ge [sflag:s21], $0x2800  }
0x3b9: {  	[sflag:s21] =	ssyncset.done $0x0  }
0x3ba: {  	s14 =	simm.s32 $0x1880;
	[sflag:s21] =	ssyncadd.s32 $0xFFFFD800  }
0x3bb: {  	[spmem:s3] =	stream.indirect.scatter.add.f32 [tilespmem:s20], [sflag:$0x4], $0x80, s14, s23, $0xb8;
	[tilespmem:$0x1D400] =	vst v63  }
0x3bc: {  	_ =	swait.ge [sflag:s31], $0x2800  }
0x3bd: {  	[sflag:s31] =	ssyncset.done $0x0  }
0x3be: {  	s14 =	rddreg [dreg:$0x10];
	[sflag:s31] =	ssyncadd.s32 $0xFFFFD800  }
0x3bf: {  	[tilespmem:s18], [sflag:$0x5] =	stream.linear.gather [hbm4b:s14+s18], $0x1900, $0x38;
	[tilespmem:$0x1D400] =	vst v63  }
0x3c0: {  	_ =	swait.ge [sflag:s22], $0x1900  }
0x3c1: {  	[sflag:s22] =	ssyncset.done $0x0  }
0x3c2: {  	[sflag:s22] =	ssyncadd.s32 $0xFFFFE700  }
0x3c3: {  	[tilespmem:s20], [sflag:$0x1] =	stream.indirect.gather [hbm4b:s2+s23], $0x80, s18, s23, $0xb8;
	[tilespmem:$0x1D400] =	vst v63  }
0x3c4: {  	s14 =	simm.s32 $0x80  }
0x3c5: {  	[tilespmem:s25], [sflag:$0x2] =	stream.indirect.gather [hbm4b:s2+s23], $0x80, s14, s23, $0xb8;
	[tilespmem:$0x1D400] =	vst v63  }
0x3c6: {  	s14 =	simm.s32 $0x100  }
0x3c7: {  	[tilespmem:s28], [sflag:$0x3] =	stream.indirect.gather [hbm4b:s2+s23], $0x80, s14, s23, $0xb8;
	[tilespmem:$0x1D400] =	vst v63  }
0x3c8: {  	_ =	swait.ge [sflag:s21], $0x2800  }
0x3c9: {  	[sflag:s21] =	ssyncset.done $0x0  }
0x3ca: {  	s14 =	simm.s32 $0xC80;
	[sflag:s21] =	ssyncadd.s32 $0xFFFFD800  }
0x3cb: {  	[spmem:s3] =	stream.indirect.scatter.add.f32 [tilespmem:s20], [sflag:$0x4], $0x80, s14, s23, $0xb8;
	[tilespmem:$0x1D400] =	vst v63  }
0x3cc: {  	_ =	swait.ge [sflag:s30], $0x2800  }
0x3cd: {  	[sflag:s30] =	ssyncset.done $0x0  }
0x3ce: {  	[sflag:s30] =	ssyncadd.s32 $0xFFFFD800  }
0x3cf: {  	_ =	swait.ge [sflag:s31], $0x2800  }
0x3d0: {  	[sflag:s31] =	ssyncset.done $0x0  }
0x3d1: {  	s14 =	simm.s32 $0x180;
	[sflag:s31] =	ssyncadd.s32 $0xFFFFD800  }
0x3d2: {  	[tilespmem:s20], [sflag:$0x1] =	stream.indirect.gather [hbm4b:s2+s23], $0x80, s14, s23, $0xb8;
	[tilespmem:$0x1D400] =	vst v63  }
0x3d3: {  	s14 =	simm.s32 $0xD00  }
0x3d4: {  	[spmem:s3] =	stream.indirect.scatter.add.f32 [tilespmem:s25], [sflag:$0x4], $0x80, s14, s23, $0xb8;
	[tilespmem:$0x1D400] =	vst v63  }
0x3d5: {  	_ =	swait.ge [sflag:s6], $0x2800  }
0x3d6: {  	[sflag:s6] =	ssyncset.done $0x0  }
0x3d7: {  	[sflag:s6] =	ssyncadd.s32 $0xFFFFD800  }
0x3d8: {  	_ =	swait.ge [sflag:s31], $0x2800  }
0x3d9: {  	[sflag:s31] =	ssyncset.done $0x0  }
0x3da: {  	s5 =	simm.s32 $0x200;
	[sflag:s31] =	ssyncadd.s32 $0xFFFFD800  }
0x3db: {  	[tilespmem:s25], [sflag:$0x2] =	stream.indirect.gather [hbm4b:s2+s23], $0x80, s5, s23, $0xb8;
	[tilespmem:$0x1D400] =	vst v63  }
0x3dc: {  	s14 =	simm.s32 $0xD80  }
0x3dd: {  	[spmem:s3] =	stream.indirect.scatter.add.f32 [tilespmem:s28], [sflag:$0x4], $0x80, s14, s23, $0xb8;
	[tilespmem:$0x1D400] =	vst v63  }
0x3de: {  	_ =	swait.ge [sflag:s31], $0x2800  }
0x3df: {  	[sflag:s31] =	ssyncset.done $0x0  }
0x3e0: {  	s14 =	simm.s32 $0x280;
	[sflag:s31] =	ssyncadd.s32 $0xFFFFD800  }
0x3e1: {  	[tilespmem:s28], [sflag:$0x3] =	stream.indirect.gather [hbm4b:s2+s23], $0x80, s14, s23, $0xb8;
	[tilespmem:$0x1D400] =	vst v63  }
0x3e2: {  	_ =	swait.ge [sflag:s21], $0x2800  }
0x3e3: {  	[sflag:s21] =	ssyncset.done $0x0  }
0x3e4: {  	s7 =	simm.s32 $0xE00;
	[sflag:s21] =	ssyncadd.s32 $0xFFFFD800  }
0x3e5: {  	[spmem:s3] =	stream.indirect.scatter.add.f32 [tilespmem:s20], [sflag:$0x4], $0x80, s7, s23, $0xb8;
	[tilespmem:$0x1D400] =	vst v63  }
0x3e6: {  	_ =	swait.ge [sflag:s30], $0x2800  }
0x3e7: {  	[sflag:s30] =	ssyncset.done $0x0  }
0x3e8: {  	[sflag:s30] =	ssyncadd.s32 $0xFFFFD800  }
0x3e9: {  	_ =	swait.ge [sflag:s31], $0x2800  }
0x3ea: {  	[sflag:s31] =	ssyncset.done $0x0  }
0x3eb: {  	s0 =	simm.s32 $0x300;
	[sflag:s31] =	ssyncadd.s32 $0xFFFFD800  }
0x3ec: {  	[tilespmem:s20], [sflag:$0x1] =	stream.indirect.gather [hbm4b:s2+s23], $0x80, s0, s23, $0xb8;
	[tilespmem:$0x1D400] =	vst v63  }
0x3ed: {  	s8 =	simm.s32 $0xE80  }
0x3ee: {  	[spmem:s3] =	stream.indirect.scatter.add.f32 [tilespmem:s25], [sflag:$0x4], $0x80, s8, s23, $0xb8;
	[tilespmem:$0x1D400] =	vst v63  }
0x3ef: {  	_ =	swait.ge [sflag:s6], $0x2800  }
0x3f0: {  	[sflag:s6] =	ssyncset.done $0x0  }
0x3f1: {  	[sflag:s6] =	ssyncadd.s32 $0xFFFFD800  }
0x3f2: {  	_ =	swait.ge [sflag:s31], $0x2800  }
0x3f3: {  	[sflag:s31] =	ssyncset.done $0x0  }
0x3f4: {  	s1 =	simm.s32 $0x380;
	[sflag:s31] =	ssyncadd.s32 $0xFFFFD800  }
0x3f5: {  	[tilespmem:s25], [sflag:$0x2] =	stream.indirect.gather [hbm4b:s2+s23], $0x80, s1, s23, $0xb8;
	[tilespmem:$0x1D400] =	vst v63  }
0x3f6: {  	s9 =	simm.s32 $0xF00  }
0x3f7: {  	[spmem:s3] =	stream.indirect.scatter.add.f32 [tilespmem:s28], [sflag:$0x4], $0x80, s9, s23, $0xb8;
	[tilespmem:$0x1D400] =	vst v63  }
0x3f8: {  	_ =	swait.ge [sflag:s31], $0x2800  }
0x3f9: {  	[sflag:s31] =	ssyncset.done $0x0  }
0x3fa: {  	s10 =	simm.s32 $0x400;
	[sflag:s31] =	ssyncadd.s32 $0xFFFFD800  }
0x3fb: {  	[tilespmem:s28], [sflag:$0x3] =	stream.indirect.gather [hbm4b:s2+s23], $0x80, s10, s23, $0xb8;
	[tilespmem:$0x1D400] =	vst v63  }
0x3fc: {  	_ =	swait.ge [sflag:s21], $0x2800  }
0x3fd: {  	[sflag:s21] =	ssyncset.done $0x0  }
0x3fe: {  	s11 =	simm.s32 $0xF80;
	[sflag:s21] =	ssyncadd.s32 $0xFFFFD800  }
0x3ff: {  	[spmem:s3] =	stream.indirect.scatter.add.f32 [tilespmem:s20], [sflag:$0x4], $0x80, s11, s23, $0xb8;
	[tilespmem:$0x1D400] =	vst v63  }
0x400: {  	_ =	swait.ge [sflag:s30], $0x2800  }
0x401: {  	[sflag:s30] =	ssyncset.done $0x0  }
0x402: {  	[sflag:s30] =	ssyncadd.s32 $0xFFFFD800  }
0x403: {  	_ =	swait.ge [sflag:s31], $0x2800  }
0x404: {  	[sflag:s31] =	ssyncset.done $0x0  }
0x405: {  	s4 =	simm.s32 $0x480;
	[sflag:s31] =	ssyncadd.s32 $0xFFFFD800  }
0x406: {  	[tilespmem:s20], [sflag:$0x1] =	stream.indirect.gather [hbm4b:s2+s23], $0x80, s4, s23, $0xb8;
	[tilespmem:$0x1D400] =	vst v63  }
0x407: {  	s5 =	simm.s32 $0x1000  }
0x408: {  	[spmem:s3] =	stream.indirect.scatter.add.f32 [tilespmem:s25], [sflag:$0x4], $0x80, s5, s23, $0xb8;
	[tilespmem:$0x1D400] =	vst v63  }
0x409: {  	_ =	swait.ge [sflag:s6], $0x2800  }
0x40a: {  	[sflag:s6] =	ssyncset.done $0x0  }
0x40b: {  	[sflag:s6] =	ssyncadd.s32 $0xFFFFD800  }
0x40c: {  	_ =	swait.ge [sflag:s31], $0x2800  }
0x40d: {  	[sflag:s31] =	ssyncset.done $0x0  }
0x40e: {  	s12 =	simm.s32 $0x500;
	[sflag:s31] =	ssyncadd.s32 $0xFFFFD800  }
0x40f: {  	[tilespmem:s25], [sflag:$0x2] =	stream.indirect.gather [hbm4b:s2+s23], $0x80, s12, s23, $0xb8;
	[tilespmem:$0x1D400] =	vst v63  }
0x410: {  	s7 =	simm.s32 $0x1080  }
0x411: {  	[spmem:s3] =	stream.indirect.scatter.add.f32 [tilespmem:s28], [sflag:$0x4], $0x80, s7, s23, $0xb8;
	[tilespmem:$0x1D400] =	vst v63  }
0x412: {  	_ =	swait.ge [sflag:s31], $0x2800  }
0x413: {  	[sflag:s31] =	ssyncset.done $0x0  }
0x414: {  	s8 =	simm.s32 $0x580;
	[sflag:s31] =	ssyncadd.s32 $0xFFFFD800  }
0x415: {  	[tilespmem:s28], [sflag:$0x3] =	stream.indirect.gather [hbm4b:s2+s23], $0x80, s8, s23, $0xb8;
	[tilespmem:$0x1D400] =	vst v63  }
0x416: {  	_ =	swait.ge [sflag:s21], $0x2800  }
0x417: {  	[sflag:s21] =	ssyncset.done $0x0  }
0x418: {  	s9 =	simm.s32 $0x1100;
	[sflag:s21] =	ssyncadd.s32 $0xFFFFD800  }
0x419: {  	[spmem:s3] =	stream.indirect.scatter.add.f32 [tilespmem:s20], [sflag:$0x4], $0x80, s9, s23, $0xb8;
	[tilespmem:$0x1D400] =	vst v63  }
0x41a: {  	_ =	swait.ge [sflag:s30], $0x2800  }
0x41b: {  	[sflag:s30] =	ssyncset.done $0x0  }
0x41c: {  	[sflag:s30] =	ssyncadd.s32 $0xFFFFD800  }
0x41d: {  	_ =	swait.ge [sflag:s31], $0x2800  }
0x41e: {  	[sflag:s31] =	ssyncset.done $0x0  }
0x41f: {  	s15 =	simm.s32 $0x600;
	[sflag:s31] =	ssyncadd.s32 $0xFFFFD800  }
0x420: {  	[tilespmem:s20], [sflag:$0x1] =	stream.indirect.gather [hbm4b:s2+s23], $0x80, s15, s23, $0xb8;
	[tilespmem:$0x1D400] =	vst v63  }
0x421: {  	s10 =	simm.s32 $0x1180  }
0x422: {  	[spmem:s3] =	stream.indirect.scatter.add.f32 [tilespmem:s25], [sflag:$0x4], $0x80, s10, s23, $0xb8;
	[tilespmem:$0x1D400] =	vst v63  }
0x423: {  	_ =	swait.ge [sflag:s6], $0x2800  }
0x424: {  	[sflag:s6] =	ssyncset.done $0x0  }
0x425: {  	[sflag:s6] =	ssyncadd.s32 $0xFFFFD800  }
0x426: {  	_ =	swait.ge [sflag:s31], $0x2800  }
0x427: {  	[sflag:s31] =	ssyncset.done $0x0  }
0x428: {  	s16 =	simm.s32 $0x680;
	[sflag:s31] =	ssyncadd.s32 $0xFFFFD800  }
0x429: {  	[tilespmem:s25], [sflag:$0x2] =	stream.indirect.gather [hbm4b:s2+s23], $0x80, s16, s23, $0xb8;
	[tilespmem:$0x1D400] =	vst v63  }
0x42a: {  	s11 =	simm.s32 $0x1200  }
0x42b: {  	[spmem:s3] =	stream.indirect.scatter.add.f32 [tilespmem:s28], [sflag:$0x4], $0x80, s11, s23, $0xb8;
	[tilespmem:$0x1D400] =	vst v63  }
0x42c: {  	_ =	swait.ge [sflag:s31], $0x2800  }
0x42d: {  	[sflag:s31] =	ssyncset.done $0x0  }
0x42e: {  	s12 =	simm.s32 $0x700;
	[sflag:s31] =	ssyncadd.s32 $0xFFFFD800  }
0x42f: {  	[tilespmem:s28], [sflag:$0x3] =	stream.indirect.gather [hbm4b:s2+s23], $0x80, s12, s23, $0xb8;
	[tilespmem:$0x1D400] =	vst v63  }
0x430: {  	_ =	swait.ge [sflag:s21], $0x2800  }
0x431: {  	[sflag:s21] =	ssyncset.done $0x0  }
0x432: {  	s14 =	simm.s32 $0x1280;
	[sflag:s21] =	ssyncadd.s32 $0xFFFFD800  }
0x433: {  	[spmem:s3] =	stream.indirect.scatter.add.f32 [tilespmem:s20], [sflag:$0x4], $0x80, s14, s23, $0xb8;
	[tilespmem:$0x1D400] =	vst v63  }
0x434: {  	_ =	swait.ge [sflag:s30], $0x2800  }
0x435: {  	[sflag:s30] =	ssyncset.done $0x0  }
0x436: {  	[sflag:s30] =	ssyncadd.s32 $0xFFFFD800  }
0x437: {  	_ =	swait.ge [sflag:s31], $0x2800  }
0x438: {  	[sflag:s31] =	ssyncset.done $0x0  }
0x439: {  	s17 =	simm.s32 $0x780;
	[sflag:s31] =	ssyncadd.s32 $0xFFFFD800  }
0x43a: {  	[tilespmem:s20], [sflag:$0x1] =	stream.indirect.gather [hbm4b:s2+s23], $0x80, s17, s23, $0xb8;
	[tilespmem:$0x1D400] =	vst v63  }
0x43b: {  	s15 =	simm.s32 $0x1300  }
0x43c: {  	[spmem:s3] =	stream.indirect.scatter.add.f32 [tilespmem:s25], [sflag:$0x4], $0x80, s15, s23, $0xb8;
	[tilespmem:$0x1D400] =	vst v63  }
0x43d: {  	_ =	swait.ge [sflag:s6], $0x2800  }
0x43e: {  	[sflag:s6] =	ssyncset.done $0x0  }
0x43f: {  	[sflag:s6] =	ssyncadd.s32 $0xFFFFD800  }
0x440: {  	_ =	swait.ge [sflag:s31], $0x2800  }
0x441: {  	[sflag:s31] =	ssyncset.done $0x0  }
0x442: {  	s19 =	simm.s32 $0x800;
	[sflag:s31] =	ssyncadd.s32 $0xFFFFD800  }
0x443: {  	[tilespmem:s25], [sflag:$0x2] =	stream.indirect.gather [hbm4b:s2+s23], $0x80, s19, s23, $0xb8;
	[tilespmem:$0x1D400] =	vst v63  }
0x444: {  	s16 =	simm.s32 $0x1380  }
0x445: {  	[spmem:s3] =	stream.indirect.scatter.add.f32 [tilespmem:s28], [sflag:$0x4], $0x80, s16, s23, $0xb8;
	[tilespmem:$0x1D400] =	vst v63  }
0x446: {  	_ =	swait.ge [sflag:s31], $0x2800  }
0x447: {  	[sflag:s31] =	ssyncset.done $0x0  }
0x448: {  	s17 =	simm.s32 $0x880;
	[sflag:s31] =	ssyncadd.s32 $0xFFFFD800  }
0x449: {  	[tilespmem:s28], [sflag:$0x3] =	stream.indirect.gather [hbm4b:s2+s23], $0x80, s17, s23, $0xb8;
	[tilespmem:$0x1D400] =	vst v63  }
0x44a: {  	_ =	swait.ge [sflag:s21], $0x2800  }
0x44b: {  	[sflag:s21] =	ssyncset.done $0x0  }
0x44c: {  	s19 =	simm.s32 $0x1400;
	[sflag:s21] =	ssyncadd.s32 $0xFFFFD800  }
0x44d: {  	[spmem:s3] =	stream.indirect.scatter.add.f32 [tilespmem:s20], [sflag:$0x4], $0x80, s19, s23, $0xb8;
	[tilespmem:$0x1D400] =	vst v63  }
0x44e: {  	_ =	swait.ge [sflag:s30], $0x2800  }
0x44f: {  	[sflag:s30] =	ssyncset.done $0x0  }
0x450: {  	[sflag:s30] =	ssyncadd.s32 $0xFFFFD800  }
0x451: {  	_ =	swait.ge [sflag:s31], $0x2800  }
0x452: {  	[sflag:s31] =	ssyncset.done $0x0  }
0x453: {  	s24 =	simm.s32 $0x900;
	[sflag:s31] =	ssyncadd.s32 $0xFFFFD800  }
0x454: {  	[tilespmem:s20], [sflag:$0x1] =	stream.indirect.gather [hbm4b:s2+s23], $0x80, s24, s23, $0xb8;
	[tilespmem:$0x1D400] =	vst v63  }
0x455: {  	s24 =	simm.s32 $0x1480  }
0x456: {  	[spmem:s3] =	stream.indirect.scatter.add.f32 [tilespmem:s25], [sflag:$0x4], $0x80, s24, s23, $0xb8;
	[tilespmem:$0x1D400] =	vst v63  }
0x457: {  	_ =	swait.ge [sflag:s6], $0x2800  }
0x458: {  	[sflag:s6] =	ssyncset.done $0x0  }
0x459: {  	[sflag:s6] =	ssyncadd.s32 $0xFFFFD800  }
0x45a: {  	_ =	swait.ge [sflag:s31], $0x2800  }
0x45b: {  	[sflag:s31] =	ssyncset.done $0x0  }
0x45c: {  	s26 =	simm.s32 $0x980;
	[sflag:s31] =	ssyncadd.s32 $0xFFFFD800  }
0x45d: {  	[tilespmem:s25], [sflag:$0x2] =	stream.indirect.gather [hbm4b:s2+s23], $0x80, s26, s23, $0xb8;
	[tilespmem:$0x1D400] =	vst v63  }
0x45e: {  	s1 =	simm.s32 $0x1500  }
0x45f: {  	[spmem:s3] =	stream.indirect.scatter.add.f32 [tilespmem:s28], [sflag:$0x4], $0x80, s1, s23, $0xb8;
	[tilespmem:$0x1D400] =	vst v63  }
0x460: {  	_ =	swait.ge [sflag:s31], $0x2800  }
0x461: {  	[sflag:s31] =	ssyncset.done $0x0  }
0x462: {  	s4 =	simm.s32 $0xA00;
	[sflag:s31] =	ssyncadd.s32 $0xFFFFD800  }
0x463: {  	[tilespmem:s28], [sflag:$0x3] =	stream.indirect.gather [hbm4b:s2+s23], $0x80, s4, s23, $0xb8;
	[tilespmem:$0x1D400] =	vst v63  }
0x464: {  	_ =	swait.ge [sflag:s21], $0x2800  }
0x465: {  	[sflag:s21] =	ssyncset.done $0x0  }
0x466: {  	s5 =	simm.s32 $0x1580;
	[sflag:s21] =	ssyncadd.s32 $0xFFFFD800  }
0x467: {  	[spmem:s3] =	stream.indirect.scatter.add.f32 [tilespmem:s20], [sflag:$0x4], $0x80, s5, s23, $0xb8;
	[tilespmem:$0x1D400] =	vst v63  }
0x468: {  	_ =	swait.ge [sflag:s30], $0x2800  }
0x469: {  	[sflag:s30] =	ssyncset.done $0x0  }
0x46a: {  	[sflag:s30] =	ssyncadd.s32 $0xFFFFD800  }
0x46b: {  	_ =	swait.ge [sflag:s31], $0x2800  }
0x46c: {  	[sflag:s31] =	ssyncset.done $0x0  }
0x46d: {  	s29 =	simm.s32 $0xA80;
	[sflag:s31] =	ssyncadd.s32 $0xFFFFD800  }
0x46e: {  	[tilespmem:s20], [sflag:$0x1] =	stream.indirect.gather [hbm4b:s2+s23], $0x80, s29, s23, $0xb8;
	[tilespmem:$0x1D400] =	vst v63  }
0x46f: {  	s7 =	simm.s32 $0x1600  }
0x470: {  	[spmem:s3] =	stream.indirect.scatter.add.f32 [tilespmem:s25], [sflag:$0x4], $0x80, s7, s23, $0xb8;
	[tilespmem:$0x1D400] =	vst v63  }
0x471: {  	_ =	swait.ge [sflag:s6], $0x2800  }
0x472: {  	[sflag:s6] =	ssyncset.done $0x0  }
0x473: {  	[sflag:s6] =	ssyncadd.s32 $0xFFFFD800  }
0x474: {  	_ =	swait.ge [sflag:s31], $0x2800  }
0x475: {  	[sflag:s31] =	ssyncset.done $0x0  }
0x476: {  	s8 =	simm.s32 $0xB00;
	[sflag:s31] =	ssyncadd.s32 $0xFFFFD800  }
0x477: {  	[tilespmem:s25], [sflag:$0x2] =	stream.indirect.gather [hbm4b:s2+s23], $0x80, s8, s23, $0xb8;
	[tilespmem:$0x1D400] =	vst v63  }
0x478: {  	s9 =	simm.s32 $0x1680  }
0x479: {  	[spmem:s3] =	stream.indirect.scatter.add.f32 [tilespmem:s28], [sflag:$0x4], $0x80, s9, s23, $0xb8;
	[tilespmem:$0x1D400] =	vst v63  }
0x47a: {  	_ =	swait.ge [sflag:s31], $0x2800  }
0x47b: {  	[sflag:s31] =	ssyncset.done $0x0  }
0x47c: {  	s10 =	simm.s32 $0xB80;
	[sflag:s31] =	ssyncadd.s32 $0xFFFFD800  }
0x47d: {  	[tilespmem:s28], [sflag:$0x3] =	stream.indirect.gather [hbm4b:s2+s23], $0x80, s10, s23, $0xb8;
	[tilespmem:$0x1D400] =	vst v63  }
0x47e: {  	_ =	swait.ge [sflag:s21], $0x2800  }
0x47f: {  	[sflag:s21] =	ssyncset.done $0x0  }
0x480: {  	s11 =	simm.s32 $0x1700;
	[sflag:s21] =	ssyncadd.s32 $0xFFFFD800  }
0x481: {  	[spmem:s3] =	stream.indirect.scatter.add.f32 [tilespmem:s20], [sflag:$0x4], $0x80, s11, s23, $0xb8;
	[tilespmem:$0x1D400] =	vst v63  }
0x482: {  	_ =	swait.ge [sflag:s30], $0x2800  }
0x483: {  	[sflag:s30] =	ssyncset.done $0x0  }
0x484: {  	[sflag:s30] =	ssyncadd.s32 $0xFFFFD800  }
0x485: {  	_ =	swait.ge [sflag:s31], $0x2800  }
0x486: {  	[sflag:s31] =	ssyncset.done $0x0  }
0x487: {  	s12 =	simm.s32 $0xC00;
	[sflag:s31] =	ssyncadd.s32 $0xFFFFD800  }
0x488: {  	[tilespmem:s20], [sflag:$0x1] =	stream.indirect.gather [hbm4b:s2+s23], $0x80, s12, s23, $0xb8;
	[tilespmem:$0x1D400] =	vst v63  }
0x489: {  	s14 =	simm.s32 $0x1780  }
0x48a: {  	[spmem:s3] =	stream.indirect.scatter.add.f32 [tilespmem:s25], [sflag:$0x4], $0x80, s14, s23, $0xb8;
	[tilespmem:$0x1D400] =	vst v63  }
0x48b: {  	_ =	swait.ge [sflag:s6], $0x2800  }
0x48c: {  	[sflag:s6] =	ssyncset.done $0x0  }
0x48d: {  	[sflag:s6] =	ssyncadd.s32 $0xFFFFD800  }
0x48e: {  	_ =	swait.ge [sflag:s31], $0x2800  }
0x48f: {  	[sflag:s31] =	ssyncset.done $0x0  }
0x490: {  	s15 =	simm.s32 $0x1800;
	[sflag:s31] =	ssyncadd.s32 $0xFFFFD800  }
0x491: {  	[spmem:s3] =	stream.indirect.scatter.add.f32 [tilespmem:s28], [sflag:$0x4], $0x80, s15, s23, $0xb8;
	[tilespmem:$0x1D400] =	vst v63  }
0x492: {  	_ =	swait.ge [sflag:s31], $0x2800  }
0x493: {  	[sflag:s31] =	ssyncset.done $0x0  }
0x494: {  	[sflag:s31] =	ssyncadd.s32 $0xFFFFD800  }
0x495: {  	_ =	swait.ge [sflag:s21], $0x2800  }
0x496: {  	[sflag:s21] =	ssyncset.done $0x0  }
0x497: {  	s16 =	simm.s32 $0x1880;
	[sflag:s21] =	ssyncadd.s32 $0xFFFFD800  }
0x498: {  	[spmem:s3] =	stream.indirect.scatter.add.f32 [tilespmem:s20], [sflag:$0x4], $0x80, s16, s23, $0xb8;
	[tilespmem:$0x1D400] =	vst v63  }
0x499: {  	_ =	swait.ge [sflag:s31], $0x2800  }
0x49a: {  	[sflag:s31] =	ssyncset.done $0x0  }
0x49b: {  	[sflag:s31] =	ssyncadd.s32 $0xFFFFD800  }
0x49c: {  	s17 =	stileid.u32;
	[bflag:$0x0] =	sbarrier.arrive $0xFFFF  }
0x49d: {  	s14 =	sshll.u32 s17, $0x6;
	s19 =	rddreg [dreg:$0x4]  }
0x49e: {  	s14 =	sor.u32 $0x1C05, s14;
	s26 =	rddreg [dreg:$0x11];
	s24 =	sshrl.u32 s19, $0x3  }
0x49f: {  	[hbm:s26], [sflag:s14] =	dma.local [spmem:s24], $0x2800  }
0x4a0: {  	_ =	swait.ge [sflag:s22], $0x2800  }
0x4a1: {  	s13 =	sadd.s32 $0x1, s13;
	s29 =	rddreg [dreg:$0x12]  }
0x4a2: {  	p0 =	sne.s32 s13, s29  }
.Ltmp1:
0x4a3: {  	_ = 	snop;
	(pc) =	sbr.rel @p0 .LBB2_1-.Ltmp1, $3  }
0x4a4: {  	_ =	sdelay $0x1  }
0x4a5: {  	[sflag:s22] =	ssyncset.done $0x0  }
0x4a6: {  	[sflag:s22] =	ssyncadd.s32 $0xFFFFD800  }
0x4a7: {  	_ =	sfence.sel $0x180000  }
0x4a8: {  	[bflag:$0x0] =	sbarrier.arrive $0xFFFF  }
0x4a9: {  	_ =	strace $0x9000004A  }
0x4aa: {  	s0 =	stileid.u32;
	[bflag:$0x2] =	sbarrier.arrive $0xFFFF  }
0x4ab: {  	p0 =	sne.s32 s0, $0x0;
	s0 =	rddreg [dreg:$0x3]  }
0x4ac: {  	s0 =	sadd.s32 @!p0 $0x100000, s0  }
0x4ad: {  	[sflag:s0] =	ssyncadd.tile.s32 @!p0 $0x1;
	_ =	shalt  }
.Lfunc_end2:
_tile_overlayer_lowered:
.L_overlay_start_2:
0x4ae: {  	(tag) =	ssettag $0x2  }
0x4af: {  	s0 =	rddreg [dreg:$0x0];
	s2 =	stileid.u32  }
0x4b0: {  	s1 =	rddreg [dreg:$0x1];
	p0 =	sne.s32 s2, $0x0  }
0x4b1: {  	s3 =	rddreg [dreg:$0x2];
	[bflag:$0x3] =	sbarrier.arrive $0xFFFF;
	s2 =	simm.s32 @!p0 $0x1C05  }
0x4b2: {  	[timem:s3], [sflag:s2] =	dma.local @!p0 [hbm:s0], s1  }
0x4b3: {  	s0 =	simm.s32 @!p0 $0x5  }
0x4b4: {  	_ =	swait.ge @!p0 [sflag:s0], s1  }
0x4b5: {  	s1 =	ssub.s32 @!p0 $0x0, s1;
	[sflag:s0] =	ssyncset.done @!p0 $0x0  }
0x4b6: {  	[sflag:s0] =	ssyncadd.s32 @!p0 s1  }
0x4b7: {  	[bflag:$0x3] =	sbarrier.arrive $0xFFFF  }
0x4b8: {  	_ =	shalt  }

// kernel: kernel.8.cloned.1.call-start
scs
__scs_entry_jumppad:
0x0: {  	(pc) =	sbr.rel $0x88, $3  }
0x1: {  	(tag) =	ssettag $0x0;
	lr =	simm.s32 $0x1  }
0x2: {  	[smem:$0x3F99] =	sst lr;
	_ =	strace $0xD0000000  }
0x3: {  	_ = 	snop  }
0x4: {  	_ = 	snop  }
0x5: {  	_ = 	snop  }
0x6: {  	_ = 	snop  }
0x7: {  	_ = 	snop  }
__scs_overlays_trampoline_lowered:
0x8: {  	[smem:$0x3FA8] =	sst s0  }
0x9: {  	[smem:$0x3FA9] =	sst s1  }
0xa: {  	[smem:$0x3FAA] =	sst s2  }
0xb: {  	[smem:$0x3FAB] =	sst s3  }
0xc: {  	[smem:$0x3FAC] =	sst s4  }
0xd: {  	[smem:$0x3FAD] =	sst s5  }
0xe: {  	[smem:$0x3FAE] =	sst s6  }
0xf: {  	[smem:$0x3FAF] =	sst s7  }
0x10: {  	[smem:$0x3FB0] =	sst s8  }
0x11: {  	[smem:$0x3FB1] =	sst s9;
	s0 =	simm.s32 @!p0 $0x0  }
0x12: {  	s1 =	sld [smem:$0x3F97];
	s0 =	simm.s32 @p0 $0x1  }
0x13: {  	[smem:$0x3FB2] =	sst s0;
	s0 =	simm.s32 @!p1 $0x0  }
0x14: {  	s2 =	sld [smem:$0x3F96];
	s0 =	simm.s32 @p1 $0x1  }
0x15: {  	[smem:$0x3FB3] =	sst s0;
	s0 =	simm.s32 @!p2 $0x0  }
0x16: {  	s3 =	sld [smem:$0x3FDB];
	s0 =	simm.s32 @p2 $0x1  }
0x17: {  	s4 =	simm.s32 $0x1BF5;
	[smem:$0x3FB5] =	sst s0  }
0x18: {  	s0 =	sld [smem:$0x3F98];
	_ =	swait.ge [sflag:s4], $0x0  }
0x19: {  	s7 =	sld [smem:$0x3F99]  }
0x1a: {  	s8 =	sadd.s32 $0xFFFFE003, lr  }
0x1b: {  	s9 =	sadd.s32 $0xFFFFFEF7, lr;
	s5 =	simm.s32 $0xFFFFFFFF;
	p2 =	slt.u32 s8, $0xFFFFF086  }
0x1c: {  	p1 =	slt.u32 s9, $0xF7A;
	s5 =	simm.s32 @!p2 $0x0  }
0x1d: {  	s5 =	simm.s32 @p1 $0x1;
	p0 =	seq.s32 s7, s2  }
0x1e: {  	s7 =	smul.u32 @!p0 $0xF7A, s2;
	p2 =	seq.s32 @!p0 s5, $0x0  }
0x1f: {  	s9 =	smul.u32 $0xF7A, s1;
	s8 =	simm.s32 @!p0 $0x1BF5;
	p2 =	por !p2, p0  }
0x20: {  	[sflag:s8] =	ssyncset.s32 @!p0 $0xFFFFF086;
	s6 =	sadd.s32 @!p0 s3, s7;
	s7 =	simm.s32 @!p0 $0x108  }
0x21: {  	s3 =	sadd.s32 s3, s9;
	s6 =	sadd.s32 @!p0 $0x88, s6;
	s7 =	simm.s32 @p2 $0x1082  }
0x22: {  	[simem:s7], [sflag:s8] =	dma.local @!p0 [hbm:s6], $0xF7A  }
0x23: {  	s9 =	sor.u32 $0xD0000000, s2;
	s6 =	simm.s32 $0x108;
	_ =	swait.ge @!p0 [sflag:s8], $0x0  }
0x24: {  	s3 =	sadd.s32 $0x88, s3;
	s6 =	simm.s32 @!p1 $0x1082;
	[sflag:s4] =	ssyncset.s32 $0xFFFFF086  }
0x25: {  	[simem:s6], [sflag:s4] =	dma.local [hbm:s3], $0xF7A  }
0x26: {  	[smem:$0x3F99] =	sst s1;
	(tag) =	ssettag s2;
	_ =	strace s9  }
0x27: {  	s1 =	sld [smem:$0x3FA9]  }
0x28: {  	s2 =	sld [smem:$0x3FAA]  }
0x29: {  	s4 =	sld [smem:$0x3FAC]  }
0x2a: {  	p0 =	seq.s32 s5, $0x0;
	s5 =	sld [smem:$0x3FAD]  }
0x2b: {  	s6 =	sld [smem:$0x3FAE]  }
0x2c: {  	s7 =	sld [smem:$0x3FAF]  }
0x2d: {  	s3 =	simm.s32 $0x108;
	s8 =	sld [smem:$0x3FB0]  }
0x2e: {  	s3 =	simm.s32 @!p0 $0x1082;
	s9 =	sld [smem:$0x3FB1]  }
0x2f: {  	lr =	sadd.s32 s0, s3;
	s0 =	sld [smem:$0x3FA8]  }
0x30: {  	s3 =	sld [smem:$0x3FAB]  }
0x31: {  	[smem:$0x3FB4] =	sst s10  }
0x32: {  	s10 =	sld [smem:$0x3FB2];
	_ =	sdelay $0x3  }
0x33: {  	p0 =	seq.s32 s10, $0x1;
	s10 =	sld [smem:$0x3FB4];
	_ =	sdelay $0x3  }
0x34: {  	[smem:$0x3FB4] =	sst s10  }
0x35: {  	s10 =	sld [smem:$0x3FB3];
	_ =	sdelay $0x3  }
0x36: {  	p1 =	seq.s32 s10, $0x1;
	s10 =	sld [smem:$0x3FB4];
	_ =	sdelay $0x3  }
0x37: {  	[smem:$0x3FB4] =	sst s10  }
0x38: {  	s10 =	sld [smem:$0x3FB5]  }
0x39: {  	_ = 	snop;
	(pc) =	sbr.ind lr, $3  }
0x3a: {  	_ = 	snop  }
0x3b: {  	_ = 	snop  }
0x3c: {  	p2 =	seq.s32 s10, $0x1;
	s10 =	sld [smem:$0x3FB4]  }
0x3d: {  	_ =	shalt  }
0x3e: {  	_ =	shalt  }
0x3f: {  	_ =	shalt  }
0x40: {  	_ =	shalt  }
0x41: {  	_ =	shalt  }
0x42: {  	_ =	shalt  }
0x43: {  	_ =	shalt  }
0x44: {  	_ =	shalt  }
0x45: {  	_ =	shalt  }
0x46: {  	_ =	shalt  }
0x47: {  	_ =	shalt  }
0x48: {  	_ =	shalt  }
0x49: {  	_ =	shalt  }
0x4a: {  	_ =	shalt  }
0x4b: {  	_ =	shalt  }
0x4c: {  	_ =	shalt  }
0x4d: {  	_ =	shalt  }
0x4e: {  	_ =	shalt  }
0x4f: {  	_ =	shalt  }
0x50: {  	_ =	shalt  }
0x51: {  	_ =	shalt  }
0x52: {  	_ =	shalt  }
0x53: {  	_ =	shalt  }
0x54: {  	_ =	shalt  }
0x55: {  	_ =	shalt  }
0x56: {  	_ =	shalt  }
0x57: {  	_ =	shalt  }
0x58: {  	_ =	shalt  }
0x59: {  	_ =	shalt  }
0x5a: {  	_ =	shalt  }
0x5b: {  	_ =	shalt  }
0x5c: {  	_ =	shalt  }
0x5d: {  	_ =	shalt  }
0x5e: {  	_ =	shalt  }
0x5f: {  	_ =	shalt  }
0x60: {  	_ =	shalt  }
0x61: {  	_ =	shalt  }
0x62: {  	_ =	shalt  }
0x63: {  	_ =	shalt  }
0x64: {  	_ =	shalt  }
0x65: {  	_ =	shalt  }
0x66: {  	_ =	shalt  }
0x67: {  	_ =	shalt  }
0x68: {  	_ =	shalt  }
0x69: {  	_ =	shalt  }
0x6a: {  	_ =	shalt  }
0x6b: {  	_ =	shalt  }
0x6c: {  	_ =	shalt  }
0x6d: {  	_ =	shalt  }
0x6e: {  	_ =	shalt  }
0x6f: {  	_ =	shalt  }
0x70: {  	_ =	shalt  }
0x71: {  	_ =	shalt  }
0x72: {  	_ =	shalt  }
0x73: {  	_ =	shalt  }
0x74: {  	_ =	shalt  }
0x75: {  	_ =	shalt  }
0x76: {  	_ =	shalt  }
0x77: {  	_ =	shalt  }
0x78: {  	_ =	shalt  }
0x79: {  	_ =	shalt  }
0x7a: {  	_ =	shalt  }
0x7b: {  	_ =	shalt  }
0x7c: {  	_ =	shalt  }
0x7d: {  	_ =	shalt  }
0x7e: {  	_ =	shalt  }
0x7f: {  	_ =	shalt  }
0x80: {  	_ =	shalt  }
0x81: {  	_ =	shalt  }
0x82: {  	_ =	shalt  }
0x83: {  	_ =	shalt  }
0x84: {  	_ =	shalt  }
0x85: {  	_ =	shalt  }
0x86: {  	_ =	shalt  }
0x87: {  	_ =	shalt  }
.Lfunc_end0:
.L_simem_size_0:
called_computation_lowered:
.L_overlay_start_0:
0x88: {  	s2 =	sld [smem:$0x3FD9]  }
0x89: {  	s3 =	sld [smem:$0x3FFE];
	_ =	sdelay $0x1  }
0x8a: {  	s1 =	srdreg.scid  }
0x8b: {  	s0 =	sand.u32 $0x1, s1  }
0x8c: {  	s17 =	sshll.u32 s0, $0xA;
	s2 =	sadd.s32 s3, s2  }
0x8d: {  	s2 =	sadd.s32 s2, s17  }
0x8e: {  	[smem:$0x3FC0] =	sst s2  }
0x8f: {  	_ = 	snop  }
0x90: {  	s2 =	sld [smem:$0x3FC9]  }
0x91: {  	s18 =	sld [smem:$0x3FD0];
	(tm) =	ssettm $0x1  }
0x92: {  	s4 =	sld [smem:$0x3FFB];
	_ =	sdelay $0x3  }
0x93: {  	_ =	strace s4  }
0x94: {  	s4 =	sld [smem:$0x3FFC];
	_ =	sdelay $0x3  }
0x95: {  	_ =	strace s4  }
0x96: {  	s4 =	sld [smem:$0x3FFD];
	_ =	sdelay $0x3  }
0x97: {  	_ =	strace s4  }
0x98: {  	_ =	strace $0x8FFFFFFF  }
0x99: {  	s19 =	sld [smem:$0x3FDB];
	_ =	sdelay $0x1  }
0x9a: {  	s5 =	simm.s32 $_scs_section_size  }
0x9b: {  	s6 =	simm.s32 $_size__tile_overlayer_lowered;
	s7 =	simm.s32 $_tile_overlayer_lowered  }
0x9c: {  	s22 =	simm.s32 $0x1BFF;
	s21 =	sshll.u32 s7, $0x1;
	s4 =	sadd.s32 s5, s19  }
0x9d: {  	s8 =	simm.s32 $0x0;
	s20 =	sshll.u32 s6, $0x1;
	s6 =	sadd.s32 s21, s4  }
0x9e: {  	[timem:s8], [sflag:s22] =	dma.local [hbm:s6], s20  }
0x9f: {  	_ =	swait.ge [sflag:s22], s20  }
0xa0: {  	s5 =	ssub.s32 $0x0, s20;
	[sflag:s22] =	ssyncset.done $0x0  }
0xa1: {  	[sflag:s22] =	ssyncadd.s32 s5;
	_ =	sdelay $0x1  }
0xa2: {  	s23 =	simm.s32 $0x1B8B  }
0xa3: {  	_ =	swait.ge [sflag:s23], $0x1  }
0xa4: {  	[sflag:s23] =	ssyncset.done $0x0  }
0xa5: {  	s25 =	simm.s32 $0x1B8E;
	s24 =	sld [smem:$0x3FFE];
	[sflag:s23] =	ssyncadd.s32 $0xFFFFFFFF  }
0xa6: {  	s26 =	simm.s32 $execute0_lowered;
	[smem:$0x3FD2] =	sst s25  }
0xa7: {  	s6 =	sshll.u32 s26, $0x1;
	_ =	strace $0x80000046;
	[dreg:$0x1] =	wrdreg $0xFFFFFFFF  }
0xa8: {  	s28 =	simm.s32 $_size_execute0_lowered;
	s4 =	sadd.s32 s4, s6;
	[dreg:$0x0] =	wrdreg $0x0  }
0xa9: {  	s6 =	sshll.u32 s28, $0x1;
	[dreg:$0x2] =	wrdreg s4  }
0xaa: {  	[dreg:$0x3] =	wrdreg s6  }
0xab: {  	[dreg:$0x4] =	wrdreg $0xC0  }
0xac: {  	_ =	task [dreg:s8], $0x5FFFF  }
0xad: {  	[dreg:$0x1] =	wrdreg $0xFFFFFFFF  }
0xae: {  	[dreg:$0x0] =	wrdreg $0x60  }
0xaf: {  	[dreg:$0x2] =	wrdreg s2  }
0xb0: {  	[dreg:$0x3] =	wrdreg s24  }
0xb1: {  	[dreg:$0x4] =	wrdreg s18  }
0xb2: {  	[dreg:$0x5] =	wrdreg $0xBC000  }
0xb3: {  	[dreg:$0x6] =	wrdreg $0x9  }
0xb4: {  	_ =	task.clear_ibuf [dreg:s8], $0x7FFFF;
	_ =	strace $0x90000046  }
0xb5: {  	s29 =	simm.s32 $0x9;
	_ =	strace $0x80000048  }
0xb6: {  	_ =	swait.ge [sflag:s29], $0x1  }
0xb7: {  	[sflag:s29] =	ssyncadd.s32 $0xFFFFFFFF  }
0xb8: {  	_ =	strace $0x90000048  }
0xb9: {  	_ =	sfence  }
0xba: {  	s30 =	sld [smem:$0x0];
	_ =	sdelay $0x2  }
0xbb: {  	s31 =	sshll.u32 s1, $0xD;
	s1 =	sshrl.u32 s1, $0x2  }
0xbc: {  	s3 =	sand.u32 $0x4000, s31;
	s1 =	sadd.s32 s1, s30  }
0xbd: {  	s0 =	sor.u32 s3, s0;
	s1 =	sshll.u32 s1, $0x11  }
0xbe: {  	s0 =	sor.u32 s1, s0  }
0xbf: {  	s0 =	sadd.s32 $0x8F2B, s0  }
0xc0: {  	[sflag:s0] =	ssyncadd.remote.s32 $0x1  }
0xc1: {  	_ =	sfence.sel $0xFFFF  }
0xc2: {  	[dreg:$0x0] =	wrdreg $0xFFFFFFFF;
	(pc) =	sbr.abs _section_cstart, $3  }
0xc3: {  	[dreg:$0x1] =	wrdreg $0xFFFFFFFF  }
0xc4: {  	_ =	task.clear_ibuf [dreg:s8], $0x2FFFF;
	_ =	strace $0x9FFFFFFF  }
0xc5: {  	(tm) =	ssettm $0x7FFFFFFF  }
tec
execute0_lowered:
.L_overlay_start_1:
0x0: {  	(tag) =	ssettag $0x1  }
0x1: {  	s1 =	rddreg [dreg:$0x0];
	s0 =	srdreg.scid  }
0x2: {  	s12 =	stileid.u32;
	s2 =	rddreg [dreg:$0x1]  }
0x3: {  	s6 =	rddreg [dreg:$0x2];
	s4 =	simm.s32 $0x0;
	s28 =	simm.s32 $0x9400  }
0x4: {  	s29 =	simm.s32 $0x1C00;
	s30 =	simm.s32 $0x2;
	s31 =	simm.s32 $0x4  }
0x5: {  	s0 =	sand.u32 $0x1, s0;
	s3 =	sshll.u32 s12, $0x1;
	s9 =	smul.u32 $0x14000, s12  }
0x6: {  	[smem:$0x7FF] =	sst s4;
	s10 =	smul.u32 $0x50000, s12;
	s23 =	sshrl.u32 s12, $0x2  }
0x7: {  	s7 =	sor.u32 s0, s3;
	s3 =	rddreg [dreg:$0x3];
	s8 =	smul.u32 $0x140000, s0  }
0x8: {  	_ =	strace $0x80000047;
	s0 =	ssub.s32 $0x2, s0;
	s5 =	smul.u32 $0x8C00, s7  }
0x9: {  	s16 =	sshrl.u32 s0, $0x1;
	s17 =	sshrl.u32 s10, $0x2;
	s7 =	sshll.u32 s7, $0x7  }
0xa: {  	s10 =	simm.s32 $0x1880;
	s15 =	sadd.s32 s9, s8;
	s0 =	ssub.s32 s0, s16  }
0xb: {  	s8 =	smul.u32 $0x14000, s23;
	s7 =	sand.u32 $0x380, s7;
	s5 =	sshrl.u32 s5, $0x3  }
0xc: {  	s23 =	simm.s32 $0x5;
	s11 =	sadd.s32 s5, s2;
	s5 =	sshrl.u32 s15, $0x3  }
0xd: {  	s7 =	sor.u32 s8, s7;
	s2 =	sadd.s32 s5, s2;
	s25 =	sadd.s32 $0x2A00, s11  }
0xe: {  	s5 =	sadd.s32 s17, s3;
	s26 =	sadd.s32 $0x2D80, s11;
	[dreg:$0xc] =	wrdreg s25  }
0xf: {  	s8 =	simm.s32 $0x1780;
	s18 =	sadd.s32 $0x2800, s5;
	[dreg:$0xd] =	wrdreg s26  }
0x10: {  	s15 =	sadd.s32 $0x3100, s11;
	s19 =	sadd.s32 $0x5000, s5;
	[dreg:$0x5] =	wrdreg s18  }
0x11: {  	s16 =	sadd.s32 $0x3480, s11;
	s20 =	sadd.s32 $0x7800, s5;
	[dreg:$0x6] =	wrdreg s19  }
0x12: {  	s17 =	sadd.s32 $0x3800, s11;
	s21 =	sadd.s32 $0xA000, s5;
	[dreg:$0x7] =	wrdreg s20  }
0x13: {  	s7 =	sshrl.u32 s7, $0x3;
	s22 =	sadd.s32 $0xC800, s5;
	[dreg:$0x8] =	wrdreg s21  }
0x14: {  	s9 =	sadd.s32 $0xF000, s5;
	s24 =	sadd.s32 $0x11800, s5;
	[dreg:$0x9] =	wrdreg s22  }
0x15: {  	s25 =	simm.s32 $0x80;
	s26 =	simm.s32 $0x6C00;
	[dreg:$0xa] =	wrdreg s9  }
0x16: {  	[dreg:$0xb] =	wrdreg s24;
	s18 =	sadd.s32 $0x25A00, s2;
	s19 =	sadd.s32 s6, s7  }
0x17: {  	s20 =	smax.u32 s0, $0x1;
	s21 =	simm.s32 $0x4400;
	s22 =	simm.s32 $0x1  }
0x18: {  	s24 =	simm.s32 $0x50;
	s2 =	simm.s32 $0x3;
	s0 =	simm.s32 $0xB80  }
0x19: {  	v0 =	vimm.f32 $0.0e+00;
	v1 =	vimm.f32 $1.000000000e+00;
	s6 =	simm.s32 $0x1700;
	s7 =	simm.s32 $0xC00;
	s9 =	simm.s32 $0x1800  }
.LBB2_1:
0x1a: {  	s11 =	simm.s32 $0x0  }
.LBB2_2:
0x1b: {  	p0 =	sne.s32 s11, $0x9FC0  }
.Ltmp0:
0x1c: {  	_ = 	snop;
	(pc) =	sbr.rel @p0 .LBB2_2-.Ltmp0, $3  }
0x1d: {  	_ =	sdelay $0x1  }
0x1e: {  	s12 =	sshra.s32 s11, $0x2  }
0x1f: {  	s11 =	sadd.s32 $0x40, s11;
	[tilespmem:s12+$0x1C00] =	vst v0  }
0x20: {  	s11 =	simm.s32 $0x0  }
0x21: {  	s12 =	sand.u32 $0xFE00, s11  }
0x22: {  	s13 =	sand.u32 $0x70, s11;
	s14 =	sshrl.u32 s12, $0x2  }
0x23: {  	s12 =	simm.s32 $0x40;
	s13 =	sor.u32 s13, s14  }
.LBB2_4:
0x24: {  	p0 =	sne.s32 s12, $0x9FC0  }
0x25: {  	[tilespmem:s13+$0x4400] =	vst v0;
	s11 =	sadd.s32 $0x10, s11;
	s13 =	smov.u32 s12;
	s12 =	sadd.s32 $0x40, s12  }
.Ltmp1:
0x26: {  	(pc) =	sbr.rel @p0 .LBB2_4-.Ltmp1, $4  }
0x27: {  	_ = 	snop  }
0x28: {  	s13 =	sand.u32 $0xFE00, s13  }
0x29: {  	s14 =	sand.u32 $0x70, s11;
	s13 =	sshrl.u32 s13, $0x2  }
0x2a: {  	s13 =	sor.u32 s14, s13  }
0x2b: {  	[tilespmem:s13+$0x4400] =	vst v0  }
0x2c: {  	[spmem:s5] =	stream.linear.scatter [tilespmem:s21], [sflag:$0x1], $0x2800, $0x38;
	[tilespmem:$0x1FC00] =	vst v63  }
0x2d: {  	s11 =	rddreg [dreg:$0x5]  }
0x2e: {  	[spmem:s11] =	stream.linear.scatter [tilespmem:s21], [sflag:$0x1], $0x2800, $0x38;
	[tilespmem:$0x1FC00] =	vst v63  }
0x2f: {  	s12 =	rddreg [dreg:$0x6]  }
0x30: {  	[spmem:s12] =	stream.linear.scatter [tilespmem:s21], [sflag:$0x1], $0x2800, $0x38;
	[tilespmem:$0x1FC00] =	vst v63  }
0x31: {  	s13 =	rddreg [dreg:$0x7]  }
0x32: {  	[spmem:s13] =	stream.linear.scatter [tilespmem:s21], [sflag:$0x1], $0x2800, $0x38;
	[tilespmem:$0x1FC00] =	vst v63  }
0x33: {  	s14 =	rddreg [dreg:$0x8]  }
0x34: {  	[spmem:s14] =	stream.linear.scatter [tilespmem:s21], [sflag:$0x1], $0x2800, $0x38;
	[tilespmem:$0x1FC00] =	vst v63  }
0x35: {  	s12 =	rddreg [dreg:$0x9]  }
0x36: {  	[spmem:s12] =	stream.linear.scatter [tilespmem:s21], [sflag:$0x1], $0x2800, $0x38;
	[tilespmem:$0x1FC00] =	vst v63  }
0x37: {  	s13 =	rddreg [dreg:$0xa]  }
0x38: {  	[spmem:s13] =	stream.linear.scatter [tilespmem:s21], [sflag:$0x1], $0x2800, $0x38;
	[tilespmem:$0x1FC00] =	vst v63  }
0x39: {  	s14 =	rddreg [dreg:$0xb]  }
0x3a: {  	[spmem:s14] =	stream.linear.scatter [tilespmem:s21], [sflag:$0x1], $0x2800, $0x38;
	[tilespmem:$0x1FC00] =	vst v63  }
0x3b: {  	_ =	swait.ge [sflag:s22], $0x2800  }
0x3c: {  	[sflag:s22] =	ssyncset.done $0x0  }
0x3d: {  	[sflag:s22] =	ssyncadd.s32 $0xFFFFD800  }
0x3e: {  	_ =	swait.ge [sflag:s22], $0x2800  }
0x3f: {  	[sflag:s22] =	ssyncset.done $0x0  }
0x40: {  	[sflag:s22] =	ssyncadd.s32 $0xFFFFD800  }
0x41: {  	_ =	swait.ge [sflag:s22], $0x2800  }
0x42: {  	[sflag:s22] =	ssyncset.done $0x0  }
0x43: {  	[sflag:s22] =	ssyncadd.s32 $0xFFFFD800  }
0x44: {  	_ =	swait.ge [sflag:s22], $0x2800  }
0x45: {  	[sflag:s22] =	ssyncset.done $0x0  }
0x46: {  	[sflag:s22] =	ssyncadd.s32 $0xFFFFD800  }
0x47: {  	_ =	swait.ge [sflag:s22], $0x2800  }
0x48: {  	[sflag:s22] =	ssyncset.done $0x0  }
0x49: {  	[sflag:s22] =	ssyncadd.s32 $0xFFFFD800  }
0x4a: {  	_ =	swait.ge [sflag:s22], $0x2800  }
0x4b: {  	[sflag:s22] =	ssyncset.done $0x0  }
0x4c: {  	[sflag:s22] =	ssyncadd.s32 $0xFFFFD800  }
0x4d: {  	_ =	swait.ge [sflag:s22], $0x2800  }
0x4e: {  	[sflag:s22] =	ssyncset.done $0x0  }
0x4f: {  	[sflag:s22] =	ssyncadd.s32 $0xFFFFD800  }
0x50: {  	_ =	swait.ge [sflag:s22], $0x2800  }
0x51: {  	[sflag:s22] =	ssyncset.done $0x0  }
0x52: {  	[sflag:s22] =	ssyncadd.s32 $0xFFFFD800  }
0x53: {  	[bflag:$0x0] =	sbarrier.arrive $0xFFFF  }
0x54: {  	s11 =	simm.s32 $0x0;
	s12 =	rddreg [dreg:$0xc]  }
0x55: {  	[tilespmem:s11], [sflag:$0x5] =	stream.linear.gather [hbm4b:s12+s11], $0x1900, $0x38;
	[tilespmem:$0x1FC00] =	vst v63  }
0x56: {  	_ =	swait.ge [sflag:s23], $0x1900  }
0x57: {  	[sflag:s23] =	ssyncset.done $0x0  }
0x58: {  	[sflag:s23] =	ssyncadd.s32 $0xFFFFE700  }
0x59: {  	[tilespmem:s21], [sflag:$0x1] =	stream.indirect.gather [hbm4b:s1+s24], $0x80, s11, s24, $0xb8;
	[tilespmem:$0x1FC00] =	vst v63  }
0x5a: {  	_ = 	snop  }
0x5b: {  	[tilespmem:s26], [sflag:$0x2] =	stream.indirect.gather [hbm4b:s1+s24], $0x80, s25, s24, $0xb8;
	[tilespmem:$0x1FC00] =	vst v63  }
.LBB2_6:
0x5c: {  	s12 =	sshra.s32 s11, $0x2  }
0x5d: {  	s13 =	sadd.s32 $0x100, s12  }
0x5e: {  	[tilespmem:s28], [sflag:$0x3] =	stream.indirect.gather [hbm4b:s1+s24], $0x80, s13, s24, $0xb8;
	[tilespmem:$0x1FC00] =	vst v63  }
0x5f: {  	_ =	swait.ge [sflag:s22], $0x2800  }
0x60: {  	[sflag:s22] =	ssyncset.done $0x0  }
0x61: {  	s14 =	sadd.s32 $0xC80, s12;
	[sflag:s22] =	ssyncadd.s32 $0xFFFFD800  }
0x62: {  	[spmem:s3] =	stream.indirect.scatter.add.f32 [tilespmem:s21], [sflag:$0x4], $0x80, s14, s24, $0xb8;
	[tilespmem:$0x1FC00] =	vst v63  }
0x63: {  	v2 =	vld [tilespmem:s12+$0xC80];
	_ =	sdelay $0x7  }
0x64: {  	[tilespmem:v2+s29+$0x0] =	vst.idx.add.f32.msk $0xffff, v1  }
0x65: {  	v2 =	vld [tilespmem:s12+$0xC90];
	_ =	sdelay $0x7  }
0x66: {  	[tilespmem:v2+s29+$0x0] =	vst.idx.add.f32.msk $0xffff, v1  }
0x67: {  	v2 =	vld [tilespmem:s12+$0xCA0];
	_ =	sdelay $0x7  }
0x68: {  	[tilespmem:v2+s29+$0x0] =	vst.idx.add.f32.msk $0xffff, v1  }
0x69: {  	v2 =	vld [tilespmem:s12+$0xCB0];
	_ =	sdelay $0x7  }
0x6a: {  	[tilespmem:v2+s29+$0x0] =	vst.idx.add.f32.msk $0xffff, v1  }
0x6b: {  	v2 =	vld [tilespmem:s12+$0xCC0];
	_ =	sdelay $0x7  }
0x6c: {  	[tilespmem:v2+s29+$0x0] =	vst.idx.add.f32.msk $0xffff, v1  }
0x6d: {  	_ =	swait.ge [sflag:s30], $0x2800  }
0x6e: {  	[sflag:s30] =	ssyncset.done $0x0  }
0x6f: {  	[sflag:s30] =	ssyncadd.s32 $0xFFFFD800  }
0x70: {  	_ =	swait.ge [sflag:s31], $0x2800  }
0x71: {  	[sflag:s31] =	ssyncset.done $0x0  }
0x72: {  	s14 =	sadd.s32 $0x180, s12;
	[sflag:s31] =	ssyncadd.s32 $0xFFFFD800  }
0x73: {  	[tilespmem:s21], [sflag:$0x1] =	stream.indirect.gather [hbm4b:s1+s24], $0x80, s14, s24, $0xb8;
	[tilespmem:$0x1FC00] =	vst v63  }
0x74: {  	s14 =	sadd.s32 $0xD00, s12  }
0x75: {  	[spmem:s3] =	stream.indirect.scatter.add.f32 [tilespmem:s26], [sflag:$0x4], $0x80, s14, s24, $0xb8;
	[tilespmem:$0x1FC00] =	vst v63  }
0x76: {  	v2 =	vld [tilespmem:s12+$0xD00];
	_ =	sdelay $0x7  }
0x77: {  	[tilespmem:v2+s29+$0x0] =	vst.idx.add.f32.msk $0xffff, v1  }
0x78: {  	v2 =	vld [tilespmem:s12+$0xD10];
	_ =	sdelay $0x7  }
0x79: {  	[tilespmem:v2+s29+$0x0] =	vst.idx.add.f32.msk $0xffff, v1  }
0x7a: {  	v2 =	vld [tilespmem:s12+$0xD20];
	_ =	sdelay $0x7  }
0x7b: {  	[tilespmem:v2+s29+$0x0] =	vst.idx.add.f32.msk $0xffff, v1  }
0x7c: {  	v2 =	vld [tilespmem:s12+$0xD30];
	_ =	sdelay $0x7  }
0x7d: {  	[tilespmem:v2+s29+$0x0] =	vst.idx.add.f32.msk $0xffff, v1  }
0x7e: {  	v2 =	vld [tilespmem:s12+$0xD40];
	_ =	sdelay $0x7  }
0x7f: {  	[tilespmem:v2+s29+$0x0] =	vst.idx.add.f32.msk $0xffff, v1  }
0x80: {  	_ =	swait.ge [sflag:s2], $0x2800  }
0x81: {  	[sflag:s2] =	ssyncset.done $0x0  }
0x82: {  	[sflag:s2] =	ssyncadd.s32 $0xFFFFD800  }
0x83: {  	_ =	swait.ge [sflag:s31], $0x2800  }
0x84: {  	[sflag:s31] =	ssyncset.done $0x0  }
0x85: {  	s14 =	sadd.s32 $0x200, s12;
	[sflag:s31] =	ssyncadd.s32 $0xFFFFD800  }
0x86: {  	[tilespmem:s26], [sflag:$0x2] =	stream.indirect.gather [hbm4b:s1+s24], $0x80, s14, s24, $0xb8;
	[tilespmem:$0x1FC00] =	vst v63  }
0x87: {  	s14 =	sadd.s32 $0xD80, s12  }
0x88: {  	[spmem:s3] =	stream.indirect.scatter.add.f32 [tilespmem:s28], [sflag:$0x4], $0x80, s14, s24, $0xb8;
	[tilespmem:$0x1FC00] =	vst v63  }
0x89: {  	v2 =	vld [tilespmem:s12+$0xD80];
	_ =	sdelay $0x7  }
0x8a: {  	[tilespmem:v2+s29+$0x0] =	vst.idx.add.f32.msk $0xffff, v1  }
0x8b: {  	v2 =	vld [tilespmem:s12+$0xD90];
	_ =	sdelay $0x7  }
0x8c: {  	[tilespmem:v2+s29+$0x0] =	vst.idx.add.f32.msk $0xffff, v1  }
0x8d: {  	v2 =	vld [tilespmem:s12+$0xDA0];
	_ =	sdelay $0x7  }
0x8e: {  	[tilespmem:v2+s29+$0x0] =	vst.idx.add.f32.msk $0xffff, v1  }
0x8f: {  	v2 =	vld [tilespmem:s12+$0xDB0];
	_ =	sdelay $0x7  }
0x90: {  	[tilespmem:v2+s29+$0x0] =	vst.idx.add.f32.msk $0xffff, v1  }
0x91: {  	v2 =	vld [tilespmem:s12+$0xDC0];
	_ =	sdelay $0x5  }
0x92: {  	p0 =	sne.s32 s11, $0x2400  }
.Ltmp2:
0x93: {  	_ = 	snop;
	(pc) =	sbr.rel @p0 .LBB2_6-.Ltmp2, $4  }
0x94: {  	[tilespmem:v2+s29+$0x0] =	vst.idx.add.f32.msk $0xffff, v1  }
0x95: {  	_ =	swait.ge [sflag:s31], $0x2800  }
0x96: {  	[sflag:s31] =	ssyncset.done $0x0  }
0x97: {  	s11 =	sadd.s32 $0x600, s11;
	[sflag:s31] =	ssyncadd.s32 $0xFFFFD800  }
0x98: {  	[tilespmem:s28], [sflag:$0x3] =	stream.indirect.gather [hbm4b:s1+s24], $0x80, s0, s24, $0xb8;
	[tilespmem:$0x1FC00] =	vst v63  }
0x99: {  	_ =	swait.ge [sflag:s22], $0x2800  }
0x9a: {  	[sflag:s22] =	ssyncset.done $0x0  }
0x9b: {  	[sflag:s22] =	ssyncadd.s32 $0xFFFFD800  }
0x9c: {  	[spmem:s3] =	stream.indirect.scatter.add.f32 [tilespmem:s21], [sflag:$0x4], $0x80, s6, s24, $0xb8;
	[tilespmem:$0x1FC00] =	vst v63  }
0x9d: {  	v2 =	vld [tilespmem:$0x1700];
	_ =	sdelay $0x7  }
0x9e: {  	[tilespmem:v2+s29+$0x0] =	vst.idx.add.f32.msk $0xffff, v1  }
0x9f: {  	v2 =	vld [tilespmem:$0x1710];
	_ =	sdelay $0x7  }
0xa0: {  	[tilespmem:v2+s29+$0x0] =	vst.idx.add.f32.msk $0xffff, v1  }
0xa1: {  	v2 =	vld [tilespmem:$0x1720];
	_ =	sdelay $0x7  }
0xa2: {  	[tilespmem:v2+s29+$0x0] =	vst.idx.add.f32.msk $0xffff, v1  }
0xa3: {  	v2 =	vld [tilespmem:$0x1730];
	_ =	sdelay $0x7  }
0xa4: {  	[tilespmem:v2+s29+$0x0] =	vst.idx.add.f32.msk $0xffff, v1  }
0xa5: {  	v2 =	vld [tilespmem:$0x1740];
	_ =	sdelay $0x7  }
0xa6: {  	[tilespmem:v2+s29+$0x0] =	vst.idx.add.f32.msk $0xffff, v1  }
0xa7: {  	_ =	swait.ge [sflag:s30], $0x2800  }
0xa8: {  	[sflag:s30] =	ssyncset.done $0x0  }
0xa9: {  	[sflag:s30] =	ssyncadd.s32 $0xFFFFD800  }
0xaa: {  	_ =	swait.ge [sflag:s31], $0x2800  }
0xab: {  	[sflag:s31] =	ssyncset.done $0x0  }
0xac: {  	[sflag:s31] =	ssyncadd.s32 $0xFFFFD800  }
0xad: {  	[tilespmem:s21], [sflag:$0x1] =	stream.indirect.gather [hbm4b:s1+s24], $0x80, s7, s24, $0xb8;
	[tilespmem:$0x1FC00] =	vst v63  }
0xae: {  	_ = 	snop  }
0xaf: {  	[spmem:s3] =	stream.indirect.scatter.add.f32 [tilespmem:s26], [sflag:$0x4], $0x80, s8, s24, $0xb8;
	[tilespmem:$0x1FC00] =	vst v63  }
0xb0: {  	v2 =	vld [tilespmem:$0x1780];
	_ =	sdelay $0x7  }
0xb1: {  	[tilespmem:v2+s29+$0x0] =	vst.idx.add.f32.msk $0xffff, v1  }
0xb2: {  	v2 =	vld [tilespmem:$0x1790];
	_ =	sdelay $0x7  }
0xb3: {  	[tilespmem:v2+s29+$0x0] =	vst.idx.add.f32.msk $0xffff, v1  }
0xb4: {  	v2 =	vld [tilespmem:$0x17A0];
	_ =	sdelay $0x7  }
0xb5: {  	[tilespmem:v2+s29+$0x0] =	vst.idx.add.f32.msk $0xffff, v1  }
0xb6: {  	v2 =	vld [tilespmem:$0x17B0];
	_ =	sdelay $0x7  }
0xb7: {  	[tilespmem:v2+s29+$0x0] =	vst.idx.add.f32.msk $0xffff, v1  }
0xb8: {  	v2 =	vld [tilespmem:$0x17C0];
	_ =	sdelay $0x7  }
0xb9: {  	[tilespmem:v2+s29+$0x0] =	vst.idx.add.f32.msk $0xffff, v1  }
0xba: {  	_ =	swait.ge [sflag:s2], $0x2800  }
0xbb: {  	[sflag:s2] =	ssyncset.done $0x0  }
0xbc: {  	[sflag:s2] =	ssyncadd.s32 $0xFFFFD800  }
0xbd: {  	_ =	swait.ge [sflag:s31], $0x2800  }
0xbe: {  	[sflag:s31] =	ssyncset.done $0x0  }
0xbf: {  	[sflag:s31] =	ssyncadd.s32 $0xFFFFD800  }
0xc0: {  	[spmem:s3] =	stream.indirect.scatter.add.f32 [tilespmem:s28], [sflag:$0x4], $0x80, s9, s24, $0xb8;
	[tilespmem:$0x1FC00] =	vst v63  }
0xc1: {  	v2 =	vld [tilespmem:$0x1800];
	_ =	sdelay $0x7  }
0xc2: {  	[tilespmem:v2+s29+$0x0] =	vst.idx.add.f32.msk $0xffff, v1  }
0xc3: {  	v2 =	vld [tilespmem:$0x1810];
	_ =	sdelay $0x7  }
0xc4: {  	[tilespmem:v2+s29+$0x0] =	vst.idx.add.f32.msk $0xffff, v1  }
0xc5: {  	v2 =	vld [tilespmem:$0x1820];
	_ =	sdelay $0x7  }
0xc6: {  	[tilespmem:v2+s29+$0x0] =	vst.idx.add.f32.msk $0xffff, v1  }
0xc7: {  	v2 =	vld [tilespmem:$0x1830];
	_ =	sdelay $0x7  }
0xc8: {  	[tilespmem:v2+s29+$0x0] =	vst.idx.add.f32.msk $0xffff, v1  }
0xc9: {  	v2 =	vld [tilespmem:$0x1840];
	_ =	sdelay $0x7  }
0xca: {  	[tilespmem:v2+s29+$0x0] =	vst.idx.add.f32.msk $0xffff, v1  }
0xcb: {  	_ =	swait.ge [sflag:s31], $0x2800  }
0xcc: {  	[sflag:s31] =	ssyncset.done $0x0  }
0xcd: {  	[sflag:s31] =	ssyncadd.s32 $0xFFFFD800  }
0xce: {  	_ =	swait.ge [sflag:s22], $0x2800  }
0xcf: {  	[sflag:s22] =	ssyncset.done $0x0  }
0xd0: {  	[sflag:s22] =	ssyncadd.s32 $0xFFFFD800  }
0xd1: {  	[spmem:s3] =	stream.indirect.scatter.add.f32 [tilespmem:s21], [sflag:$0x4], $0x80, s10, s24, $0xb8;
	[tilespmem:$0x1FC00] =	vst v63  }
0xd2: {  	v2 =	vld [tilespmem:$0x1880];
	_ =	sdelay $0x7  }
0xd3: {  	[tilespmem:v2+s29+$0x0] =	vst.idx.add.f32.msk $0xffff, v1  }
0xd4: {  	v2 =	vld [tilespmem:$0x1890];
	_ =	sdelay $0x7  }
0xd5: {  	[tilespmem:v2+s29+$0x0] =	vst.idx.add.f32.msk $0xffff, v1  }
0xd6: {  	v2 =	vld [tilespmem:$0x18A0];
	_ =	sdelay $0x7  }
0xd7: {  	[tilespmem:v2+s29+$0x0] =	vst.idx.add.f32.msk $0xffff, v1  }
0xd8: {  	v2 =	vld [tilespmem:$0x18B0];
	_ =	sdelay $0x7  }
0xd9: {  	[tilespmem:v2+s29+$0x0] =	vst.idx.add.f32.msk $0xffff, v1  }
0xda: {  	v2 =	vld [tilespmem:$0x18C0];
	_ =	sdelay $0x7  }
0xdb: {  	[tilespmem:v2+s29+$0x0] =	vst.idx.add.f32.msk $0xffff, v1  }
0xdc: {  	_ =	swait.ge [sflag:s31], $0x2800  }
0xdd: {  	[sflag:s31] =	ssyncset.done $0x0  }
0xde: {  	s11 =	simm.s32 $0x0;
	s12 =	rddreg [dreg:$0xd];
	[sflag:s31] =	ssyncadd.s32 $0xFFFFD800  }
0xdf: {  	[tilespmem:s11], [sflag:$0x5] =	stream.linear.gather [hbm4b:s12+s11], $0x1900, $0x38;
	[tilespmem:$0x1FC00] =	vst v63  }
0xe0: {  	_ =	swait.ge [sflag:s23], $0x1900  }
0xe1: {  	[sflag:s23] =	ssyncset.done $0x0  }
0xe2: {  	[sflag:s23] =	ssyncadd.s32 $0xFFFFE700  }
0xe3: {  	[tilespmem:s21], [sflag:$0x1] =	stream.indirect.gather [hbm4b:s1+s24], $0x80, s11, s24, $0xb8;
	[tilespmem:$0x1FC00] =	vst v63  }
0xe4: {  	_ = 	snop  }
0xe5: {  	[tilespmem:s26], [sflag:$0x2] =	stream.indirect.gather [hbm4b:s1+s24], $0x80, s25, s24, $0xb8;
	[tilespmem:$0x1FC00] =	vst v63  }
.LBB2_8:
0xe6: {  	s12 =	sshra.s32 s11, $0x2  }
0xe7: {  	s13 =	sadd.s32 $0x100, s12  }
0xe8: {  	[tilespmem:s28], [sflag:$0x3] =	stream.indirect.gather [hbm4b:s1+s24], $0x80, s13, s24, $0xb8;
	[tilespmem:$0x1FC00] =	vst v63  }
0xe9: {  	_ =	swait.ge [sflag:s22], $0x2800  }
0xea: {  	[sflag:s22] =	ssyncset.done $0x0  }
0xeb: {  	s14 =	sadd.s32 $0xC80, s12;
	[sflag:s22] =	ssyncadd.s32 $0xFFFFD800  }
0xec: {  	[spmem:s3] =	stream.indirect.scatter.add.f32 [tilespmem:s21], [sflag:$0x4], $0x80, s14, s24, $0xb8;
	[tilespmem:$0x1FC00] =	vst v63  }
0xed: {  	v2 =	vld [tilespmem:s12+$0xC80];
	_ =	sdelay $0x7  }
0xee: {  	[tilespmem:v2+s29+$0x0] =	vst.idx.add.f32.msk $0xffff, v1  }
0xef: {  	v2 =	vld [tilespmem:s12+$0xC90];
	_ =	sdelay $0x7  }
0xf0: {  	[tilespmem:v2+s29+$0x0] =	vst.idx.add.f32.msk $0xffff, v1  }
0xf1: {  	v2 =	vld [tilespmem:s12+$0xCA0];
	_ =	sdelay $0x7  }
0xf2: {  	[tilespmem:v2+s29+$0x0] =	vst.idx.add.f32.msk $0xffff, v1  }
0xf3: {  	v2 =	vld [tilespmem:s12+$0xCB0];
	_ =	sdelay $0x7  }
0xf4: {  	[tilespmem:v2+s29+$0x0] =	vst.idx.add.f32.msk $0xffff, v1  }
0xf5: {  	v2 =	vld [tilespmem:s12+$0xCC0];
	_ =	sdelay $0x7  }
0xf6: {  	[tilespmem:v2+s29+$0x0] =	vst.idx.add.f32.msk $0xffff, v1  }
0xf7: {  	_ =	swait.ge [sflag:s30], $0x2800  }
0xf8: {  	[sflag:s30] =	ssyncset.done $0x0  }
0xf9: {  	[sflag:s30] =	ssyncadd.s32 $0xFFFFD800  }
0xfa: {  	_ =	swait.ge [sflag:s31], $0x2800  }
0xfb: {  	[sflag:s31] =	ssyncset.done $0x0  }
0xfc: {  	s14 =	sadd.s32 $0x180, s12;
	[sflag:s31] =	ssyncadd.s32 $0xFFFFD800  }
0xfd: {  	[tilespmem:s21], [sflag:$0x1] =	stream.indirect.gather [hbm4b:s1+s24], $0x80, s14, s24, $0xb8;
	[tilespmem:$0x1FC00] =	vst v63  }
0xfe: {  	s14 =	sadd.s32 $0xD00, s12  }
0xff: {  	[spmem:s3] =	stream.indirect.scatter.add.f32 [tilespmem:s26], [sflag:$0x4], $0x80, s14, s24, $0xb8;
	[tilespmem:$0x1FC00] =	vst v63  }
0x100: {  	v2 =	vld [tilespmem:s12+$0xD00];
	_ =	sdelay $0x7  }
0x101: {  	[tilespmem:v2+s29+$0x0] =	vst.idx.add.f32.msk $0xffff, v1  }
0x102: {  	v2 =	vld [tilespmem:s12+$0xD10];
	_ =	sdelay $0x7  }
0x103: {  	[tilespmem:v2+s29+$0x0] =	vst.idx.add.f32.msk $0xffff, v1  }
0x104: {  	v2 =	vld [tilespmem:s12+$0xD20];
	_ =	sdelay $0x7  }
0x105: {  	[tilespmem:v2+s29+$0x0] =	vst.idx.add.f32.msk $0xffff, v1  }
0x106: {  	v2 =	vld [tilespmem:s12+$0xD30];
	_ =	sdelay $0x7  }
0x107: {  	[tilespmem:v2+s29+$0x0] =	vst.idx.add.f32.msk $0xffff, v1  }
0x108: {  	v2 =	vld [tilespmem:s12+$0xD40];
	_ =	sdelay $0x7  }
0x109: {  	[tilespmem:v2+s29+$0x0] =	vst.idx.add.f32.msk $0xffff, v1  }
0x10a: {  	_ =	swait.ge [sflag:s2], $0x2800  }
0x10b: {  	[sflag:s2] =	ssyncset.done $0x0  }
0x10c: {  	[sflag:s2] =	ssyncadd.s32 $0xFFFFD800  }
0x10d: {  	_ =	swait.ge [sflag:s31], $0x2800  }
0x10e: {  	[sflag:s31] =	ssyncset.done $0x0  }
0x10f: {  	s14 =	sadd.s32 $0x200, s12;
	[sflag:s31] =	ssyncadd.s32 $0xFFFFD800  }
0x110: {  	[tilespmem:s26], [sflag:$0x2] =	stream.indirect.gather [hbm4b:s1+s24], $0x80, s14, s24, $0xb8;
	[tilespmem:$0x1FC00] =	vst v63  }
0x111: {  	s14 =	sadd.s32 $0xD80, s12  }
0x112: {  	[spmem:s3] =	stream.indirect.scatter.add.f32 [tilespmem:s28], [sflag:$0x4], $0x80, s14, s24, $0xb8;
	[tilespmem:$0x1FC00] =	vst v63  }
0x113: {  	v2 =	vld [tilespmem:s12+$0xD80];
	_ =	sdelay $0x7  }
0x114: {  	[tilespmem:v2+s29+$0x0] =	vst.idx.add.f32.msk $0xffff, v1  }
0x115: {  	v2 =	vld [tilespmem:s12+$0xD90];
	_ =	sdelay $0x7  }
0x116: {  	[tilespmem:v2+s29+$0x0] =	vst.idx.add.f32.msk $0xffff, v1  }
0x117: {  	v2 =	vld [tilespmem:s12+$0xDA0];
	_ =	sdelay $0x7  }
0x118: {  	[tilespmem:v2+s29+$0x0] =	vst.idx.add.f32.msk $0xffff, v1  }
0x119: {  	v2 =	vld [tilespmem:s12+$0xDB0];
	_ =	sdelay $0x7  }
0x11a: {  	[tilespmem:v2+s29+$0x0] =	vst.idx.add.f32.msk $0xffff, v1  }
0x11b: {  	v2 =	vld [tilespmem:s12+$0xDC0];
	_ =	sdelay $0x5  }
0x11c: {  	p0 =	sne.s32 s11, $0x2400  }
.Ltmp3:
0x11d: {  	_ = 	snop;
	(pc) =	sbr.rel @p0 .LBB2_8-.Ltmp3, $4  }
0x11e: {  	[tilespmem:v2+s29+$0x0] =	vst.idx.add.f32.msk $0xffff, v1  }
0x11f: {  	_ =	swait.ge [sflag:s31], $0x2800  }
0x120: {  	[sflag:s31] =	ssyncset.done $0x0  }
0x121: {  	s11 =	sadd.s32 $0x600, s11;
	[sflag:s31] =	ssyncadd.s32 $0xFFFFD800  }
0x122: {  	[tilespmem:s28], [sflag:$0x3] =	stream.indirect.gather [hbm4b:s1+s24], $0x80, s0, s24, $0xb8;
	[tilespmem:$0x1FC00] =	vst v63  }
0x123: {  	_ =	swait.ge [sflag:s22], $0x2800  }
0x124: {  	[sflag:s22] =	ssyncset.done $0x0  }
0x125: {  	[sflag:s22] =	ssyncadd.s32 $0xFFFFD800  }
0x126: {  	[spmem:s3] =	stream.indirect.scatter.add.f32 [tilespmem:s21], [sflag:$0x4], $0x80, s6, s24, $0xb8;
	[tilespmem:$0x1FC00] =	vst v63  }
0x127: {  	v2 =	vld [tilespmem:$0x1700];
	_ =	sdelay $0x7  }
0x128: {  	[tilespmem:v2+s29+$0x0] =	vst.idx.add.f32.msk $0xffff, v1  }
0x129: {  	v2 =	vld [tilespmem:$0x1710];
	_ =	sdelay $0x7  }
0x12a: {  	[tilespmem:v2+s29+$0x0] =	vst.idx.add.f32.msk $0xffff, v1  }
0x12b: {  	v2 =	vld [tilespmem:$0x1720];
	_ =	sdelay $0x7  }
0x12c: {  	[tilespmem:v2+s29+$0x0] =	vst.idx.add.f32.msk $0xffff, v1  }
0x12d: {  	v2 =	vld [tilespmem:$0x1730];
	_ =	sdelay $0x7  }
0x12e: {  	[tilespmem:v2+s29+$0x0] =	vst.idx.add.f32.msk $0xffff, v1  }
0x12f: {  	v2 =	vld [tilespmem:$0x1740];
	_ =	sdelay $0x7  }
0x130: {  	[tilespmem:v2+s29+$0x0] =	vst.idx.add.f32.msk $0xffff, v1  }
0x131: {  	_ =	swait.ge [sflag:s30], $0x2800  }
0x132: {  	[sflag:s30] =	ssyncset.done $0x0  }
0x133: {  	[sflag:s30] =	ssyncadd.s32 $0xFFFFD800  }
0x134: {  	_ =	swait.ge [sflag:s31], $0x2800  }
0x135: {  	[sflag:s31] =	ssyncset.done $0x0  }
0x136: {  	[sflag:s31] =	ssyncadd.s32 $0xFFFFD800  }
0x137: {  	[tilespmem:s21], [sflag:$0x1] =	stream.indirect.gather [hbm4b:s1+s24], $0x80, s7, s24, $0xb8;
	[tilespmem:$0x1FC00] =	vst v63  }
0x138: {  	_ = 	snop  }
0x139: {  	[spmem:s3] =	stream.indirect.scatter.add.f32 [tilespmem:s26], [sflag:$0x4], $0x80, s8, s24, $0xb8;
	[tilespmem:$0x1FC00] =	vst v63  }
0x13a: {  	v2 =	vld [tilespmem:$0x1780];
	_ =	sdelay $0x7  }
0x13b: {  	[tilespmem:v2+s29+$0x0] =	vst.idx.add.f32.msk $0xffff, v1  }
0x13c: {  	v2 =	vld [tilespmem:$0x1790];
	_ =	sdelay $0x7  }
0x13d: {  	[tilespmem:v2+s29+$0x0] =	vst.idx.add.f32.msk $0xffff, v1  }
0x13e: {  	v2 =	vld [tilespmem:$0x17A0];
	_ =	sdelay $0x7  }
0x13f: {  	[tilespmem:v2+s29+$0x0] =	vst.idx.add.f32.msk $0xffff, v1  }
0x140: {  	v2 =	vld [tilespmem:$0x17B0];
	_ =	sdelay $0x7  }
0x141: {  	[tilespmem:v2+s29+$0x0] =	vst.idx.add.f32.msk $0xffff, v1  }
0x142: {  	v2 =	vld [tilespmem:$0x17C0];
	_ =	sdelay $0x7  }
0x143: {  	[tilespmem:v2+s29+$0x0] =	vst.idx.add.f32.msk $0xffff, v1  }
0x144: {  	_ =	swait.ge [sflag:s2], $0x2800  }
0x145: {  	[sflag:s2] =	ssyncset.done $0x0  }
0x146: {  	[sflag:s2] =	ssyncadd.s32 $0xFFFFD800  }
0x147: {  	_ =	swait.ge [sflag:s31], $0x2800  }
0x148: {  	[sflag:s31] =	ssyncset.done $0x0  }
0x149: {  	[sflag:s31] =	ssyncadd.s32 $0xFFFFD800  }
0x14a: {  	[spmem:s3] =	stream.indirect.scatter.add.f32 [tilespmem:s28], [sflag:$0x4], $0x80, s9, s24, $0xb8;
	[tilespmem:$0x1FC00] =	vst v63  }
0x14b: {  	v2 =	vld [tilespmem:$0x1800];
	_ =	sdelay $0x7  }
0x14c: {  	[tilespmem:v2+s29+$0x0] =	vst.idx.add.f32.msk $0xffff, v1  }
0x14d: {  	v2 =	vld [tilespmem:$0x1810];
	_ =	sdelay $0x7  }
0x14e: {  	[tilespmem:v2+s29+$0x0] =	vst.idx.add.f32.msk $0xffff, v1  }
0x14f: {  	v2 =	vld [tilespmem:$0x1820];
	_ =	sdelay $0x7  }
0x150: {  	[tilespmem:v2+s29+$0x0] =	vst.idx.add.f32.msk $0xffff, v1  }
0x151: {  	v2 =	vld [tilespmem:$0x1830];
	_ =	sdelay $0x7  }
0x152: {  	[tilespmem:v2+s29+$0x0] =	vst.idx.add.f32.msk $0xffff, v1  }
0x153: {  	v2 =	vld [tilespmem:$0x1840];
	_ =	sdelay $0x7  }
0x154: {  	[tilespmem:v2+s29+$0x0] =	vst.idx.add.f32.msk $0xffff, v1  }
0x155: {  	_ =	swait.ge [sflag:s31], $0x2800  }
0x156: {  	[sflag:s31] =	ssyncset.done $0x0  }
0x157: {  	[sflag:s31] =	ssyncadd.s32 $0xFFFFD800  }
0x158: {  	_ =	swait.ge [sflag:s22], $0x2800  }
0x159: {  	[sflag:s22] =	ssyncset.done $0x0  }
0x15a: {  	[sflag:s22] =	ssyncadd.s32 $0xFFFFD800  }
0x15b: {  	[spmem:s3] =	stream.indirect.scatter.add.f32 [tilespmem:s21], [sflag:$0x4], $0x80, s10, s24, $0xb8;
	[tilespmem:$0x1FC00] =	vst v63  }
0x15c: {  	v2 =	vld [tilespmem:$0x1880];
	_ =	sdelay $0x7  }
0x15d: {  	[tilespmem:v2+s29+$0x0] =	vst.idx.add.f32.msk $0xffff, v1  }
0x15e: {  	v2 =	vld [tilespmem:$0x1890];
	_ =	sdelay $0x7  }
0x15f: {  	[tilespmem:v2+s29+$0x0] =	vst.idx.add.f32.msk $0xffff, v1  }
0x160: {  	v2 =	vld [tilespmem:$0x18A0];
	_ =	sdelay $0x7  }
0x161: {  	[tilespmem:v2+s29+$0x0] =	vst.idx.add.f32.msk $0xffff, v1  }
0x162: {  	v2 =	vld [tilespmem:$0x18B0];
	_ =	sdelay $0x7  }
0x163: {  	[tilespmem:v2+s29+$0x0] =	vst.idx.add.f32.msk $0xffff, v1  }
0x164: {  	v2 =	vld [tilespmem:$0x18C0];
	_ =	sdelay $0x7  }
0x165: {  	[tilespmem:v2+s29+$0x0] =	vst.idx.add.f32.msk $0xffff, v1  }
0x166: {  	_ =	swait.ge [sflag:s31], $0x2800  }
0x167: {  	[sflag:s31] =	ssyncset.done $0x0  }
0x168: {  	s11 =	simm.s32 $0x0;
	[sflag:s31] =	ssyncadd.s32 $0xFFFFD800  }
0x169: {  	[tilespmem:s11], [sflag:$0x5] =	stream.linear.gather [hbm4b:s15+s11], $0x1900, $0x38;
	[tilespmem:$0x1FC00] =	vst v63  }
0x16a: {  	_ =	swait.ge [sflag:s23], $0x1900  }
0x16b: {  	[sflag:s23] =	ssyncset.done $0x0  }
0x16c: {  	[sflag:s23] =	ssyncadd.s32 $0xFFFFE700  }
0x16d: {  	[tilespmem:s21], [sflag:$0x1] =	stream.indirect.gather [hbm4b:s1+s24], $0x80, s11, s24, $0xb8;
	[tilespmem:$0x1FC00] =	vst v63  }
0x16e: {  	_ = 	snop  }
0x16f: {  	[tilespmem:s26], [sflag:$0x2] =	stream.indirect.gather [hbm4b:s1+s24], $0x80, s25, s24, $0xb8;
	[tilespmem:$0x1FC00] =	vst v63  }
.LBB2_10:
0x170: {  	s12 =	sshra.s32 s11, $0x2  }
0x171: {  	s13 =	sadd.s32 $0x100, s12  }
0x172: {  	[tilespmem:s28], [sflag:$0x3] =	stream.indirect.gather [hbm4b:s1+s24], $0x80, s13, s24, $0xb8;
	[tilespmem:$0x1FC00] =	vst v63  }
0x173: {  	_ =	swait.ge [sflag:s22], $0x2800  }
0x174: {  	[sflag:s22] =	ssyncset.done $0x0  }
0x175: {  	s14 =	sadd.s32 $0xC80, s12;
	[sflag:s22] =	ssyncadd.s32 $0xFFFFD800  }
0x176: {  	[spmem:s3] =	stream.indirect.scatter.add.f32 [tilespmem:s21], [sflag:$0x4], $0x80, s14, s24, $0xb8;
	[tilespmem:$0x1FC00] =	vst v63  }
0x177: {  	v2 =	vld [tilespmem:s12+$0xC80];
	_ =	sdelay $0x7  }
0x178: {  	[tilespmem:v2+s29+$0x0] =	vst.idx.add.f32.msk $0xffff, v1  }
0x179: {  	v2 =	vld [tilespmem:s12+$0xC90];
	_ =	sdelay $0x7  }
0x17a: {  	[tilespmem:v2+s29+$0x0] =	vst.idx.add.f32.msk $0xffff, v1  }
0x17b: {  	v2 =	vld [tilespmem:s12+$0xCA0];
	_ =	sdelay $0x7  }
0x17c: {  	[tilespmem:v2+s29+$0x0] =	vst.idx.add.f32.msk $0xffff, v1  }
0x17d: {  	v2 =	vld [tilespmem:s12+$0xCB0];
	_ =	sdelay $0x7  }
0x17e: {  	[tilespmem:v2+s29+$0x0] =	vst.idx.add.f32.msk $0xffff, v1  }
0x17f: {  	v2 =	vld [tilespmem:s12+$0xCC0];
	_ =	sdelay $0x7  }
0x180: {  	[tilespmem:v2+s29+$0x0] =	vst.idx.add.f32.msk $0xffff, v1  }
0x181: {  	_ =	swait.ge [sflag:s30], $0x2800  }
0x182: {  	[sflag:s30] =	ssyncset.done $0x0  }
0x183: {  	[sflag:s30] =	ssyncadd.s32 $0xFFFFD800  }
0x184: {  	_ =	swait.ge [sflag:s31], $0x2800  }
0x185: {  	[sflag:s31] =	ssyncset.done $0x0  }
0x186: {  	s14 =	sadd.s32 $0x180, s12;
	[sflag:s31] =	ssyncadd.s32 $0xFFFFD800  }
0x187: {  	[tilespmem:s21], [sflag:$0x1] =	stream.indirect.gather [hbm4b:s1+s24], $0x80, s14, s24, $0xb8;
	[tilespmem:$0x1FC00] =	vst v63  }
0x188: {  	s14 =	sadd.s32 $0xD00, s12  }
0x189: {  	[spmem:s3] =	stream.indirect.scatter.add.f32 [tilespmem:s26], [sflag:$0x4], $0x80, s14, s24, $0xb8;
	[tilespmem:$0x1FC00] =	vst v63  }
0x18a: {  	v2 =	vld [tilespmem:s12+$0xD00];
	_ =	sdelay $0x7  }
0x18b: {  	[tilespmem:v2+s29+$0x0] =	vst.idx.add.f32.msk $0xffff, v1  }
0x18c: {  	v2 =	vld [tilespmem:s12+$0xD10];
	_ =	sdelay $0x7  }
0x18d: {  	[tilespmem:v2+s29+$0x0] =	vst.idx.add.f32.msk $0xffff, v1  }
0x18e: {  	v2 =	vld [tilespmem:s12+$0xD20];
	_ =	sdelay $0x7  }
0x18f: {  	[tilespmem:v2+s29+$0x0] =	vst.idx.add.f32.msk $0xffff, v1  }
0x190: {  	v2 =	vld [tilespmem:s12+$0xD30];
	_ =	sdelay $0x7  }
0x191: {  	[tilespmem:v2+s29+$0x0] =	vst.idx.add.f32.msk $0xffff, v1  }
0x192: {  	v2 =	vld [tilespmem:s12+$0xD40];
	_ =	sdelay $0x7  }
0x193: {  	[tilespmem:v2+s29+$0x0] =	vst.idx.add.f32.msk $0xffff, v1  }
0x194: {  	_ =	swait.ge [sflag:s2], $0x2800  }
0x195: {  	[sflag:s2] =	ssyncset.done $0x0  }
0x196: {  	[sflag:s2] =	ssyncadd.s32 $0xFFFFD800  }
0x197: {  	_ =	swait.ge [sflag:s31], $0x2800  }
0x198: {  	[sflag:s31] =	ssyncset.done $0x0  }
0x199: {  	s14 =	sadd.s32 $0x200, s12;
	[sflag:s31] =	ssyncadd.s32 $0xFFFFD800  }
0x19a: {  	[tilespmem:s26], [sflag:$0x2] =	stream.indirect.gather [hbm4b:s1+s24], $0x80, s14, s24, $0xb8;
	[tilespmem:$0x1FC00] =	vst v63  }
0x19b: {  	s14 =	sadd.s32 $0xD80, s12  }
0x19c: {  	[spmem:s3] =	stream.indirect.scatter.add.f32 [tilespmem:s28], [sflag:$0x4], $0x80, s14, s24, $0xb8;
	[tilespmem:$0x1FC00] =	vst v63  }
0x19d: {  	v2 =	vld [tilespmem:s12+$0xD80];
	_ =	sdelay $0x7  }
0x19e: {  	[tilespmem:v2+s29+$0x0] =	vst.idx.add.f32.msk $0xffff, v1  }
0x19f: {  	v2 =	vld [tilespmem:s12+$0xD90];
	_ =	sdelay $0x7  }
0x1a0: {  	[tilespmem:v2+s29+$0x0] =	vst.idx.add.f32.msk $0xffff, v1  }
0x1a1: {  	v2 =	vld [tilespmem:s12+$0xDA0];
	_ =	sdelay $0x7  }
0x1a2: {  	[tilespmem:v2+s29+$0x0] =	vst.idx.add.f32.msk $0xffff, v1  }
0x1a3: {  	v2 =	vld [tilespmem:s12+$0xDB0];
	_ =	sdelay $0x7  }
0x1a4: {  	[tilespmem:v2+s29+$0x0] =	vst.idx.add.f32.msk $0xffff, v1  }
0x1a5: {  	v2 =	vld [tilespmem:s12+$0xDC0];
	_ =	sdelay $0x5  }
0x1a6: {  	p0 =	sne.s32 s11, $0x2400  }
.Ltmp4:
0x1a7: {  	_ = 	snop;
	(pc) =	sbr.rel @p0 .LBB2_10-.Ltmp4, $4  }
0x1a8: {  	[tilespmem:v2+s29+$0x0] =	vst.idx.add.f32.msk $0xffff, v1  }
0x1a9: {  	_ =	swait.ge [sflag:s31], $0x2800  }
0x1aa: {  	[sflag:s31] =	ssyncset.done $0x0  }
0x1ab: {  	s11 =	sadd.s32 $0x600, s11;
	[sflag:s31] =	ssyncadd.s32 $0xFFFFD800  }
0x1ac: {  	[tilespmem:s28], [sflag:$0x3] =	stream.indirect.gather [hbm4b:s1+s24], $0x80, s0, s24, $0xb8;
	[tilespmem:$0x1FC00] =	vst v63  }
0x1ad: {  	_ =	swait.ge [sflag:s22], $0x2800  }
0x1ae: {  	[sflag:s22] =	ssyncset.done $0x0  }
0x1af: {  	[sflag:s22] =	ssyncadd.s32 $0xFFFFD800  }
0x1b0: {  	[spmem:s3] =	stream.indirect.scatter.add.f32 [tilespmem:s21], [sflag:$0x4], $0x80, s6, s24, $0xb8;
	[tilespmem:$0x1FC00] =	vst v63  }
0x1b1: {  	v2 =	vld [tilespmem:$0x1700];
	_ =	sdelay $0x7  }
0x1b2: {  	[tilespmem:v2+s29+$0x0] =	vst.idx.add.f32.msk $0xffff, v1  }
0x1b3: {  	v2 =	vld [tilespmem:$0x1710];
	_ =	sdelay $0x7  }
0x1b4: {  	[tilespmem:v2+s29+$0x0] =	vst.idx.add.f32.msk $0xffff, v1  }
0x1b5: {  	v2 =	vld [tilespmem:$0x1720];
	_ =	sdelay $0x7  }
0x1b6: {  	[tilespmem:v2+s29+$0x0] =	vst.idx.add.f32.msk $0xffff, v1  }
0x1b7: {  	v2 =	vld [tilespmem:$0x1730];
	_ =	sdelay $0x7  }
0x1b8: {  	[tilespmem:v2+s29+$0x0] =	vst.idx.add.f32.msk $0xffff, v1  }
0x1b9: {  	v2 =	vld [tilespmem:$0x1740];
	_ =	sdelay $0x7  }
0x1ba: {  	[tilespmem:v2+s29+$0x0] =	vst.idx.add.f32.msk $0xffff, v1  }
0x1bb: {  	_ =	swait.ge [sflag:s30], $0x2800  }
0x1bc: {  	[sflag:s30] =	ssyncset.done $0x0  }
0x1bd: {  	[sflag:s30] =	ssyncadd.s32 $0xFFFFD800  }
0x1be: {  	_ =	swait.ge [sflag:s31], $0x2800  }
0x1bf: {  	[sflag:s31] =	ssyncset.done $0x0  }
0x1c0: {  	[sflag:s31] =	ssyncadd.s32 $0xFFFFD800  }
0x1c1: {  	[tilespmem:s21], [sflag:$0x1] =	stream.indirect.gather [hbm4b:s1+s24], $0x80, s7, s24, $0xb8;
	[tilespmem:$0x1FC00] =	vst v63  }
0x1c2: {  	_ = 	snop  }
0x1c3: {  	[spmem:s3] =	stream.indirect.scatter.add.f32 [tilespmem:s26], [sflag:$0x4], $0x80, s8, s24, $0xb8;
	[tilespmem:$0x1FC00] =	vst v63  }
0x1c4: {  	v2 =	vld [tilespmem:$0x1780];
	_ =	sdelay $0x7  }
0x1c5: {  	[tilespmem:v2+s29+$0x0] =	vst.idx.add.f32.msk $0xffff, v1  }
0x1c6: {  	v2 =	vld [tilespmem:$0x1790];
	_ =	sdelay $0x7  }
0x1c7: {  	[tilespmem:v2+s29+$0x0] =	vst.idx.add.f32.msk $0xffff, v1  }
0x1c8: {  	v2 =	vld [tilespmem:$0x17A0];
	_ =	sdelay $0x7  }
0x1c9: {  	[tilespmem:v2+s29+$0x0] =	vst.idx.add.f32.msk $0xffff, v1  }
0x1ca: {  	v2 =	vld [tilespmem:$0x17B0];
	_ =	sdelay $0x7  }
0x1cb: {  	[tilespmem:v2+s29+$0x0] =	vst.idx.add.f32.msk $0xffff, v1  }
0x1cc: {  	v2 =	vld [tilespmem:$0x17C0];
	_ =	sdelay $0x7  }
0x1cd: {  	[tilespmem:v2+s29+$0x0] =	vst.idx.add.f32.msk $0xffff, v1  }
0x1ce: {  	_ =	swait.ge [sflag:s2], $0x2800  }
0x1cf: {  	[sflag:s2] =	ssyncset.done $0x0  }
0x1d0: {  	[sflag:s2] =	ssyncadd.s32 $0xFFFFD800  }
0x1d1: {  	_ =	swait.ge [sflag:s31], $0x2800  }
0x1d2: {  	[sflag:s31] =	ssyncset.done $0x0  }
0x1d3: {  	[sflag:s31] =	ssyncadd.s32 $0xFFFFD800  }
0x1d4: {  	[spmem:s3] =	stream.indirect.scatter.add.f32 [tilespmem:s28], [sflag:$0x4], $0x80, s9, s24, $0xb8;
	[tilespmem:$0x1FC00] =	vst v63  }
0x1d5: {  	v2 =	vld [tilespmem:$0x1800];
	_ =	sdelay $0x7  }
0x1d6: {  	[tilespmem:v2+s29+$0x0] =	vst.idx.add.f32.msk $0xffff, v1  }
0x1d7: {  	v2 =	vld [tilespmem:$0x1810];
	_ =	sdelay $0x7  }
0x1d8: {  	[tilespmem:v2+s29+$0x0] =	vst.idx.add.f32.msk $0xffff, v1  }
0x1d9: {  	v2 =	vld [tilespmem:$0x1820];
	_ =	sdelay $0x7  }
0x1da: {  	[tilespmem:v2+s29+$0x0] =	vst.idx.add.f32.msk $0xffff, v1  }
0x1db: {  	v2 =	vld [tilespmem:$0x1830];
	_ =	sdelay $0x7  }
0x1dc: {  	[tilespmem:v2+s29+$0x0] =	vst.idx.add.f32.msk $0xffff, v1  }
0x1dd: {  	v2 =	vld [tilespmem:$0x1840];
	_ =	sdelay $0x7  }
0x1de: {  	[tilespmem:v2+s29+$0x0] =	vst.idx.add.f32.msk $0xffff, v1  }
0x1df: {  	_ =	swait.ge [sflag:s31], $0x2800  }
0x1e0: {  	[sflag:s31] =	ssyncset.done $0x0  }
0x1e1: {  	[sflag:s31] =	ssyncadd.s32 $0xFFFFD800  }
0x1e2: {  	_ =	swait.ge [sflag:s22], $0x2800  }
0x1e3: {  	[sflag:s22] =	ssyncset.done $0x0  }
0x1e4: {  	[sflag:s22] =	ssyncadd.s32 $0xFFFFD800  }
0x1e5: {  	[spmem:s3] =	stream.indirect.scatter.add.f32 [tilespmem:s21], [sflag:$0x4], $0x80, s10, s24, $0xb8;
	[tilespmem:$0x1FC00] =	vst v63  }
0x1e6: {  	v2 =	vld [tilespmem:$0x1880];
	_ =	sdelay $0x7  }
0x1e7: {  	[tilespmem:v2+s29+$0x0] =	vst.idx.add.f32.msk $0xffff, v1  }
0x1e8: {  	v2 =	vld [tilespmem:$0x1890];
	_ =	sdelay $0x7  }
0x1e9: {  	[tilespmem:v2+s29+$0x0] =	vst.idx.add.f32.msk $0xffff, v1  }
0x1ea: {  	v2 =	vld [tilespmem:$0x18A0];
	_ =	sdelay $0x7  }
0x1eb: {  	[tilespmem:v2+s29+$0x0] =	vst.idx.add.f32.msk $0xffff, v1  }
0x1ec: {  	v2 =	vld [tilespmem:$0x18B0];
	_ =	sdelay $0x7  }
0x1ed: {  	[tilespmem:v2+s29+$0x0] =	vst.idx.add.f32.msk $0xffff, v1  }
0x1ee: {  	v2 =	vld [tilespmem:$0x18C0];
	_ =	sdelay $0x7  }
0x1ef: {  	[tilespmem:v2+s29+$0x0] =	vst.idx.add.f32.msk $0xffff, v1  }
0x1f0: {  	_ =	swait.ge [sflag:s31], $0x2800  }
0x1f1: {  	[sflag:s31] =	ssyncset.done $0x0  }
0x1f2: {  	s11 =	simm.s32 $0x0;
	[sflag:s31] =	ssyncadd.s32 $0xFFFFD800  }
0x1f3: {  	[tilespmem:s11], [sflag:$0x5] =	stream.linear.gather [hbm4b:s16+s11], $0x1900, $0x38;
	[tilespmem:$0x1FC00] =	vst v63  }
0x1f4: {  	_ =	swait.ge [sflag:s23], $0x1900  }
0x1f5: {  	[sflag:s23] =	ssyncset.done $0x0  }
0x1f6: {  	[sflag:s23] =	ssyncadd.s32 $0xFFFFE700  }
0x1f7: {  	[tilespmem:s21], [sflag:$0x1] =	stream.indirect.gather [hbm4b:s1+s24], $0x80, s11, s24, $0xb8;
	[tilespmem:$0x1FC00] =	vst v63  }
0x1f8: {  	_ = 	snop  }
0x1f9: {  	[tilespmem:s26], [sflag:$0x2] =	stream.indirect.gather [hbm4b:s1+s24], $0x80, s25, s24, $0xb8;
	[tilespmem:$0x1FC00] =	vst v63  }
.LBB2_12:
0x1fa: {  	s12 =	sshra.s32 s11, $0x2  }
0x1fb: {  	s13 =	sadd.s32 $0x100, s12  }
0x1fc: {  	[tilespmem:s28], [sflag:$0x3] =	stream.indirect.gather [hbm4b:s1+s24], $0x80, s13, s24, $0xb8;
	[tilespmem:$0x1FC00] =	vst v63  }
0x1fd: {  	_ =	swait.ge [sflag:s22], $0x2800  }
0x1fe: {  	[sflag:s22] =	ssyncset.done $0x0  }
0x1ff: {  	s14 =	sadd.s32 $0xC80, s12;
	[sflag:s22] =	ssyncadd.s32 $0xFFFFD800  }
0x200: {  	[spmem:s3] =	stream.indirect.scatter.add.f32 [tilespmem:s21], [sflag:$0x4], $0x80, s14, s24, $0xb8;
	[tilespmem:$0x1FC00] =	vst v63  }
0x201: {  	v2 =	vld [tilespmem:s12+$0xC80];
	_ =	sdelay $0x7  }
0x202: {  	[tilespmem:v2+s29+$0x0] =	vst.idx.add.f32.msk $0xffff, v1  }
0x203: {  	v2 =	vld [tilespmem:s12+$0xC90];
	_ =	sdelay $0x7  }
0x204: {  	[tilespmem:v2+s29+$0x0] =	vst.idx.add.f32.msk $0xffff, v1  }
0x205: {  	v2 =	vld [tilespmem:s12+$0xCA0];
	_ =	sdelay $0x7  }
0x206: {  	[tilespmem:v2+s29+$0x0] =	vst.idx.add.f32.msk $0xffff, v1  }
0x207: {  	v2 =	vld [tilespmem:s12+$0xCB0];
	_ =	sdelay $0x7  }
0x208: {  	[tilespmem:v2+s29+$0x0] =	vst.idx.add.f32.msk $0xffff, v1  }
0x209: {  	v2 =	vld [tilespmem:s12+$0xCC0];
	_ =	sdelay $0x7  }
0x20a: {  	[tilespmem:v2+s29+$0x0] =	vst.idx.add.f32.msk $0xffff, v1  }
0x20b: {  	_ =	swait.ge [sflag:s30], $0x2800  }
0x20c: {  	[sflag:s30] =	ssyncset.done $0x0  }
0x20d: {  	[sflag:s30] =	ssyncadd.s32 $0xFFFFD800  }
0x20e: {  	_ =	swait.ge [sflag:s31], $0x2800  }
0x20f: {  	[sflag:s31] =	ssyncset.done $0x0  }
0x210: {  	s14 =	sadd.s32 $0x180, s12;
	[sflag:s31] =	ssyncadd.s32 $0xFFFFD800  }
0x211: {  	[tilespmem:s21], [sflag:$0x1] =	stream.indirect.gather [hbm4b:s1+s24], $0x80, s14, s24, $0xb8;
	[tilespmem:$0x1FC00] =	vst v63  }
0x212: {  	s14 =	sadd.s32 $0xD00, s12  }
0x213: {  	[spmem:s3] =	stream.indirect.scatter.add.f32 [tilespmem:s26], [sflag:$0x4], $0x80, s14, s24, $0xb8;
	[tilespmem:$0x1FC00] =	vst v63  }
0x214: {  	v2 =	vld [tilespmem:s12+$0xD00];
	_ =	sdelay $0x7  }
0x215: {  	[tilespmem:v2+s29+$0x0] =	vst.idx.add.f32.msk $0xffff, v1  }
0x216: {  	v2 =	vld [tilespmem:s12+$0xD10];
	_ =	sdelay $0x7  }
0x217: {  	[tilespmem:v2+s29+$0x0] =	vst.idx.add.f32.msk $0xffff, v1  }
0x218: {  	v2 =	vld [tilespmem:s12+$0xD20];
	_ =	sdelay $0x7  }
0x219: {  	[tilespmem:v2+s29+$0x0] =	vst.idx.add.f32.msk $0xffff, v1  }
0x21a: {  	v2 =	vld [tilespmem:s12+$0xD30];
	_ =	sdelay $0x7  }
0x21b: {  	[tilespmem:v2+s29+$0x0] =	vst.idx.add.f32.msk $0xffff, v1  }
0x21c: {  	v2 =	vld [tilespmem:s12+$0xD40];
	_ =	sdelay $0x7  }
0x21d: {  	[tilespmem:v2+s29+$0x0] =	vst.idx.add.f32.msk $0xffff, v1  }
0x21e: {  	_ =	swait.ge [sflag:s2], $0x2800  }
0x21f: {  	[sflag:s2] =	ssyncset.done $0x0  }
0x220: {  	[sflag:s2] =	ssyncadd.s32 $0xFFFFD800  }
0x221: {  	_ =	swait.ge [sflag:s31], $0x2800  }
0x222: {  	[sflag:s31] =	ssyncset.done $0x0  }
0x223: {  	s14 =	sadd.s32 $0x200, s12;
	[sflag:s31] =	ssyncadd.s32 $0xFFFFD800  }
0x224: {  	[tilespmem:s26], [sflag:$0x2] =	stream.indirect.gather [hbm4b:s1+s24], $0x80, s14, s24, $0xb8;
	[tilespmem:$0x1FC00] =	vst v63  }
0x225: {  	s14 =	sadd.s32 $0xD80, s12  }
0x226: {  	[spmem:s3] =	stream.indirect.scatter.add.f32 [tilespmem:s28], [sflag:$0x4], $0x80, s14, s24, $0xb8;
	[tilespmem:$0x1FC00] =	vst v63  }
0x227: {  	v2 =	vld [tilespmem:s12+$0xD80];
	_ =	sdelay $0x7  }
0x228: {  	[tilespmem:v2+s29+$0x0] =	vst.idx.add.f32.msk $0xffff, v1  }
0x229: {  	v2 =	vld [tilespmem:s12+$0xD90];
	_ =	sdelay $0x7  }
0x22a: {  	[tilespmem:v2+s29+$0x0] =	vst.idx.add.f32.msk $0xffff, v1  }
0x22b: {  	v2 =	vld [tilespmem:s12+$0xDA0];
	_ =	sdelay $0x7  }
0x22c: {  	[tilespmem:v2+s29+$0x0] =	vst.idx.add.f32.msk $0xffff, v1  }
0x22d: {  	v2 =	vld [tilespmem:s12+$0xDB0];
	_ =	sdelay $0x7  }
0x22e: {  	[tilespmem:v2+s29+$0x0] =	vst.idx.add.f32.msk $0xffff, v1  }
0x22f: {  	v2 =	vld [tilespmem:s12+$0xDC0];
	_ =	sdelay $0x5  }
0x230: {  	p0 =	sne.s32 s11, $0x2400  }
.Ltmp5:
0x231: {  	_ = 	snop;
	(pc) =	sbr.rel @p0 .LBB2_12-.Ltmp5, $4  }
0x232: {  	[tilespmem:v2+s29+$0x0] =	vst.idx.add.f32.msk $0xffff, v1  }
0x233: {  	_ =	swait.ge [sflag:s31], $0x2800  }
0x234: {  	[sflag:s31] =	ssyncset.done $0x0  }
0x235: {  	s11 =	sadd.s32 $0x600, s11;
	[sflag:s31] =	ssyncadd.s32 $0xFFFFD800  }
0x236: {  	[tilespmem:s28], [sflag:$0x3] =	stream.indirect.gather [hbm4b:s1+s24], $0x80, s0, s24, $0xb8;
	[tilespmem:$0x1FC00] =	vst v63  }
0x237: {  	_ =	swait.ge [sflag:s22], $0x2800  }
0x238: {  	[sflag:s22] =	ssyncset.done $0x0  }
0x239: {  	[sflag:s22] =	ssyncadd.s32 $0xFFFFD800  }
0x23a: {  	[spmem:s3] =	stream.indirect.scatter.add.f32 [tilespmem:s21], [sflag:$0x4], $0x80, s6, s24, $0xb8;
	[tilespmem:$0x1FC00] =	vst v63  }
0x23b: {  	v2 =	vld [tilespmem:$0x1700];
	_ =	sdelay $0x7  }
0x23c: {  	[tilespmem:v2+s29+$0x0] =	vst.idx.add.f32.msk $0xffff, v1  }
0x23d: {  	v2 =	vld [tilespmem:$0x1710];
	_ =	sdelay $0x7  }
0x23e: {  	[tilespmem:v2+s29+$0x0] =	vst.idx.add.f32.msk $0xffff, v1  }
0x23f: {  	v2 =	vld [tilespmem:$0x1720];
	_ =	sdelay $0x7  }
0x240: {  	[tilespmem:v2+s29+$0x0] =	vst.idx.add.f32.msk $0xffff, v1  }
0x241: {  	v2 =	vld [tilespmem:$0x1730];
	_ =	sdelay $0x7  }
0x242: {  	[tilespmem:v2+s29+$0x0] =	vst.idx.add.f32.msk $0xffff, v1  }
0x243: {  	v2 =	vld [tilespmem:$0x1740];
	_ =	sdelay $0x7  }
0x244: {  	[tilespmem:v2+s29+$0x0] =	vst.idx.add.f32.msk $0xffff, v1  }
0x245: {  	_ =	swait.ge [sflag:s30], $0x2800  }
0x246: {  	[sflag:s30] =	ssyncset.done $0x0  }
0x247: {  	[sflag:s30] =	ssyncadd.s32 $0xFFFFD800  }
0x248: {  	_ =	swait.ge [sflag:s31], $0x2800  }
0x249: {  	[sflag:s31] =	ssyncset.done $0x0  }
0x24a: {  	[sflag:s31] =	ssyncadd.s32 $0xFFFFD800  }
0x24b: {  	[tilespmem:s21], [sflag:$0x1] =	stream.indirect.gather [hbm4b:s1+s24], $0x80, s7, s24, $0xb8;
	[tilespmem:$0x1FC00] =	vst v63  }
0x24c: {  	_ = 	snop  }
0x24d: {  	[spmem:s3] =	stream.indirect.scatter.add.f32 [tilespmem:s26], [sflag:$0x4], $0x80, s8, s24, $0xb8;
	[tilespmem:$0x1FC00] =	vst v63  }
0x24e: {  	v2 =	vld [tilespmem:$0x1780];
	_ =	sdelay $0x7  }
0x24f: {  	[tilespmem:v2+s29+$0x0] =	vst.idx.add.f32.msk $0xffff, v1  }
0x250: {  	v2 =	vld [tilespmem:$0x1790];
	_ =	sdelay $0x7  }
0x251: {  	[tilespmem:v2+s29+$0x0] =	vst.idx.add.f32.msk $0xffff, v1  }
0x252: {  	v2 =	vld [tilespmem:$0x17A0];
	_ =	sdelay $0x7  }
0x253: {  	[tilespmem:v2+s29+$0x0] =	vst.idx.add.f32.msk $0xffff, v1  }
0x254: {  	v2 =	vld [tilespmem:$0x17B0];
	_ =	sdelay $0x7  }
0x255: {  	[tilespmem:v2+s29+$0x0] =	vst.idx.add.f32.msk $0xffff, v1  }
0x256: {  	v2 =	vld [tilespmem:$0x17C0];
	_ =	sdelay $0x7  }
0x257: {  	[tilespmem:v2+s29+$0x0] =	vst.idx.add.f32.msk $0xffff, v1  }
0x258: {  	_ =	swait.ge [sflag:s2], $0x2800  }
0x259: {  	[sflag:s2] =	ssyncset.done $0x0  }
0x25a: {  	[sflag:s2] =	ssyncadd.s32 $0xFFFFD800  }
0x25b: {  	_ =	swait.ge [sflag:s31], $0x2800  }
0x25c: {  	[sflag:s31] =	ssyncset.done $0x0  }
0x25d: {  	[sflag:s31] =	ssyncadd.s32 $0xFFFFD800  }
0x25e: {  	[spmem:s3] =	stream.indirect.scatter.add.f32 [tilespmem:s28], [sflag:$0x4], $0x80, s9, s24, $0xb8;
	[tilespmem:$0x1FC00] =	vst v63  }
0x25f: {  	v2 =	vld [tilespmem:$0x1800];
	_ =	sdelay $0x7  }
0x260: {  	[tilespmem:v2+s29+$0x0] =	vst.idx.add.f32.msk $0xffff, v1  }
0x261: {  	v2 =	vld [tilespmem:$0x1810];
	_ =	sdelay $0x7  }
0x262: {  	[tilespmem:v2+s29+$0x0] =	vst.idx.add.f32.msk $0xffff, v1  }
0x263: {  	v2 =	vld [tilespmem:$0x1820];
	_ =	sdelay $0x7  }
0x264: {  	[tilespmem:v2+s29+$0x0] =	vst.idx.add.f32.msk $0xffff, v1  }
0x265: {  	v2 =	vld [tilespmem:$0x1830];
	_ =	sdelay $0x7  }
0x266: {  	[tilespmem:v2+s29+$0x0] =	vst.idx.add.f32.msk $0xffff, v1  }
0x267: {  	v2 =	vld [tilespmem:$0x1840];
	_ =	sdelay $0x7  }
0x268: {  	[tilespmem:v2+s29+$0x0] =	vst.idx.add.f32.msk $0xffff, v1  }
0x269: {  	_ =	swait.ge [sflag:s31], $0x2800  }
0x26a: {  	[sflag:s31] =	ssyncset.done $0x0  }
0x26b: {  	[sflag:s31] =	ssyncadd.s32 $0xFFFFD800  }
0x26c: {  	_ =	swait.ge [sflag:s22], $0x2800  }
0x26d: {  	[sflag:s22] =	ssyncset.done $0x0  }
0x26e: {  	[sflag:s22] =	ssyncadd.s32 $0xFFFFD800  }
0x26f: {  	[spmem:s3] =	stream.indirect.scatter.add.f32 [tilespmem:s21], [sflag:$0x4], $0x80, s10, s24, $0xb8;
	[tilespmem:$0x1FC00] =	vst v63  }
0x270: {  	v2 =	vld [tilespmem:$0x1880];
	_ =	sdelay $0x7  }
0x271: {  	[tilespmem:v2+s29+$0x0] =	vst.idx.add.f32.msk $0xffff, v1  }
0x272: {  	v2 =	vld [tilespmem:$0x1890];
	_ =	sdelay $0x7  }
0x273: {  	[tilespmem:v2+s29+$0x0] =	vst.idx.add.f32.msk $0xffff, v1  }
0x274: {  	v2 =	vld [tilespmem:$0x18A0];
	_ =	sdelay $0x7  }
0x275: {  	[tilespmem:v2+s29+$0x0] =	vst.idx.add.f32.msk $0xffff, v1  }
0x276: {  	v2 =	vld [tilespmem:$0x18B0];
	_ =	sdelay $0x7  }
0x277: {  	[tilespmem:v2+s29+$0x0] =	vst.idx.add.f32.msk $0xffff, v1  }
0x278: {  	v2 =	vld [tilespmem:$0x18C0];
	_ =	sdelay $0x7  }
0x279: {  	[tilespmem:v2+s29+$0x0] =	vst.idx.add.f32.msk $0xffff, v1  }
0x27a: {  	_ =	swait.ge [sflag:s31], $0x2800  }
0x27b: {  	[sflag:s31] =	ssyncset.done $0x0  }
0x27c: {  	s11 =	simm.s32 $0x0;
	[sflag:s31] =	ssyncadd.s32 $0xFFFFD800  }
0x27d: {  	[tilespmem:s11], [sflag:$0x5] =	stream.linear.gather [hbm4b:s17+s11], $0x1900, $0x38;
	[tilespmem:$0x1FC00] =	vst v63  }
0x27e: {  	_ =	swait.ge [sflag:s23], $0x1900  }
0x27f: {  	[sflag:s23] =	ssyncset.done $0x0  }
0x280: {  	[sflag:s23] =	ssyncadd.s32 $0xFFFFE700  }
0x281: {  	[tilespmem:s21], [sflag:$0x1] =	stream.indirect.gather [hbm4b:s1+s24], $0x80, s11, s24, $0xb8;
	[tilespmem:$0x1FC00] =	vst v63  }
0x282: {  	_ = 	snop  }
0x283: {  	[tilespmem:s26], [sflag:$0x2] =	stream.indirect.gather [hbm4b:s1+s24], $0x80, s25, s24, $0xb8;
	[tilespmem:$0x1FC00] =	vst v63  }
.LBB2_14:
0x284: {  	s12 =	sshra.s32 s11, $0x2  }
0x285: {  	s13 =	sadd.s32 $0x100, s12  }
0x286: {  	[tilespmem:s28], [sflag:$0x3] =	stream.indirect.gather [hbm4b:s1+s24], $0x80, s13, s24, $0xb8;
	[tilespmem:$0x1FC00] =	vst v63  }
0x287: {  	_ =	swait.ge [sflag:s22], $0x2800  }
0x288: {  	[sflag:s22] =	ssyncset.done $0x0  }
0x289: {  	s14 =	sadd.s32 $0xC80, s12;
	[sflag:s22] =	ssyncadd.s32 $0xFFFFD800  }
0x28a: {  	[spmem:s3] =	stream.indirect.scatter.add.f32 [tilespmem:s21], [sflag:$0x4], $0x80, s14, s24, $0xb8;
	[tilespmem:$0x1FC00] =	vst v63  }
0x28b: {  	v2 =	vld [tilespmem:s12+$0xC80];
	_ =	sdelay $0x7  }
0x28c: {  	[tilespmem:v2+s29+$0x0] =	vst.idx.add.f32.msk $0xffff, v1  }
0x28d: {  	v2 =	vld [tilespmem:s12+$0xC90];
	_ =	sdelay $0x7  }
0x28e: {  	[tilespmem:v2+s29+$0x0] =	vst.idx.add.f32.msk $0xffff, v1  }
0x28f: {  	v2 =	vld [tilespmem:s12+$0xCA0];
	_ =	sdelay $0x7  }
0x290: {  	[tilespmem:v2+s29+$0x0] =	vst.idx.add.f32.msk $0xffff, v1  }
0x291: {  	v2 =	vld [tilespmem:s12+$0xCB0];
	_ =	sdelay $0x7  }
0x292: {  	[tilespmem:v2+s29+$0x0] =	vst.idx.add.f32.msk $0xffff, v1  }
0x293: {  	v2 =	vld [tilespmem:s12+$0xCC0];
	_ =	sdelay $0x7  }
0x294: {  	[tilespmem:v2+s29+$0x0] =	vst.idx.add.f32.msk $0xffff, v1  }
0x295: {  	_ =	swait.ge [sflag:s30], $0x2800  }
0x296: {  	[sflag:s30] =	ssyncset.done $0x0  }
0x297: {  	[sflag:s30] =	ssyncadd.s32 $0xFFFFD800  }
0x298: {  	_ =	swait.ge [sflag:s31], $0x2800  }
0x299: {  	[sflag:s31] =	ssyncset.done $0x0  }
0x29a: {  	s14 =	sadd.s32 $0x180, s12;
	[sflag:s31] =	ssyncadd.s32 $0xFFFFD800  }
0x29b: {  	[tilespmem:s21], [sflag:$0x1] =	stream.indirect.gather [hbm4b:s1+s24], $0x80, s14, s24, $0xb8;
	[tilespmem:$0x1FC00] =	vst v63  }
0x29c: {  	s14 =	sadd.s32 $0xD00, s12  }
0x29d: {  	[spmem:s3] =	stream.indirect.scatter.add.f32 [tilespmem:s26], [sflag:$0x4], $0x80, s14, s24, $0xb8;
	[tilespmem:$0x1FC00] =	vst v63  }
0x29e: {  	v2 =	vld [tilespmem:s12+$0xD00];
	_ =	sdelay $0x7  }
0x29f: {  	[tilespmem:v2+s29+$0x0] =	vst.idx.add.f32.msk $0xffff, v1  }
0x2a0: {  	v2 =	vld [tilespmem:s12+$0xD10];
	_ =	sdelay $0x7  }
0x2a1: {  	[tilespmem:v2+s29+$0x0] =	vst.idx.add.f32.msk $0xffff, v1  }
0x2a2: {  	v2 =	vld [tilespmem:s12+$0xD20];
	_ =	sdelay $0x7  }
0x2a3: {  	[tilespmem:v2+s29+$0x0] =	vst.idx.add.f32.msk $0xffff, v1  }
0x2a4: {  	v2 =	vld [tilespmem:s12+$0xD30];
	_ =	sdelay $0x7  }
0x2a5: {  	[tilespmem:v2+s29+$0x0] =	vst.idx.add.f32.msk $0xffff, v1  }
0x2a6: {  	v2 =	vld [tilespmem:s12+$0xD40];
	_ =	sdelay $0x7  }
0x2a7: {  	[tilespmem:v2+s29+$0x0] =	vst.idx.add.f32.msk $0xffff, v1  }
0x2a8: {  	_ =	swait.ge [sflag:s2], $0x2800  }
0x2a9: {  	[sflag:s2] =	ssyncset.done $0x0  }
0x2aa: {  	[sflag:s2] =	ssyncadd.s32 $0xFFFFD800  }
0x2ab: {  	_ =	swait.ge [sflag:s31], $0x2800  }
0x2ac: {  	[sflag:s31] =	ssyncset.done $0x0  }
0x2ad: {  	s14 =	sadd.s32 $0x200, s12;
	[sflag:s31] =	ssyncadd.s32 $0xFFFFD800  }
0x2ae: {  	[tilespmem:s26], [sflag:$0x2] =	stream.indirect.gather [hbm4b:s1+s24], $0x80, s14, s24, $0xb8;
	[tilespmem:$0x1FC00] =	vst v63  }
0x2af: {  	s14 =	sadd.s32 $0xD80, s12  }
0x2b0: {  	[spmem:s3] =	stream.indirect.scatter.add.f32 [tilespmem:s28], [sflag:$0x4], $0x80, s14, s24, $0xb8;
	[tilespmem:$0x1FC00] =	vst v63  }
0x2b1: {  	v2 =	vld [tilespmem:s12+$0xD80];
	_ =	sdelay $0x7  }
0x2b2: {  	[tilespmem:v2+s29+$0x0] =	vst.idx.add.f32.msk $0xffff, v1  }
0x2b3: {  	v2 =	vld [tilespmem:s12+$0xD90];
	_ =	sdelay $0x7  }
0x2b4: {  	[tilespmem:v2+s29+$0x0] =	vst.idx.add.f32.msk $0xffff, v1  }
0x2b5: {  	v2 =	vld [tilespmem:s12+$0xDA0];
	_ =	sdelay $0x7  }
0x2b6: {  	[tilespmem:v2+s29+$0x0] =	vst.idx.add.f32.msk $0xffff, v1  }
0x2b7: {  	v2 =	vld [tilespmem:s12+$0xDB0];
	_ =	sdelay $0x7  }
0x2b8: {  	[tilespmem:v2+s29+$0x0] =	vst.idx.add.f32.msk $0xffff, v1  }
0x2b9: {  	v2 =	vld [tilespmem:s12+$0xDC0];
	_ =	sdelay $0x5  }
0x2ba: {  	p0 =	sne.s32 s11, $0x2400  }
.Ltmp6:
0x2bb: {  	_ = 	snop;
	(pc) =	sbr.rel @p0 .LBB2_14-.Ltmp6, $4  }
0x2bc: {  	[tilespmem:v2+s29+$0x0] =	vst.idx.add.f32.msk $0xffff, v1  }
0x2bd: {  	_ =	swait.ge [sflag:s31], $0x2800  }
0x2be: {  	[sflag:s31] =	ssyncset.done $0x0  }
0x2bf: {  	s11 =	sadd.s32 $0x600, s11;
	[sflag:s31] =	ssyncadd.s32 $0xFFFFD800  }
0x2c0: {  	[tilespmem:s28], [sflag:$0x3] =	stream.indirect.gather [hbm4b:s1+s24], $0x80, s0, s24, $0xb8;
	[tilespmem:$0x1FC00] =	vst v63  }
0x2c1: {  	_ =	swait.ge [sflag:s22], $0x2800  }
0x2c2: {  	[sflag:s22] =	ssyncset.done $0x0  }
0x2c3: {  	[sflag:s22] =	ssyncadd.s32 $0xFFFFD800  }
0x2c4: {  	[spmem:s3] =	stream.indirect.scatter.add.f32 [tilespmem:s21], [sflag:$0x4], $0x80, s6, s24, $0xb8;
	[tilespmem:$0x1FC00] =	vst v63  }
0x2c5: {  	v2 =	vld [tilespmem:$0x1700];
	_ =	sdelay $0x7  }
0x2c6: {  	[tilespmem:v2+s29+$0x0] =	vst.idx.add.f32.msk $0xffff, v1  }
0x2c7: {  	v2 =	vld [tilespmem:$0x1710];
	_ =	sdelay $0x7  }
0x2c8: {  	[tilespmem:v2+s29+$0x0] =	vst.idx.add.f32.msk $0xffff, v1  }
0x2c9: {  	v2 =	vld [tilespmem:$0x1720];
	_ =	sdelay $0x7  }
0x2ca: {  	[tilespmem:v2+s29+$0x0] =	vst.idx.add.f32.msk $0xffff, v1  }
0x2cb: {  	v2 =	vld [tilespmem:$0x1730];
	_ =	sdelay $0x7  }
0x2cc: {  	[tilespmem:v2+s29+$0x0] =	vst.idx.add.f32.msk $0xffff, v1  }
0x2cd: {  	v2 =	vld [tilespmem:$0x1740];
	_ =	sdelay $0x7  }
0x2ce: {  	[tilespmem:v2+s29+$0x0] =	vst.idx.add.f32.msk $0xffff, v1  }
0x2cf: {  	_ =	swait.ge [sflag:s30], $0x2800  }
0x2d0: {  	[sflag:s30] =	ssyncset.done $0x0  }
0x2d1: {  	[sflag:s30] =	ssyncadd.s32 $0xFFFFD800  }
0x2d2: {  	_ =	swait.ge [sflag:s31], $0x2800  }
0x2d3: {  	[sflag:s31] =	ssyncset.done $0x0  }
0x2d4: {  	[sflag:s31] =	ssyncadd.s32 $0xFFFFD800  }
0x2d5: {  	[tilespmem:s21], [sflag:$0x1] =	stream.indirect.gather [hbm4b:s1+s24], $0x80, s7, s24, $0xb8;
	[tilespmem:$0x1FC00] =	vst v63  }
0x2d6: {  	_ = 	snop  }
0x2d7: {  	[spmem:s3] =	stream.indirect.scatter.add.f32 [tilespmem:s26], [sflag:$0x4], $0x80, s8, s24, $0xb8;
	[tilespmem:$0x1FC00] =	vst v63  }
0x2d8: {  	v2 =	vld [tilespmem:$0x1780];
	_ =	sdelay $0x7  }
0x2d9: {  	[tilespmem:v2+s29+$0x0] =	vst.idx.add.f32.msk $0xffff, v1  }
0x2da: {  	v2 =	vld [tilespmem:$0x1790];
	_ =	sdelay $0x7  }
0x2db: {  	[tilespmem:v2+s29+$0x0] =	vst.idx.add.f32.msk $0xffff, v1  }
0x2dc: {  	v2 =	vld [tilespmem:$0x17A0];
	_ =	sdelay $0x7  }
0x2dd: {  	[tilespmem:v2+s29+$0x0] =	vst.idx.add.f32.msk $0xffff, v1  }
0x2de: {  	v2 =	vld [tilespmem:$0x17B0];
	_ =	sdelay $0x7  }
0x2df: {  	[tilespmem:v2+s29+$0x0] =	vst.idx.add.f32.msk $0xffff, v1  }
0x2e0: {  	v2 =	vld [tilespmem:$0x17C0];
	_ =	sdelay $0x7  }
0x2e1: {  	[tilespmem:v2+s29+$0x0] =	vst.idx.add.f32.msk $0xffff, v1  }
0x2e2: {  	_ =	swait.ge [sflag:s2], $0x2800  }
0x2e3: {  	[sflag:s2] =	ssyncset.done $0x0  }
0x2e4: {  	[sflag:s2] =	ssyncadd.s32 $0xFFFFD800  }
0x2e5: {  	_ =	swait.ge [sflag:s31], $0x2800  }
0x2e6: {  	[sflag:s31] =	ssyncset.done $0x0  }
0x2e7: {  	[sflag:s31] =	ssyncadd.s32 $0xFFFFD800  }
0x2e8: {  	[spmem:s3] =	stream.indirect.scatter.add.f32 [tilespmem:s28], [sflag:$0x4], $0x80, s9, s24, $0xb8;
	[tilespmem:$0x1FC00] =	vst v63  }
0x2e9: {  	v2 =	vld [tilespmem:$0x1800];
	_ =	sdelay $0x7  }
0x2ea: {  	[tilespmem:v2+s29+$0x0] =	vst.idx.add.f32.msk $0xffff, v1  }
0x2eb: {  	v2 =	vld [tilespmem:$0x1810];
	_ =	sdelay $0x7  }
0x2ec: {  	[tilespmem:v2+s29+$0x0] =	vst.idx.add.f32.msk $0xffff, v1  }
0x2ed: {  	v2 =	vld [tilespmem:$0x1820];
	_ =	sdelay $0x7  }
0x2ee: {  	[tilespmem:v2+s29+$0x0] =	vst.idx.add.f32.msk $0xffff, v1  }
0x2ef: {  	v2 =	vld [tilespmem:$0x1830];
	_ =	sdelay $0x7  }
0x2f0: {  	[tilespmem:v2+s29+$0x0] =	vst.idx.add.f32.msk $0xffff, v1  }
0x2f1: {  	v2 =	vld [tilespmem:$0x1840];
	_ =	sdelay $0x7  }
0x2f2: {  	[tilespmem:v2+s29+$0x0] =	vst.idx.add.f32.msk $0xffff, v1  }
0x2f3: {  	_ =	swait.ge [sflag:s31], $0x2800  }
0x2f4: {  	[sflag:s31] =	ssyncset.done $0x0  }
0x2f5: {  	[sflag:s31] =	ssyncadd.s32 $0xFFFFD800  }
0x2f6: {  	_ =	swait.ge [sflag:s22], $0x2800  }
0x2f7: {  	[sflag:s22] =	ssyncset.done $0x0  }
0x2f8: {  	[sflag:s22] =	ssyncadd.s32 $0xFFFFD800  }
0x2f9: {  	[spmem:s3] =	stream.indirect.scatter.add.f32 [tilespmem:s21], [sflag:$0x4], $0x80, s10, s24, $0xb8;
	[tilespmem:$0x1FC00] =	vst v63  }
0x2fa: {  	v2 =	vld [tilespmem:$0x1880];
	_ =	sdelay $0x7  }
0x2fb: {  	[tilespmem:v2+s29+$0x0] =	vst.idx.add.f32.msk $0xffff, v1  }
0x2fc: {  	v2 =	vld [tilespmem:$0x1890];
	_ =	sdelay $0x7  }
0x2fd: {  	[tilespmem:v2+s29+$0x0] =	vst.idx.add.f32.msk $0xffff, v1  }
0x2fe: {  	v2 =	vld [tilespmem:$0x18A0];
	_ =	sdelay $0x7  }
0x2ff: {  	[tilespmem:v2+s29+$0x0] =	vst.idx.add.f32.msk $0xffff, v1  }
0x300: {  	v2 =	vld [tilespmem:$0x18B0];
	_ =	sdelay $0x7  }
0x301: {  	[tilespmem:v2+s29+$0x0] =	vst.idx.add.f32.msk $0xffff, v1  }
0x302: {  	v2 =	vld [tilespmem:$0x18C0];
	_ =	sdelay $0x7  }
0x303: {  	[tilespmem:v2+s29+$0x0] =	vst.idx.add.f32.msk $0xffff, v1  }
0x304: {  	_ =	swait.ge [sflag:s31], $0x2800  }
0x305: {  	s11 =	stileid.u32;
	[sflag:s31] =	ssyncset.done $0x0  }
0x306: {  	s11 =	sshll.u32 s11, $0x6;
	[sflag:s31] =	ssyncadd.s32 $0xFFFFD800  }
0x307: {  	s12 =	sshrl.u32 s5, $0x3;
	s11 =	sor.u32 $0x1C05, s11;
	[bflag:$0x0] =	sbarrier.arrive $0xFFFF  }
0x308: {  	[hbm:s18], [sflag:s11] =	dma.local [spmem:s12], $0x2800  }
0x309: {  	s4 =	sadd.s32 $0x1, s4;
	_ =	swait.ge [sflag:s23], $0x2800  }
0x30a: {  	p0 =	sne.s32 s4, s20;
	[sflag:s23] =	ssyncset.done $0x0  }
.Ltmp7:
0x30b: {  	s14 =	simm.s32 $0x400;
	[sflag:s23] =	ssyncadd.s32 $0xFFFFD800;
	(pc) =	sbr.rel @p0 .LBB2_1-.Ltmp7, $4  }
0x30c: {  	[hbm4b:s19+s25] =	stream.strided.scatter [tilespmem:s29], [sflag:$0x5], $0x2800, s14, s25, $0x38;
	[tilespmem:$0x1FC00] =	vst v63  }
0x30d: {  	_ =	swait.ge [sflag:s23], $0x2800  }
0x30e: {  	[sflag:s23] =	ssyncset.done $0x0  }
0x30f: {  	[sflag:s23] =	ssyncadd.s32 $0xFFFFD800  }
0x310: {  	_ =	sfence.sel $0x180000  }
0x311: {  	[bflag:$0x0] =	sbarrier.arrive $0xFFFF  }
0x312: {  	_ =	strace $0x90000047  }
0x313: {  	s0 =	stileid.u32;
	[bflag:$0x2] =	sbarrier.arrive $0xFFFF  }
0x314: {  	p0 =	sne.s32 s0, $0x0;
	s0 =	rddreg [dreg:$0x4]  }
0x315: {  	s0 =	sadd.s32 @!p0 $0x100000, s0  }
0x316: {  	[sflag:s0] =	ssyncadd.tile.s32 @!p0 $0x1;
	_ =	shalt  }
.Lfunc_end2:
_tile_overlayer_lowered:
.L_overlay_start_2:
0x317: {  	(tag) =	ssettag $0x2  }
0x318: {  	s0 =	rddreg [dreg:$0x0];
	s2 =	stileid.u32  }
0x319: {  	s1 =	rddreg [dreg:$0x1];
	p0 =	sne.s32 s2, $0x0  }
0x31a: {  	s3 =	rddreg [dreg:$0x2];
	[bflag:$0x3] =	sbarrier.arrive $0xFFFF;
	s2 =	simm.s32 @!p0 $0x1C05  }
0x31b: {  	[timem:s3], [sflag:s2] =	dma.local @!p0 [hbm:s0], s1  }
0x31c: {  	s0 =	simm.s32 @!p0 $0x5  }
0x31d: {  	_ =	swait.ge @!p0 [sflag:s0], s1  }
0x31e: {  	s1 =	ssub.s32 @!p0 $0x0, s1;
	[sflag:s0] =	ssyncset.done @!p0 $0x0  }
0x31f: {  	[sflag:s0] =	ssyncadd.s32 @!p0 s1  }
0x320: {  	[bflag:$0x3] =	sbarrier.arrive $0xFFFF  }
0x321: {  	_ =	shalt  }

</sc_bundles>
